<compile_context>
chip_gen: v7x
topology: tpu7x:2x2x1
jax: 0.10.2.dev20260603
libtpu: 0.0.44.dev20260713+nightly
codegen_flags: <defaults>
</compile_context>

<pallas_src>
import jax
import jax.numpy as jnp
from jax import lax
from jax.experimental import pallas as pl
from jax.experimental.pallas import tpu as pltpu
from jax.experimental.pallas import tpu_sc as plsc

N_NODES = 10000
N_EDGES = 320000
D_FEAT = 128
D_EDGE = 16
N_HOPS = 3

NC = 2
NS = 16
NW = NC * NS
EDGES_PER_W = N_EDGES // NW
CHUNK = 80
N_CHUNKS = EDGES_PER_W // CHUNK
ROWS_PER_SUB = 624
ROWS_TAIL = N_NODES - NS * ROWS_PER_SUB
ZROWS = 16
LANES = 16



_BE = 8000


def _edge_embed_body(ea_ref, we_ref, be_ref, *out_refs):
    a = ea_ref[...]
    for i, o_ref in enumerate(out_refs):
        o_ref[...] = (
            jnp.dot(a, we_ref[i], preferred_element_type=jnp.float32)
            + be_ref[i][None, :])


def _edge_embed(edge_attr, We, be):
    k = We.shape[0]
    grid = N_EDGES // _BE
    out_sd = jax.ShapeDtypeStruct((N_EDGES, D_FEAT), jnp.float32)
    outs = pl.pallas_call(
        _edge_embed_body,
        grid=(grid,),
        in_specs=[
            pl.BlockSpec((_BE, D_EDGE), lambda n: (n, 0)),
            pl.BlockSpec((k, D_EDGE, D_FEAT), lambda n: (0, 0, 0)),
            pl.BlockSpec((k, D_FEAT), lambda n: (0, 0)),
        ],
        out_specs=[pl.BlockSpec((_BE, D_FEAT), lambda n: (n, 0))
                   for _ in range(k)],
        out_shape=[out_sd] * k,
    )(edge_attr, We, be)
    return outs




def _edge_pass_body(h_hbm, e_hbm, eidx_hbm, out_hbm,
                    agg_sh, zbuf, i0, i1,
                    g0, g1, e0, e1, gs0, gs1, es0, es1, is0, is1):
    cid = lax.axis_index("c")
    sid = lax.axis_index("s")
    wid = cid * NS + sid
    ibufs = (i0, i1)
    gbufs, ebufs = (g0, g1), (e0, e1)
    gsems, esems, isems = (gs0, gs1), (es0, es1), (is0, is1)

    zero = jnp.zeros((LANES,), jnp.float32)

    def zrow(r, _):
        for k in range(D_FEAT // LANES):
            zbuf[r, pl.ds(k * LANES, LANES)] = zero
        return 0

    lax.fori_loop(0, ZROWS, zrow, 0)

    def zcopy(j, _):
        off = pl.multiple_of(sid * ROWS_PER_SUB + j * ZROWS, 8)
        pltpu.sync_copy(zbuf, agg_sh.at[pl.ds(off, ZROWS)])
        return 0

    lax.fori_loop(0, ROWS_PER_SUB // ZROWS, zcopy, 0)

    @pl.when(sid == NS - 1)
    def _ztail():
        pltpu.sync_copy(
            zbuf.at[pl.ds(0, ROWS_TAIL)],
            agg_sh.at[pl.ds(NS * ROWS_PER_SUB, ROWS_TAIL)])

    plsc.subcore_barrier()

    def start_idx(c, b):
        cc = jnp.minimum(c, N_CHUNKS - 1)
        pltpu.async_copy(eidx_hbm.at[wid, cc], ibufs[b], isems[b])

    def wait_idx(c, b):
        cc = jnp.minimum(c, N_CHUNKS - 1)
        pltpu.make_async_copy(eidx_hbm.at[wid, cc], ibufs[b],
                              isems[b]).wait()

    def eslice(c):
        off = pl.multiple_of((wid * EDGES_PER_W + c * CHUNK) * D_FEAT, 8)
        return e_hbm.at[pl.ds(off, CHUNK * D_FEAT)]

    def start_loads(c, b):
        pltpu.async_copy(h_hbm.at[ibufs[b].at[0]], gbufs[b], gsems[b])
        pltpu.async_copy(eslice(c), ebufs[b], esems[b])

    def wait_loads(c, b):
        pltpu.make_async_copy(h_hbm.at[ibufs[b].at[0]], gbufs[b],
                              gsems[b]).wait()
        pltpu.make_async_copy(eslice(c), ebufs[b], esems[b]).wait()

    def compute_scatter(c, b):
        g, e = gbufs[b], ebufs[b]

        def row(r, _):
            for k in range(D_FEAT // LANES):
                eoff = pl.multiple_of(r * D_FEAT + k * LANES, LANES)
                s = pl.ds(k * LANES, LANES)
                g[r, s] = jnp.maximum(g[r, s] + e[pl.ds(eoff, LANES)], 0.0)
            return 0

        lax.fori_loop(0, CHUNK, row, 0)
        pltpu.sync_copy(g, agg_sh.at[ibufs[b].at[1]], add=True)

    start_idx(0, 0)
    wait_idx(0, 0)
    start_loads(0, 0)
    start_idx(1, 1)

    def pair(i, _):
        a = 2 * i
        wait_loads(a, 0)
        wait_idx(a + 1, 1)
        start_loads(a + 1, 1)
        compute_scatter(a, 0)
        start_idx(a + 2, 0)
        wait_loads(a + 1, 1)
        wait_idx(a + 2, 0)
        start_loads(a + 2, 0)
        compute_scatter(a + 1, 1)
        start_idx(a + 3, 1)
        return 0

    lax.fori_loop(0, (N_CHUNKS - 1) // 2, pair, 0)
    wait_loads(N_CHUNKS - 1, 0)
    compute_scatter(N_CHUNKS - 1, 0)
    wait_idx(N_CHUNKS - 1, 1)
    plsc.subcore_barrier()

    woff = pl.multiple_of(sid * ROWS_PER_SUB, 8)
    pltpu.sync_copy(
        agg_sh.at[pl.ds(woff, ROWS_PER_SUB)],
        out_hbm.at[cid, pl.ds(woff, ROWS_PER_SUB)])

    @pl.when(sid == NS - 1)
    def _wtail():
        pltpu.sync_copy(
            agg_sh.at[pl.ds(NS * ROWS_PER_SUB, ROWS_TAIL)],
            out_hbm.at[cid, pl.ds(NS * ROWS_PER_SUB, ROWS_TAIL)])


def _edge_pass(h, e, eidx):
    mesh = plsc.VectorSubcoreMesh(
        core_axis_name="c", subcore_axis_name="s",
        num_cores=NC, num_subcores=NS)
    fn = pl.kernel(
        _edge_pass_body,
        out_type=jax.ShapeDtypeStruct((NC, N_NODES, D_FEAT), jnp.float32),
        mesh=mesh,
        scratch_types=[
            pltpu.VMEM_SHARED((N_NODES, D_FEAT), jnp.float32),
            pltpu.VMEM((ZROWS, D_FEAT), jnp.float32),
            pltpu.VMEM((2, CHUNK), jnp.int32),
            pltpu.VMEM((2, CHUNK), jnp.int32),
            pltpu.VMEM((CHUNK, D_FEAT), jnp.float32),
            pltpu.VMEM((CHUNK, D_FEAT), jnp.float32),
            pltpu.VMEM((CHUNK * D_FEAT,), jnp.float32),
            pltpu.VMEM((CHUNK * D_FEAT,), jnp.float32),
            pltpu.SemaphoreType.DMA,
            pltpu.SemaphoreType.DMA,
            pltpu.SemaphoreType.DMA,
            pltpu.SemaphoreType.DMA,
            pltpu.SemaphoreType.DMA,
            pltpu.SemaphoreType.DMA,
        ],
    )
    return fn(h, e.reshape(-1), eidx)



_BN = 2000


def _mlp_body(h_ref, p_ref, s_ref, w1_ref, b1_ref, w2_ref, b2_ref, o_ref):
    z = s_ref[...] * h_ref[...] + p_ref[0] + p_ref[1]
    a = jnp.maximum(
        jnp.dot(z, w1_ref[...], preferred_element_type=jnp.float32)
        + b1_ref[...], 0.0)
    o_ref[...] = (
        jnp.dot(a, w2_ref[...], preferred_element_type=jnp.float32)
        + b2_ref[...])


def _mlp(h, parts, s_row, W1i, b1i, W2i, b2i):
    grid = N_NODES // _BN
    return pl.pallas_call(
        _mlp_body,
        grid=(grid,),
        in_specs=[
            pl.BlockSpec((_BN, D_FEAT), lambda n: (n, 0)),
            pl.BlockSpec((NC, _BN, D_FEAT), lambda n: (0, n, 0)),
            pl.BlockSpec((1, D_FEAT), lambda n: (0, 0)),
            pl.BlockSpec((D_FEAT, D_FEAT), lambda n: (0, 0)),
            pl.BlockSpec((1, D_FEAT), lambda n: (0, 0)),
            pl.BlockSpec((D_FEAT, D_FEAT), lambda n: (0, 0)),
            pl.BlockSpec((1, D_FEAT), lambda n: (0, 0)),
        ],
        out_specs=pl.BlockSpec((_BN, D_FEAT), lambda n: (n, 0)),
        out_shape=jax.ShapeDtypeStruct((N_NODES, D_FEAT), jnp.float32),
    )(h, parts, s_row, W1i, b1i, W2i, b2i)




def kernel(x, edge_index, edge_attr, We, be, W1, b1, W2, b2, eps):
    eidx = (edge_index.astype(jnp.int32)
            .reshape(2, NW, N_CHUNKS, CHUNK).transpose(1, 2, 0, 3))
    (e0,) = _edge_embed(edge_attr, We[:1], be[:1])
    p0 = _edge_pass(x, e0, eidx)
    e12 = _edge_embed(edge_attr, We[1:], be[1:])
    e_hops = (e0, *e12)
    ones_row = jnp.ones((1, D_FEAT), jnp.float32)
    h = x
    for i in range(N_HOPS):
        parts = p0 if i == 0 else _edge_pass(h, e_hops[i], eidx)
        s_row = (1.0 + eps[i]) * ones_row
        h = _mlp(h, parts, s_row,
                 W1[i], b1[i].reshape(1, D_FEAT),
                 W2[i], b2[i].reshape(1, D_FEAT))
    return h

# --- scband reference (transcript-rebuilt; emitter-appended) ---
"""Pipeline reference for scband-equivariant-three-hop-gine-61529701482729 (READ-ONLY COPY).

The authoritative reference and input builder live on the scoring server;
editing this copy changes nothing except your own understanding.
"""

import jax, jax.numpy as jnp
import numpy as np

N_NODES = 10000
N_EDGES = 320000
D_FEAT = 128
D_EDGE = 16
N_HOPS = 3


def setup_inputs(seed: int = 0) -> dict:
    key = jax.random.key(seed)
    ks = jax.random.split(key, 12)
    x = jax.random.normal(ks[0], (N_NODES, D_FEAT), dtype=jnp.float32)
    edge_index = jax.random.randint(ks[1], (2, N_EDGES), 0, N_NODES, dtype=jnp.int64 if jax.config.jax_enable_x64 else jnp.int32)
    edge_attr = jax.random.normal(ks[2], (N_EDGES, D_EDGE), dtype=jnp.float32)
    s_e = 1.0 / np.sqrt(D_EDGE)
    s_f = 1.0 / np.sqrt(D_FEAT)
    We = jax.random.normal(ks[3], (N_HOPS, D_EDGE, D_FEAT), dtype=jnp.float32) * s_e
    be = jnp.zeros((N_HOPS, D_FEAT), dtype=jnp.float32)
    W1 = jax.random.normal(ks[4], (N_HOPS, D_FEAT, D_FEAT), dtype=jnp.float32) * s_f
    b1 = jnp.zeros((N_HOPS, D_FEAT), dtype=jnp.float32)
    W2 = jax.random.normal(ks[5], (N_HOPS, D_FEAT, D_FEAT), dtype=jnp.float32) * s_f
    b2 = jnp.zeros((N_HOPS, D_FEAT), dtype=jnp.float32)
    eps = jnp.zeros((N_HOPS,), dtype=jnp.float32)
    return {"x": x, "edge_index": edge_index, "edge_attr": edge_attr,
            "We": We, "be": be, "W1": W1, "b1": b1, "W2": W2, "b2": b2, "eps": eps}


def reference(x, edge_index, edge_attr, We, be, W1, b1, W2, b2, eps):
    # Three-hop GINE message passing:
    #   msg_ij = relu(h_j + Linear(edge_attr_ij))
    #   h_i'   = MLP((1+eps)*h_i + sum_j msg_ij)
    src = edge_index[0]
    dst = edge_index[1]
    h = x
    for i in range(N_HOPS):
        e = edge_attr @ We[i] + be[i]
        msg = jax.nn.relu(jnp.take(h, src, axis=0) + e)
        agg = jax.ops.segment_sum(msg, dst, num_segments=h.shape[0])
        z = (1.0 + eps[i]) * h + agg
        h = jax.nn.relu(z @ W1[i] + b1[i]) @ W2[i] + b2[i]
    return h

if __name__ == "__main__":
    import jax
    _d = setup_inputs()
    print(jax.jit(kernel)(*tuple(_d.values())))

</pallas_src>

<mosaic_0001>
#map = affine_map<(d0, d1) -> (0, 0)>
#map1 = affine_map<(d0, d1) -> (0)>
#map2 = affine_map<(d0, d1) -> (0, 0, 0, 0)>
#map3 = affine_map<(d0, d1) -> (0, 0, 0)>
module attributes {stable_mosaic.version = 14 : i64} {
  func.func @_edge_pass_body(%arg0: i32, %arg1: i32, %arg2: memref<10000x128xf32, #tpu.memory_space<hbm>>, %arg3: memref<40960000xf32, #tpu.memory_space<hbm>>, %arg4: memref<32x125x2x80xi32, #tpu.memory_space<hbm>>, %arg5: memref<2x10000x128xf32, #tpu.memory_space<hbm>>, %arg6: memref<10000x128xf32, #tpu.memory_space<vmem_shared>>, %arg7: memref<16x128xf32, #tpu.memory_space<vmem>>, %arg8: memref<2x80xi32, #tpu.memory_space<vmem>>, %arg9: memref<2x80xi32, #tpu.memory_space<vmem>>, %arg10: memref<80x128xf32, #tpu.memory_space<vmem>>, %arg11: memref<80x128xf32, #tpu.memory_space<vmem>>, %arg12: memref<10240xf32, #tpu.memory_space<vmem>>, %arg13: memref<10240xf32, #tpu.memory_space<vmem>>, %arg14: memref<!tpu.dma_semaphore, #tpu.memory_space<semaphore_mem>>, %arg15: memref<!tpu.dma_semaphore, #tpu.memory_space<semaphore_mem>>, %arg16: memref<!tpu.dma_semaphore, #tpu.memory_space<semaphore_mem>>, %arg17: memref<!tpu.dma_semaphore, #tpu.memory_space<semaphore_mem>>, %arg18: memref<!tpu.dma_semaphore, #tpu.memory_space<semaphore_mem>>, %arg19: memref<!tpu.dma_semaphore, #tpu.memory_space<semaphore_mem>>) attributes {dimension_semantics = [#tpu.dimension_semantics<core_parallel>, #tpu.dimension_semantics<subcore_parallel>], iteration_bounds = array<i64: 2, 16>, scalar_prefetch = 0 : i64, scratch_operands = 14 : i64, tpu.core_type = #tpu.core_type<sc_vector_subcore>, window_params = [{transform_indices = #map}, {transform_indices = #map1}, {transform_indices = #map2}, {transform_indices = #map3}]} {
    %mul3A = arith.constant 16 : i32
    %mul3A_0 = arith.muli %arg0, %mul3A : i32
    %add3A = arith.addi %mul3A_0, %arg1 : i32
    %broadcast_in_dim3A = arith.constant 0.000000e+00 : f32
    %broadcast_in_dim3A_1 = vector.broadcast %broadcast_in_dim3A : f32 to vector<16xf32>
    %scan3A = arith.constant 0 : i32
    %scan3A_2 = arith.constant 0 : i32
    %scan3A_3 = arith.constant 16 : i32
    %scan3A_4 = arith.addi %scan3A_2, %scan3A_3 : i32
    %scan3A_5 = arith.constant 1 : i32
    %scan3A_6 = scf.for %scan3A_112 = %scan3A_2 to %scan3A_4 step %scan3A_5 iter_args(%scan3A_113 = %scan3A) -> (i32)  : i32 {
      %swap3A = arith.index_cast %scan3A_112 : i32 to index
      %swap3A_114 = arith.constant 0 : index
      %swap3A_115 = tpu.vector_load %arg7[%swap3A, %swap3A_114] {strides = array<i32>} : memref<16x128xf32, #tpu.memory_space<vmem>>, vector<1x16xf32>,
      %swap3A_116 = vector.shape_cast %swap3A_115 : vector<1x16xf32> to vector<16xf32>
      %swap3A_117 = vector.shape_cast %broadcast_in_dim3A_1 : vector<16xf32> to vector<1x16xf32>
      tpu.vector_store %arg7[%swap3A, %swap3A_114], %swap3A_117 {strides = array<i32>} : memref<16x128xf32, #tpu.memory_space<vmem>>, vector<1x16xf32>,
      %swap3A_118 = arith.index_cast %scan3A_112 : i32 to index
      %swap3A_119 = arith.constant 16 : index
      %swap3A_120 = tpu.vector_load %arg7[%swap3A_118, %swap3A_119] {strides = array<i32>} : memref<16x128xf32, #tpu.memory_space<vmem>>, vector<1x16xf32>,
      %swap3A_121 = vector.shape_cast %swap3A_120 : vector<1x16xf32> to vector<16xf32>
      %swap3A_122 = vector.shape_cast %broadcast_in_dim3A_1 : vector<16xf32> to vector<1x16xf32>
      tpu.vector_store %arg7[%swap3A_118, %swap3A_119], %swap3A_122 {strides = array<i32>} : memref<16x128xf32, #tpu.memory_space<vmem>>, vector<1x16xf32>,
      %swap3A_123 = arith.index_cast %scan3A_112 : i32 to index
      %swap3A_124 = arith.constant 32 : index
      %swap3A_125 = tpu.vector_load %arg7[%swap3A_123, %swap3A_124] {strides = array<i32>} : memref<16x128xf32, #tpu.memory_space<vmem>>, vector<1x16xf32>,
      %swap3A_126 = vector.shape_cast %swap3A_125 : vector<1x16xf32> to vector<16xf32>
      %swap3A_127 = vector.shape_cast %broadcast_in_dim3A_1 : vector<16xf32> to vector<1x16xf32>
      tpu.vector_store %arg7[%swap3A_123, %swap3A_124], %swap3A_127 {strides = array<i32>} : memref<16x128xf32, #tpu.memory_space<vmem>>, vector<1x16xf32>,
      %swap3A_128 = arith.index_cast %scan3A_112 : i32 to index
      %swap3A_129 = arith.constant 48 : index
      %swap3A_130 = tpu.vector_load %arg7[%swap3A_128, %swap3A_129] {strides = array<i32>} : memref<16x128xf32, #tpu.memory_space<vmem>>, vector<1x16xf32>,
      %swap3A_131 = vector.shape_cast %swap3A_130 : vector<1x16xf32> to vector<16xf32>
      %swap3A_132 = vector.shape_cast %broadcast_in_dim3A_1 : vector<16xf32> to vector<1x16xf32>
      tpu.vector_store %arg7[%swap3A_128, %swap3A_129], %swap3A_132 {strides = array<i32>} : memref<16x128xf32, #tpu.memory_space<vmem>>, vector<1x16xf32>,
      %swap3A_133 = arith.index_cast %scan3A_112 : i32 to index
      %swap3A_134 = arith.constant 64 : index
      %swap3A_135 = tpu.vector_load %arg7[%swap3A_133, %swap3A_134] {strides = array<i32>} : memref<16x128xf32, #tpu.memory_space<vmem>>, vector<1x16xf32>,
      %swap3A_136 = vector.shape_cast %swap3A_135 : vector<1x16xf32> to vector<16xf32>
      %swap3A_137 = vector.shape_cast %broadcast_in_dim3A_1 : vector<16xf32> to vector<1x16xf32>
      tpu.vector_store %arg7[%swap3A_133, %swap3A_134], %swap3A_137 {strides = array<i32>} : memref<16x128xf32, #tpu.memory_space<vmem>>, vector<1x16xf32>,
      %swap3A_138 = arith.index_cast %scan3A_112 : i32 to index
      %swap3A_139 = arith.constant 80 : index
      %swap3A_140 = tpu.vector_load %arg7[%swap3A_138, %swap3A_139] {strides = array<i32>} : memref<16x128xf32, #tpu.memory_space<vmem>>, vector<1x16xf32>,
      %swap3A_141 = vector.shape_cast %swap3A_140 : vector<1x16xf32> to vector<16xf32>
      %swap3A_142 = vector.shape_cast %broadcast_in_dim3A_1 : vector<16xf32> to vector<1x16xf32>
      tpu.vector_store %arg7[%swap3A_138, %swap3A_139], %swap3A_142 {strides = array<i32>} : memref<16x128xf32, #tpu.memory_space<vmem>>, vector<1x16xf32>,
      %swap3A_143 = arith.index_cast %scan3A_112 : i32 to index
      %swap3A_144 = arith.constant 96 : index
      %swap3A_145 = tpu.vector_load %arg7[%swap3A_143, %swap3A_144] {strides = array<i32>} : memref<16x128xf32, #tpu.memory_space<vmem>>, vector<1x16xf32>,
      %swap3A_146 = vector.shape_cast %swap3A_145 : vector<1x16xf32> to vector<16xf32>
      %swap3A_147 = vector.shape_cast %broadcast_in_dim3A_1 : vector<16xf32> to vector<1x16xf32>
      tpu.vector_store %arg7[%swap3A_143, %swap3A_144], %swap3A_147 {strides = array<i32>} : memref<16x128xf32, #tpu.memory_space<vmem>>, vector<1x16xf32>,
      %swap3A_148 = arith.index_cast %scan3A_112 : i32 to index
      %swap3A_149 = arith.constant 112 : index
      %swap3A_150 = tpu.vector_load %arg7[%swap3A_148, %swap3A_149] {strides = array<i32>} : memref<16x128xf32, #tpu.memory_space<vmem>>, vector<1x16xf32>,
      %swap3A_151 = vector.shape_cast %swap3A_150 : vector<1x16xf32> to vector<16xf32>
      %swap3A_152 = vector.shape_cast %broadcast_in_dim3A_1 : vector<16xf32> to vector<1x16xf32>
      tpu.vector_store %arg7[%swap3A_148, %swap3A_149], %swap3A_152 {strides = array<i32>} : memref<16x128xf32, #tpu.memory_space<vmem>>, vector<1x16xf32>,
      %scan3A_153 = arith.constant 0 : i32
      scf.yield %scan3A_153 : i32
    }
    %scan3A_7 = arith.constant 16 : i32
    %scan3A_8 = arith.constant 0 : i32
    %scan3A_9 = arith.constant 0 : i32
    %scan3A_10 = arith.constant 39 : i32
    %scan3A_11 = arith.addi %scan3A_9, %scan3A_10 : i32
    %scan3A_12 = arith.constant 1 : i32
    %scan3A_13 = scf.for %scan3A_112 = %scan3A_9 to %scan3A_11 step %scan3A_12 iter_args(%scan3A_113 = %scan3A_8) -> (i32)  : i32 {
      %mul3A_114 = arith.constant 624 : i32
      %mul3A_115 = arith.muli %arg1, %mul3A_114 : i32
      %mul3A_116 = arith.constant 16 : i32
      %mul3A_117 = arith.muli %scan3A_112, %mul3A_116 : i32
      %add3A_118 = arith.addi %mul3A_115, %mul3A_117 : i32
      %multiple_of3A_119 = tpu.assume_multiple %add3A_118, 8 : i32
      "tpu.region"() ({
        %run_scoped3A_121 = tpu.sem_alloc : memref<!tpu.dma_semaphore, #tpu.memory_space<semaphore_mem>>
        %dma_start3A_122 = arith.constant 0 : i32
        %dma_start3A_123 = tpu.memref_slice %arg6[%multiple_of3A_119, %dma_start3A_122] : memref<10000x128xf32, #tpu.memory_space<vmem_shared>> -> memref<16x128xf32, #tpu.memory_space<vmem_shared>>
        %dma_start3A_124 = arith.constant 0 : i32
        %dma_start3A_125 = tpu.memref_slice %arg6[%multiple_of3A_119, %dma_start3A_124] : memref<10000x128xf32, #tpu.memory_space<vmem_shared>> -> memref<16x128xf32, #tpu.memory_space<vmem_shared>>
        tpu.enqueue_dma source(%arg7 : memref<16x128xf32, #tpu.memory_space<vmem>>) target(%dma_start3A_125 : memref<16x128xf32, #tpu.memory_space<vmem_shared>>) target_semaphore(%run_scoped3A_121 : memref<!tpu.dma_semaphore, #tpu.memory_space<semaphore_mem>>)
        %dma_wait3A_126 = arith.constant 0 : i32
        %dma_wait3A_127 = tpu.memref_slice %arg6[%multiple_of3A_119, %dma_wait3A_126] : memref<10000x128xf32, #tpu.memory_space<vmem_shared>> -> memref<16x128xf32, #tpu.memory_space<vmem_shared>>
        %dma_wait3A_128 = arith.constant 0 : i32
        %dma_wait3A_129 = tpu.memref_slice %arg6[%multiple_of3A_119, %dma_wait3A_128] : memref<10000x128xf32, #tpu.memory_space<vmem_shared>> -> memref<16x128xf32, #tpu.memory_space<vmem_shared>>
        tpu.wait_dma2 semaphore(%run_scoped3A_121 : memref<!tpu.dma_semaphore, #tpu.memory_space<semaphore_mem>>) src(%arg7 : memref<16x128xf32, #tpu.memory_space<vmem>>) dst(%dma_wait3A_129 : memref<16x128xf32, #tpu.memory_space<vmem_shared>>)
        tpu.yield
      }) : () -> ()
      %scan3A_120 = arith.constant 0 : i32
      scf.yield %scan3A_120 : i32
    }
    %scan3A_14 = arith.constant 39 : i32
    %eq3A = arith.constant 15 : i32
    %eq3A_15 = arith.cmpi eq, %arg1, %eq3A : i32
    %convert_element_type3A = arith.extui %eq3A_15 : i1 to i32
    %cond3A = arith.constant 0 : i32
    %cond3A_16 = arith.cmpi ne, %convert_element_type3A, %cond3A : i32
    scf.if %cond3A_16 {
      "tpu.region"() ({
        %run_scoped3A_112 = tpu.sem_alloc : memref<!tpu.dma_semaphore, #tpu.memory_space<semaphore_mem>>
        %dma_start3A_113 = arith.constant 0 : i32
        %dma_start3A_114 = arith.constant 0 : i32
        %dma_start3A_115 = tpu.memref_slice %arg7[%dma_start3A_113, %dma_start3A_114] : memref<16x128xf32, #tpu.memory_space<vmem>> -> memref<16x128xf32, #tpu.memory_space<vmem>>
        %dma_start3A_116 = arith.constant 9984 : i32
        %dma_start3A_117 = arith.constant 0 : i32
        %dma_start3A_118 = tpu.memref_slice %arg6[%dma_start3A_116, %dma_start3A_117] : memref<10000x128xf32, #tpu.memory_space<vmem_shared>> -> memref<16x128xf32, #tpu.memory_space<vmem_shared>>
        %dma_start3A_119 = arith.constant 9984 : i32
        %dma_start3A_120 = arith.constant 0 : i32
        %dma_start3A_121 = tpu.memref_slice %arg6[%dma_start3A_119, %dma_start3A_120] : memref<10000x128xf32, #tpu.memory_space<vmem_shared>> -> memref<16x128xf32, #tpu.memory_space<vmem_shared>>
        %dma_start3A_122 = arith.constant 0 : i32
        %dma_start3A_123 = arith.constant 0 : i32
        %dma_start3A_124 = tpu.memref_slice %arg7[%dma_start3A_122, %dma_start3A_123] : memref<16x128xf32, #tpu.memory_space<vmem>> -> memref<16x128xf32, #tpu.memory_space<vmem>>
        tpu.enqueue_dma source(%dma_start3A_124 : memref<16x128xf32, #tpu.memory_space<vmem>>) target(%dma_start3A_121 : memref<16x128xf32, #tpu.memory_space<vmem_shared>>) target_semaphore(%run_scoped3A_112 : memref<!tpu.dma_semaphore, #tpu.memory_space<semaphore_mem>>)
        %dma_wait3A_125 = arith.constant 0 : i32
        %dma_wait3A_126 = arith.constant 0 : i32
        %dma_wait3A_127 = tpu.memref_slice %arg7[%dma_wait3A_125, %dma_wait3A_126] : memref<16x128xf32, #tpu.memory_space<vmem>> -> memref<16x128xf32, #tpu.memory_space<vmem>>
        %dma_wait3A_128 = arith.constant 9984 : i32
        %dma_wait3A_129 = arith.constant 0 : i32
        %dma_wait3A_130 = tpu.memref_slice %arg6[%dma_wait3A_128, %dma_wait3A_129] : memref<10000x128xf32, #tpu.memory_space<vmem_shared>> -> memref<16x128xf32, #tpu.memory_space<vmem_shared>>
        %dma_wait3A_131 = arith.constant 9984 : i32
        %dma_wait3A_132 = arith.constant 0 : i32
        %dma_wait3A_133 = tpu.memref_slice %arg6[%dma_wait3A_131, %dma_wait3A_132] : memref<10000x128xf32, #tpu.memory_space<vmem_shared>> -> memref<16x128xf32, #tpu.memory_space<vmem_shared>>
        %dma_wait3A_134 = arith.constant 0 : i32
        %dma_wait3A_135 = arith.constant 0 : i32
        %dma_wait3A_136 = tpu.memref_slice %arg7[%dma_wait3A_134, %dma_wait3A_135] : memref<16x128xf32, #tpu.memory_space<vmem>> -> memref<16x128xf32, #tpu.memory_space<vmem>>
        tpu.wait_dma2 semaphore(%run_scoped3A_112 : memref<!tpu.dma_semaphore, #tpu.memory_space<semaphore_mem>>) src(%dma_wait3A_136 : memref<16x128xf32, #tpu.memory_space<vmem>>) dst(%dma_wait3A_133 : memref<16x128xf32, #tpu.memory_space<vmem_shared>>)
        tpu.yield
      }) : () -> ()
    } else {
    }
    %barrier3A = arith.constant 0 : index
    tpu.barrier barrier_id(%barrier3A)
    %min3A = arith.constant 0 : i32
    %min3A_17 = arith.constant 124 : i32
    %min3A_18 = arith.minsi %min3A, %min3A_17 : i32
    %dma_start3A = arith.constant 0 : i32
    %dma_start3A_19 = arith.constant 0 : i32
    %dma_start3A_20 = tpu.memref_slice %arg4[%add3A, %min3A_18, %dma_start3A, %dma_start3A_19] : memref<32x125x2x80xi32, #tpu.memory_space<hbm>> -> memref<1x1x2x80xi32, #tpu.memory_space<hbm>>
    %dma_start3A_21 = tpu.memref_squeeze %dma_start3A_20 : memref<1x1x2x80xi32, #tpu.memory_space<hbm>> -> memref<2x80xi32, #tpu.memory_space<hbm>>
    %dma_start3A_22 = arith.constant 0 : i32
    %dma_start3A_23 = arith.constant 0 : i32
    %dma_start3A_24 = tpu.memref_slice %arg4[%add3A, %min3A_18, %dma_start3A_22, %dma_start3A_23] : memref<32x125x2x80xi32, #tpu.memory_space<hbm>> -> memref<1x1x2x80xi32, #tpu.memory_space<hbm>>
    %dma_start3A_25 = tpu.memref_squeeze %dma_start3A_24 : memref<1x1x2x80xi32, #tpu.memory_space<hbm>> -> memref<2x80xi32, #tpu.memory_space<hbm>>
    tpu.enqueue_dma source(%dma_start3A_25 : memref<2x80xi32, #tpu.memory_space<hbm>>) target(%arg8 : memref<2x80xi32, #tpu.memory_space<vmem>>) target_semaphore(%arg18 : memref<!tpu.dma_semaphore, #tpu.memory_space<semaphore_mem>>)
    %min3A_26 = arith.constant 0 : i32
    %min3A_27 = arith.constant 124 : i32
    %min3A_28 = arith.minsi %min3A_26, %min3A_27 : i32
    %dma_wait3A = arith.constant 0 : i32
    %dma_wait3A_29 = arith.constant 0 : i32
    %dma_wait3A_30 = tpu.memref_slice %arg4[%add3A, %min3A_28, %dma_wait3A, %dma_wait3A_29] : memref<32x125x2x80xi32, #tpu.memory_space<hbm>> -> memref<1x1x2x80xi32, #tpu.memory_space<hbm>>
    %dma_wait3A_31 = tpu.memref_squeeze %dma_wait3A_30 : memref<1x1x2x80xi32, #tpu.memory_space<hbm>> -> memref<2x80xi32, #tpu.memory_space<hbm>>
    %dma_wait3A_32 = arith.constant 0 : i32
    %dma_wait3A_33 = arith.constant 0 : i32
    %dma_wait3A_34 = tpu.memref_slice %arg4[%add3A, %min3A_28, %dma_wait3A_32, %dma_wait3A_33] : memref<32x125x2x80xi32, #tpu.memory_space<hbm>> -> memref<1x1x2x80xi32, #tpu.memory_space<hbm>>
    %dma_wait3A_35 = tpu.memref_squeeze %dma_wait3A_34 : memref<1x1x2x80xi32, #tpu.memory_space<hbm>> -> memref<2x80xi32, #tpu.memory_space<hbm>>
    tpu.wait_dma2 semaphore(%arg18 : memref<!tpu.dma_semaphore, #tpu.memory_space<semaphore_mem>>) src(%dma_wait3A_35 : memref<2x80xi32, #tpu.memory_space<hbm>>) dst(%arg8 : memref<2x80xi32, #tpu.memory_space<vmem>>)
    %dma_start3A_36 = arith.constant 0 : i32
    %dma_start3A_37 = arith.constant 0 : i32
    %dma_start3A_38 = tpu.memref_slice %arg8[%dma_start3A_36, %dma_start3A_37] : memref<2x80xi32, #tpu.memory_space<vmem>> -> memref<1x80xi32, #tpu.memory_space<vmem>>
    %dma_start3A_39 = tpu.memref_squeeze %dma_start3A_38 : memref<1x80xi32, #tpu.memory_space<vmem>> -> memref<80xi32, #tpu.memory_space<vmem>>
    %dma_start3A_40 = arith.constant 0 : i32
    %dma_start3A_41 = arith.constant 0 : i32
    %dma_start3A_42 = tpu.memref_slice %arg2[%dma_start3A_40, %dma_start3A_41] : memref<10000x128xf32, #tpu.memory_space<hbm>> -> memref<10000x128xf32, #tpu.memory_space<hbm>>
    tpu.enqueue_indirect_dma source(%dma_start3A_42 : memref<10000x128xf32, #tpu.memory_space<hbm>>) target(%arg10 : memref<80x128xf32, #tpu.memory_space<vmem>>) offsets(%dma_start3A_39 : memref<80xi32, #tpu.memory_space<vmem>>) semaphore(%arg14 : memref<!tpu.dma_semaphore, #tpu.memory_space<semaphore_mem>>)
    %mul3A_43 = arith.constant 10000 : i32
    %mul3A_44 = arith.muli %add3A, %mul3A_43 : i32
    %add3A_45 = arith.constant 0 : i32
    %add3A_46 = arith.addi %mul3A_44, %add3A_45 : i32
    %mul3A_47 = arith.constant 128 : i32
    %mul3A_48 = arith.muli %add3A_46, %mul3A_47 : i32
    %multiple_of3A = tpu.assume_multiple %mul3A_48, 8 : i32
    %dma_start3A_49 = tpu.memref_slice %arg3[%multiple_of3A] : memref<40960000xf32, #tpu.memory_space<hbm>> -> memref<10240xf32, #tpu.memory_space<hbm>>
    %dma_start3A_50 = tpu.memref_slice %arg3[%multiple_of3A] : memref<40960000xf32, #tpu.memory_space<hbm>> -> memref<10240xf32, #tpu.memory_space<hbm>>
    tpu.enqueue_dma source(%dma_start3A_50 : memref<10240xf32, #tpu.memory_space<hbm>>) target(%arg12 : memref<10240xf32, #tpu.memory_space<vmem>>) target_semaphore(%arg16 : memref<!tpu.dma_semaphore, #tpu.memory_space<semaphore_mem>>)
    %min3A_51 = arith.constant 1 : i32
    %min3A_52 = arith.constant 124 : i32
    %min3A_53 = arith.minsi %min3A_51, %min3A_52 : i32
    %dma_start3A_54 = arith.constant 0 : i32
    %dma_start3A_55 = arith.constant 0 : i32
    %dma_start3A_56 = tpu.memref_slice %arg4[%add3A, %min3A_53, %dma_start3A_54, %dma_start3A_55] : memref<32x125x2x80xi32, #tpu.memory_space<hbm>> -> memref<1x1x2x80xi32, #tpu.memory_space<hbm>>
    %dma_start3A_57 = tpu.memref_squeeze %dma_start3A_56 : memref<1x1x2x80xi32, #tpu.memory_space<hbm>> -> memref<2x80xi32, #tpu.memory_space<hbm>>
    %dma_start3A_58 = arith.constant 0 : i32
    %dma_start3A_59 = arith.constant 0 : i32
    %dma_start3A_60 = tpu.memref_slice %arg4[%add3A, %min3A_53, %dma_start3A_58, %dma_start3A_59] : memref<32x125x2x80xi32, #tpu.memory_space<hbm>> -> memref<1x1x2x80xi32, #tpu.memory_space<hbm>>
    %dma_start3A_61 = tpu.memref_squeeze %dma_start3A_60 : memref<1x1x2x80xi32, #tpu.memory_space<hbm>> -> memref<2x80xi32, #tpu.memory_space<hbm>>
    tpu.enqueue_dma source(%dma_start3A_61 : memref<2x80xi32, #tpu.memory_space<hbm>>) target(%arg9 : memref<2x80xi32, #tpu.memory_space<vmem>>) target_semaphore(%arg19 : memref<!tpu.dma_semaphore, #tpu.memory_space<semaphore_mem>>)
    %scan3A_62 = arith.constant 0 : i32
    %scan3A_63 = arith.constant 0 : i32
    %scan3A_64 = arith.constant 62 : i32
    %scan3A_65 = arith.addi %scan3A_63, %scan3A_64 : i32
    %scan3A_66 = arith.constant 1 : i32
    %scan3A_67 = scf.for %scan3A_112 = %scan3A_63 to %scan3A_65 step %scan3A_66 iter_args(%scan3A_113 = %scan3A_62) -> (i32)  : i32 {
      %mul3A_114 = arith.constant 2 : i32
      %mul3A_115 = arith.muli %mul3A_114, %scan3A_112 : i32
      %dma_wait3A_116 = arith.constant 0 : i32
      %dma_wait3A_117 = arith.constant 0 : i32
      %dma_wait3A_118 = tpu.memref_slice %arg8[%dma_wait3A_116, %dma_wait3A_117] : memref<2x80xi32, #tpu.memory_space<vmem>> -> memref<1x80xi32, #tpu.memory_space<vmem>>
      %dma_wait3A_119 = tpu.memref_squeeze %dma_wait3A_118 : memref<1x80xi32, #tpu.memory_space<vmem>> -> memref<80xi32, #tpu.memory_space<vmem>>
      %dma_wait3A_120 = arith.constant 0 : i32
      %dma_wait3A_121 = arith.constant 0 : i32
      %dma_wait3A_122 = tpu.memref_slice %arg2[%dma_wait3A_120, %dma_wait3A_121] : memref<10000x128xf32, #tpu.memory_space<hbm>> -> memref<10000x128xf32, #tpu.memory_space<hbm>>
      tpu.wait_indirect_dma semaphore(%arg14 : memref<!tpu.dma_semaphore, #tpu.memory_space<semaphore_mem>>) src(%dma_wait3A_122 : memref<10000x128xf32, #tpu.memory_space<hbm>>) dst(%arg10 : memref<80x128xf32, #tpu.memory_space<vmem>>)
      %mul3A_123 = arith.constant 10000 : i32
      %mul3A_124 = arith.muli %add3A, %mul3A_123 : i32
      %mul3A_125 = arith.constant 80 : i32
      %mul3A_126 = arith.muli %mul3A_115, %mul3A_125 : i32
      %add3A_127 = arith.addi %mul3A_124, %mul3A_126 : i32
      %mul3A_128 = arith.constant 128 : i32
      %mul3A_129 = arith.muli %add3A_127, %mul3A_128 : i32
      %multiple_of3A_130 = tpu.assume_multiple %mul3A_129, 8 : i32
      %dma_wait3A_131 = tpu.memref_slice %arg3[%multiple_of3A_130] : memref<40960000xf32, #tpu.memory_space<hbm>> -> memref<10240xf32, #tpu.memory_space<hbm>>
      %dma_wait3A_132 = tpu.memref_slice %arg3[%multiple_of3A_130] : memref<40960000xf32, #tpu.memory_space<hbm>> -> memref<10240xf32, #tpu.memory_space<hbm>>
      tpu.wait_dma2 semaphore(%arg16 : memref<!tpu.dma_semaphore, #tpu.memory_space<semaphore_mem>>) src(%dma_wait3A_132 : memref<10240xf32, #tpu.memory_space<hbm>>) dst(%arg12 : memref<10240xf32, #tpu.memory_space<vmem>>)
      %add3A_133 = arith.constant 1 : i32
      %add3A_134 = arith.addi %mul3A_115, %add3A_133 : i32
      %min3A_135 = arith.constant 124 : i32
      %min3A_136 = arith.minsi %add3A_134, %min3A_135 : i32
      %dma_wait3A_137 = arith.constant 0 : i32
      %dma_wait3A_138 = arith.constant 0 : i32
      %dma_wait3A_139 = tpu.memref_slice %arg4[%add3A, %min3A_136, %dma_wait3A_137, %dma_wait3A_138] : memref<32x125x2x80xi32, #tpu.memory_space<hbm>> -> memref<1x1x2x80xi32, #tpu.memory_space<hbm>>
      %dma_wait3A_140 = tpu.memref_squeeze %dma_wait3A_139 : memref<1x1x2x80xi32, #tpu.memory_space<hbm>> -> memref<2x80xi32, #tpu.memory_space<hbm>>
      %dma_wait3A_141 = arith.constant 0 : i32
      %dma_wait3A_142 = arith.constant 0 : i32
      %dma_wait3A_143 = tpu.memref_slice %arg4[%add3A, %min3A_136, %dma_wait3A_141, %dma_wait3A_142] : memref<32x125x2x80xi32, #tpu.memory_space<hbm>> -> memref<1x1x2x80xi32, #tpu.memory_space<hbm>>
      %dma_wait3A_144 = tpu.memref_squeeze %dma_wait3A_143 : memref<1x1x2x80xi32, #tpu.memory_space<hbm>> -> memref<2x80xi32, #tpu.memory_space<hbm>>
      tpu.wait_dma2 semaphore(%arg19 : memref<!tpu.dma_semaphore, #tpu.memory_space<semaphore_mem>>) src(%dma_wait3A_144 : memref<2x80xi32, #tpu.memory_space<hbm>>) dst(%arg9 : memref<2x80xi32, #tpu.memory_space<vmem>>)
      %add3A_145 = arith.constant 1 : i32
      %add3A_146 = arith.addi %mul3A_115, %add3A_145 : i32
      %dma_start3A_147 = arith.constant 0 : i32
      %dma_start3A_148 = arith.constant 0 : i32
      %dma_start3A_149 = tpu.memref_slice %arg9[%dma_start3A_147, %dma_start3A_148] : memref<2x80xi32, #tpu.memory_space<vmem>> -> memref<1x80xi32, #tpu.memory_space<vmem>>
      %dma_start3A_150 = tpu.memref_squeeze %dma_start3A_149 : memref<1x80xi32, #tpu.memory_space<vmem>> -> memref<80xi32, #tpu.memory_space<vmem>>
      %dma_start3A_151 = arith.constant 0 : i32
      %dma_start3A_152 = arith.constant 0 : i32
      %dma_start3A_153 = tpu.memref_slice %arg2[%dma_start3A_151, %dma_start3A_152] : memref<10000x128xf32, #tpu.memory_space<hbm>> -> memref<10000x128xf32, #tpu.memory_space<hbm>>
      tpu.enqueue_indirect_dma source(%dma_start3A_153 : memref<10000x128xf32, #tpu.memory_space<hbm>>) target(%arg11 : memref<80x128xf32, #tpu.memory_space<vmem>>) offsets(%dma_start3A_150 : memref<80xi32, #tpu.memory_space<vmem>>) semaphore(%arg15 : memref<!tpu.dma_semaphore, #tpu.memory_space<semaphore_mem>>)
      %mul3A_154 = arith.constant 10000 : i32
      %mul3A_155 = arith.muli %add3A, %mul3A_154 : i32
      %mul3A_156 = arith.constant 80 : i32
      %mul3A_157 = arith.muli %add3A_146, %mul3A_156 : i32
      %add3A_158 = arith.addi %mul3A_155, %mul3A_157 : i32
      %mul3A_159 = arith.constant 128 : i32
      %mul3A_160 = arith.muli %add3A_158, %mul3A_159 : i32
      %multiple_of3A_161 = tpu.assume_multiple %mul3A_160, 8 : i32
      %dma_start3A_162 = tpu.memref_slice %arg3[%multiple_of3A_161] : memref<40960000xf32, #tpu.memory_space<hbm>> -> memref<10240xf32, #tpu.memory_space<hbm>>
      %dma_start3A_163 = tpu.memref_slice %arg3[%multiple_of3A_161] : memref<40960000xf32, #tpu.memory_space<hbm>> -> memref<10240xf32, #tpu.memory_space<hbm>>
      tpu.enqueue_dma source(%dma_start3A_163 : memref<10240xf32, #tpu.memory_space<hbm>>) target(%arg13 : memref<10240xf32, #tpu.memory_space<vmem>>) target_semaphore(%arg17 : memref<!tpu.dma_semaphore, #tpu.memory_space<semaphore_mem>>)
      %scan3A_164 = arith.constant 0 : i32
      %scan3A_165 = arith.constant 0 : i32
      %scan3A_166 = arith.constant 80 : i32
      %scan3A_167 = arith.addi %scan3A_165, %scan3A_166 : i32
      %scan3A_168 = arith.constant 1 : i32
      %scan3A_169 = scf.for %scan3A_257 = %scan3A_165 to %scan3A_167 step %scan3A_168 iter_args(%scan3A_258 = %scan3A_164) -> (i32)  : i32 {
        %mul3A_259 = arith.constant 128 : i32
        %mul3A_260 = arith.muli %scan3A_257, %mul3A_259 : i32
        %add3A_261 = arith.constant 0 : i32
        %add3A_262 = arith.addi %mul3A_260, %add3A_261 : i32
        %multiple_of3A_263 = tpu.assume_multiple %add3A_262, 16 : i32
        %get3A = arith.index_cast %scan3A_257 : i32 to index
        %get3A_264 = arith.constant 0 : index
        %get3A_265 = tpu.vector_load %arg10[%get3A, %get3A_264] {strides = array<i32>} : memref<80x128xf32, #tpu.memory_space<vmem>>, vector<1x16xf32>,
        %get3A_266 = vector.shape_cast %get3A_265 : vector<1x16xf32> to vector<16xf32>
        %get3A_267 = arith.index_cast %multiple_of3A_263 : i32 to index
        %get3A_268 = tpu.vector_load %arg12[%get3A_267] {strides = array<i32>} : memref<10240xf32, #tpu.memory_space<vmem>>, vector<16xf32>,
        %get3A_269 = vector.shape_cast %get3A_268 : vector<16xf32> to vector<16xf32>
        %add3A_270 = arith.addf %get3A_266, %get3A_269 : vector<16xf32>
        %max3A = arith.constant 0.000000e+00 : f32
        %max3A_271 = vector.broadcast %max3A : f32 to vector<16xf32>
        %max3A_272 = arith.maximumf %add3A_270, %max3A_271 : vector<16xf32>
        %swap3A = arith.index_cast %scan3A_257 : i32 to index
        %swap3A_273 = arith.constant 0 : index
        %swap3A_274 = tpu.vector_load %arg10[%swap3A, %swap3A_273] {strides = array<i32>} : memref<80x128xf32, #tpu.memory_space<vmem>>, vector<1x16xf32>,
        %swap3A_275 = vector.shape_cast %swap3A_274 : vector<1x16xf32> to vector<16xf32>
        %swap3A_276 = vector.shape_cast %max3A_272 : vector<16xf32> to vector<1x16xf32>
        tpu.vector_store %arg10[%swap3A, %swap3A_273], %swap3A_276 {strides = array<i32>} : memref<80x128xf32, #tpu.memory_space<vmem>>, vector<1x16xf32>,
        %mul3A_277 = arith.constant 128 : i32
        %mul3A_278 = arith.muli %scan3A_257, %mul3A_277 : i32
        %add3A_279 = arith.constant 16 : i32
        %add3A_280 = arith.addi %mul3A_278, %add3A_279 : i32
        %multiple_of3A_281 = tpu.assume_multiple %add3A_280, 16 : i32
        %get3A_282 = arith.index_cast %scan3A_257 : i32 to index
        %get3A_283 = arith.constant 16 : index
        %get3A_284 = tpu.vector_load %arg10[%get3A_282, %get3A_283] {strides = array<i32>} : memref<80x128xf32, #tpu.memory_space<vmem>>, vector<1x16xf32>,
        %get3A_285 = vector.shape_cast %get3A_284 : vector<1x16xf32> to vector<16xf32>
        %get3A_286 = arith.index_cast %multiple_of3A_281 : i32 to index
        %get3A_287 = tpu.vector_load %arg12[%get3A_286] {strides = array<i32>} : memref<10240xf32, #tpu.memory_space<vmem>>, vector<16xf32>,
        %get3A_288 = vector.shape_cast %get3A_287 : vector<16xf32> to vector<16xf32>
        %add3A_289 = arith.addf %get3A_285, %get3A_288 : vector<16xf32>
        %max3A_290 = arith.constant 0.000000e+00 : f32
        %max3A_291 = vector.broadcast %max3A_290 : f32 to vector<16xf32>
        %max3A_292 = arith.maximumf %add3A_289, %max3A_291 : vector<16xf32>
        %swap3A_293 = arith.index_cast %scan3A_257 : i32 to index
        %swap3A_294 = arith.constant 16 : index
        %swap3A_295 = tpu.vector_load %arg10[%swap3A_293, %swap3A_294] {strides = array<i32>} : memref<80x128xf32, #tpu.memory_space<vmem>>, vector<1x16xf32>,
        %swap3A_296 = vector.shape_cast %swap3A_295 : vector<1x16xf32> to vector<16xf32>
        %swap3A_297 = vector.shape_cast %max3A_292 : vector<16xf32> to vector<1x16xf32>
        tpu.vector_store %arg10[%swap3A_293, %swap3A_294], %swap3A_297 {strides = array<i32>} : memref<80x128xf32, #tpu.memory_space<vmem>>, vector<1x16xf32>,
        %mul3A_298 = arith.constant 128 : i32
        %mul3A_299 = arith.muli %scan3A_257, %mul3A_298 : i32
        %add3A_300 = arith.constant 32 : i32
        %add3A_301 = arith.addi %mul3A_299, %add3A_300 : i32
        %multiple_of3A_302 = tpu.assume_multiple %add3A_301, 16 : i32
        %get3A_303 = arith.index_cast %scan3A_257 : i32 to index
        %get3A_304 = arith.constant 32 : index
        %get3A_305 = tpu.vector_load %arg10[%get3A_303, %get3A_304] {strides = array<i32>} : memref<80x128xf32, #tpu.memory_space<vmem>>, vector<1x16xf32>,
        %get3A_306 = vector.shape_cast %get3A_305 : vector<1x16xf32> to vector<16xf32>
        %get3A_307 = arith.index_cast %multiple_of3A_302 : i32 to index
        %get3A_308 = tpu.vector_load %arg12[%get3A_307] {strides = array<i32>} : memref<10240xf32, #tpu.memory_space<vmem>>, vector<16xf32>,
        %get3A_309 = vector.shape_cast %get3A_308 : vector<16xf32> to vector<16xf32>
        %add3A_310 = arith.addf %get3A_306, %get3A_309 : vector<16xf32>
        %max3A_311 = arith.constant 0.000000e+00 : f32
        %max3A_312 = vector.broadcast %max3A_311 : f32 to vector<16xf32>
        %max3A_313 = arith.maximumf %add3A_310, %max3A_312 : vector<16xf32>
        %swap3A_314 = arith.index_cast %scan3A_257 : i32 to index
        %swap3A_315 = arith.constant 32 : index
        %swap3A_316 = tpu.vector_load %arg10[%swap3A_314, %swap3A_315] {strides = array<i32>} : memref<80x128xf32, #tpu.memory_space<vmem>>, vector<1x16xf32>,
        %swap3A_317 = vector.shape_cast %swap3A_316 : vector<1x16xf32> to vector<16xf32>
        %swap3A_318 = vector.shape_cast %max3A_313 : vector<16xf32> to vector<1x16xf32>
        tpu.vector_store %arg10[%swap3A_314, %swap3A_315], %swap3A_318 {strides = array<i32>} : memref<80x128xf32, #tpu.memory_space<vmem>>, vector<1x16xf32>,
        %mul3A_319 = arith.constant 128 : i32
        %mul3A_320 = arith.muli %scan3A_257, %mul3A_319 : i32
        %add3A_321 = arith.constant 48 : i32
        %add3A_322 = arith.addi %mul3A_320, %add3A_321 : i32
        %multiple_of3A_323 = tpu.assume_multiple %add3A_322, 16 : i32
        %get3A_324 = arith.index_cast %scan3A_257 : i32 to index
        %get3A_325 = arith.constant 48 : index
        %get3A_326 = tpu.vector_load %arg10[%get3A_324, %get3A_325] {strides = array<i32>} : memref<80x128xf32, #tpu.memory_space<vmem>>, vector<1x16xf32>,
        %get3A_327 = vector.shape_cast %get3A_326 : vector<1x16xf32> to vector<16xf32>
        %get3A_328 = arith.index_cast %multiple_of3A_323 : i32 to index
        %get3A_329 = tpu.vector_load %arg12[%get3A_328] {strides = array<i32>} : memref<10240xf32, #tpu.memory_space<vmem>>, vector<16xf32>,
        %get3A_330 = vector.shape_cast %get3A_329 : vector<16xf32> to vector<16xf32>
        %add3A_331 = arith.addf %get3A_327, %get3A_330 : vector<16xf32>
        %max3A_332 = arith.constant 0.000000e+00 : f32
        %max3A_333 = vector.broadcast %max3A_332 : f32 to vector<16xf32>
        %max3A_334 = arith.maximumf %add3A_331, %max3A_333 : vector<16xf32>
        %swap3A_335 = arith.index_cast %scan3A_257 : i32 to index
        %swap3A_336 = arith.constant 48 : index
        %swap3A_337 = tpu.vector_load %arg10[%swap3A_335, %swap3A_336] {strides = array<i32>} : memref<80x128xf32, #tpu.memory_space<vmem>>, vector<1x16xf32>,
        %swap3A_338 = vector.shape_cast %swap3A_337 : vector<1x16xf32> to vector<16xf32>
        %swap3A_339 = vector.shape_cast %max3A_334 : vector<16xf32> to vector<1x16xf32>
        tpu.vector_store %arg10[%swap3A_335, %swap3A_336], %swap3A_339 {strides = array<i32>} : memref<80x128xf32, #tpu.memory_space<vmem>>, vector<1x16xf32>,
        %mul3A_340 = arith.constant 128 : i32
        %mul3A_341 = arith.muli %scan3A_257, %mul3A_340 : i32
        %add3A_342 = arith.constant 64 : i32
        %add3A_343 = arith.addi %mul3A_341, %add3A_342 : i32
        %multiple_of3A_344 = tpu.assume_multiple %add3A_343, 16 : i32
        %get3A_345 = arith.index_cast %scan3A_257 : i32 to index
        %get3A_346 = arith.constant 64 : index
        %get3A_347 = tpu.vector_load %arg10[%get3A_345, %get3A_346] {strides = array<i32>} : memref<80x128xf32, #tpu.memory_space<vmem>>, vector<1x16xf32>,
        %get3A_348 = vector.shape_cast %get3A_347 : vector<1x16xf32> to vector<16xf32>
        %get3A_349 = arith.index_cast %multiple_of3A_344 : i32 to index
        %get3A_350 = tpu.vector_load %arg12[%get3A_349] {strides = array<i32>} : memref<10240xf32, #tpu.memory_space<vmem>>, vector<16xf32>,
        %get3A_351 = vector.shape_cast %get3A_350 : vector<16xf32> to vector<16xf32>
        %add3A_352 = arith.addf %get3A_348, %get3A_351 : vector<16xf32>
        %max3A_353 = arith.constant 0.000000e+00 : f32
        %max3A_354 = vector.broadcast %max3A_353 : f32 to vector<16xf32>
        %max3A_355 = arith.maximumf %add3A_352, %max3A_354 : vector<16xf32>
        %swap3A_356 = arith.index_cast %scan3A_257 : i32 to index
        %swap3A_357 = arith.constant 64 : index
        %swap3A_358 = tpu.vector_load %arg10[%swap3A_356, %swap3A_357] {strides = array<i32>} : memref<80x128xf32, #tpu.memory_space<vmem>>, vector<1x16xf32>,
        %swap3A_359 = vector.shape_cast %swap3A_358 : vector<1x16xf32> to vector<16xf32>
        %swap3A_360 = vector.shape_cast %max3A_355 : vector<16xf32> to vector<1x16xf32>
        tpu.vector_store %arg10[%swap3A_356, %swap3A_357], %swap3A_360 {strides = array<i32>} : memref<80x128xf32, #tpu.memory_space<vmem>>, vector<1x16xf32>,
        %mul3A_361 = arith.constant 128 : i32
        %mul3A_362 = arith.muli %scan3A_257, %mul3A_361 : i32
        %add3A_363 = arith.constant 80 : i32
        %add3A_364 = arith.addi %mul3A_362, %add3A_363 : i32
        %multiple_of3A_365 = tpu.assume_multiple %add3A_364, 16 : i32
        %get3A_366 = arith.index_cast %scan3A_257 : i32 to index
        %get3A_367 = arith.constant 80 : index
        %get3A_368 = tpu.vector_load %arg10[%get3A_366, %get3A_367] {strides = array<i32>} : memref<80x128xf32, #tpu.memory_space<vmem>>, vector<1x16xf32>,
        %get3A_369 = vector.shape_cast %get3A_368 : vector<1x16xf32> to vector<16xf32>
        %get3A_370 = arith.index_cast %multiple_of3A_365 : i32 to index
        %get3A_371 = tpu.vector_load %arg12[%get3A_370] {strides = array<i32>} : memref<10240xf32, #tpu.memory_space<vmem>>, vector<16xf32>,
        %get3A_372 = vector.shape_cast %get3A_371 : vector<16xf32> to vector<16xf32>
        %add3A_373 = arith.addf %get3A_369, %get3A_372 : vector<16xf32>
        %max3A_374 = arith.constant 0.000000e+00 : f32
        %max3A_375 = vector.broadcast %max3A_374 : f32 to vector<16xf32>
        %max3A_376 = arith.maximumf %add3A_373, %max3A_375 : vector<16xf32>
        %swap3A_377 = arith.index_cast %scan3A_257 : i32 to index
        %swap3A_378 = arith.constant 80 : index
        %swap3A_379 = tpu.vector_load %arg10[%swap3A_377, %swap3A_378] {strides = array<i32>} : memref<80x128xf32, #tpu.memory_space<vmem>>, vector<1x16xf32>,
        %swap3A_380 = vector.shape_cast %swap3A_379 : vector<1x16xf32> to vector<16xf32>
        %swap3A_381 = vector.shape_cast %max3A_376 : vector<16xf32> to vector<1x16xf32>
        tpu.vector_store %arg10[%swap3A_377, %swap3A_378], %swap3A_381 {strides = array<i32>} : memref<80x128xf32, #tpu.memory_space<vmem>>, vector<1x16xf32>,
        %mul3A_382 = arith.constant 128 : i32
        %mul3A_383 = arith.muli %scan3A_257, %mul3A_382 : i32
        %add3A_384 = arith.constant 96 : i32
        %add3A_385 = arith.addi %mul3A_383, %add3A_384 : i32
        %multiple_of3A_386 = tpu.assume_multiple %add3A_385, 16 : i32
        %get3A_387 = arith.index_cast %scan3A_257 : i32 to index
        %get3A_388 = arith.constant 96 : index
        %get3A_389 = tpu.vector_load %arg10[%get3A_387, %get3A_388] {strides = array<i32>} : memref<80x128xf32, #tpu.memory_space<vmem>>, vector<1x16xf32>,
        %get3A_390 = vector.shape_cast %get3A_389 : vector<1x16xf32> to vector<16xf32>
        %get3A_391 = arith.index_cast %multiple_of3A_386 : i32 to index
        %get3A_392 = tpu.vector_load %arg12[%get3A_391] {strides = array<i32>} : memref<10240xf32, #tpu.memory_space<vmem>>, vector<16xf32>,
        %get3A_393 = vector.shape_cast %get3A_392 : vector<16xf32> to vector<16xf32>
        %add3A_394 = arith.addf %get3A_390, %get3A_393 : vector<16xf32>
        %max3A_395 = arith.constant 0.000000e+00 : f32
        %max3A_396 = vector.broadcast %max3A_395 : f32 to vector<16xf32>
        %max3A_397 = arith.maximumf %add3A_394, %max3A_396 : vector<16xf32>
        %swap3A_398 = arith.index_cast %scan3A_257 : i32 to index
        %swap3A_399 = arith.constant 96 : index
        %swap3A_400 = tpu.vector_load %arg10[%swap3A_398, %swap3A_399] {strides = array<i32>} : memref<80x128xf32, #tpu.memory_space<vmem>>, vector<1x16xf32>,
        %swap3A_401 = vector.shape_cast %swap3A_400 : vector<1x16xf32> to vector<16xf32>
        %swap3A_402 = vector.shape_cast %max3A_397 : vector<16xf32> to vector<1x16xf32>
        tpu.vector_store %arg10[%swap3A_398, %swap3A_399], %swap3A_402 {strides = array<i32>} : memref<80x128xf32, #tpu.memory_space<vmem>>, vector<1x16xf32>,
        %mul3A_403 = arith.constant 128 : i32
        %mul3A_404 = arith.muli %scan3A_257, %mul3A_403 : i32
        %add3A_405 = arith.constant 112 : i32
        %add3A_406 = arith.addi %mul3A_404, %add3A_405 : i32
        %multiple_of3A_407 = tpu.assume_multiple %add3A_406, 16 : i32
        %get3A_408 = arith.index_cast %scan3A_257 : i32 to index
        %get3A_409 = arith.constant 112 : index
        %get3A_410 = tpu.vector_load %arg10[%get3A_408, %get3A_409] {strides = array<i32>} : memref<80x128xf32, #tpu.memory_space<vmem>>, vector<1x16xf32>,
        %get3A_411 = vector.shape_cast %get3A_410 : vector<1x16xf32> to vector<16xf32>
        %get3A_412 = arith.index_cast %multiple_of3A_407 : i32 to index
        %get3A_413 = tpu.vector_load %arg12[%get3A_412] {strides = array<i32>} : memref<10240xf32, #tpu.memory_space<vmem>>, vector<16xf32>,
        %get3A_414 = vector.shape_cast %get3A_413 : vector<16xf32> to vector<16xf32>
        %add3A_415 = arith.addf %get3A_411, %get3A_414 : vector<16xf32>
        %max3A_416 = arith.constant 0.000000e+00 : f32
        %max3A_417 = vector.broadcast %max3A_416 : f32 to vector<16xf32>
        %max3A_418 = arith.maximumf %add3A_415, %max3A_417 : vector<16xf32>
        %swap3A_419 = arith.index_cast %scan3A_257 : i32 to index
        %swap3A_420 = arith.constant 112 : index
        %swap3A_421 = tpu.vector_load %arg10[%swap3A_419, %swap3A_420] {strides = array<i32>} : memref<80x128xf32, #tpu.memory_space<vmem>>, vector<1x16xf32>,
        %swap3A_422 = vector.shape_cast %swap3A_421 : vector<1x16xf32> to vector<16xf32>
        %swap3A_423 = vector.shape_cast %max3A_418 : vector<16xf32> to vector<1x16xf32>
        tpu.vector_store %arg10[%swap3A_419, %swap3A_420], %swap3A_423 {strides = array<i32>} : memref<80x128xf32, #tpu.memory_space<vmem>>, vector<1x16xf32>,
        %scan3A_424 = arith.constant 0 : i32
        scf.yield %scan3A_424 : i32
      }
      %scan3A_170 = arith.constant 80 : i32
      %run_scoped3A_171 = arith.constant 1 : i32
      "tpu.region"() ({
        %run_scoped3A_257 = tpu.sem_alloc : memref<!tpu.dma_semaphore, #tpu.memory_space<semaphore_mem>>
        %dma_start3A_258 = arith.constant 0 : i32
        %dma_start3A_259 = tpu.memref_slice %arg8[%run_scoped3A_171, %dma_start3A_258] : memref<2x80xi32, #tpu.memory_space<vmem>> -> memref<1x80xi32, #tpu.memory_space<vmem>>
        %dma_start3A_260 = tpu.memref_squeeze %dma_start3A_259 : memref<1x80xi32, #tpu.memory_space<vmem>> -> memref<80xi32, #tpu.memory_space<vmem>>
        %dma_start3A_261 = arith.constant 0 : i32
        %dma_start3A_262 = arith.constant 0 : i32
        %dma_start3A_263 = tpu.memref_slice %arg6[%dma_start3A_261, %dma_start3A_262] : memref<10000x128xf32, #tpu.memory_space<vmem_shared>> -> memref<10000x128xf32, #tpu.memory_space<vmem_shared>>
        tpu.enqueue_indirect_dma source(%arg10 : memref<80x128xf32, #tpu.memory_space<vmem>>) target(%dma_start3A_263 : memref<10000x128xf32, #tpu.memory_space<vmem_shared>>) offsets(%dma_start3A_260 : memref<80xi32, #tpu.memory_space<vmem>>) semaphore(%run_scoped3A_257 : memref<!tpu.dma_semaphore, #tpu.memory_space<semaphore_mem>>) {add = true}
        %dma_wait3A_264 = arith.constant 0 : i32
        %dma_wait3A_265 = tpu.memref_slice %arg8[%run_scoped3A_171, %dma_wait3A_264] : memref<2x80xi32, #tpu.memory_space<vmem>> -> memref<1x80xi32, #tpu.memory_space<vmem>>
        %dma_wait3A_266 = tpu.memref_squeeze %dma_wait3A_265 : memref<1x80xi32, #tpu.memory_space<vmem>> -> memref<80xi32, #tpu.memory_space<vmem>>
        %dma_wait3A_267 = arith.constant 0 : i32
        %dma_wait3A_268 = arith.constant 0 : i32
        %dma_wait3A_269 = tpu.memref_slice %arg6[%dma_wait3A_267, %dma_wait3A_268] : memref<10000x128xf32, #tpu.memory_space<vmem_shared>> -> memref<10000x128xf32, #tpu.memory_space<vmem_shared>>
        tpu.wait_indirect_dma semaphore(%run_scoped3A_257 : memref<!tpu.dma_semaphore, #tpu.memory_space<semaphore_mem>>) src(%arg10 : memref<80x128xf32, #tpu.memory_space<vmem>>) dst(%dma_wait3A_269 : memref<10000x128xf32, #tpu.memory_space<vmem_shared>>)
        tpu.yield
      }) : () -> ()
      %add3A_172 = arith.constant 2 : i32
      %add3A_173 = arith.addi %mul3A_115, %add3A_172 : i32
      %min3A_174 = arith.constant 124 : i32
      %min3A_175 = arith.minsi %add3A_173, %min3A_174 : i32
      %dma_start3A_176 = arith.constant 0 : i32
      %dma_start3A_177 = arith.constant 0 : i32
      %dma_start3A_178 = tpu.memref_slice %arg4[%add3A, %min3A_175, %dma_start3A_176, %dma_start3A_177] : memref<32x125x2x80xi32, #tpu.memory_space<hbm>> -> memref<1x1x2x80xi32, #tpu.memory_space<hbm>>
      %dma_start3A_179 = tpu.memref_squeeze %dma_start3A_178 : memref<1x1x2x80xi32, #tpu.memory_space<hbm>> -> memref<2x80xi32, #tpu.memory_space<hbm>>
      %dma_start3A_180 = arith.constant 0 : i32
      %dma_start3A_181 = arith.constant 0 : i32
      %dma_start3A_182 = tpu.memref_slice %arg4[%add3A, %min3A_175, %dma_start3A_180, %dma_start3A_181] : memref<32x125x2x80xi32, #tpu.memory_space<hbm>> -> memref<1x1x2x80xi32, #tpu.memory_space<hbm>>
      %dma_start3A_183 = tpu.memref_squeeze %dma_start3A_182 : memref<1x1x2x80xi32, #tpu.memory_space<hbm>> -> memref<2x80xi32, #tpu.memory_space<hbm>>
      tpu.enqueue_dma source(%dma_start3A_183 : memref<2x80xi32, #tpu.memory_space<hbm>>) target(%arg8 : memref<2x80xi32, #tpu.memory_space<vmem>>) target_semaphore(%arg18 : memref<!tpu.dma_semaphore, #tpu.memory_space<semaphore_mem>>)
      %add3A_184 = arith.constant 1 : i32
      %add3A_185 = arith.addi %mul3A_115, %add3A_184 : i32
      %dma_wait3A_186 = arith.constant 0 : i32
      %dma_wait3A_187 = arith.constant 0 : i32
      %dma_wait3A_188 = tpu.memref_slice %arg9[%dma_wait3A_186, %dma_wait3A_187] : memref<2x80xi32, #tpu.memory_space<vmem>> -> memref<1x80xi32, #tpu.memory_space<vmem>>
      %dma_wait3A_189 = tpu.memref_squeeze %dma_wait3A_188 : memref<1x80xi32, #tpu.memory_space<vmem>> -> memref<80xi32, #tpu.memory_space<vmem>>
      %dma_wait3A_190 = arith.constant 0 : i32
      %dma_wait3A_191 = arith.constant 0 : i32
      %dma_wait3A_192 = tpu.memref_slice %arg2[%dma_wait3A_190, %dma_wait3A_191] : memref<10000x128xf32, #tpu.memory_space<hbm>> -> memref<10000x128xf32, #tpu.memory_space<hbm>>
      tpu.wait_indirect_dma semaphore(%arg15 : memref<!tpu.dma_semaphore, #tpu.memory_space<semaphore_mem>>) src(%dma_wait3A_192 : memref<10000x128xf32, #tpu.memory_space<hbm>>) dst(%arg11 : memref<80x128xf32, #tpu.memory_space<vmem>>)
      %mul3A_193 = arith.constant 10000 : i32
      %mul3A_194 = arith.muli %add3A, %mul3A_193 : i32
      %mul3A_195 = arith.constant 80 : i32
      %mul3A_196 = arith.muli %add3A_185, %mul3A_195 : i32
      %add3A_197 = arith.addi %mul3A_194, %mul3A_196 : i32
      %mul3A_198 = arith.constant 128 : i32
      %mul3A_199 = arith.muli %add3A_197, %mul3A_198 : i32
      %multiple_of3A_200 = tpu.assume_multiple %mul3A_199, 8 : i32
      %dma_wait3A_201 = tpu.memref_slice %arg3[%multiple_of3A_200] : memref<40960000xf32, #tpu.memory_space<hbm>> -> memref<10240xf32, #tpu.memory_space<hbm>>
      %dma_wait3A_202 = tpu.memref_slice %arg3[%multiple_of3A_200] : memref<40960000xf32, #tpu.memory_space<hbm>> -> memref<10240xf32, #tpu.memory_space<hbm>>
      tpu.wait_dma2 semaphore(%arg17 : memref<!tpu.dma_semaphore, #tpu.memory_space<semaphore_mem>>) src(%dma_wait3A_202 : memref<10240xf32, #tpu.memory_space<hbm>>) dst(%arg13 : memref<10240xf32, #tpu.memory_space<vmem>>)
      %add3A_203 = arith.constant 2 : i32
      %add3A_204 = arith.addi %mul3A_115, %add3A_203 : i32
      %min3A_205 = arith.constant 124 : i32
      %min3A_206 = arith.minsi %add3A_204, %min3A_205 : i32
      %dma_wait3A_207 = arith.constant 0 : i32
      %dma_wait3A_208 = arith.constant 0 : i32
      %dma_wait3A_209 = tpu.memref_slice %arg4[%add3A, %min3A_206, %dma_wait3A_207, %dma_wait3A_208] : memref<32x125x2x80xi32, #tpu.memory_space<hbm>> -> memref<1x1x2x80xi32, #tpu.memory_space<hbm>>
      %dma_wait3A_210 = tpu.memref_squeeze %dma_wait3A_209 : memref<1x1x2x80xi32, #tpu.memory_space<hbm>> -> memref<2x80xi32, #tpu.memory_space<hbm>>
      %dma_wait3A_211 = arith.constant 0 : i32
      %dma_wait3A_212 = arith.constant 0 : i32
      %dma_wait3A_213 = tpu.memref_slice %arg4[%add3A, %min3A_206, %dma_wait3A_211, %dma_wait3A_212] : memref<32x125x2x80xi32, #tpu.memory_space<hbm>> -> memref<1x1x2x80xi32, #tpu.memory_space<hbm>>
      %dma_wait3A_214 = tpu.memref_squeeze %dma_wait3A_213 : memref<1x1x2x80xi32, #tpu.memory_space<hbm>> -> memref<2x80xi32, #tpu.memory_space<hbm>>
      tpu.wait_dma2 semaphore(%arg18 : memref<!tpu.dma_semaphore, #tpu.memory_space<semaphore_mem>>) src(%dma_wait3A_214 : memref<2x80xi32, #tpu.memory_space<hbm>>) dst(%arg8 : memref<2x80xi32, #tpu.memory_space<vmem>>)
      %add3A_215 = arith.constant 2 : i32
      %add3A_216 = arith.addi %mul3A_115, %add3A_215 : i32
      %dma_start3A_217 = arith.constant 0 : i32
      %dma_start3A_218 = arith.constant 0 : i32
      %dma_start3A_219 = tpu.memref_slice %arg8[%dma_start3A_217, %dma_start3A_218] : memref<2x80xi32, #tpu.memory_space<vmem>> -> memref<1x80xi32, #tpu.memory_space<vmem>>
      %dma_start3A_220 = tpu.memref_squeeze %dma_start3A_219 : memref<1x80xi32, #tpu.memory_space<vmem>> -> memref<80xi32, #tpu.memory_space<vmem>>
      %dma_start3A_221 = arith.constant 0 : i32
      %dma_start3A_222 = arith.constant 0 : i32
      %dma_start3A_223 = tpu.memref_slice %arg2[%dma_start3A_221, %dma_start3A_222] : memref<10000x128xf32, #tpu.memory_space<hbm>> -> memref<10000x128xf32, #tpu.memory_space<hbm>>
      tpu.enqueue_indirect_dma source(%dma_start3A_223 : memref<10000x128xf32, #tpu.memory_space<hbm>>) target(%arg10 : memref<80x128xf32, #tpu.memory_space<vmem>>) offsets(%dma_start3A_220 : memref<80xi32, #tpu.memory_space<vmem>>) semaphore(%arg14 : memref<!tpu.dma_semaphore, #tpu.memory_space<semaphore_mem>>)
      %mul3A_224 = arith.constant 10000 : i32
      %mul3A_225 = arith.muli %add3A, %mul3A_224 : i32
      %mul3A_226 = arith.constant 80 : i32
      %mul3A_227 = arith.muli %add3A_216, %mul3A_226 : i32
      %add3A_228 = arith.addi %mul3A_225, %mul3A_227 : i32
      %mul3A_229 = arith.constant 128 : i32
      %mul3A_230 = arith.muli %add3A_228, %mul3A_229 : i32
      %multiple_of3A_231 = tpu.assume_multiple %mul3A_230, 8 : i32
      %dma_start3A_232 = tpu.memref_slice %arg3[%multiple_of3A_231] : memref<40960000xf32, #tpu.memory_space<hbm>> -> memref<10240xf32, #tpu.memory_space<hbm>>
      %dma_start3A_233 = tpu.memref_slice %arg3[%multiple_of3A_231] : memref<40960000xf32, #tpu.memory_space<hbm>> -> memref<10240xf32, #tpu.memory_space<hbm>>
      tpu.enqueue_dma source(%dma_start3A_233 : memref<10240xf32, #tpu.memory_space<hbm>>) target(%arg12 : memref<10240xf32, #tpu.memory_space<vmem>>) target_semaphore(%arg16 : memref<!tpu.dma_semaphore, #tpu.memory_space<semaphore_mem>>)
      %add3A_234 = arith.constant 1 : i32
      %add3A_235 = arith.addi %mul3A_115, %add3A_234 : i32
      %scan3A_236 = arith.constant 0 : i32
      %scan3A_237 = arith.constant 0 : i32
      %scan3A_238 = arith.constant 80 : i32
      %scan3A_239 = arith.addi %scan3A_237, %scan3A_238 : i32
      %scan3A_240 = arith.constant 1 : i32
      %scan3A_241 = scf.for %scan3A_257 = %scan3A_237 to %scan3A_239 step %scan3A_240 iter_args(%scan3A_258 = %scan3A_236) -> (i32)  : i32 {
        %mul3A_259 = arith.constant 128 : i32
        %mul3A_260 = arith.muli %scan3A_257, %mul3A_259 : i32
        %add3A_261 = arith.constant 0 : i32
        %add3A_262 = arith.addi %mul3A_260, %add3A_261 : i32
        %multiple_of3A_263 = tpu.assume_multiple %add3A_262, 16 : i32
        %get3A = arith.index_cast %scan3A_257 : i32 to index
        %get3A_264 = arith.constant 0 : index
        %get3A_265 = tpu.vector_load %arg11[%get3A, %get3A_264] {strides = array<i32>} : memref<80x128xf32, #tpu.memory_space<vmem>>, vector<1x16xf32>,
        %get3A_266 = vector.shape_cast %get3A_265 : vector<1x16xf32> to vector<16xf32>
        %get3A_267 = arith.index_cast %multiple_of3A_263 : i32 to index
        %get3A_268 = tpu.vector_load %arg13[%get3A_267] {strides = array<i32>} : memref<10240xf32, #tpu.memory_space<vmem>>, vector<16xf32>,
        %get3A_269 = vector.shape_cast %get3A_268 : vector<16xf32> to vector<16xf32>
        %add3A_270 = arith.addf %get3A_266, %get3A_269 : vector<16xf32>
        %max3A = arith.constant 0.000000e+00 : f32
        %max3A_271 = vector.broadcast %max3A : f32 to vector<16xf32>
        %max3A_272 = arith.maximumf %add3A_270, %max3A_271 : vector<16xf32>
        %swap3A = arith.index_cast %scan3A_257 : i32 to index
        %swap3A_273 = arith.constant 0 : index
        %swap3A_274 = tpu.vector_load %arg11[%swap3A, %swap3A_273] {strides = array<i32>} : memref<80x128xf32, #tpu.memory_space<vmem>>, vector<1x16xf32>,
        %swap3A_275 = vector.shape_cast %swap3A_274 : vector<1x16xf32> to vector<16xf32>
        %swap3A_276 = vector.shape_cast %max3A_272 : vector<16xf32> to vector<1x16xf32>
        tpu.vector_store %arg11[%swap3A, %swap3A_273], %swap3A_276 {strides = array<i32>} : memref<80x128xf32, #tpu.memory_space<vmem>>, vector<1x16xf32>,
        %mul3A_277 = arith.constant 128 : i32
        %mul3A_278 = arith.muli %scan3A_257, %mul3A_277 : i32
        %add3A_279 = arith.constant 16 : i32
        %add3A_280 = arith.addi %mul3A_278, %add3A_279 : i32
        %multiple_of3A_281 = tpu.assume_multiple %add3A_280, 16 : i32
        %get3A_282 = arith.index_cast %scan3A_257 : i32 to index
        %get3A_283 = arith.constant 16 : index
        %get3A_284 = tpu.vector_load %arg11[%get3A_282, %get3A_283] {strides = array<i32>} : memref<80x128xf32, #tpu.memory_space<vmem>>, vector<1x16xf32>,
        %get3A_285 = vector.shape_cast %get3A_284 : vector<1x16xf32> to vector<16xf32>
        %get3A_286 = arith.index_cast %multiple_of3A_281 : i32 to index
        %get3A_287 = tpu.vector_load %arg13[%get3A_286] {strides = array<i32>} : memref<10240xf32, #tpu.memory_space<vmem>>, vector<16xf32>,
        %get3A_288 = vector.shape_cast %get3A_287 : vector<16xf32> to vector<16xf32>
        %add3A_289 = arith.addf %get3A_285, %get3A_288 : vector<16xf32>
        %max3A_290 = arith.constant 0.000000e+00 : f32
        %max3A_291 = vector.broadcast %max3A_290 : f32 to vector<16xf32>
        %max3A_292 = arith.maximumf %add3A_289, %max3A_291 : vector<16xf32>
        %swap3A_293 = arith.index_cast %scan3A_257 : i32 to index
        %swap3A_294 = arith.constant 16 : index
        %swap3A_295 = tpu.vector_load %arg11[%swap3A_293, %swap3A_294] {strides = array<i32>} : memref<80x128xf32, #tpu.memory_space<vmem>>, vector<1x16xf32>,
        %swap3A_296 = vector.shape_cast %swap3A_295 : vector<1x16xf32> to vector<16xf32>
        %swap3A_297 = vector.shape_cast %max3A_292 : vector<16xf32> to vector<1x16xf32>
        tpu.vector_store %arg11[%swap3A_293, %swap3A_294], %swap3A_297 {strides = array<i32>} : memref<80x128xf32, #tpu.memory_space<vmem>>, vector<1x16xf32>,
        %mul3A_298 = arith.constant 128 : i32
        %mul3A_299 = arith.muli %scan3A_257, %mul3A_298 : i32
        %add3A_300 = arith.constant 32 : i32
        %add3A_301 = arith.addi %mul3A_299, %add3A_300 : i32
        %multiple_of3A_302 = tpu.assume_multiple %add3A_301, 16 : i32
        %get3A_303 = arith.index_cast %scan3A_257 : i32 to index
        %get3A_304 = arith.constant 32 : index
        %get3A_305 = tpu.vector_load %arg11[%get3A_303, %get3A_304] {strides = array<i32>} : memref<80x128xf32, #tpu.memory_space<vmem>>, vector<1x16xf32>,
        %get3A_306 = vector.shape_cast %get3A_305 : vector<1x16xf32> to vector<16xf32>
        %get3A_307 = arith.index_cast %multiple_of3A_302 : i32 to index
        %get3A_308 = tpu.vector_load %arg13[%get3A_307] {strides = array<i32>} : memref<10240xf32, #tpu.memory_space<vmem>>, vector<16xf32>,
        %get3A_309 = vector.shape_cast %get3A_308 : vector<16xf32> to vector<16xf32>
        %add3A_310 = arith.addf %get3A_306, %get3A_309 : vector<16xf32>
        %max3A_311 = arith.constant 0.000000e+00 : f32
        %max3A_312 = vector.broadcast %max3A_311 : f32 to vector<16xf32>
        %max3A_313 = arith.maximumf %add3A_310, %max3A_312 : vector<16xf32>
        %swap3A_314 = arith.index_cast %scan3A_257 : i32 to index
        %swap3A_315 = arith.constant 32 : index
        %swap3A_316 = tpu.vector_load %arg11[%swap3A_314, %swap3A_315] {strides = array<i32>} : memref<80x128xf32, #tpu.memory_space<vmem>>, vector<1x16xf32>,
        %swap3A_317 = vector.shape_cast %swap3A_316 : vector<1x16xf32> to vector<16xf32>
        %swap3A_318 = vector.shape_cast %max3A_313 : vector<16xf32> to vector<1x16xf32>
        tpu.vector_store %arg11[%swap3A_314, %swap3A_315], %swap3A_318 {strides = array<i32>} : memref<80x128xf32, #tpu.memory_space<vmem>>, vector<1x16xf32>,
        %mul3A_319 = arith.constant 128 : i32
        %mul3A_320 = arith.muli %scan3A_257, %mul3A_319 : i32
        %add3A_321 = arith.constant 48 : i32
        %add3A_322 = arith.addi %mul3A_320, %add3A_321 : i32
        %multiple_of3A_323 = tpu.assume_multiple %add3A_322, 16 : i32
        %get3A_324 = arith.index_cast %scan3A_257 : i32 to index
        %get3A_325 = arith.constant 48 : index
        %get3A_326 = tpu.vector_load %arg11[%get3A_324, %get3A_325] {strides = array<i32>} : memref<80x128xf32, #tpu.memory_space<vmem>>, vector<1x16xf32>,
        %get3A_327 = vector.shape_cast %get3A_326 : vector<1x16xf32> to vector<16xf32>
        %get3A_328 = arith.index_cast %multiple_of3A_323 : i32 to index
        %get3A_329 = tpu.vector_load %arg13[%get3A_328] {strides = array<i32>} : memref<10240xf32, #tpu.memory_space<vmem>>, vector<16xf32>,
        %get3A_330 = vector.shape_cast %get3A_329 : vector<16xf32> to vector<16xf32>
        %add3A_331 = arith.addf %get3A_327, %get3A_330 : vector<16xf32>
        %max3A_332 = arith.constant 0.000000e+00 : f32
        %max3A_333 = vector.broadcast %max3A_332 : f32 to vector<16xf32>
        %max3A_334 = arith.maximumf %add3A_331, %max3A_333 : vector<16xf32>
        %swap3A_335 = arith.index_cast %scan3A_257 : i32 to index
        %swap3A_336 = arith.constant 48 : index
        %swap3A_337 = tpu.vector_load %arg11[%swap3A_335, %swap3A_336] {strides = array<i32>} : memref<80x128xf32, #tpu.memory_space<vmem>>, vector<1x16xf32>,
        %swap3A_338 = vector.shape_cast %swap3A_337 : vector<1x16xf32> to vector<16xf32>
        %swap3A_339 = vector.shape_cast %max3A_334 : vector<16xf32> to vector<1x16xf32>
        tpu.vector_store %arg11[%swap3A_335, %swap3A_336], %swap3A_339 {strides = array<i32>} : memref<80x128xf32, #tpu.memory_space<vmem>>, vector<1x16xf32>,
        %mul3A_340 = arith.constant 128 : i32
        %mul3A_341 = arith.muli %scan3A_257, %mul3A_340 : i32
        %add3A_342 = arith.constant 64 : i32
        %add3A_343 = arith.addi %mul3A_341, %add3A_342 : i32
        %multiple_of3A_344 = tpu.assume_multiple %add3A_343, 16 : i32
        %get3A_345 = arith.index_cast %scan3A_257 : i32 to index
        %get3A_346 = arith.constant 64 : index
        %get3A_347 = tpu.vector_load %arg11[%get3A_345, %get3A_346] {strides = array<i32>} : memref<80x128xf32, #tpu.memory_space<vmem>>, vector<1x16xf32>,
        %get3A_348 = vector.shape_cast %get3A_347 : vector<1x16xf32> to vector<16xf32>
        %get3A_349 = arith.index_cast %multiple_of3A_344 : i32 to index
        %get3A_350 = tpu.vector_load %arg13[%get3A_349] {strides = array<i32>} : memref<10240xf32, #tpu.memory_space<vmem>>, vector<16xf32>,
        %get3A_351 = vector.shape_cast %get3A_350 : vector<16xf32> to vector<16xf32>
        %add3A_352 = arith.addf %get3A_348, %get3A_351 : vector<16xf32>
        %max3A_353 = arith.constant 0.000000e+00 : f32
        %max3A_354 = vector.broadcast %max3A_353 : f32 to vector<16xf32>
        %max3A_355 = arith.maximumf %add3A_352, %max3A_354 : vector<16xf32>
        %swap3A_356 = arith.index_cast %scan3A_257 : i32 to index
        %swap3A_357 = arith.constant 64 : index
        %swap3A_358 = tpu.vector_load %arg11[%swap3A_356, %swap3A_357] {strides = array<i32>} : memref<80x128xf32, #tpu.memory_space<vmem>>, vector<1x16xf32>,
        %swap3A_359 = vector.shape_cast %swap3A_358 : vector<1x16xf32> to vector<16xf32>
        %swap3A_360 = vector.shape_cast %max3A_355 : vector<16xf32> to vector<1x16xf32>
        tpu.vector_store %arg11[%swap3A_356, %swap3A_357], %swap3A_360 {strides = array<i32>} : memref<80x128xf32, #tpu.memory_space<vmem>>, vector<1x16xf32>,
        %mul3A_361 = arith.constant 128 : i32
        %mul3A_362 = arith.muli %scan3A_257, %mul3A_361 : i32
        %add3A_363 = arith.constant 80 : i32
        %add3A_364 = arith.addi %mul3A_362, %add3A_363 : i32
        %multiple_of3A_365 = tpu.assume_multiple %add3A_364, 16 : i32
        %get3A_366 = arith.index_cast %scan3A_257 : i32 to index
        %get3A_367 = arith.constant 80 : index
        %get3A_368 = tpu.vector_load %arg11[%get3A_366, %get3A_367] {strides = array<i32>} : memref<80x128xf32, #tpu.memory_space<vmem>>, vector<1x16xf32>,
        %get3A_369 = vector.shape_cast %get3A_368 : vector<1x16xf32> to vector<16xf32>
        %get3A_370 = arith.index_cast %multiple_of3A_365 : i32 to index
        %get3A_371 = tpu.vector_load %arg13[%get3A_370] {strides = array<i32>} : memref<10240xf32, #tpu.memory_space<vmem>>, vector<16xf32>,
        %get3A_372 = vector.shape_cast %get3A_371 : vector<16xf32> to vector<16xf32>
        %add3A_373 = arith.addf %get3A_369, %get3A_372 : vector<16xf32>
        %max3A_374 = arith.constant 0.000000e+00 : f32
        %max3A_375 = vector.broadcast %max3A_374 : f32 to vector<16xf32>
        %max3A_376 = arith.maximumf %add3A_373, %max3A_375 : vector<16xf32>
        %swap3A_377 = arith.index_cast %scan3A_257 : i32 to index
        %swap3A_378 = arith.constant 80 : index
        %swap3A_379 = tpu.vector_load %arg11[%swap3A_377, %swap3A_378] {strides = array<i32>} : memref<80x128xf32, #tpu.memory_space<vmem>>, vector<1x16xf32>,
        %swap3A_380 = vector.shape_cast %swap3A_379 : vector<1x16xf32> to vector<16xf32>
        %swap3A_381 = vector.shape_cast %max3A_376 : vector<16xf32> to vector<1x16xf32>
        tpu.vector_store %arg11[%swap3A_377, %swap3A_378], %swap3A_381 {strides = array<i32>} : memref<80x128xf32, #tpu.memory_space<vmem>>, vector<1x16xf32>,
        %mul3A_382 = arith.constant 128 : i32
        %mul3A_383 = arith.muli %scan3A_257, %mul3A_382 : i32
        %add3A_384 = arith.constant 96 : i32
        %add3A_385 = arith.addi %mul3A_383, %add3A_384 : i32
        %multiple_of3A_386 = tpu.assume_multiple %add3A_385, 16 : i32
        %get3A_387 = arith.index_cast %scan3A_257 : i32 to index
        %get3A_388 = arith.constant 96 : index
        %get3A_389 = tpu.vector_load %arg11[%get3A_387, %get3A_388] {strides = array<i32>} : memref<80x128xf32, #tpu.memory_space<vmem>>, vector<1x16xf32>,
        %get3A_390 = vector.shape_cast %get3A_389 : vector<1x16xf32> to vector<16xf32>
        %get3A_391 = arith.index_cast %multiple_of3A_386 : i32 to index
        %get3A_392 = tpu.vector_load %arg13[%get3A_391] {strides = array<i32>} : memref<10240xf32, #tpu.memory_space<vmem>>, vector<16xf32>,
        %get3A_393 = vector.shape_cast %get3A_392 : vector<16xf32> to vector<16xf32>
        %add3A_394 = arith.addf %get3A_390, %get3A_393 : vector<16xf32>
        %max3A_395 = arith.constant 0.000000e+00 : f32
        %max3A_396 = vector.broadcast %max3A_395 : f32 to vector<16xf32>
        %max3A_397 = arith.maximumf %add3A_394, %max3A_396 : vector<16xf32>
        %swap3A_398 = arith.index_cast %scan3A_257 : i32 to index
        %swap3A_399 = arith.constant 96 : index
        %swap3A_400 = tpu.vector_load %arg11[%swap3A_398, %swap3A_399] {strides = array<i32>} : memref<80x128xf32, #tpu.memory_space<vmem>>, vector<1x16xf32>,
        %swap3A_401 = vector.shape_cast %swap3A_400 : vector<1x16xf32> to vector<16xf32>
        %swap3A_402 = vector.shape_cast %max3A_397 : vector<16xf32> to vector<1x16xf32>
        tpu.vector_store %arg11[%swap3A_398, %swap3A_399], %swap3A_402 {strides = array<i32>} : memref<80x128xf32, #tpu.memory_space<vmem>>, vector<1x16xf32>,
        %mul3A_403 = arith.constant 128 : i32
        %mul3A_404 = arith.muli %scan3A_257, %mul3A_403 : i32
        %add3A_405 = arith.constant 112 : i32
        %add3A_406 = arith.addi %mul3A_404, %add3A_405 : i32
        %multiple_of3A_407 = tpu.assume_multiple %add3A_406, 16 : i32
        %get3A_408 = arith.index_cast %scan3A_257 : i32 to index
        %get3A_409 = arith.constant 112 : index
        %get3A_410 = tpu.vector_load %arg11[%get3A_408, %get3A_409] {strides = array<i32>} : memref<80x128xf32, #tpu.memory_space<vmem>>, vector<1x16xf32>,
        %get3A_411 = vector.shape_cast %get3A_410 : vector<1x16xf32> to vector<16xf32>
        %get3A_412 = arith.index_cast %multiple_of3A_407 : i32 to index
        %get3A_413 = tpu.vector_load %arg13[%get3A_412] {strides = array<i32>} : memref<10240xf32, #tpu.memory_space<vmem>>, vector<16xf32>,
        %get3A_414 = vector.shape_cast %get3A_413 : vector<16xf32> to vector<16xf32>
        %add3A_415 = arith.addf %get3A_411, %get3A_414 : vector<16xf32>
        %max3A_416 = arith.constant 0.000000e+00 : f32
        %max3A_417 = vector.broadcast %max3A_416 : f32 to vector<16xf32>
        %max3A_418 = arith.maximumf %add3A_415, %max3A_417 : vector<16xf32>
        %swap3A_419 = arith.index_cast %scan3A_257 : i32 to index
        %swap3A_420 = arith.constant 112 : index
        %swap3A_421 = tpu.vector_load %arg11[%swap3A_419, %swap3A_420] {strides = array<i32>} : memref<80x128xf32, #tpu.memory_space<vmem>>, vector<1x16xf32>,
        %swap3A_422 = vector.shape_cast %swap3A_421 : vector<1x16xf32> to vector<16xf32>
        %swap3A_423 = vector.shape_cast %max3A_418 : vector<16xf32> to vector<1x16xf32>
        tpu.vector_store %arg11[%swap3A_419, %swap3A_420], %swap3A_423 {strides = array<i32>} : memref<80x128xf32, #tpu.memory_space<vmem>>, vector<1x16xf32>,
        %scan3A_424 = arith.constant 0 : i32
        scf.yield %scan3A_424 : i32
      }
      %scan3A_242 = arith.constant 80 : i32
      %run_scoped3A_243 = arith.constant 1 : i32
      "tpu.region"() ({
        %run_scoped3A_257 = tpu.sem_alloc : memref<!tpu.dma_semaphore, #tpu.memory_space<semaphore_mem>>
        %dma_start3A_258 = arith.constant 0 : i32
        %dma_start3A_259 = tpu.memref_slice %arg9[%run_scoped3A_243, %dma_start3A_258] : memref<2x80xi32, #tpu.memory_space<vmem>> -> memref<1x80xi32, #tpu.memory_space<vmem>>
        %dma_start3A_260 = tpu.memref_squeeze %dma_start3A_259 : memref<1x80xi32, #tpu.memory_space<vmem>> -> memref<80xi32, #tpu.memory_space<vmem>>
        %dma_start3A_261 = arith.constant 0 : i32
        %dma_start3A_262 = arith.constant 0 : i32
        %dma_start3A_263 = tpu.memref_slice %arg6[%dma_start3A_261, %dma_start3A_262] : memref<10000x128xf32, #tpu.memory_space<vmem_shared>> -> memref<10000x128xf32, #tpu.memory_space<vmem_shared>>
        tpu.enqueue_indirect_dma source(%arg11 : memref<80x128xf32, #tpu.memory_space<vmem>>) target(%dma_start3A_263 : memref<10000x128xf32, #tpu.memory_space<vmem_shared>>) offsets(%dma_start3A_260 : memref<80xi32, #tpu.memory_space<vmem>>) semaphore(%run_scoped3A_257 : memref<!tpu.dma_semaphore, #tpu.memory_space<semaphore_mem>>) {add = true}
        %dma_wait3A_264 = arith.constant 0 : i32
        %dma_wait3A_265 = tpu.memref_slice %arg9[%run_scoped3A_243, %dma_wait3A_264] : memref<2x80xi32, #tpu.memory_space<vmem>> -> memref<1x80xi32, #tpu.memory_space<vmem>>
        %dma_wait3A_266 = tpu.memref_squeeze %dma_wait3A_265 : memref<1x80xi32, #tpu.memory_space<vmem>> -> memref<80xi32, #tpu.memory_space<vmem>>
        %dma_wait3A_267 = arith.constant 0 : i32
        %dma_wait3A_268 = arith.constant 0 : i32
        %dma_wait3A_269 = tpu.memref_slice %arg6[%dma_wait3A_267, %dma_wait3A_268] : memref<10000x128xf32, #tpu.memory_space<vmem_shared>> -> memref<10000x128xf32, #tpu.memory_space<vmem_shared>>
        tpu.wait_indirect_dma semaphore(%run_scoped3A_257 : memref<!tpu.dma_semaphore, #tpu.memory_space<semaphore_mem>>) src(%arg11 : memref<80x128xf32, #tpu.memory_space<vmem>>) dst(%dma_wait3A_269 : memref<10000x128xf32, #tpu.memory_space<vmem_shared>>)
        tpu.yield
      }) : () -> ()
      %add3A_244 = arith.constant 3 : i32
      %add3A_245 = arith.addi %mul3A_115, %add3A_244 : i32
      %min3A_246 = arith.constant 124 : i32
      %min3A_247 = arith.minsi %add3A_245, %min3A_246 : i32
      %dma_start3A_248 = arith.constant 0 : i32
      %dma_start3A_249 = arith.constant 0 : i32
      %dma_start3A_250 = tpu.memref_slice %arg4[%add3A, %min3A_247, %dma_start3A_248, %dma_start3A_249] : memref<32x125x2x80xi32, #tpu.memory_space<hbm>> -> memref<1x1x2x80xi32, #tpu.memory_space<hbm>>
      %dma_start3A_251 = tpu.memref_squeeze %dma_start3A_250 : memref<1x1x2x80xi32, #tpu.memory_space<hbm>> -> memref<2x80xi32, #tpu.memory_space<hbm>>
      %dma_start3A_252 = arith.constant 0 : i32
      %dma_start3A_253 = arith.constant 0 : i32
      %dma_start3A_254 = tpu.memref_slice %arg4[%add3A, %min3A_247, %dma_start3A_252, %dma_start3A_253] : memref<32x125x2x80xi32, #tpu.memory_space<hbm>> -> memref<1x1x2x80xi32, #tpu.memory_space<hbm>>
      %dma_start3A_255 = tpu.memref_squeeze %dma_start3A_254 : memref<1x1x2x80xi32, #tpu.memory_space<hbm>> -> memref<2x80xi32, #tpu.memory_space<hbm>>
      tpu.enqueue_dma source(%dma_start3A_255 : memref<2x80xi32, #tpu.memory_space<hbm>>) target(%arg9 : memref<2x80xi32, #tpu.memory_space<vmem>>) target_semaphore(%arg19 : memref<!tpu.dma_semaphore, #tpu.memory_space<semaphore_mem>>)
      %scan3A_256 = arith.constant 0 : i32
      scf.yield %scan3A_256 : i32
    }
    %scan3A_68 = arith.constant 62 : i32
    %dma_wait3A_69 = arith.constant 0 : i32
    %dma_wait3A_70 = arith.constant 0 : i32
    %dma_wait3A_71 = tpu.memref_slice %arg8[%dma_wait3A_69, %dma_wait3A_70] : memref<2x80xi32, #tpu.memory_space<vmem>> -> memref<1x80xi32, #tpu.memory_space<vmem>>
    %dma_wait3A_72 = tpu.memref_squeeze %dma_wait3A_71 : memref<1x80xi32, #tpu.memory_space<vmem>> -> memref<80xi32, #tpu.memory_space<vmem>>
    %dma_wait3A_73 = arith.constant 0 : i32
    %dma_wait3A_74 = arith.constant 0 : i32
    %dma_wait3A_75 = tpu.memref_slice %arg2[%dma_wait3A_73, %dma_wait3A_74] : memref<10000x128xf32, #tpu.memory_space<hbm>> -> memref<10000x128xf32, #tpu.memory_space<hbm>>
    tpu.wait_indirect_dma semaphore(%arg14 : memref<!tpu.dma_semaphore, #tpu.memory_space<semaphore_mem>>) src(%dma_wait3A_75 : memref<10000x128xf32, #tpu.memory_space<hbm>>) dst(%arg10 : memref<80x128xf32, #tpu.memory_space<vmem>>)
    %mul3A_76 = arith.constant 10000 : i32
    %mul3A_77 = arith.muli %add3A, %mul3A_76 : i32
    %add3A_78 = arith.constant 9920 : i32
    %add3A_79 = arith.addi %mul3A_77, %add3A_78 : i32
    %mul3A_80 = arith.constant 128 : i32
    %mul3A_81 = arith.muli %add3A_79, %mul3A_80 : i32
    %multiple_of3A_82 = tpu.assume_multiple %mul3A_81, 8 : i32
    %dma_wait3A_83 = tpu.memref_slice %arg3[%multiple_of3A_82] : memref<40960000xf32, #tpu.memory_space<hbm>> -> memref<10240xf32, #tpu.memory_space<hbm>>
    %dma_wait3A_84 = tpu.memref_slice %arg3[%multiple_of3A_82] : memref<40960000xf32, #tpu.memory_space<hbm>> -> memref<10240xf32, #tpu.memory_space<hbm>>
    tpu.wait_dma2 semaphore(%arg16 : memref<!tpu.dma_semaphore, #tpu.memory_space<semaphore_mem>>) src(%dma_wait3A_84 : memref<10240xf32, #tpu.memory_space<hbm>>) dst(%arg12 : memref<10240xf32, #tpu.memory_space<vmem>>)
    %scan3A_85 = arith.constant 0 : i32
    %scan3A_86 = arith.constant 0 : i32
    %scan3A_87 = arith.constant 80 : i32
    %scan3A_88 = arith.addi %scan3A_86, %scan3A_87 : i32
    %scan3A_89 = arith.constant 1 : i32
    %scan3A_90 = scf.for %scan3A_112 = %scan3A_86 to %scan3A_88 step %scan3A_89 iter_args(%scan3A_113 = %scan3A_85) -> (i32)  : i32 {
      %mul3A_114 = arith.constant 128 : i32
      %mul3A_115 = arith.muli %scan3A_112, %mul3A_114 : i32
      %add3A_116 = arith.constant 0 : i32
      %add3A_117 = arith.addi %mul3A_115, %add3A_116 : i32
      %multiple_of3A_118 = tpu.assume_multiple %add3A_117, 16 : i32
      %get3A = arith.index_cast %scan3A_112 : i32 to index
      %get3A_119 = arith.constant 0 : index
      %get3A_120 = tpu.vector_load %arg10[%get3A, %get3A_119] {strides = array<i32>} : memref<80x128xf32, #tpu.memory_space<vmem>>, vector<1x16xf32>,
      %get3A_121 = vector.shape_cast %get3A_120 : vector<1x16xf32> to vector<16xf32>
      %get3A_122 = arith.index_cast %multiple_of3A_118 : i32 to index
      %get3A_123 = tpu.vector_load %arg12[%get3A_122] {strides = array<i32>} : memref<10240xf32, #tpu.memory_space<vmem>>, vector<16xf32>,
      %get3A_124 = vector.shape_cast %get3A_123 : vector<16xf32> to vector<16xf32>
      %add3A_125 = arith.addf %get3A_121, %get3A_124 : vector<16xf32>
      %max3A = arith.constant 0.000000e+00 : f32
      %max3A_126 = vector.broadcast %max3A : f32 to vector<16xf32>
      %max3A_127 = arith.maximumf %add3A_125, %max3A_126 : vector<16xf32>
      %swap3A = arith.index_cast %scan3A_112 : i32 to index
      %swap3A_128 = arith.constant 0 : index
      %swap3A_129 = tpu.vector_load %arg10[%swap3A, %swap3A_128] {strides = array<i32>} : memref<80x128xf32, #tpu.memory_space<vmem>>, vector<1x16xf32>,
      %swap3A_130 = vector.shape_cast %swap3A_129 : vector<1x16xf32> to vector<16xf32>
      %swap3A_131 = vector.shape_cast %max3A_127 : vector<16xf32> to vector<1x16xf32>
      tpu.vector_store %arg10[%swap3A, %swap3A_128], %swap3A_131 {strides = array<i32>} : memref<80x128xf32, #tpu.memory_space<vmem>>, vector<1x16xf32>,
      %mul3A_132 = arith.constant 128 : i32
      %mul3A_133 = arith.muli %scan3A_112, %mul3A_132 : i32
      %add3A_134 = arith.constant 16 : i32
      %add3A_135 = arith.addi %mul3A_133, %add3A_134 : i32
      %multiple_of3A_136 = tpu.assume_multiple %add3A_135, 16 : i32
      %get3A_137 = arith.index_cast %scan3A_112 : i32 to index
      %get3A_138 = arith.constant 16 : index
      %get3A_139 = tpu.vector_load %arg10[%get3A_137, %get3A_138] {strides = array<i32>} : memref<80x128xf32, #tpu.memory_space<vmem>>, vector<1x16xf32>,
      %get3A_140 = vector.shape_cast %get3A_139 : vector<1x16xf32> to vector<16xf32>
      %get3A_141 = arith.index_cast %multiple_of3A_136 : i32 to index
      %get3A_142 = tpu.vector_load %arg12[%get3A_141] {strides = array<i32>} : memref<10240xf32, #tpu.memory_space<vmem>>, vector<16xf32>,
      %get3A_143 = vector.shape_cast %get3A_142 : vector<16xf32> to vector<16xf32>
      %add3A_144 = arith.addf %get3A_140, %get3A_143 : vector<16xf32>
      %max3A_145 = arith.constant 0.000000e+00 : f32
      %max3A_146 = vector.broadcast %max3A_145 : f32 to vector<16xf32>
      %max3A_147 = arith.maximumf %add3A_144, %max3A_146 : vector<16xf32>
      %swap3A_148 = arith.index_cast %scan3A_112 : i32 to index
      %swap3A_149 = arith.constant 16 : index
      %swap3A_150 = tpu.vector_load %arg10[%swap3A_148, %swap3A_149] {strides = array<i32>} : memref<80x128xf32, #tpu.memory_space<vmem>>, vector<1x16xf32>,
      %swap3A_151 = vector.shape_cast %swap3A_150 : vector<1x16xf32> to vector<16xf32>
      %swap3A_152 = vector.shape_cast %max3A_147 : vector<16xf32> to vector<1x16xf32>
      tpu.vector_store %arg10[%swap3A_148, %swap3A_149], %swap3A_152 {strides = array<i32>} : memref<80x128xf32, #tpu.memory_space<vmem>>, vector<1x16xf32>,
      %mul3A_153 = arith.constant 128 : i32
      %mul3A_154 = arith.muli %scan3A_112, %mul3A_153 : i32
      %add3A_155 = arith.constant 32 : i32
      %add3A_156 = arith.addi %mul3A_154, %add3A_155 : i32
      %multiple_of3A_157 = tpu.assume_multiple %add3A_156, 16 : i32
      %get3A_158 = arith.index_cast %scan3A_112 : i32 to index
      %get3A_159 = arith.constant 32 : index
      %get3A_160 = tpu.vector_load %arg10[%get3A_158, %get3A_159] {strides = array<i32>} : memref<80x128xf32, #tpu.memory_space<vmem>>, vector<1x16xf32>,
      %get3A_161 = vector.shape_cast %get3A_160 : vector<1x16xf32> to vector<16xf32>
      %get3A_162 = arith.index_cast %multiple_of3A_157 : i32 to index
      %get3A_163 = tpu.vector_load %arg12[%get3A_162] {strides = array<i32>} : memref<10240xf32, #tpu.memory_space<vmem>>, vector<16xf32>,
      %get3A_164 = vector.shape_cast %get3A_163 : vector<16xf32> to vector<16xf32>
      %add3A_165 = arith.addf %get3A_161, %get3A_164 : vector<16xf32>
      %max3A_166 = arith.constant 0.000000e+00 : f32
      %max3A_167 = vector.broadcast %max3A_166 : f32 to vector<16xf32>
      %max3A_168 = arith.maximumf %add3A_165, %max3A_167 : vector<16xf32>
      %swap3A_169 = arith.index_cast %scan3A_112 : i32 to index
      %swap3A_170 = arith.constant 32 : index
      %swap3A_171 = tpu.vector_load %arg10[%swap3A_169, %swap3A_170] {strides = array<i32>} : memref<80x128xf32, #tpu.memory_space<vmem>>, vector<1x16xf32>,
      %swap3A_172 = vector.shape_cast %swap3A_171 : vector<1x16xf32> to vector<16xf32>
      %swap3A_173 = vector.shape_cast %max3A_168 : vector<16xf32> to vector<1x16xf32>
      tpu.vector_store %arg10[%swap3A_169, %swap3A_170], %swap3A_173 {strides = array<i32>} : memref<80x128xf32, #tpu.memory_space<vmem>>, vector<1x16xf32>,
      %mul3A_174 = arith.constant 128 : i32
      %mul3A_175 = arith.muli %scan3A_112, %mul3A_174 : i32
      %add3A_176 = arith.constant 48 : i32
      %add3A_177 = arith.addi %mul3A_175, %add3A_176 : i32
      %multiple_of3A_178 = tpu.assume_multiple %add3A_177, 16 : i32
      %get3A_179 = arith.index_cast %scan3A_112 : i32 to index
      %get3A_180 = arith.constant 48 : index
      %get3A_181 = tpu.vector_load %arg10[%get3A_179, %get3A_180] {strides = array<i32>} : memref<80x128xf32, #tpu.memory_space<vmem>>, vector<1x16xf32>,
      %get3A_182 = vector.shape_cast %get3A_181 : vector<1x16xf32> to vector<16xf32>
      %get3A_183 = arith.index_cast %multiple_of3A_178 : i32 to index
      %get3A_184 = tpu.vector_load %arg12[%get3A_183] {strides = array<i32>} : memref<10240xf32, #tpu.memory_space<vmem>>, vector<16xf32>,
      %get3A_185 = vector.shape_cast %get3A_184 : vector<16xf32> to vector<16xf32>
      %add3A_186 = arith.addf %get3A_182, %get3A_185 : vector<16xf32>
      %max3A_187 = arith.constant 0.000000e+00 : f32
      %max3A_188 = vector.broadcast %max3A_187 : f32 to vector<16xf32>
      %max3A_189 = arith.maximumf %add3A_186, %max3A_188 : vector<16xf32>
      %swap3A_190 = arith.index_cast %scan3A_112 : i32 to index
      %swap3A_191 = arith.constant 48 : index
      %swap3A_192 = tpu.vector_load %arg10[%swap3A_190, %swap3A_191] {strides = array<i32>} : memref<80x128xf32, #tpu.memory_space<vmem>>, vector<1x16xf32>,
      %swap3A_193 = vector.shape_cast %swap3A_192 : vector<1x16xf32> to vector<16xf32>
      %swap3A_194 = vector.shape_cast %max3A_189 : vector<16xf32> to vector<1x16xf32>
      tpu.vector_store %arg10[%swap3A_190, %swap3A_191], %swap3A_194 {strides = array<i32>} : memref<80x128xf32, #tpu.memory_space<vmem>>, vector<1x16xf32>,
      %mul3A_195 = arith.constant 128 : i32
      %mul3A_196 = arith.muli %scan3A_112, %mul3A_195 : i32
      %add3A_197 = arith.constant 64 : i32
      %add3A_198 = arith.addi %mul3A_196, %add3A_197 : i32
      %multiple_of3A_199 = tpu.assume_multiple %add3A_198, 16 : i32
      %get3A_200 = arith.index_cast %scan3A_112 : i32 to index
      %get3A_201 = arith.constant 64 : index
      %get3A_202 = tpu.vector_load %arg10[%get3A_200, %get3A_201] {strides = array<i32>} : memref<80x128xf32, #tpu.memory_space<vmem>>, vector<1x16xf32>,
      %get3A_203 = vector.shape_cast %get3A_202 : vector<1x16xf32> to vector<16xf32>
      %get3A_204 = arith.index_cast %multiple_of3A_199 : i32 to index
      %get3A_205 = tpu.vector_load %arg12[%get3A_204] {strides = array<i32>} : memref<10240xf32, #tpu.memory_space<vmem>>, vector<16xf32>,
      %get3A_206 = vector.shape_cast %get3A_205 : vector<16xf32> to vector<16xf32>
      %add3A_207 = arith.addf %get3A_203, %get3A_206 : vector<16xf32>
      %max3A_208 = arith.constant 0.000000e+00 : f32
      %max3A_209 = vector.broadcast %max3A_208 : f32 to vector<16xf32>
      %max3A_210 = arith.maximumf %add3A_207, %max3A_209 : vector<16xf32>
      %swap3A_211 = arith.index_cast %scan3A_112 : i32 to index
      %swap3A_212 = arith.constant 64 : index
      %swap3A_213 = tpu.vector_load %arg10[%swap3A_211, %swap3A_212] {strides = array<i32>} : memref<80x128xf32, #tpu.memory_space<vmem>>, vector<1x16xf32>,
      %swap3A_214 = vector.shape_cast %swap3A_213 : vector<1x16xf32> to vector<16xf32>
      %swap3A_215 = vector.shape_cast %max3A_210 : vector<16xf32> to vector<1x16xf32>
      tpu.vector_store %arg10[%swap3A_211, %swap3A_212], %swap3A_215 {strides = array<i32>} : memref<80x128xf32, #tpu.memory_space<vmem>>, vector<1x16xf32>,
      %mul3A_216 = arith.constant 128 : i32
      %mul3A_217 = arith.muli %scan3A_112, %mul3A_216 : i32
      %add3A_218 = arith.constant 80 : i32
      %add3A_219 = arith.addi %mul3A_217, %add3A_218 : i32
      %multiple_of3A_220 = tpu.assume_multiple %add3A_219, 16 : i32
      %get3A_221 = arith.index_cast %scan3A_112 : i32 to index
      %get3A_222 = arith.constant 80 : index
      %get3A_223 = tpu.vector_load %arg10[%get3A_221, %get3A_222] {strides = array<i32>} : memref<80x128xf32, #tpu.memory_space<vmem>>, vector<1x16xf32>,
      %get3A_224 = vector.shape_cast %get3A_223 : vector<1x16xf32> to vector<16xf32>
      %get3A_225 = arith.index_cast %multiple_of3A_220 : i32 to index
      %get3A_226 = tpu.vector_load %arg12[%get3A_225] {strides = array<i32>} : memref<10240xf32, #tpu.memory_space<vmem>>, vector<16xf32>,
      %get3A_227 = vector.shape_cast %get3A_226 : vector<16xf32> to vector<16xf32>
      %add3A_228 = arith.addf %get3A_224, %get3A_227 : vector<16xf32>
      %max3A_229 = arith.constant 0.000000e+00 : f32
      %max3A_230 = vector.broadcast %max3A_229 : f32 to vector<16xf32>
      %max3A_231 = arith.maximumf %add3A_228, %max3A_230 : vector<16xf32>
      %swap3A_232 = arith.index_cast %scan3A_112 : i32 to index
      %swap3A_233 = arith.constant 80 : index
      %swap3A_234 = tpu.vector_load %arg10[%swap3A_232, %swap3A_233] {strides = array<i32>} : memref<80x128xf32, #tpu.memory_space<vmem>>, vector<1x16xf32>,
      %swap3A_235 = vector.shape_cast %swap3A_234 : vector<1x16xf32> to vector<16xf32>
      %swap3A_236 = vector.shape_cast %max3A_231 : vector<16xf32> to vector<1x16xf32>
      tpu.vector_store %arg10[%swap3A_232, %swap3A_233], %swap3A_236 {strides = array<i32>} : memref<80x128xf32, #tpu.memory_space<vmem>>, vector<1x16xf32>,
      %mul3A_237 = arith.constant 128 : i32
      %mul3A_238 = arith.muli %scan3A_112, %mul3A_237 : i32
      %add3A_239 = arith.constant 96 : i32
      %add3A_240 = arith.addi %mul3A_238, %add3A_239 : i32
      %multiple_of3A_241 = tpu.assume_multiple %add3A_240, 16 : i32
      %get3A_242 = arith.index_cast %scan3A_112 : i32 to index
      %get3A_243 = arith.constant 96 : index
      %get3A_244 = tpu.vector_load %arg10[%get3A_242, %get3A_243] {strides = array<i32>} : memref<80x128xf32, #tpu.memory_space<vmem>>, vector<1x16xf32>,
      %get3A_245 = vector.shape_cast %get3A_244 : vector<1x16xf32> to vector<16xf32>
      %get3A_246 = arith.index_cast %multiple_of3A_241 : i32 to index
      %get3A_247 = tpu.vector_load %arg12[%get3A_246] {strides = array<i32>} : memref<10240xf32, #tpu.memory_space<vmem>>, vector<16xf32>,
      %get3A_248 = vector.shape_cast %get3A_247 : vector<16xf32> to vector<16xf32>
      %add3A_249 = arith.addf %get3A_245, %get3A_248 : vector<16xf32>
      %max3A_250 = arith.constant 0.000000e+00 : f32
      %max3A_251 = vector.broadcast %max3A_250 : f32 to vector<16xf32>
      %max3A_252 = arith.maximumf %add3A_249, %max3A_251 : vector<16xf32>
      %swap3A_253 = arith.index_cast %scan3A_112 : i32 to index
      %swap3A_254 = arith.constant 96 : index
      %swap3A_255 = tpu.vector_load %arg10[%swap3A_253, %swap3A_254] {strides = array<i32>} : memref<80x128xf32, #tpu.memory_space<vmem>>, vector<1x16xf32>,
      %swap3A_256 = vector.shape_cast %swap3A_255 : vector<1x16xf32> to vector<16xf32>
      %swap3A_257 = vector.shape_cast %max3A_252 : vector<16xf32> to vector<1x16xf32>
      tpu.vector_store %arg10[%swap3A_253, %swap3A_254], %swap3A_257 {strides = array<i32>} : memref<80x128xf32, #tpu.memory_space<vmem>>, vector<1x16xf32>,
      %mul3A_258 = arith.constant 128 : i32
      %mul3A_259 = arith.muli %scan3A_112, %mul3A_258 : i32
      %add3A_260 = arith.constant 112 : i32
      %add3A_261 = arith.addi %mul3A_259, %add3A_260 : i32
      %multiple_of3A_262 = tpu.assume_multiple %add3A_261, 16 : i32
      %get3A_263 = arith.index_cast %scan3A_112 : i32 to index
      %get3A_264 = arith.constant 112 : index
      %get3A_265 = tpu.vector_load %arg10[%get3A_263, %get3A_264] {strides = array<i32>} : memref<80x128xf32, #tpu.memory_space<vmem>>, vector<1x16xf32>,
      %get3A_266 = vector.shape_cast %get3A_265 : vector<1x16xf32> to vector<16xf32>
      %get3A_267 = arith.index_cast %multiple_of3A_262 : i32 to index
      %get3A_268 = tpu.vector_load %arg12[%get3A_267] {strides = array<i32>} : memref<10240xf32, #tpu.memory_space<vmem>>, vector<16xf32>,
      %get3A_269 = vector.shape_cast %get3A_268 : vector<16xf32> to vector<16xf32>
      %add3A_270 = arith.addf %get3A_266, %get3A_269 : vector<16xf32>
      %max3A_271 = arith.constant 0.000000e+00 : f32
      %max3A_272 = vector.broadcast %max3A_271 : f32 to vector<16xf32>
      %max3A_273 = arith.maximumf %add3A_270, %max3A_272 : vector<16xf32>
      %swap3A_274 = arith.index_cast %scan3A_112 : i32 to index
      %swap3A_275 = arith.constant 112 : index
      %swap3A_276 = tpu.vector_load %arg10[%swap3A_274, %swap3A_275] {strides = array<i32>} : memref<80x128xf32, #tpu.memory_space<vmem>>, vector<1x16xf32>,
      %swap3A_277 = vector.shape_cast %swap3A_276 : vector<1x16xf32> to vector<16xf32>
      %swap3A_278 = vector.shape_cast %max3A_273 : vector<16xf32> to vector<1x16xf32>
      tpu.vector_store %arg10[%swap3A_274, %swap3A_275], %swap3A_278 {strides = array<i32>} : memref<80x128xf32, #tpu.memory_space<vmem>>, vector<1x16xf32>,
      %scan3A_279 = arith.constant 0 : i32
      scf.yield %scan3A_279 : i32
    }
    %scan3A_91 = arith.constant 80 : i32
    %run_scoped3A = arith.constant 1 : i32
    "tpu.region"() ({
      %run_scoped3A_112 = tpu.sem_alloc : memref<!tpu.dma_semaphore, #tpu.memory_space<semaphore_mem>>
      %dma_start3A_113 = arith.constant 0 : i32
      %dma_start3A_114 = tpu.memref_slice %arg8[%run_scoped3A, %dma_start3A_113] : memref<2x80xi32, #tpu.memory_space<vmem>> -> memref<1x80xi32, #tpu.memory_space<vmem>>
      %dma_start3A_115 = tpu.memref_squeeze %dma_start3A_114 : memref<1x80xi32, #tpu.memory_space<vmem>> -> memref<80xi32, #tpu.memory_space<vmem>>
      %dma_start3A_116 = arith.constant 0 : i32
      %dma_start3A_117 = arith.constant 0 : i32
      %dma_start3A_118 = tpu.memref_slice %arg6[%dma_start3A_116, %dma_start3A_117] : memref<10000x128xf32, #tpu.memory_space<vmem_shared>> -> memref<10000x128xf32, #tpu.memory_space<vmem_shared>>
      tpu.enqueue_indirect_dma source(%arg10 : memref<80x128xf32, #tpu.memory_space<vmem>>) target(%dma_start3A_118 : memref<10000x128xf32, #tpu.memory_space<vmem_shared>>) offsets(%dma_start3A_115 : memref<80xi32, #tpu.memory_space<vmem>>) semaphore(%run_scoped3A_112 : memref<!tpu.dma_semaphore, #tpu.memory_space<semaphore_mem>>) {add = true}
      %dma_wait3A_119 = arith.constant 0 : i32
      %dma_wait3A_120 = tpu.memref_slice %arg8[%run_scoped3A, %dma_wait3A_119] : memref<2x80xi32, #tpu.memory_space<vmem>> -> memref<1x80xi32, #tpu.memory_space<vmem>>
      %dma_wait3A_121 = tpu.memref_squeeze %dma_wait3A_120 : memref<1x80xi32, #tpu.memory_space<vmem>> -> memref<80xi32, #tpu.memory_space<vmem>>
      %dma_wait3A_122 = arith.constant 0 : i32
      %dma_wait3A_123 = arith.constant 0 : i32
      %dma_wait3A_124 = tpu.memref_slice %arg6[%dma_wait3A_122, %dma_wait3A_123] : memref<10000x128xf32, #tpu.memory_space<vmem_shared>> -> memref<10000x128xf32, #tpu.memory_space<vmem_shared>>
      tpu.wait_indirect_dma semaphore(%run_scoped3A_112 : memref<!tpu.dma_semaphore, #tpu.memory_space<semaphore_mem>>) src(%arg10 : memref<80x128xf32, #tpu.memory_space<vmem>>) dst(%dma_wait3A_124 : memref<10000x128xf32, #tpu.memory_space<vmem_shared>>)
      tpu.yield
    }) : () -> ()
    %min3A_92 = arith.constant 124 : i32
    %min3A_93 = arith.constant 124 : i32
    %min3A_94 = arith.minsi %min3A_92, %min3A_93 : i32
    %dma_wait3A_95 = arith.constant 0 : i32
    %dma_wait3A_96 = arith.constant 0 : i32
    %dma_wait3A_97 = tpu.memref_slice %arg4[%add3A, %min3A_94, %dma_wait3A_95, %dma_wait3A_96] : memref<32x125x2x80xi32, #tpu.memory_space<hbm>> -> memref<1x1x2x80xi32, #tpu.memory_space<hbm>>
    %dma_wait3A_98 = tpu.memref_squeeze %dma_wait3A_97 : memref<1x1x2x80xi32, #tpu.memory_space<hbm>> -> memref<2x80xi32, #tpu.memory_space<hbm>>
    %dma_wait3A_99 = arith.constant 0 : i32
    %dma_wait3A_100 = arith.constant 0 : i32
    %dma_wait3A_101 = tpu.memref_slice %arg4[%add3A, %min3A_94, %dma_wait3A_99, %dma_wait3A_100] : memref<32x125x2x80xi32, #tpu.memory_space<hbm>> -> memref<1x1x2x80xi32, #tpu.memory_space<hbm>>
    %dma_wait3A_102 = tpu.memref_squeeze %dma_wait3A_101 : memref<1x1x2x80xi32, #tpu.memory_space<hbm>> -> memref<2x80xi32, #tpu.memory_space<hbm>>
    tpu.wait_dma2 semaphore(%arg19 : memref<!tpu.dma_semaphore, #tpu.memory_space<semaphore_mem>>) src(%dma_wait3A_102 : memref<2x80xi32, #tpu.memory_space<hbm>>) dst(%arg9 : memref<2x80xi32, #tpu.memory_space<vmem>>)
    %barrier3A_103 = arith.constant 0 : index
    tpu.barrier barrier_id(%barrier3A_103)
    %mul3A_104 = arith.constant 624 : i32
    %mul3A_105 = arith.muli %arg1, %mul3A_104 : i32
    %multiple_of3A_106 = tpu.assume_multiple %mul3A_105, 8 : i32
    "tpu.region"() ({
      %run_scoped3A_112 = tpu.sem_alloc : memref<!tpu.dma_semaphore, #tpu.memory_space<semaphore_mem>>
      %dma_start3A_113 = arith.constant 0 : i32
      %dma_start3A_114 = tpu.memref_slice %arg5[%arg0, %multiple_of3A_106, %dma_start3A_113] : memref<2x10000x128xf32, #tpu.memory_space<hbm>> -> memref<1x624x128xf32, #tpu.memory_space<hbm>>
      %dma_start3A_115 = tpu.memref_squeeze %dma_start3A_114 : memref<1x624x128xf32, #tpu.memory_space<hbm>> -> memref<624x128xf32, #tpu.memory_space<hbm>>
      %dma_start3A_116 = arith.constant 0 : i32
      %dma_start3A_117 = tpu.memref_slice %arg6[%multiple_of3A_106, %dma_start3A_116] : memref<10000x128xf32, #tpu.memory_space<vmem_shared>> -> memref<624x128xf32, #tpu.memory_space<vmem_shared>>
      tpu.enqueue_dma source(%dma_start3A_117 : memref<624x128xf32, #tpu.memory_space<vmem_shared>>) target(%dma_start3A_115 : memref<624x128xf32, #tpu.memory_space<hbm>>) target_semaphore(%run_scoped3A_112 : memref<!tpu.dma_semaphore, #tpu.memory_space<semaphore_mem>>)
      %dma_wait3A_118 = arith.constant 0 : i32
      %dma_wait3A_119 = tpu.memref_slice %arg5[%arg0, %multiple_of3A_106, %dma_wait3A_118] : memref<2x10000x128xf32, #tpu.memory_space<hbm>> -> memref<1x624x128xf32, #tpu.memory_space<hbm>>
      %dma_wait3A_120 = tpu.memref_squeeze %dma_wait3A_119 : memref<1x624x128xf32, #tpu.memory_space<hbm>> -> memref<624x128xf32, #tpu.memory_space<hbm>>
      %dma_wait3A_121 = arith.constant 0 : i32
      %dma_wait3A_122 = tpu.memref_slice %arg6[%multiple_of3A_106, %dma_wait3A_121] : memref<10000x128xf32, #tpu.memory_space<vmem_shared>> -> memref<624x128xf32, #tpu.memory_space<vmem_shared>>
      tpu.wait_dma2 semaphore(%run_scoped3A_112 : memref<!tpu.dma_semaphore, #tpu.memory_space<semaphore_mem>>) src(%dma_wait3A_122 : memref<624x128xf32, #tpu.memory_space<vmem_shared>>) dst(%dma_wait3A_120 : memref<624x128xf32, #tpu.memory_space<hbm>>)
      tpu.yield
    }) : () -> ()
    %eq3A_107 = arith.constant 15 : i32
    %eq3A_108 = arith.cmpi eq, %arg1, %eq3A_107 : i32
    %convert_element_type3A_109 = arith.extui %eq3A_108 : i1 to i32
    %cond3A_110 = arith.constant 0 : i32
    %cond3A_111 = arith.cmpi ne, %convert_element_type3A_109, %cond3A_110 : i32
    scf.if %cond3A_111 {
      "tpu.region"() ({
        %run_scoped3A_112 = tpu.sem_alloc : memref<!tpu.dma_semaphore, #tpu.memory_space<semaphore_mem>>
        %dma_start3A_113 = arith.constant 9984 : i32
        %dma_start3A_114 = arith.constant 0 : i32
        %dma_start3A_115 = tpu.memref_slice %arg5[%arg0, %dma_start3A_113, %dma_start3A_114] : memref<2x10000x128xf32, #tpu.memory_space<hbm>> -> memref<1x16x128xf32, #tpu.memory_space<hbm>>
        %dma_start3A_116 = tpu.memref_squeeze %dma_start3A_115 : memref<1x16x128xf32, #tpu.memory_space<hbm>> -> memref<16x128xf32, #tpu.memory_space<hbm>>
        %dma_start3A_117 = arith.constant 9984 : i32
        %dma_start3A_118 = arith.constant 0 : i32
        %dma_start3A_119 = tpu.memref_slice %arg6[%dma_start3A_117, %dma_start3A_118] : memref<10000x128xf32, #tpu.memory_space<vmem_shared>> -> memref<16x128xf32, #tpu.memory_space<vmem_shared>>
        tpu.enqueue_dma source(%dma_start3A_119 : memref<16x128xf32, #tpu.memory_space<vmem_shared>>) target(%dma_start3A_116 : memref<16x128xf32, #tpu.memory_space<hbm>>) target_semaphore(%run_scoped3A_112 : memref<!tpu.dma_semaphore, #tpu.memory_space<semaphore_mem>>)
        %dma_wait3A_120 = arith.constant 9984 : i32
        %dma_wait3A_121 = arith.constant 0 : i32
        %dma_wait3A_122 = tpu.memref_slice %arg5[%arg0, %dma_wait3A_120, %dma_wait3A_121] : memref<2x10000x128xf32, #tpu.memory_space<hbm>> -> memref<1x16x128xf32, #tpu.memory_space<hbm>>
        %dma_wait3A_123 = tpu.memref_squeeze %dma_wait3A_122 : memref<1x16x128xf32, #tpu.memory_space<hbm>> -> memref<16x128xf32, #tpu.memory_space<hbm>>
        %dma_wait3A_124 = arith.constant 9984 : i32
        %dma_wait3A_125 = arith.constant 0 : i32
        %dma_wait3A_126 = tpu.memref_slice %arg6[%dma_wait3A_124, %dma_wait3A_125] : memref<10000x128xf32, #tpu.memory_space<vmem_shared>> -> memref<16x128xf32, #tpu.memory_space<vmem_shared>>
        tpu.wait_dma2 semaphore(%run_scoped3A_112 : memref<!tpu.dma_semaphore, #tpu.memory_space<semaphore_mem>>) src(%dma_wait3A_126 : memref<16x128xf32, #tpu.memory_space<vmem_shared>>) dst(%dma_wait3A_123 : memref<16x128xf32, #tpu.memory_space<hbm>>)
        tpu.yield
      }) : () -> ()
    } else {
    }
    return
  }
}

#map = affine_map<(d0, d1) -> (0, 0)>
#map1 = affine_map<(d0, d1) -> (0)>
#map2 = affine_map<(d0, d1) -> (0, 0, 0, 0)>
#map3 = affine_map<(d0, d1) -> (0, 0, 0)>
module attributes {stable_mosaic.version = 14 : i64} {
  func.func @_edge_pass_body(%arg0: i32, %arg1: i32, %arg2: memref<10000x128xf32, #tpu.memory_space<hbm>>, %arg3: memref<40960000xf32, #tpu.memory_space<hbm>>, %arg4: memref<32x125x2x80xi32, #tpu.memory_space<hbm>>, %arg5: memref<2x10000x128xf32, #tpu.memory_space<hbm>>, %arg6: memref<10000x128xf32, #tpu.memory_space<vmem_shared>>, %arg7: memref<16x128xf32, #tpu.memory_space<vmem>>, %arg8: memref<2x80xi32, #tpu.memory_space<vmem>>, %arg9: memref<2x80xi32, #tpu.memory_space<vmem>>, %arg10: memref<80x128xf32, #tpu.memory_space<vmem>>, %arg11: memref<80x128xf32, #tpu.memory_space<vmem>>, %arg12: memref<10240xf32, #tpu.memory_space<vmem>>, %arg13: memref<10240xf32, #tpu.memory_space<vmem>>, %arg14: memref<!tpu.dma_semaphore, #tpu.memory_space<semaphore_mem>>, %arg15: memref<!tpu.dma_semaphore, #tpu.memory_space<semaphore_mem>>, %arg16: memref<!tpu.dma_semaphore, #tpu.memory_space<semaphore_mem>>, %arg17: memref<!tpu.dma_semaphore, #tpu.memory_space<semaphore_mem>>, %arg18: memref<!tpu.dma_semaphore, #tpu.memory_space<semaphore_mem>>, %arg19: memref<!tpu.dma_semaphore, #tpu.memory_space<semaphore_mem>>) attributes {dimension_semantics = [#tpu.dimension_semantics<core_parallel>, #tpu.dimension_semantics<subcore_parallel>], iteration_bounds = array<i64: 2, 16>, scalar_prefetch = 0 : i64, scratch_operands = 14 : i64, tpu.core_type = #tpu.core_type<sc_vector_subcore>, window_params = [{transform_indices = #map}, {transform_indices = #map1}, {transform_indices = #map2}, {transform_indices = #map3}]} {
    %mul3A = arith.constant 16 : i32
    %mul3A_0 = arith.muli %arg0, %mul3A : i32
    %add3A = arith.addi %mul3A_0, %arg1 : i32
    %broadcast_in_dim3A = arith.constant 0.000000e+00 : f32
    %broadcast_in_dim3A_1 = vector.broadcast %broadcast_in_dim3A : f32 to vector<16xf32>
    %scan3A = arith.constant 0 : i32
    %scan3A_2 = arith.constant 0 : i32
    %scan3A_3 = arith.constant 16 : i32
    %scan3A_4 = arith.addi %scan3A_2, %scan3A_3 : i32
    %scan3A_5 = arith.constant 1 : i32
    %scan3A_6 = scf.for %scan3A_112 = %scan3A_2 to %scan3A_4 step %scan3A_5 iter_args(%scan3A_113 = %scan3A) -> (i32)  : i32 {
      %swap3A = arith.index_cast %scan3A_112 : i32 to index
      %swap3A_114 = arith.constant 0 : index
      %swap3A_115 = tpu.vector_load %arg7[%swap3A, %swap3A_114] {strides = array<i32>} : memref<16x128xf32, #tpu.memory_space<vmem>>, vector<1x16xf32>,
      %swap3A_116 = vector.shape_cast %swap3A_115 : vector<1x16xf32> to vector<16xf32>
      %swap3A_117 = vector.shape_cast %broadcast_in_dim3A_1 : vector<16xf32> to vector<1x16xf32>
      tpu.vector_store %arg7[%swap3A, %swap3A_114], %swap3A_117 {strides = array<i32>} : memref<16x128xf32, #tpu.memory_space<vmem>>, vector<1x16xf32>,
      %swap3A_118 = arith.index_cast %scan3A_112 : i32 to index
      %swap3A_119 = arith.constant 16 : index
      %swap3A_120 = tpu.vector_load %arg7[%swap3A_118, %swap3A_119] {strides = array<i32>} : memref<16x128xf32, #tpu.memory_space<vmem>>, vector<1x16xf32>,
      %swap3A_121 = vector.shape_cast %swap3A_120 : vector<1x16xf32> to vector<16xf32>
      %swap3A_122 = vector.shape_cast %broadcast_in_dim3A_1 : vector<16xf32> to vector<1x16xf32>
      tpu.vector_store %arg7[%swap3A_118, %swap3A_119], %swap3A_122 {strides = array<i32>} : memref<16x128xf32, #tpu.memory_space<vmem>>, vector<1x16xf32>,
      %swap3A_123 = arith.index_cast %scan3A_112 : i32 to index
      %swap3A_124 = arith.constant 32 : index
      %swap3A_125 = tpu.vector_load %arg7[%swap3A_123, %swap3A_124] {strides = array<i32>} : memref<16x128xf32, #tpu.memory_space<vmem>>, vector<1x16xf32>,
      %swap3A_126 = vector.shape_cast %swap3A_125 : vector<1x16xf32> to vector<16xf32>
      %swap3A_127 = vector.shape_cast %broadcast_in_dim3A_1 : vector<16xf32> to vector<1x16xf32>
      tpu.vector_store %arg7[%swap3A_123, %swap3A_124], %swap3A_127 {strides = array<i32>} : memref<16x128xf32, #tpu.memory_space<vmem>>, vector<1x16xf32>,
      %swap3A_128 = arith.index_cast %scan3A_112 : i32 to index
      %swap3A_129 = arith.constant 48 : index
      %swap3A_130 = tpu.vector_load %arg7[%swap3A_128, %swap3A_129] {strides = array<i32>} : memref<16x128xf32, #tpu.memory_space<vmem>>, vector<1x16xf32>,
      %swap3A_131 = vector.shape_cast %swap3A_130 : vector<1x16xf32> to vector<16xf32>
      %swap3A_132 = vector.shape_cast %broadcast_in_dim3A_1 : vector<16xf32> to vector<1x16xf32>
      tpu.vector_store %arg7[%swap3A_128, %swap3A_129], %swap3A_132 {strides = array<i32>} : memref<16x128xf32, #tpu.memory_space<vmem>>, vector<1x16xf32>,
      %swap3A_133 = arith.index_cast %scan3A_112 : i32 to index
      %swap3A_134 = arith.constant 64 : index
      %swap3A_135 = tpu.vector_load %arg7[%swap3A_133, %swap3A_134] {strides = array<i32>} : memref<16x128xf32, #tpu.memory_space<vmem>>, vector<1x16xf32>,
      %swap3A_136 = vector.shape_cast %swap3A_135 : vector<1x16xf32> to vector<16xf32>
      %swap3A_137 = vector.shape_cast %broadcast_in_dim3A_1 : vector<16xf32> to vector<1x16xf32>
      tpu.vector_store %arg7[%swap3A_133, %swap3A_134], %swap3A_137 {strides = array<i32>} : memref<16x128xf32, #tpu.memory_space<vmem>>, vector<1x16xf32>,
      %swap3A_138 = arith.index_cast %scan3A_112 : i32 to index
      %swap3A_139 = arith.constant 80 : index
      %swap3A_140 = tpu.vector_load %arg7[%swap3A_138, %swap3A_139] {strides = array<i32>} : memref<16x128xf32, #tpu.memory_space<vmem>>, vector<1x16xf32>,
      %swap3A_141 = vector.shape_cast %swap3A_140 : vector<1x16xf32> to vector<16xf32>
      %swap3A_142 = vector.shape_cast %broadcast_in_dim3A_1 : vector<16xf32> to vector<1x16xf32>
      tpu.vector_store %arg7[%swap3A_138, %swap3A_139], %swap3A_142 {strides = array<i32>} : memref<16x128xf32, #tpu.memory_space<vmem>>, vector<1x16xf32>,
      %swap3A_143 = arith.index_cast %scan3A_112 : i32 to index
      %swap3A_144 = arith.constant 96 : index
      %swap3A_145 = tpu.vector_load %arg7[%swap3A_143, %swap3A_144] {strides = array<i32>} : memref<16x128xf32, #tpu.memory_space<vmem>>, vector<1x16xf32>,
      %swap3A_146 = vector.shape_cast %swap3A_145 : vector<1x16xf32> to vector<16xf32>
      %swap3A_147 = vector.shape_cast %broadcast_in_dim3A_1 : vector<16xf32> to vector<1x16xf32>
      tpu.vector_store %arg7[%swap3A_143, %swap3A_144], %swap3A_147 {strides = array<i32>} : memref<16x128xf32, #tpu.memory_space<vmem>>, vector<1x16xf32>,
      %swap3A_148 = arith.index_cast %scan3A_112 : i32 to index
      %swap3A_149 = arith.constant 112 : index
      %swap3A_150 = tpu.vector_load %arg7[%swap3A_148, %swap3A_149] {strides = array<i32>} : memref<16x128xf32, #tpu.memory_space<vmem>>, vector<1x16xf32>,
      %swap3A_151 = vector.shape_cast %swap3A_150 : vector<1x16xf32> to vector<16xf32>
      %swap3A_152 = vector.shape_cast %broadcast_in_dim3A_1 : vector<16xf32> to vector<1x16xf32>
      tpu.vector_store %arg7[%swap3A_148, %swap3A_149], %swap3A_152 {strides = array<i32>} : memref<16x128xf32, #tpu.memory_space<vmem>>, vector<1x16xf32>,
      %scan3A_153 = arith.constant 0 : i32
      scf.yield %scan3A_153 : i32
    }
    %scan3A_7 = arith.constant 16 : i32
    %scan3A_8 = arith.constant 0 : i32
    %scan3A_9 = arith.constant 0 : i32
    %scan3A_10 = arith.constant 39 : i32
    %scan3A_11 = arith.addi %scan3A_9, %scan3A_10 : i32
    %scan3A_12 = arith.constant 1 : i32
    %scan3A_13 = scf.for %scan3A_112 = %scan3A_9 to %scan3A_11 step %scan3A_12 iter_args(%scan3A_113 = %scan3A_8) -> (i32)  : i32 {
      %mul3A_114 = arith.constant 624 : i32
      %mul3A_115 = arith.muli %arg1, %mul3A_114 : i32
      %mul3A_116 = arith.constant 16 : i32
      %mul3A_117 = arith.muli %scan3A_112, %mul3A_116 : i32
      %add3A_118 = arith.addi %mul3A_115, %mul3A_117 : i32
      %multiple_of3A_119 = tpu.assume_multiple %add3A_118, 8 : i32
      "tpu.region"() ({
        %run_scoped3A_121 = tpu.sem_alloc : memref<!tpu.dma_semaphore, #tpu.memory_space<semaphore_mem>>
        %dma_start3A_122 = arith.constant 0 : i32
        %dma_start3A_123 = tpu.memref_slice %arg6[%multiple_of3A_119, %dma_start3A_122] : memref<10000x128xf32, #tpu.memory_space<vmem_shared>> -> memref<16x128xf32, #tpu.memory_space<vmem_shared>>
        %dma_start3A_124 = arith.constant 0 : i32
        %dma_start3A_125 = tpu.memref_slice %arg6[%multiple_of3A_119, %dma_start3A_124] : memref<10000x128xf32, #tpu.memory_space<vmem_shared>> -> memref<16x128xf32, #tpu.memory_space<vmem_shared>>
        tpu.enqueue_dma source(%arg7 : memref<16x128xf32, #tpu.memory_space<vmem>>) target(%dma_start3A_125 : memref<16x128xf32, #tpu.memory_space<vmem_shared>>) target_semaphore(%run_scoped3A_121 : memref<!tpu.dma_semaphore, #tpu.memory_space<semaphore_mem>>)
        %dma_wait3A_126 = arith.constant 0 : i32
        %dma_wait3A_127 = tpu.memref_slice %arg6[%multiple_of3A_119, %dma_wait3A_126] : memref<10000x128xf32, #tpu.memory_space<vmem_shared>> -> memref<16x128xf32, #tpu.memory_space<vmem_shared>>
        %dma_wait3A_128 = arith.constant 0 : i32
        %dma_wait3A_129 = tpu.memref_slice %arg6[%multiple_of3A_119, %dma_wait3A_128] : memref<10000x128xf32, #tpu.memory_space<vmem_shared>> -> memref<16x128xf32, #tpu.memory_space<vmem_shared>>
        tpu.wait_dma2 semaphore(%run_scoped3A_121 : memref<!tpu.dma_semaphore, #tpu.memory_space<semaphore_mem>>) src(%arg7 : memref<16x128xf32, #tpu.memory_space<vmem>>) dst(%dma_wait3A_129 : memref<16x128xf32, #tpu.memory_space<vmem_shared>>)
        tpu.yield
      }) : () -> ()
      %scan3A_120 = arith.constant 0 : i32
      scf.yield %scan3A_120 : i32
    }
    %scan3A_14 = arith.constant 39 : i32
    %eq3A = arith.constant 15 : i32
    %eq3A_15 = arith.cmpi eq, %arg1, %eq3A : i32
    %convert_element_type3A = arith.extui %eq3A_15 : i1 to i32
    %cond3A = arith.constant 0 : i32
    %cond3A_16 = arith.cmpi ne, %convert_element_type3A, %cond3A : i32
    scf.if %cond3A_16 {
      "tpu.region"() ({
        %run_scoped3A_112 = tpu.sem_alloc : memref<!tpu.dma_semaphore, #tpu.memory_space<semaphore_mem>>
        %dma_start3A_113 = arith.constant 0 : i32
        %dma_start3A_114 = arith.constant 0 : i32
        %dma_start3A_115 = tpu.memref_slice %arg7[%dma_start3A_113, %dma_start3A_114] : memref<16x128xf32, #tpu.memory_space<vmem>> -> memref<16x128xf32, #tpu.memory_space<vmem>>
        %dma_start3A_116 = arith.constant 9984 : i32
        %dma_start3A_117 = arith.constant 0 : i32
        %dma_start3A_118 = tpu.memref_slice %arg6[%dma_start3A_116, %dma_start3A_117] : memref<10000x128xf32, #tpu.memory_space<vmem_shared>> -> memref<16x128xf32, #tpu.memory_space<vmem_shared>>
        %dma_start3A_119 = arith.constant 9984 : i32
        %dma_start3A_120 = arith.constant 0 : i32
        %dma_start3A_121 = tpu.memref_slice %arg6[%dma_start3A_119, %dma_start3A_120] : memref<10000x128xf32, #tpu.memory_space<vmem_shared>> -> memref<16x128xf32, #tpu.memory_space<vmem_shared>>
        %dma_start3A_122 = arith.constant 0 : i32
        %dma_start3A_123 = arith.constant 0 : i32
        %dma_start3A_124 = tpu.memref_slice %arg7[%dma_start3A_122, %dma_start3A_123] : memref<16x128xf32, #tpu.memory_space<vmem>> -> memref<16x128xf32, #tpu.memory_space<vmem>>
        tpu.enqueue_dma source(%dma_start3A_124 : memref<16x128xf32, #tpu.memory_space<vmem>>) target(%dma_start3A_121 : memref<16x128xf32, #tpu.memory_space<vmem_shared>>) target_semaphore(%run_scoped3A_112 : memref<!tpu.dma_semaphore, #tpu.memory_space<semaphore_mem>>)
        %dma_wait3A_125 = arith.constant 0 : i32
        %dma_wait3A_126 = arith.constant 0 : i32
        %dma_wait3A_127 = tpu.memref_slice %arg7[%dma_wait3A_125, %dma_wait3A_126] : memref<16x128xf32, #tpu.memory_space<vmem>> -> memref<16x128xf32, #tpu.memory_space<vmem>>
        %dma_wait3A_128 = arith.constant 9984 : i32
        %dma_wait3A_129 = arith.constant 0 : i32
        %dma_wait3A_130 = tpu.memref_slice %arg6[%dma_wait3A_128, %dma_wait3A_129] : memref<10000x128xf32, #tpu.memory_space<vmem_shared>> -> memref<16x128xf32, #tpu.memory_space<vmem_shared>>
        %dma_wait3A_131 = arith.constant 9984 : i32
        %dma_wait3A_132 = arith.constant 0 : i32
        %dma_wait3A_133 = tpu.memref_slice %arg6[%dma_wait3A_131, %dma_wait3A_132] : memref<10000x128xf32, #tpu.memory_space<vmem_shared>> -> memref<16x128xf32, #tpu.memory_space<vmem_shared>>
        %dma_wait3A_134 = arith.constant 0 : i32
        %dma_wait3A_135 = arith.constant 0 : i32
        %dma_wait3A_136 = tpu.memref_slice %arg7[%dma_wait3A_134, %dma_wait3A_135] : memref<16x128xf32, #tpu.memory_space<vmem>> -> memref<16x128xf32, #tpu.memory_space<vmem>>
        tpu.wait_dma2 semaphore(%run_scoped3A_112 : memref<!tpu.dma_semaphore, #tpu.memory_space<semaphore_mem>>) src(%dma_wait3A_136 : memref<16x128xf32, #tpu.memory_space<vmem>>) dst(%dma_wait3A_133 : memref<16x128xf32, #tpu.memory_space<vmem_shared>>)
        tpu.yield
      }) : () -> ()
    } else {
    }
    %barrier3A = arith.constant 0 : index
    tpu.barrier barrier_id(%barrier3A)
    %min3A = arith.constant 0 : i32
    %min3A_17 = arith.constant 124 : i32
    %min3A_18 = arith.minsi %min3A, %min3A_17 : i32
    %dma_start3A = arith.constant 0 : i32
    %dma_start3A_19 = arith.constant 0 : i32
    %dma_start3A_20 = tpu.memref_slice %arg4[%add3A, %min3A_18, %dma_start3A, %dma_start3A_19] : memref<32x125x2x80xi32, #tpu.memory_space<hbm>> -> memref<1x1x2x80xi32, #tpu.memory_space<hbm>>
    %dma_start3A_21 = tpu.memref_squeeze %dma_start3A_20 : memref<1x1x2x80xi32, #tpu.memory_space<hbm>> -> memref<2x80xi32, #tpu.memory_space<hbm>>
    %dma_start3A_22 = arith.constant 0 : i32
    %dma_start3A_23 = arith.constant 0 : i32
    %dma_start3A_24 = tpu.memref_slice %arg4[%add3A, %min3A_18, %dma_start3A_22, %dma_start3A_23] : memref<32x125x2x80xi32, #tpu.memory_space<hbm>> -> memref<1x1x2x80xi32, #tpu.memory_space<hbm>>
    %dma_start3A_25 = tpu.memref_squeeze %dma_start3A_24 : memref<1x1x2x80xi32, #tpu.memory_space<hbm>> -> memref<2x80xi32, #tpu.memory_space<hbm>>
    tpu.enqueue_dma source(%dma_start3A_25 : memref<2x80xi32, #tpu.memory_space<hbm>>) target(%arg8 : memref<2x80xi32, #tpu.memory_space<vmem>>) target_semaphore(%arg18 : memref<!tpu.dma_semaphore, #tpu.memory_space<semaphore_mem>>)
    %min3A_26 = arith.constant 0 : i32
    %min3A_27 = arith.constant 124 : i32
    %min3A_28 = arith.minsi %min3A_26, %min3A_27 : i32
    %dma_wait3A = arith.constant 0 : i32
    %dma_wait3A_29 = arith.constant 0 : i32
    %dma_wait3A_30 = tpu.memref_slice %arg4[%add3A, %min3A_28, %dma_wait3A, %dma_wait3A_29] : memref<32x125x2x80xi32, #tpu.memory_space<hbm>> -> memref<1x1x2x80xi32, #tpu.memory_space<hbm>>
    %dma_wait3A_31 = tpu.memref_squeeze %dma_wait3A_30 : memref<1x1x2x80xi32, #tpu.memory_space<hbm>> -> memref<2x80xi32, #tpu.memory_space<hbm>>
    %dma_wait3A_32 = arith.constant 0 : i32
    %dma_wait3A_33 = arith.constant 0 : i32
    %dma_wait3A_34 = tpu.memref_slice %arg4[%add3A, %min3A_28, %dma_wait3A_32, %dma_wait3A_33] : memref<32x125x2x80xi32, #tpu.memory_space<hbm>> -> memref<1x1x2x80xi32, #tpu.memory_space<hbm>>
    %dma_wait3A_35 = tpu.memref_squeeze %dma_wait3A_34 : memref<1x1x2x80xi32, #tpu.memory_space<hbm>> -> memref<2x80xi32, #tpu.memory_space<hbm>>
    tpu.wait_dma2 semaphore(%arg18 : memref<!tpu.dma_semaphore, #tpu.memory_space<semaphore_mem>>) src(%dma_wait3A_35 : memref<2x80xi32, #tpu.memory_space<hbm>>) dst(%arg8 : memref<2x80xi32, #tpu.memory_space<vmem>>)
    %dma_start3A_36 = arith.constant 0 : i32
    %dma_start3A_37 = arith.constant 0 : i32
    %dma_start3A_38 = tpu.memref_slice %arg8[%dma_start3A_36, %dma_start3A_37] : memref<2x80xi32, #tpu.memory_space<vmem>> -> memref<1x80xi32, #tpu.memory_space<vmem>>
    %dma_start3A_39 = tpu.memref_squeeze %dma_start3A_38 : memref<1x80xi32, #tpu.memory_space<vmem>> -> memref<80xi32, #tpu.memory_space<vmem>>
    %dma_start3A_40 = arith.constant 0 : i32
    %dma_start3A_41 = arith.constant 0 : i32
    %dma_start3A_42 = tpu.memref_slice %arg2[%dma_start3A_40, %dma_start3A_41] : memref<10000x128xf32, #tpu.memory_space<hbm>> -> memref<10000x128xf32, #tpu.memory_space<hbm>>
    tpu.enqueue_indirect_dma source(%dma_start3A_42 : memref<10000x128xf32, #tpu.memory_space<hbm>>) target(%arg10 : memref<80x128xf32, #tpu.memory_space<vmem>>) offsets(%dma_start3A_39 : memref<80xi32, #tpu.memory_space<vmem>>) semaphore(%arg14 : memref<!tpu.dma_semaphore, #tpu.memory_space<semaphore_mem>>)
    %mul3A_43 = arith.constant 10000 : i32
    %mul3A_44 = arith.muli %add3A, %mul3A_43 : i32
    %add3A_45 = arith.constant 0 : i32
    %add3A_46 = arith.addi %mul3A_44, %add3A_45 : i32
    %mul3A_47 = arith.constant 128 : i32
    %mul3A_48 = arith.muli %add3A_46, %mul3A_47 : i32
    %multiple_of3A = tpu.assume_multiple %mul3A_48, 8 : i32
    %dma_start3A_49 = tpu.memref_slice %arg3[%multiple_of3A] : memref<40960000xf32, #tpu.memory_space<hbm>> -> memref<10240xf32, #tpu.memory_space<hbm>>
    %dma_start3A_50 = tpu.memref_slice %arg3[%multiple_of3A] : memref<40960000xf32, #tpu.memory_space<hbm>> -> memref<10240xf32, #tpu.memory_space<hbm>>
    tpu.enqueue_dma source(%dma_start3A_50 : memref<10240xf32, #tpu.memory_space<hbm>>) target(%arg12 : memref<10240xf32, #tpu.memory_space<vmem>>) target_semaphore(%arg16 : memref<!tpu.dma_semaphore, #tpu.memory_space<semaphore_mem>>)
    %min3A_51 = arith.constant 1 : i32
    %min3A_52 = arith.constant 124 : i32
    %min3A_53 = arith.minsi %min3A_51, %min3A_52 : i32
    %dma_start3A_54 = arith.constant 0 : i32
    %dma_start3A_55 = arith.constant 0 : i32
    %dma_start3A_56 = tpu.memref_slice %arg4[%add3A, %min3A_53, %dma_start3A_54, %dma_start3A_55] : memref<32x125x2x80xi32, #tpu.memory_space<hbm>> -> memref<1x1x2x80xi32, #tpu.memory_space<hbm>>
    %dma_start3A_57 = tpu.memref_squeeze %dma_start3A_56 : memref<1x1x2x80xi32, #tpu.memory_space<hbm>> -> memref<2x80xi32, #tpu.memory_space<hbm>>
    %dma_start3A_58 = arith.constant 0 : i32
    %dma_start3A_59 = arith.constant 0 : i32
    %dma_start3A_60 = tpu.memref_slice %arg4[%add3A, %min3A_53, %dma_start3A_58, %dma_start3A_59] : memref<32x125x2x80xi32, #tpu.memory_space<hbm>> -> memref<1x1x2x80xi32, #tpu.memory_space<hbm>>
    %dma_start3A_61 = tpu.memref_squeeze %dma_start3A_60 : memref<1x1x2x80xi32, #tpu.memory_space<hbm>> -> memref<2x80xi32, #tpu.memory_space<hbm>>
    tpu.enqueue_dma source(%dma_start3A_61 : memref<2x80xi32, #tpu.memory_space<hbm>>) target(%arg9 : memref<2x80xi32, #tpu.memory_space<vmem>>) target_semaphore(%arg19 : memref<!tpu.dma_semaphore, #tpu.memory_space<semaphore_mem>>)
    %scan3A_62 = arith.constant 0 : i32
    %scan3A_63 = arith.constant 0 : i32
    %scan3A_64 = arith.constant 62 : i32
    %scan3A_65 = arith.addi %scan3A_63, %scan3A_64 : i32
    %scan3A_66 = arith.constant 1 : i32
    %scan3A_67 = scf.for %scan3A_112 = %scan3A_63 to %scan3A_65 step %scan3A_66 iter_args(%scan3A_113 = %scan3A_62) -> (i32)  : i32 {
      %mul3A_114 = arith.constant 2 : i32
      %mul3A_115 = arith.muli %mul3A_114, %scan3A_112 : i32
      %dma_wait3A_116 = arith.constant 0 : i32
      %dma_wait3A_117 = arith.constant 0 : i32
      %dma_wait3A_118 = tpu.memref_slice %arg8[%dma_wait3A_116, %dma_wait3A_117] : memref<2x80xi32, #tpu.memory_space<vmem>> -> memref<1x80xi32, #tpu.memory_space<vmem>>
      %dma_wait3A_119 = tpu.memref_squeeze %dma_wait3A_118 : memref<1x80xi32, #tpu.memory_space<vmem>> -> memref<80xi32, #tpu.memory_space<vmem>>
      %dma_wait3A_120 = arith.constant 0 : i32
      %dma_wait3A_121 = arith.constant 0 : i32
      %dma_wait3A_122 = tpu.memref_slice %arg2[%dma_wait3A_120, %dma_wait3A_121] : memref<10000x128xf32, #tpu.memory_space<hbm>> -> memref<10000x128xf32, #tpu.memory_space<hbm>>
      tpu.wait_indirect_dma semaphore(%arg14 : memref<!tpu.dma_semaphore, #tpu.memory_space<semaphore_mem>>) src(%dma_wait3A_122 : memref<10000x128xf32, #tpu.memory_space<hbm>>) dst(%arg10 : memref<80x128xf32, #tpu.memory_space<vmem>>)
      %mul3A_123 = arith.constant 10000 : i32
      %mul3A_124 = arith.muli %add3A, %mul3A_123 : i32
      %mul3A_125 = arith.constant 80 : i32
      %mul3A_126 = arith.muli %mul3A_115, %mul3A_125 : i32
      %add3A_127 = arith.addi %mul3A_124, %mul3A_126 : i32
      %mul3A_128 = arith.constant 128 : i32
      %mul3A_129 = arith.muli %add3A_127, %mul3A_128 : i32
      %multiple_of3A_130 = tpu.assume_multiple %mul3A_129, 8 : i32
      %dma_wait3A_131 = tpu.memref_slice %arg3[%multiple_of3A_130] : memref<40960000xf32, #tpu.memory_space<hbm>> -> memref<10240xf32, #tpu.memory_space<hbm>>
      %dma_wait3A_132 = tpu.memref_slice %arg3[%multiple_of3A_130] : memref<40960000xf32, #tpu.memory_space<hbm>> -> memref<10240xf32, #tpu.memory_space<hbm>>
      tpu.wait_dma2 semaphore(%arg16 : memref<!tpu.dma_semaphore, #tpu.memory_space<semaphore_mem>>) src(%dma_wait3A_132 : memref<10240xf32, #tpu.memory_space<hbm>>) dst(%arg12 : memref<10240xf32, #tpu.memory_space<vmem>>)
      %add3A_133 = arith.constant 1 : i32
      %add3A_134 = arith.addi %mul3A_115, %add3A_133 : i32
      %min3A_135 = arith.constant 124 : i32
      %min3A_136 = arith.minsi %add3A_134, %min3A_135 : i32
      %dma_wait3A_137 = arith.constant 0 : i32
      %dma_wait3A_138 = arith.constant 0 : i32
      %dma_wait3A_139 = tpu.memref_slice %arg4[%add3A, %min3A_136, %dma_wait3A_137, %dma_wait3A_138] : memref<32x125x2x80xi32, #tpu.memory_space<hbm>> -> memref<1x1x2x80xi32, #tpu.memory_space<hbm>>
      %dma_wait3A_140 = tpu.memref_squeeze %dma_wait3A_139 : memref<1x1x2x80xi32, #tpu.memory_space<hbm>> -> memref<2x80xi32, #tpu.memory_space<hbm>>
      %dma_wait3A_141 = arith.constant 0 : i32
      %dma_wait3A_142 = arith.constant 0 : i32
      %dma_wait3A_143 = tpu.memref_slice %arg4[%add3A, %min3A_136, %dma_wait3A_141, %dma_wait3A_142] : memref<32x125x2x80xi32, #tpu.memory_space<hbm>> -> memref<1x1x2x80xi32, #tpu.memory_space<hbm>>
      %dma_wait3A_144 = tpu.memref_squeeze %dma_wait3A_143 : memref<1x1x2x80xi32, #tpu.memory_space<hbm>> -> memref<2x80xi32, #tpu.memory_space<hbm>>
      tpu.wait_dma2 semaphore(%arg19 : memref<!tpu.dma_semaphore, #tpu.memory_space<semaphore_mem>>) src(%dma_wait3A_144 : memref<2x80xi32, #tpu.memory_space<hbm>>) dst(%arg9 : memref<2x80xi32, #tpu.memory_space<vmem>>)
      %add3A_145 = arith.constant 1 : i32
      %add3A_146 = arith.addi %mul3A_115, %add3A_145 : i32
      %dma_start3A_147 = arith.constant 0 : i32
      %dma_start3A_148 = arith.constant 0 : i32
      %dma_start3A_149 = tpu.memref_slice %arg9[%dma_start3A_147, %dma_start3A_148] : memref<2x80xi32, #tpu.memory_space<vmem>> -> memref<1x80xi32, #tpu.memory_space<vmem>>
      %dma_start3A_150 = tpu.memref_squeeze %dma_start3A_149 : memref<1x80xi32, #tpu.memory_space<vmem>> -> memref<80xi32, #tpu.memory_space<vmem>>
      %dma_start3A_151 = arith.constant 0 : i32
      %dma_start3A_152 = arith.constant 0 : i32
      %dma_start3A_153 = tpu.memref_slice %arg2[%dma_start3A_151, %dma_start3A_152] : memref<10000x128xf32, #tpu.memory_space<hbm>> -> memref<10000x128xf32, #tpu.memory_space<hbm>>
      tpu.enqueue_indirect_dma source(%dma_start3A_153 : memref<10000x128xf32, #tpu.memory_space<hbm>>) target(%arg11 : memref<80x128xf32, #tpu.memory_space<vmem>>) offsets(%dma_start3A_150 : memref<80xi32, #tpu.memory_space<vmem>>) semaphore(%arg15 : memref<!tpu.dma_semaphore, #tpu.memory_space<semaphore_mem>>)
      %mul3A_154 = arith.constant 10000 : i32
      %mul3A_155 = arith.muli %add3A, %mul3A_154 : i32
      %mul3A_156 = arith.constant 80 : i32
      %mul3A_157 = arith.muli %add3A_146, %mul3A_156 : i32
      %add3A_158 = arith.addi %mul3A_155, %mul3A_157 : i32
      %mul3A_159 = arith.constant 128 : i32
      %mul3A_160 = arith.muli %add3A_158, %mul3A_159 : i32
      %multiple_of3A_161 = tpu.assume_multiple %mul3A_160, 8 : i32
      %dma_start3A_162 = tpu.memref_slice %arg3[%multiple_of3A_161] : memref<40960000xf32, #tpu.memory_space<hbm>> -> memref<10240xf32, #tpu.memory_space<hbm>>
      %dma_start3A_163 = tpu.memref_slice %arg3[%multiple_of3A_161] : memref<40960000xf32, #tpu.memory_space<hbm>> -> memref<10240xf32, #tpu.memory_space<hbm>>
      tpu.enqueue_dma source(%dma_start3A_163 : memref<10240xf32, #tpu.memory_space<hbm>>) target(%arg13 : memref<10240xf32, #tpu.memory_space<vmem>>) target_semaphore(%arg17 : memref<!tpu.dma_semaphore, #tpu.memory_space<semaphore_mem>>)
      %scan3A_164 = arith.constant 0 : i32
      %scan3A_165 = arith.constant 0 : i32
      %scan3A_166 = arith.constant 80 : i32
      %scan3A_167 = arith.addi %scan3A_165, %scan3A_166 : i32
      %scan3A_168 = arith.constant 1 : i32
      %scan3A_169 = scf.for %scan3A_257 = %scan3A_165 to %scan3A_167 step %scan3A_168 iter_args(%scan3A_258 = %scan3A_164) -> (i32)  : i32 {
        %mul3A_259 = arith.constant 128 : i32
        %mul3A_260 = arith.muli %scan3A_257, %mul3A_259 : i32
        %add3A_261 = arith.constant 0 : i32
        %add3A_262 = arith.addi %mul3A_260, %add3A_261 : i32
        %multiple_of3A_263 = tpu.assume_multiple %add3A_262, 16 : i32
        %get3A = arith.index_cast %scan3A_257 : i32 to index
        %get3A_264 = arith.constant 0 : index
        %get3A_265 = tpu.vector_load %arg10[%get3A, %get3A_264] {strides = array<i32>} : memref<80x128xf32, #tpu.memory_space<vmem>>, vector<1x16xf32>,
        %get3A_266 = vector.shape_cast %get3A_265 : vector<1x16xf32> to vector<16xf32>
        %get3A_267 = arith.index_cast %multiple_of3A_263 : i32 to index
        %get3A_268 = tpu.vector_load %arg12[%get3A_267] {strides = array<i32>} : memref<10240xf32, #tpu.memory_space<vmem>>, vector<16xf32>,
        %get3A_269 = vector.shape_cast %get3A_268 : vector<16xf32> to vector<16xf32>
        %add3A_270 = arith.addf %get3A_266, %get3A_269 : vector<16xf32>
        %max3A = arith.constant 0.000000e+00 : f32
        %max3A_271 = vector.broadcast %max3A : f32 to vector<16xf32>
        %max3A_272 = arith.maximumf %add3A_270, %max3A_271 : vector<16xf32>
        %swap3A = arith.index_cast %scan3A_257 : i32 to index
        %swap3A_273 = arith.constant 0 : index
        %swap3A_274 = tpu.vector_load %arg10[%swap3A, %swap3A_273] {strides = array<i32>} : memref<80x128xf32, #tpu.memory_space<vmem>>, vector<1x16xf32>,
        %swap3A_275 = vector.shape_cast %swap3A_274 : vector<1x16xf32> to vector<16xf32>
        %swap3A_276 = vector.shape_cast %max3A_272 : vector<16xf32> to vector<1x16xf32>
        tpu.vector_store %arg10[%swap3A, %swap3A_273], %swap3A_276 {strides = array<i32>} : memref<80x128xf32, #tpu.memory_space<vmem>>, vector<1x16xf32>,
        %mul3A_277 = arith.constant 128 : i32
        %mul3A_278 = arith.muli %scan3A_257, %mul3A_277 : i32
        %add3A_279 = arith.constant 16 : i32
        %add3A_280 = arith.addi %mul3A_278, %add3A_279 : i32
        %multiple_of3A_281 = tpu.assume_multiple %add3A_280, 16 : i32
        %get3A_282 = arith.index_cast %scan3A_257 : i32 to index
        %get3A_283 = arith.constant 16 : index
        %get3A_284 = tpu.vector_load %arg10[%get3A_282, %get3A_283] {strides = array<i32>} : memref<80x128xf32, #tpu.memory_space<vmem>>, vector<1x16xf32>,
        %get3A_285 = vector.shape_cast %get3A_284 : vector<1x16xf32> to vector<16xf32>
        %get3A_286 = arith.index_cast %multiple_of3A_281 : i32 to index
        %get3A_287 = tpu.vector_load %arg12[%get3A_286] {strides = array<i32>} : memref<10240xf32, #tpu.memory_space<vmem>>, vector<16xf32>,
        %get3A_288 = vector.shape_cast %get3A_287 : vector<16xf32> to vector<16xf32>
        %add3A_289 = arith.addf %get3A_285, %get3A_288 : vector<16xf32>
        %max3A_290 = arith.constant 0.000000e+00 : f32
        %max3A_291 = vector.broadcast %max3A_290 : f32 to vector<16xf32>
        %max3A_292 = arith.maximumf %add3A_289, %max3A_291 : vector<16xf32>
        %swap3A_293 = arith.index_cast %scan3A_257 : i32 to index
        %swap3A_294 = arith.constant 16 : index
        %swap3A_295 = tpu.vector_load %arg10[%swap3A_293, %swap3A_294] {strides = array<i32>} : memref<80x128xf32, #tpu.memory_space<vmem>>, vector<1x16xf32>,
        %swap3A_296 = vector.shape_cast %swap3A_295 : vector<1x16xf32> to vector<16xf32>
        %swap3A_297 = vector.shape_cast %max3A_292 : vector<16xf32> to vector<1x16xf32>
        tpu.vector_store %arg10[%swap3A_293, %swap3A_294], %swap3A_297 {strides = array<i32>} : memref<80x128xf32, #tpu.memory_space<vmem>>, vector<1x16xf32>,
        %mul3A_298 = arith.constant 128 : i32
        %mul3A_299 = arith.muli %scan3A_257, %mul3A_298 : i32
        %add3A_300 = arith.constant 32 : i32
        %add3A_301 = arith.addi %mul3A_299, %add3A_300 : i32
        %multiple_of3A_302 = tpu.assume_multiple %add3A_301, 16 : i32
        %get3A_303 = arith.index_cast %scan3A_257 : i32 to index
        %get3A_304 = arith.constant 32 : index
        %get3A_305 = tpu.vector_load %arg10[%get3A_303, %get3A_304] {strides = array<i32>} : memref<80x128xf32, #tpu.memory_space<vmem>>, vector<1x16xf32>,
        %get3A_306 = vector.shape_cast %get3A_305 : vector<1x16xf32> to vector<16xf32>
        %get3A_307 = arith.index_cast %multiple_of3A_302 : i32 to index
        %get3A_308 = tpu.vector_load %arg12[%get3A_307] {strides = array<i32>} : memref<10240xf32, #tpu.memory_space<vmem>>, vector<16xf32>,
        %get3A_309 = vector.shape_cast %get3A_308 : vector<16xf32> to vector<16xf32>
        %add3A_310 = arith.addf %get3A_306, %get3A_309 : vector<16xf32>
        %max3A_311 = arith.constant 0.000000e+00 : f32
        %max3A_312 = vector.broadcast %max3A_311 : f32 to vector<16xf32>
        %max3A_313 = arith.maximumf %add3A_310, %max3A_312 : vector<16xf32>
        %swap3A_314 = arith.index_cast %scan3A_257 : i32 to index
        %swap3A_315 = arith.constant 32 : index
        %swap3A_316 = tpu.vector_load %arg10[%swap3A_314, %swap3A_315] {strides = array<i32>} : memref<80x128xf32, #tpu.memory_space<vmem>>, vector<1x16xf32>,
        %swap3A_317 = vector.shape_cast %swap3A_316 : vector<1x16xf32> to vector<16xf32>
        %swap3A_318 = vector.shape_cast %max3A_313 : vector<16xf32> to vector<1x16xf32>
        tpu.vector_store %arg10[%swap3A_314, %swap3A_315], %swap3A_318 {strides = array<i32>} : memref<80x128xf32, #tpu.memory_space<vmem>>, vector<1x16xf32>,
        %mul3A_319 = arith.constant 128 : i32
        %mul3A_320 = arith.muli %scan3A_257, %mul3A_319 : i32
        %add3A_321 = arith.constant 48 : i32
        %add3A_322 = arith.addi %mul3A_320, %add3A_321 : i32
        %multiple_of3A_323 = tpu.assume_multiple %add3A_322, 16 : i32
        %get3A_324 = arith.index_cast %scan3A_257 : i32 to index
        %get3A_325 = arith.constant 48 : index
        %get3A_326 = tpu.vector_load %arg10[%get3A_324, %get3A_325] {strides = array<i32>} : memref<80x128xf32, #tpu.memory_space<vmem>>, vector<1x16xf32>,
        %get3A_327 = vector.shape_cast %get3A_326 : vector<1x16xf32> to vector<16xf32>
        %get3A_328 = arith.index_cast %multiple_of3A_323 : i32 to index
        %get3A_329 = tpu.vector_load %arg12[%get3A_328] {strides = array<i32>} : memref<10240xf32, #tpu.memory_space<vmem>>, vector<16xf32>,
        %get3A_330 = vector.shape_cast %get3A_329 : vector<16xf32> to vector<16xf32>
        %add3A_331 = arith.addf %get3A_327, %get3A_330 : vector<16xf32>
        %max3A_332 = arith.constant 0.000000e+00 : f32
        %max3A_333 = vector.broadcast %max3A_332 : f32 to vector<16xf32>
        %max3A_334 = arith.maximumf %add3A_331, %max3A_333 : vector<16xf32>
        %swap3A_335 = arith.index_cast %scan3A_257 : i32 to index
        %swap3A_336 = arith.constant 48 : index
        %swap3A_337 = tpu.vector_load %arg10[%swap3A_335, %swap3A_336] {strides = array<i32>} : memref<80x128xf32, #tpu.memory_space<vmem>>, vector<1x16xf32>,
        %swap3A_338 = vector.shape_cast %swap3A_337 : vector<1x16xf32> to vector<16xf32>
        %swap3A_339 = vector.shape_cast %max3A_334 : vector<16xf32> to vector<1x16xf32>
        tpu.vector_store %arg10[%swap3A_335, %swap3A_336], %swap3A_339 {strides = array<i32>} : memref<80x128xf32, #tpu.memory_space<vmem>>, vector<1x16xf32>,
        %mul3A_340 = arith.constant 128 : i32
        %mul3A_341 = arith.muli %scan3A_257, %mul3A_340 : i32
        %add3A_342 = arith.constant 64 : i32
        %add3A_343 = arith.addi %mul3A_341, %add3A_342 : i32
        %multiple_of3A_344 = tpu.assume_multiple %add3A_343, 16 : i32
        %get3A_345 = arith.index_cast %scan3A_257 : i32 to index
        %get3A_346 = arith.constant 64 : index
        %get3A_347 = tpu.vector_load %arg10[%get3A_345, %get3A_346] {strides = array<i32>} : memref<80x128xf32, #tpu.memory_space<vmem>>, vector<1x16xf32>,
        %get3A_348 = vector.shape_cast %get3A_347 : vector<1x16xf32> to vector<16xf32>
        %get3A_349 = arith.index_cast %multiple_of3A_344 : i32 to index
        %get3A_350 = tpu.vector_load %arg12[%get3A_349] {strides = array<i32>} : memref<10240xf32, #tpu.memory_space<vmem>>, vector<16xf32>,
        %get3A_351 = vector.shape_cast %get3A_350 : vector<16xf32> to vector<16xf32>
        %add3A_352 = arith.addf %get3A_348, %get3A_351 : vector<16xf32>
        %max3A_353 = arith.constant 0.000000e+00 : f32
        %max3A_354 = vector.broadcast %max3A_353 : f32 to vector<16xf32>
        %max3A_355 = arith.maximumf %add3A_352, %max3A_354 : vector<16xf32>
        %swap3A_356 = arith.index_cast %scan3A_257 : i32 to index
        %swap3A_357 = arith.constant 64 : index
        %swap3A_358 = tpu.vector_load %arg10[%swap3A_356, %swap3A_357] {strides = array<i32>} : memref<80x128xf32, #tpu.memory_space<vmem>>, vector<1x16xf32>,
        %swap3A_359 = vector.shape_cast %swap3A_358 : vector<1x16xf32> to vector<16xf32>
        %swap3A_360 = vector.shape_cast %max3A_355 : vector<16xf32> to vector<1x16xf32>
        tpu.vector_store %arg10[%swap3A_356, %swap3A_357], %swap3A_360 {strides = array<i32>} : memref<80x128xf32, #tpu.memory_space<vmem>>, vector<1x16xf32>,
        %mul3A_361 = arith.constant 128 : i32
        %mul3A_362 = arith.muli %scan3A_257, %mul3A_361 : i32
        %add3A_363 = arith.constant 80 : i32
        %add3A_364 = arith.addi %mul3A_362, %add3A_363 : i32
        %multiple_of3A_365 = tpu.assume_multiple %add3A_364, 16 : i32
        %get3A_366 = arith.index_cast %scan3A_257 : i32 to index
        %get3A_367 = arith.constant 80 : index
        %get3A_368 = tpu.vector_load %arg10[%get3A_366, %get3A_367] {strides = array<i32>} : memref<80x128xf32, #tpu.memory_space<vmem>>, vector<1x16xf32>,
        %get3A_369 = vector.shape_cast %get3A_368 : vector<1x16xf32> to vector<16xf32>
        %get3A_370 = arith.index_cast %multiple_of3A_365 : i32 to index
        %get3A_371 = tpu.vector_load %arg12[%get3A_370] {strides = array<i32>} : memref<10240xf32, #tpu.memory_space<vmem>>, vector<16xf32>,
        %get3A_372 = vector.shape_cast %get3A_371 : vector<16xf32> to vector<16xf32>
        %add3A_373 = arith.addf %get3A_369, %get3A_372 : vector<16xf32>
        %max3A_374 = arith.constant 0.000000e+00 : f32
        %max3A_375 = vector.broadcast %max3A_374 : f32 to vector<16xf32>
        %max3A_376 = arith.maximumf %add3A_373, %max3A_375 : vector<16xf32>
        %swap3A_377 = arith.index_cast %scan3A_257 : i32 to index
        %swap3A_378 = arith.constant 80 : index
        %swap3A_379 = tpu.vector_load %arg10[%swap3A_377, %swap3A_378] {strides = array<i32>} : memref<80x128xf32, #tpu.memory_space<vmem>>, vector<1x16xf32>,
        %swap3A_380 = vector.shape_cast %swap3A_379 : vector<1x16xf32> to vector<16xf32>
        %swap3A_381 = vector.shape_cast %max3A_376 : vector<16xf32> to vector<1x16xf32>
        tpu.vector_store %arg10[%swap3A_377, %swap3A_378], %swap3A_381 {strides = array<i32>} : memref<80x128xf32, #tpu.memory_space<vmem>>, vector<1x16xf32>,
        %mul3A_382 = arith.constant 128 : i32
        %mul3A_383 = arith.muli %scan3A_257, %mul3A_382 : i32
        %add3A_384 = arith.constant 96 : i32
        %add3A_385 = arith.addi %mul3A_383, %add3A_384 : i32
        %multiple_of3A_386 = tpu.assume_multiple %add3A_385, 16 : i32
        %get3A_387 = arith.index_cast %scan3A_257 : i32 to index
        %get3A_388 = arith.constant 96 : index
        %get3A_389 = tpu.vector_load %arg10[%get3A_387, %get3A_388] {strides = array<i32>} : memref<80x128xf32, #tpu.memory_space<vmem>>, vector<1x16xf32>,
        %get3A_390 = vector.shape_cast %get3A_389 : vector<1x16xf32> to vector<16xf32>
        %get3A_391 = arith.index_cast %multiple_of3A_386 : i32 to index
        %get3A_392 = tpu.vector_load %arg12[%get3A_391] {strides = array<i32>} : memref<10240xf32, #tpu.memory_space<vmem>>, vector<16xf32>,
        %get3A_393 = vector.shape_cast %get3A_392 : vector<16xf32> to vector<16xf32>
        %add3A_394 = arith.addf %get3A_390, %get3A_393 : vector<16xf32>
        %max3A_395 = arith.constant 0.000000e+00 : f32
        %max3A_396 = vector.broadcast %max3A_395 : f32 to vector<16xf32>
        %max3A_397 = arith.maximumf %add3A_394, %max3A_396 : vector<16xf32>
        %swap3A_398 = arith.index_cast %scan3A_257 : i32 to index
        %swap3A_399 = arith.constant 96 : index
        %swap3A_400 = tpu.vector_load %arg10[%swap3A_398, %swap3A_399] {strides = array<i32>} : memref<80x128xf32, #tpu.memory_space<vmem>>, vector<1x16xf32>,
        %swap3A_401 = vector.shape_cast %swap3A_400 : vector<1x16xf32> to vector<16xf32>
        %swap3A_402 = vector.shape_cast %max3A_397 : vector<16xf32> to vector<1x16xf32>
        tpu.vector_store %arg10[%swap3A_398, %swap3A_399], %swap3A_402 {strides = array<i32>} : memref<80x128xf32, #tpu.memory_space<vmem>>, vector<1x16xf32>,
        %mul3A_403 = arith.constant 128 : i32
        %mul3A_404 = arith.muli %scan3A_257, %mul3A_403 : i32
        %add3A_405 = arith.constant 112 : i32
        %add3A_406 = arith.addi %mul3A_404, %add3A_405 : i32
        %multiple_of3A_407 = tpu.assume_multiple %add3A_406, 16 : i32
        %get3A_408 = arith.index_cast %scan3A_257 : i32 to index
        %get3A_409 = arith.constant 112 : index
        %get3A_410 = tpu.vector_load %arg10[%get3A_408, %get3A_409] {strides = array<i32>} : memref<80x128xf32, #tpu.memory_space<vmem>>, vector<1x16xf32>,
        %get3A_411 = vector.shape_cast %get3A_410 : vector<1x16xf32> to vector<16xf32>
        %get3A_412 = arith.index_cast %multiple_of3A_407 : i32 to index
        %get3A_413 = tpu.vector_load %arg12[%get3A_412] {strides = array<i32>} : memref<10240xf32, #tpu.memory_space<vmem>>, vector<16xf32>,
        %get3A_414 = vector.shape_cast %get3A_413 : vector<16xf32> to vector<16xf32>
        %add3A_415 = arith.addf %get3A_411, %get3A_414 : vector<16xf32>
        %max3A_416 = arith.constant 0.000000e+00 : f32
        %max3A_417 = vector.broadcast %max3A_416 : f32 to vector<16xf32>
        %max3A_418 = arith.maximumf %add3A_415, %max3A_417 : vector<16xf32>
        %swap3A_419 = arith.index_cast %scan3A_257 : i32 to index
        %swap3A_420 = arith.constant 112 : index
        %swap3A_421 = tpu.vector_load %arg10[%swap3A_419, %swap3A_420] {strides = array<i32>} : memref<80x128xf32, #tpu.memory_space<vmem>>, vector<1x16xf32>,
        %swap3A_422 = vector.shape_cast %swap3A_421 : vector<1x16xf32> to vector<16xf32>
        %swap3A_423 = vector.shape_cast %max3A_418 : vector<16xf32> to vector<1x16xf32>
        tpu.vector_store %arg10[%swap3A_419, %swap3A_420], %swap3A_423 {strides = array<i32>} : memref<80x128xf32, #tpu.memory_space<vmem>>, vector<1x16xf32>,
        %scan3A_424 = arith.constant 0 : i32
        scf.yield %scan3A_424 : i32
      }
      %scan3A_170 = arith.constant 80 : i32
      %run_scoped3A_171 = arith.constant 1 : i32
      "tpu.region"() ({
        %run_scoped3A_257 = tpu.sem_alloc : memref<!tpu.dma_semaphore, #tpu.memory_space<semaphore_mem>>
        %dma_start3A_258 = arith.constant 0 : i32
        %dma_start3A_259 = tpu.memref_slice %arg8[%run_scoped3A_171, %dma_start3A_258] : memref<2x80xi32, #tpu.memory_space<vmem>> -> memref<1x80xi32, #tpu.memory_space<vmem>>
        %dma_start3A_260 = tpu.memref_squeeze %dma_start3A_259 : memref<1x80xi32, #tpu.memory_space<vmem>> -> memref<80xi32, #tpu.memory_space<vmem>>
        %dma_start3A_261 = arith.constant 0 : i32
        %dma_start3A_262 = arith.constant 0 : i32
        %dma_start3A_263 = tpu.memref_slice %arg6[%dma_start3A_261, %dma_start3A_262] : memref<10000x128xf32, #tpu.memory_space<vmem_shared>> -> memref<10000x128xf32, #tpu.memory_space<vmem_shared>>
        tpu.enqueue_indirect_dma source(%arg10 : memref<80x128xf32, #tpu.memory_space<vmem>>) target(%dma_start3A_263 : memref<10000x128xf32, #tpu.memory_space<vmem_shared>>) offsets(%dma_start3A_260 : memref<80xi32, #tpu.memory_space<vmem>>) semaphore(%run_scoped3A_257 : memref<!tpu.dma_semaphore, #tpu.memory_space<semaphore_mem>>) {add = true}
        %dma_wait3A_264 = arith.constant 0 : i32
        %dma_wait3A_265 = tpu.memref_slice %arg8[%run_scoped3A_171, %dma_wait3A_264] : memref<2x80xi32, #tpu.memory_space<vmem>> -> memref<1x80xi32, #tpu.memory_space<vmem>>
        %dma_wait3A_266 = tpu.memref_squeeze %dma_wait3A_265 : memref<1x80xi32, #tpu.memory_space<vmem>> -> memref<80xi32, #tpu.memory_space<vmem>>
        %dma_wait3A_267 = arith.constant 0 : i32
        %dma_wait3A_268 = arith.constant 0 : i32
        %dma_wait3A_269 = tpu.memref_slice %arg6[%dma_wait3A_267, %dma_wait3A_268] : memref<10000x128xf32, #tpu.memory_space<vmem_shared>> -> memref<10000x128xf32, #tpu.memory_space<vmem_shared>>
        tpu.wait_indirect_dma semaphore(%run_scoped3A_257 : memref<!tpu.dma_semaphore, #tpu.memory_space<semaphore_mem>>) src(%arg10 : memref<80x128xf32, #tpu.memory_space<vmem>>) dst(%dma_wait3A_269 : memref<10000x128xf32, #tpu.memory_space<vmem_shared>>)
        tpu.yield
      }) : () -> ()
      %add3A_172 = arith.constant 2 : i32
      %add3A_173 = arith.addi %mul3A_115, %add3A_172 : i32
      %min3A_174 = arith.constant 124 : i32
      %min3A_175 = arith.minsi %add3A_173, %min3A_174 : i32
      %dma_start3A_176 = arith.constant 0 : i32
      %dma_start3A_177 = arith.constant 0 : i32
      %dma_start3A_178 = tpu.memref_slice %arg4[%add3A, %min3A_175, %dma_start3A_176, %dma_start3A_177] : memref<32x125x2x80xi32, #tpu.memory_space<hbm>> -> memref<1x1x2x80xi32, #tpu.memory_space<hbm>>
      %dma_start3A_179 = tpu.memref_squeeze %dma_start3A_178 : memref<1x1x2x80xi32, #tpu.memory_space<hbm>> -> memref<2x80xi32, #tpu.memory_space<hbm>>
      %dma_start3A_180 = arith.constant 0 : i32
      %dma_start3A_181 = arith.constant 0 : i32
      %dma_start3A_182 = tpu.memref_slice %arg4[%add3A, %min3A_175, %dma_start3A_180, %dma_start3A_181] : memref<32x125x2x80xi32, #tpu.memory_space<hbm>> -> memref<1x1x2x80xi32, #tpu.memory_space<hbm>>
      %dma_start3A_183 = tpu.memref_squeeze %dma_start3A_182 : memref<1x1x2x80xi32, #tpu.memory_space<hbm>> -> memref<2x80xi32, #tpu.memory_space<hbm>>
      tpu.enqueue_dma source(%dma_start3A_183 : memref<2x80xi32, #tpu.memory_space<hbm>>) target(%arg8 : memref<2x80xi32, #tpu.memory_space<vmem>>) target_semaphore(%arg18 : memref<!tpu.dma_semaphore, #tpu.memory_space<semaphore_mem>>)
      %add3A_184 = arith.constant 1 : i32
      %add3A_185 = arith.addi %mul3A_115, %add3A_184 : i32
      %dma_wait3A_186 = arith.constant 0 : i32
      %dma_wait3A_187 = arith.constant 0 : i32
      %dma_wait3A_188 = tpu.memref_slice %arg9[%dma_wait3A_186, %dma_wait3A_187] : memref<2x80xi32, #tpu.memory_space<vmem>> -> memref<1x80xi32, #tpu.memory_space<vmem>>
      %dma_wait3A_189 = tpu.memref_squeeze %dma_wait3A_188 : memref<1x80xi32, #tpu.memory_space<vmem>> -> memref<80xi32, #tpu.memory_space<vmem>>
      %dma_wait3A_190 = arith.constant 0 : i32
      %dma_wait3A_191 = arith.constant 0 : i32
      %dma_wait3A_192 = tpu.memref_slice %arg2[%dma_wait3A_190, %dma_wait3A_191] : memref<10000x128xf32, #tpu.memory_space<hbm>> -> memref<10000x128xf32, #tpu.memory_space<hbm>>
      tpu.wait_indirect_dma semaphore(%arg15 : memref<!tpu.dma_semaphore, #tpu.memory_space<semaphore_mem>>) src(%dma_wait3A_192 : memref<10000x128xf32, #tpu.memory_space<hbm>>) dst(%arg11 : memref<80x128xf32, #tpu.memory_space<vmem>>)
      %mul3A_193 = arith.constant 10000 : i32
      %mul3A_194 = arith.muli %add3A, %mul3A_193 : i32
      %mul3A_195 = arith.constant 80 : i32
      %mul3A_196 = arith.muli %add3A_185, %mul3A_195 : i32
      %add3A_197 = arith.addi %mul3A_194, %mul3A_196 : i32
      %mul3A_198 = arith.constant 128 : i32
      %mul3A_199 = arith.muli %add3A_197, %mul3A_198 : i32
      %multiple_of3A_200 = tpu.assume_multiple %mul3A_199, 8 : i32
      %dma_wait3A_201 = tpu.memref_slice %arg3[%multiple_of3A_200] : memref<40960000xf32, #tpu.memory_space<hbm>> -> memref<10240xf32, #tpu.memory_space<hbm>>
      %dma_wait3A_202 = tpu.memref_slice %arg3[%multiple_of3A_200] : memref<40960000xf32, #tpu.memory_space<hbm>> -> memref<10240xf32, #tpu.memory_space<hbm>>
      tpu.wait_dma2 semaphore(%arg17 : memref<!tpu.dma_semaphore, #tpu.memory_space<semaphore_mem>>) src(%dma_wait3A_202 : memref<10240xf32, #tpu.memory_space<hbm>>) dst(%arg13 : memref<10240xf32, #tpu.memory_space<vmem>>)
      %add3A_203 = arith.constant 2 : i32
      %add3A_204 = arith.addi %mul3A_115, %add3A_203 : i32
      %min3A_205 = arith.constant 124 : i32
      %min3A_206 = arith.minsi %add3A_204, %min3A_205 : i32
      %dma_wait3A_207 = arith.constant 0 : i32
      %dma_wait3A_208 = arith.constant 0 : i32
      %dma_wait3A_209 = tpu.memref_slice %arg4[%add3A, %min3A_206, %dma_wait3A_207, %dma_wait3A_208] : memref<32x125x2x80xi32, #tpu.memory_space<hbm>> -> memref<1x1x2x80xi32, #tpu.memory_space<hbm>>
      %dma_wait3A_210 = tpu.memref_squeeze %dma_wait3A_209 : memref<1x1x2x80xi32, #tpu.memory_space<hbm>> -> memref<2x80xi32, #tpu.memory_space<hbm>>
      %dma_wait3A_211 = arith.constant 0 : i32
      %dma_wait3A_212 = arith.constant 0 : i32
      %dma_wait3A_213 = tpu.memref_slice %arg4[%add3A, %min3A_206, %dma_wait3A_211, %dma_wait3A_212] : memref<32x125x2x80xi32, #tpu.memory_space<hbm>> -> memref<1x1x2x80xi32, #tpu.memory_space<hbm>>
      %dma_wait3A_214 = tpu.memref_squeeze %dma_wait3A_213 : memref<1x1x2x80xi32, #tpu.memory_space<hbm>> -> memref<2x80xi32, #tpu.memory_space<hbm>>
      tpu.wait_dma2 semaphore(%arg18 : memref<!tpu.dma_semaphore, #tpu.memory_space<semaphore_mem>>) src(%dma_wait3A_214 : memref<2x80xi32, #tpu.memory_space<hbm>>) dst(%arg8 : memref<2x80xi32, #tpu.memory_space<vmem>>)
      %add3A_215 = arith.constant 2 : i32
      %add3A_216 = arith.addi %mul3A_115, %add3A_215 : i32
      %dma_start3A_217 = arith.constant 0 : i32
      %dma_start3A_218 = arith.constant 0 : i32
      %dma_start3A_219 = tpu.memref_slice %arg8[%dma_start3A_217, %dma_start3A_218] : memref<2x80xi32, #tpu.memory_space<vmem>> -> memref<1x80xi32, #tpu.memory_space<vmem>>
      %dma_start3A_220 = tpu.memref_squeeze %dma_start3A_219 : memref<1x80xi32, #tpu.memory_space<vmem>> -> memref<80xi32, #tpu.memory_space<vmem>>
      %dma_start3A_221 = arith.constant 0 : i32
      %dma_start3A_222 = arith.constant 0 : i32
      %dma_start3A_223 = tpu.memref_slice %arg2[%dma_start3A_221, %dma_start3A_222] : memref<10000x128xf32, #tpu.memory_space<hbm>> -> memref<10000x128xf32, #tpu.memory_space<hbm>>
      tpu.enqueue_indirect_dma source(%dma_start3A_223 : memref<10000x128xf32, #tpu.memory_space<hbm>>) target(%arg10 : memref<80x128xf32, #tpu.memory_space<vmem>>) offsets(%dma_start3A_220 : memref<80xi32, #tpu.memory_space<vmem>>) semaphore(%arg14 : memref<!tpu.dma_semaphore, #tpu.memory_space<semaphore_mem>>)
      %mul3A_224 = arith.constant 10000 : i32
      %mul3A_225 = arith.muli %add3A, %mul3A_224 : i32
      %mul3A_226 = arith.constant 80 : i32
      %mul3A_227 = arith.muli %add3A_216, %mul3A_226 : i32
      %add3A_228 = arith.addi %mul3A_225, %mul3A_227 : i32
      %mul3A_229 = arith.constant 128 : i32
      %mul3A_230 = arith.muli %add3A_228, %mul3A_229 : i32
      %multiple_of3A_231 = tpu.assume_multiple %mul3A_230, 8 : i32
      %dma_start3A_232 = tpu.memref_slice %arg3[%multiple_of3A_231] : memref<40960000xf32, #tpu.memory_space<hbm>> -> memref<10240xf32, #tpu.memory_space<hbm>>
      %dma_start3A_233 = tpu.memref_slice %arg3[%multiple_of3A_231] : memref<40960000xf32, #tpu.memory_space<hbm>> -> memref<10240xf32, #tpu.memory_space<hbm>>
      tpu.enqueue_dma source(%dma_start3A_233 : memref<10240xf32, #tpu.memory_space<hbm>>) target(%arg12 : memref<10240xf32, #tpu.memory_space<vmem>>) target_semaphore(%arg16 : memref<!tpu.dma_semaphore, #tpu.memory_space<semaphore_mem>>)
      %add3A_234 = arith.constant 1 : i32
      %add3A_235 = arith.addi %mul3A_115, %add3A_234 : i32
      %scan3A_236 = arith.constant 0 : i32
      %scan3A_237 = arith.constant 0 : i32
      %scan3A_238 = arith.constant 80 : i32
      %scan3A_239 = arith.addi %scan3A_237, %scan3A_238 : i32
      %scan3A_240 = arith.constant 1 : i32
      %scan3A_241 = scf.for %scan3A_257 = %scan3A_237 to %scan3A_239 step %scan3A_240 iter_args(%scan3A_258 = %scan3A_236) -> (i32)  : i32 {
        %mul3A_259 = arith.constant 128 : i32
        %mul3A_260 = arith.muli %scan3A_257, %mul3A_259 : i32
        %add3A_261 = arith.constant 0 : i32
        %add3A_262 = arith.addi %mul3A_260, %add3A_261 : i32
        %multiple_of3A_263 = tpu.assume_multiple %add3A_262, 16 : i32
        %get3A = arith.index_cast %scan3A_257 : i32 to index
        %get3A_264 = arith.constant 0 : index
        %get3A_265 = tpu.vector_load %arg11[%get3A, %get3A_264] {strides = array<i32>} : memref<80x128xf32, #tpu.memory_space<vmem>>, vector<1x16xf32>,
        %get3A_266 = vector.shape_cast %get3A_265 : vector<1x16xf32> to vector<16xf32>
        %get3A_267 = arith.index_cast %multiple_of3A_263 : i32 to index
        %get3A_268 = tpu.vector_load %arg13[%get3A_267] {strides = array<i32>} : memref<10240xf32, #tpu.memory_space<vmem>>, vector<16xf32>,
        %get3A_269 = vector.shape_cast %get3A_268 : vector<16xf32> to vector<16xf32>
        %add3A_270 = arith.addf %get3A_266, %get3A_269 : vector<16xf32>
        %max3A = arith.constant 0.000000e+00 : f32
        %max3A_271 = vector.broadcast %max3A : f32 to vector<16xf32>
        %max3A_272 = arith.maximumf %add3A_270, %max3A_271 : vector<16xf32>
        %swap3A = arith.index_cast %scan3A_257 : i32 to index
        %swap3A_273 = arith.constant 0 : index
        %swap3A_274 = tpu.vector_load %arg11[%swap3A, %swap3A_273] {strides = array<i32>} : memref<80x128xf32, #tpu.memory_space<vmem>>, vector<1x16xf32>,
        %swap3A_275 = vector.shape_cast %swap3A_274 : vector<1x16xf32> to vector<16xf32>
        %swap3A_276 = vector.shape_cast %max3A_272 : vector<16xf32> to vector<1x16xf32>
        tpu.vector_store %arg11[%swap3A, %swap3A_273], %swap3A_276 {strides = array<i32>} : memref<80x128xf32, #tpu.memory_space<vmem>>, vector<1x16xf32>,
        %mul3A_277 = arith.constant 128 : i32
        %mul3A_278 = arith.muli %scan3A_257, %mul3A_277 : i32
        %add3A_279 = arith.constant 16 : i32
        %add3A_280 = arith.addi %mul3A_278, %add3A_279 : i32
        %multiple_of3A_281 = tpu.assume_multiple %add3A_280, 16 : i32
        %get3A_282 = arith.index_cast %scan3A_257 : i32 to index
        %get3A_283 = arith.constant 16 : index
        %get3A_284 = tpu.vector_load %arg11[%get3A_282, %get3A_283] {strides = array<i32>} : memref<80x128xf32, #tpu.memory_space<vmem>>, vector<1x16xf32>,
        %get3A_285 = vector.shape_cast %get3A_284 : vector<1x16xf32> to vector<16xf32>
        %get3A_286 = arith.index_cast %multiple_of3A_281 : i32 to index
        %get3A_287 = tpu.vector_load %arg13[%get3A_286] {strides = array<i32>} : memref<10240xf32, #tpu.memory_space<vmem>>, vector<16xf32>,
        %get3A_288 = vector.shape_cast %get3A_287 : vector<16xf32> to vector<16xf32>
        %add3A_289 = arith.addf %get3A_285, %get3A_288 : vector<16xf32>
        %max3A_290 = arith.constant 0.000000e+00 : f32
        %max3A_291 = vector.broadcast %max3A_290 : f32 to vector<16xf32>
        %max3A_292 = arith.maximumf %add3A_289, %max3A_291 : vector<16xf32>
        %swap3A_293 = arith.index_cast %scan3A_257 : i32 to index
        %swap3A_294 = arith.constant 16 : index
        %swap3A_295 = tpu.vector_load %arg11[%swap3A_293, %swap3A_294] {strides = array<i32>} : memref<80x128xf32, #tpu.memory_space<vmem>>, vector<1x16xf32>,
        %swap3A_296 = vector.shape_cast %swap3A_295 : vector<1x16xf32> to vector<16xf32>
        %swap3A_297 = vector.shape_cast %max3A_292 : vector<16xf32> to vector<1x16xf32>
        tpu.vector_store %arg11[%swap3A_293, %swap3A_294], %swap3A_297 {strides = array<i32>} : memref<80x128xf32, #tpu.memory_space<vmem>>, vector<1x16xf32>,
        %mul3A_298 = arith.constant 128 : i32
        %mul3A_299 = arith.muli %scan3A_257, %mul3A_298 : i32
        %add3A_300 = arith.constant 32 : i32
        %add3A_301 = arith.addi %mul3A_299, %add3A_300 : i32
        %multiple_of3A_302 = tpu.assume_multiple %add3A_301, 16 : i32
        %get3A_303 = arith.index_cast %scan3A_257 : i32 to index
        %get3A_304 = arith.constant 32 : index
        %get3A_305 = tpu.vector_load %arg11[%get3A_303, %get3A_304] {strides = array<i32>} : memref<80x128xf32, #tpu.memory_space<vmem>>, vector<1x16xf32>,
        %get3A_306 = vector.shape_cast %get3A_305 : vector<1x16xf32> to vector<16xf32>
        %get3A_307 = arith.index_cast %multiple_of3A_302 : i32 to index
        %get3A_308 = tpu.vector_load %arg13[%get3A_307] {strides = array<i32>} : memref<10240xf32, #tpu.memory_space<vmem>>, vector<16xf32>,
        %get3A_309 = vector.shape_cast %get3A_308 : vector<16xf32> to vector<16xf32>
        %add3A_310 = arith.addf %get3A_306, %get3A_309 : vector<16xf32>
        %max3A_311 = arith.constant 0.000000e+00 : f32
        %max3A_312 = vector.broadcast %max3A_311 : f32 to vector<16xf32>
        %max3A_313 = arith.maximumf %add3A_310, %max3A_312 : vector<16xf32>
        %swap3A_314 = arith.index_cast %scan3A_257 : i32 to index
        %swap3A_315 = arith.constant 32 : index
        %swap3A_316 = tpu.vector_load %arg11[%swap3A_314, %swap3A_315] {strides = array<i32>} : memref<80x128xf32, #tpu.memory_space<vmem>>, vector<1x16xf32>,
        %swap3A_317 = vector.shape_cast %swap3A_316 : vector<1x16xf32> to vector<16xf32>
        %swap3A_318 = vector.shape_cast %max3A_313 : vector<16xf32> to vector<1x16xf32>
        tpu.vector_store %arg11[%swap3A_314, %swap3A_315], %swap3A_318 {strides = array<i32>} : memref<80x128xf32, #tpu.memory_space<vmem>>, vector<1x16xf32>,
        %mul3A_319 = arith.constant 128 : i32
        %mul3A_320 = arith.muli %scan3A_257, %mul3A_319 : i32
        %add3A_321 = arith.constant 48 : i32
        %add3A_322 = arith.addi %mul3A_320, %add3A_321 : i32
        %multiple_of3A_323 = tpu.assume_multiple %add3A_322, 16 : i32
        %get3A_324 = arith.index_cast %scan3A_257 : i32 to index
        %get3A_325 = arith.constant 48 : index
        %get3A_326 = tpu.vector_load %arg11[%get3A_324, %get3A_325] {strides = array<i32>} : memref<80x128xf32, #tpu.memory_space<vmem>>, vector<1x16xf32>,
        %get3A_327 = vector.shape_cast %get3A_326 : vector<1x16xf32> to vector<16xf32>
        %get3A_328 = arith.index_cast %multiple_of3A_323 : i32 to index
        %get3A_329 = tpu.vector_load %arg13[%get3A_328] {strides = array<i32>} : memref<10240xf32, #tpu.memory_space<vmem>>, vector<16xf32>,
        %get3A_330 = vector.shape_cast %get3A_329 : vector<16xf32> to vector<16xf32>
        %add3A_331 = arith.addf %get3A_327, %get3A_330 : vector<16xf32>
        %max3A_332 = arith.constant 0.000000e+00 : f32
        %max3A_333 = vector.broadcast %max3A_332 : f32 to vector<16xf32>
        %max3A_334 = arith.maximumf %add3A_331, %max3A_333 : vector<16xf32>
        %swap3A_335 = arith.index_cast %scan3A_257 : i32 to index
        %swap3A_336 = arith.constant 48 : index
        %swap3A_337 = tpu.vector_load %arg11[%swap3A_335, %swap3A_336] {strides = array<i32>} : memref<80x128xf32, #tpu.memory_space<vmem>>, vector<1x16xf32>,
        %swap3A_338 = vector.shape_cast %swap3A_337 : vector<1x16xf32> to vector<16xf32>
        %swap3A_339 = vector.shape_cast %max3A_334 : vector<16xf32> to vector<1x16xf32>
        tpu.vector_store %arg11[%swap3A_335, %swap3A_336], %swap3A_339 {strides = array<i32>} : memref<80x128xf32, #tpu.memory_space<vmem>>, vector<1x16xf32>,
        %mul3A_340 = arith.constant 128 : i32
        %mul3A_341 = arith.muli %scan3A_257, %mul3A_340 : i32
        %add3A_342 = arith.constant 64 : i32
        %add3A_343 = arith.addi %mul3A_341, %add3A_342 : i32
        %multiple_of3A_344 = tpu.assume_multiple %add3A_343, 16 : i32
        %get3A_345 = arith.index_cast %scan3A_257 : i32 to index
        %get3A_346 = arith.constant 64 : index
        %get3A_347 = tpu.vector_load %arg11[%get3A_345, %get3A_346] {strides = array<i32>} : memref<80x128xf32, #tpu.memory_space<vmem>>, vector<1x16xf32>,
        %get3A_348 = vector.shape_cast %get3A_347 : vector<1x16xf32> to vector<16xf32>
        %get3A_349 = arith.index_cast %multiple_of3A_344 : i32 to index
        %get3A_350 = tpu.vector_load %arg13[%get3A_349] {strides = array<i32>} : memref<10240xf32, #tpu.memory_space<vmem>>, vector<16xf32>,
        %get3A_351 = vector.shape_cast %get3A_350 : vector<16xf32> to vector<16xf32>
        %add3A_352 = arith.addf %get3A_348, %get3A_351 : vector<16xf32>
        %max3A_353 = arith.constant 0.000000e+00 : f32
        %max3A_354 = vector.broadcast %max3A_353 : f32 to vector<16xf32>
        %max3A_355 = arith.maximumf %add3A_352, %max3A_354 : vector<16xf32>
        %swap3A_356 = arith.index_cast %scan3A_257 : i32 to index
        %swap3A_357 = arith.constant 64 : index
        %swap3A_358 = tpu.vector_load %arg11[%swap3A_356, %swap3A_357] {strides = array<i32>} : memref<80x128xf32, #tpu.memory_space<vmem>>, vector<1x16xf32>,
        %swap3A_359 = vector.shape_cast %swap3A_358 : vector<1x16xf32> to vector<16xf32>
        %swap3A_360 = vector.shape_cast %max3A_355 : vector<16xf32> to vector<1x16xf32>
        tpu.vector_store %arg11[%swap3A_356, %swap3A_357], %swap3A_360 {strides = array<i32>} : memref<80x128xf32, #tpu.memory_space<vmem>>, vector<1x16xf32>,
        %mul3A_361 = arith.constant 128 : i32
        %mul3A_362 = arith.muli %scan3A_257, %mul3A_361 : i32
        %add3A_363 = arith.constant 80 : i32
        %add3A_364 = arith.addi %mul3A_362, %add3A_363 : i32
        %multiple_of3A_365 = tpu.assume_multiple %add3A_364, 16 : i32
        %get3A_366 = arith.index_cast %scan3A_257 : i32 to index
        %get3A_367 = arith.constant 80 : index
        %get3A_368 = tpu.vector_load %arg11[%get3A_366, %get3A_367] {strides = array<i32>} : memref<80x128xf32, #tpu.memory_space<vmem>>, vector<1x16xf32>,
        %get3A_369 = vector.shape_cast %get3A_368 : vector<1x16xf32> to vector<16xf32>
        %get3A_370 = arith.index_cast %multiple_of3A_365 : i32 to index
        %get3A_371 = tpu.vector_load %arg13[%get3A_370] {strides = array<i32>} : memref<10240xf32, #tpu.memory_space<vmem>>, vector<16xf32>,
        %get3A_372 = vector.shape_cast %get3A_371 : vector<16xf32> to vector<16xf32>
        %add3A_373 = arith.addf %get3A_369, %get3A_372 : vector<16xf32>
        %max3A_374 = arith.constant 0.000000e+00 : f32
        %max3A_375 = vector.broadcast %max3A_374 : f32 to vector<16xf32>
        %max3A_376 = arith.maximumf %add3A_373, %max3A_375 : vector<16xf32>
        %swap3A_377 = arith.index_cast %scan3A_257 : i32 to index
        %swap3A_378 = arith.constant 80 : index
        %swap3A_379 = tpu.vector_load %arg11[%swap3A_377, %swap3A_378] {strides = array<i32>} : memref<80x128xf32, #tpu.memory_space<vmem>>, vector<1x16xf32>,
        %swap3A_380 = vector.shape_cast %swap3A_379 : vector<1x16xf32> to vector<16xf32>
        %swap3A_381 = vector.shape_cast %max3A_376 : vector<16xf32> to vector<1x16xf32>
        tpu.vector_store %arg11[%swap3A_377, %swap3A_378], %swap3A_381 {strides = array<i32>} : memref<80x128xf32, #tpu.memory_space<vmem>>, vector<1x16xf32>,
        %mul3A_382 = arith.constant 128 : i32
        %mul3A_383 = arith.muli %scan3A_257, %mul3A_382 : i32
        %add3A_384 = arith.constant 96 : i32
        %add3A_385 = arith.addi %mul3A_383, %add3A_384 : i32
        %multiple_of3A_386 = tpu.assume_multiple %add3A_385, 16 : i32
        %get3A_387 = arith.index_cast %scan3A_257 : i32 to index
        %get3A_388 = arith.constant 96 : index
        %get3A_389 = tpu.vector_load %arg11[%get3A_387, %get3A_388] {strides = array<i32>} : memref<80x128xf32, #tpu.memory_space<vmem>>, vector<1x16xf32>,
        %get3A_390 = vector.shape_cast %get3A_389 : vector<1x16xf32> to vector<16xf32>
        %get3A_391 = arith.index_cast %multiple_of3A_386 : i32 to index
        %get3A_392 = tpu.vector_load %arg13[%get3A_391] {strides = array<i32>} : memref<10240xf32, #tpu.memory_space<vmem>>, vector<16xf32>,
        %get3A_393 = vector.shape_cast %get3A_392 : vector<16xf32> to vector<16xf32>
        %add3A_394 = arith.addf %get3A_390, %get3A_393 : vector<16xf32>
        %max3A_395 = arith.constant 0.000000e+00 : f32
        %max3A_396 = vector.broadcast %max3A_395 : f32 to vector<16xf32>
        %max3A_397 = arith.maximumf %add3A_394, %max3A_396 : vector<16xf32>
        %swap3A_398 = arith.index_cast %scan3A_257 : i32 to index
        %swap3A_399 = arith.constant 96 : index
        %swap3A_400 = tpu.vector_load %arg11[%swap3A_398, %swap3A_399] {strides = array<i32>} : memref<80x128xf32, #tpu.memory_space<vmem>>, vector<1x16xf32>,
        %swap3A_401 = vector.shape_cast %swap3A_400 : vector<1x16xf32> to vector<16xf32>
        %swap3A_402 = vector.shape_cast %max3A_397 : vector<16xf32> to vector<1x16xf32>
        tpu.vector_store %arg11[%swap3A_398, %swap3A_399], %swap3A_402 {strides = array<i32>} : memref<80x128xf32, #tpu.memory_space<vmem>>, vector<1x16xf32>,
        %mul3A_403 = arith.constant 128 : i32
        %mul3A_404 = arith.muli %scan3A_257, %mul3A_403 : i32
        %add3A_405 = arith.constant 112 : i32
        %add3A_406 = arith.addi %mul3A_404, %add3A_405 : i32
        %multiple_of3A_407 = tpu.assume_multiple %add3A_406, 16 : i32
        %get3A_408 = arith.index_cast %scan3A_257 : i32 to index
        %get3A_409 = arith.constant 112 : index
        %get3A_410 = tpu.vector_load %arg11[%get3A_408, %get3A_409] {strides = array<i32>} : memref<80x128xf32, #tpu.memory_space<vmem>>, vector<1x16xf32>,
        %get3A_411 = vector.shape_cast %get3A_410 : vector<1x16xf32> to vector<16xf32>
        %get3A_412 = arith.index_cast %multiple_of3A_407 : i32 to index
        %get3A_413 = tpu.vector_load %arg13[%get3A_412] {strides = array<i32>} : memref<10240xf32, #tpu.memory_space<vmem>>, vector<16xf32>,
        %get3A_414 = vector.shape_cast %get3A_413 : vector<16xf32> to vector<16xf32>
        %add3A_415 = arith.addf %get3A_411, %get3A_414 : vector<16xf32>
        %max3A_416 = arith.constant 0.000000e+00 : f32
        %max3A_417 = vector.broadcast %max3A_416 : f32 to vector<16xf32>
        %max3A_418 = arith.maximumf %add3A_415, %max3A_417 : vector<16xf32>
        %swap3A_419 = arith.index_cast %scan3A_257 : i32 to index
        %swap3A_420 = arith.constant 112 : index
        %swap3A_421 = tpu.vector_load %arg11[%swap3A_419, %swap3A_420] {strides = array<i32>} : memref<80x128xf32, #tpu.memory_space<vmem>>, vector<1x16xf32>,
        %swap3A_422 = vector.shape_cast %swap3A_421 : vector<1x16xf32> to vector<16xf32>
        %swap3A_423 = vector.shape_cast %max3A_418 : vector<16xf32> to vector<1x16xf32>
        tpu.vector_store %arg11[%swap3A_419, %swap3A_420], %swap3A_423 {strides = array<i32>} : memref<80x128xf32, #tpu.memory_space<vmem>>, vector<1x16xf32>,
        %scan3A_424 = arith.constant 0 : i32
        scf.yield %scan3A_424 : i32
      }
      %scan3A_242 = arith.constant 80 : i32
      %run_scoped3A_243 = arith.constant 1 : i32
      "tpu.region"() ({
        %run_scoped3A_257 = tpu.sem_alloc : memref<!tpu.dma_semaphore, #tpu.memory_space<semaphore_mem>>
        %dma_start3A_258 = arith.constant 0 : i32
        %dma_start3A_259 = tpu.memref_slice %arg9[%run_scoped3A_243, %dma_start3A_258] : memref<2x80xi32, #tpu.memory_space<vmem>> -> memref<1x80xi32, #tpu.memory_space<vmem>>
        %dma_start3A_260 = tpu.memref_squeeze %dma_start3A_259 : memref<1x80xi32, #tpu.memory_space<vmem>> -> memref<80xi32, #tpu.memory_space<vmem>>
        %dma_start3A_261 = arith.constant 0 : i32
        %dma_start3A_262 = arith.constant 0 : i32
        %dma_start3A_263 = tpu.memref_slice %arg6[%dma_start3A_261, %dma_start3A_262] : memref<10000x128xf32, #tpu.memory_space<vmem_shared>> -> memref<10000x128xf32, #tpu.memory_space<vmem_shared>>
        tpu.enqueue_indirect_dma source(%arg11 : memref<80x128xf32, #tpu.memory_space<vmem>>) target(%dma_start3A_263 : memref<10000x128xf32, #tpu.memory_space<vmem_shared>>) offsets(%dma_start3A_260 : memref<80xi32, #tpu.memory_space<vmem>>) semaphore(%run_scoped3A_257 : memref<!tpu.dma_semaphore, #tpu.memory_space<semaphore_mem>>) {add = true}
        %dma_wait3A_264 = arith.constant 0 : i32
        %dma_wait3A_265 = tpu.memref_slice %arg9[%run_scoped3A_243, %dma_wait3A_264] : memref<2x80xi32, #tpu.memory_space<vmem>> -> memref<1x80xi32, #tpu.memory_space<vmem>>
        %dma_wait3A_266 = tpu.memref_squeeze %dma_wait3A_265 : memref<1x80xi32, #tpu.memory_space<vmem>> -> memref<80xi32, #tpu.memory_space<vmem>>
        %dma_wait3A_267 = arith.constant 0 : i32
        %dma_wait3A_268 = arith.constant 0 : i32
        %dma_wait3A_269 = tpu.memref_slice %arg6[%dma_wait3A_267, %dma_wait3A_268] : memref<10000x128xf32, #tpu.memory_space<vmem_shared>> -> memref<10000x128xf32, #tpu.memory_space<vmem_shared>>
        tpu.wait_indirect_dma semaphore(%run_scoped3A_257 : memref<!tpu.dma_semaphore, #tpu.memory_space<semaphore_mem>>) src(%arg11 : memref<80x128xf32, #tpu.memory_space<vmem>>) dst(%dma_wait3A_269 : memref<10000x128xf32, #tpu.memory_space<vmem_shared>>)
        tpu.yield
      }) : () -> ()
      %add3A_244 = arith.constant 3 : i32
      %add3A_245 = arith.addi %mul3A_115, %add3A_244 : i32
      %min3A_246 = arith.constant 124 : i32
      %min3A_247 = arith.minsi %add3A_245, %min3A_246 : i32
      %dma_start3A_248 = arith.constant 0 : i32
      %dma_start3A_249 = arith.constant 0 : i32
      %dma_start3A_250 = tpu.memref_slice %arg4[%add3A, %min3A_247, %dma_start3A_248, %dma_start3A_249] : memref<32x125x2x80xi32, #tpu.memory_space<hbm>> -> memref<1x1x2x80xi32, #tpu.memory_space<hbm>>
      %dma_start3A_251 = tpu.memref_squeeze %dma_start3A_250 : memref<1x1x2x80xi32, #tpu.memory_space<hbm>> -> memref<2x80xi32, #tpu.memory_space<hbm>>
      %dma_start3A_252 = arith.constant 0 : i32
      %dma_start3A_253 = arith.constant 0 : i32
      %dma_start3A_254 = tpu.memref_slice %arg4[%add3A, %min3A_247, %dma_start3A_252, %dma_start3A_253] : memref<32x125x2x80xi32, #tpu.memory_space<hbm>> -> memref<1x1x2x80xi32, #tpu.memory_space<hbm>>
      %dma_start3A_255 = tpu.memref_squeeze %dma_start3A_254 : memref<1x1x2x80xi32, #tpu.memory_space<hbm>> -> memref<2x80xi32, #tpu.memory_space<hbm>>
      tpu.enqueue_dma source(%dma_start3A_255 : memref<2x80xi32, #tpu.memory_space<hbm>>) target(%arg9 : memref<2x80xi32, #tpu.memory_space<vmem>>) target_semaphore(%arg19 : memref<!tpu.dma_semaphore, #tpu.memory_space<semaphore_mem>>)
      %scan3A_256 = arith.constant 0 : i32
      scf.yield %scan3A_256 : i32
    }
    %scan3A_68 = arith.constant 62 : i32
    %dma_wait3A_69 = arith.constant 0 : i32
    %dma_wait3A_70 = arith.constant 0 : i32
    %dma_wait3A_71 = tpu.memref_slice %arg8[%dma_wait3A_69, %dma_wait3A_70] : memref<2x80xi32, #tpu.memory_space<vmem>> -> memref<1x80xi32, #tpu.memory_space<vmem>>
    %dma_wait3A_72 = tpu.memref_squeeze %dma_wait3A_71 : memref<1x80xi32, #tpu.memory_space<vmem>> -> memref<80xi32, #tpu.memory_space<vmem>>
    %dma_wait3A_73 = arith.constant 0 : i32
    %dma_wait3A_74 = arith.constant 0 : i32
    %dma_wait3A_75 = tpu.memref_slice %arg2[%dma_wait3A_73, %dma_wait3A_74] : memref<10000x128xf32, #tpu.memory_space<hbm>> -> memref<10000x128xf32, #tpu.memory_space<hbm>>
    tpu.wait_indirect_dma semaphore(%arg14 : memref<!tpu.dma_semaphore, #tpu.memory_space<semaphore_mem>>) src(%dma_wait3A_75 : memref<10000x128xf32, #tpu.memory_space<hbm>>) dst(%arg10 : memref<80x128xf32, #tpu.memory_space<vmem>>)
    %mul3A_76 = arith.constant 10000 : i32
    %mul3A_77 = arith.muli %add3A, %mul3A_76 : i32
    %add3A_78 = arith.constant 9920 : i32
    %add3A_79 = arith.addi %mul3A_77, %add3A_78 : i32
    %mul3A_80 = arith.constant 128 : i32
    %mul3A_81 = arith.muli %add3A_79, %mul3A_80 : i32
    %multiple_of3A_82 = tpu.assume_multiple %mul3A_81, 8 : i32
    %dma_wait3A_83 = tpu.memref_slice %arg3[%multiple_of3A_82] : memref<40960000xf32, #tpu.memory_space<hbm>> -> memref<10240xf32, #tpu.memory_space<hbm>>
    %dma_wait3A_84 = tpu.memref_slice %arg3[%multiple_of3A_82] : memref<40960000xf32, #tpu.memory_space<hbm>> -> memref<10240xf32, #tpu.memory_space<hbm>>
    tpu.wait_dma2 semaphore(%arg16 : memref<!tpu.dma_semaphore, #tpu.memory_space<semaphore_mem>>) src(%dma_wait3A_84 : memref<10240xf32, #tpu.memory_space<hbm>>) dst(%arg12 : memref<10240xf32, #tpu.memory_space<vmem>>)
    %scan3A_85 = arith.constant 0 : i32
    %scan3A_86 = arith.constant 0 : i32
    %scan3A_87 = arith.constant 80 : i32
    %scan3A_88 = arith.addi %scan3A_86, %scan3A_87 : i32
    %scan3A_89 = arith.constant 1 : i32
    %scan3A_90 = scf.for %scan3A_112 = %scan3A_86 to %scan3A_88 step %scan3A_89 iter_args(%scan3A_113 = %scan3A_85) -> (i32)  : i32 {
      %mul3A_114 = arith.constant 128 : i32
      %mul3A_115 = arith.muli %scan3A_112, %mul3A_114 : i32
      %add3A_116 = arith.constant 0 : i32
      %add3A_117 = arith.addi %mul3A_115, %add3A_116 : i32
      %multiple_of3A_118 = tpu.assume_multiple %add3A_117, 16 : i32
      %get3A = arith.index_cast %scan3A_112 : i32 to index
      %get3A_119 = arith.constant 0 : index
      %get3A_120 = tpu.vector_load %arg10[%get3A, %get3A_119] {strides = array<i32>} : memref<80x128xf32, #tpu.memory_space<vmem>>, vector<1x16xf32>,
      %get3A_121 = vector.shape_cast %get3A_120 : vector<1x16xf32> to vector<16xf32>
      %get3A_122 = arith.index_cast %multiple_of3A_118 : i32 to index
      %get3A_123 = tpu.vector_load %arg12[%get3A_122] {strides = array<i32>} : memref<10240xf32, #tpu.memory_space<vmem>>, vector<16xf32>,
      %get3A_124 = vector.shape_cast %get3A_123 : vector<16xf32> to vector<16xf32>
      %add3A_125 = arith.addf %get3A_121, %get3A_124 : vector<16xf32>
      %max3A = arith.constant 0.000000e+00 : f32
      %max3A_126 = vector.broadcast %max3A : f32 to vector<16xf32>
      %max3A_127 = arith.maximumf %add3A_125, %max3A_126 : vector<16xf32>
      %swap3A = arith.index_cast %scan3A_112 : i32 to index
      %swap3A_128 = arith.constant 0 : index
      %swap3A_129 = tpu.vector_load %arg10[%swap3A, %swap3A_128] {strides = array<i32>} : memref<80x128xf32, #tpu.memory_space<vmem>>, vector<1x16xf32>,
      %swap3A_130 = vector.shape_cast %swap3A_129 : vector<1x16xf32> to vector<16xf32>
      %swap3A_131 = vector.shape_cast %max3A_127 : vector<16xf32> to vector<1x16xf32>
      tpu.vector_store %arg10[%swap3A, %swap3A_128], %swap3A_131 {strides = array<i32>} : memref<80x128xf32, #tpu.memory_space<vmem>>, vector<1x16xf32>,
      %mul3A_132 = arith.constant 128 : i32
      %mul3A_133 = arith.muli %scan3A_112, %mul3A_132 : i32
      %add3A_134 = arith.constant 16 : i32
      %add3A_135 = arith.addi %mul3A_133, %add3A_134 : i32
      %multiple_of3A_136 = tpu.assume_multiple %add3A_135, 16 : i32
      %get3A_137 = arith.index_cast %scan3A_112 : i32 to index
      %get3A_138 = arith.constant 16 : index
      %get3A_139 = tpu.vector_load %arg10[%get3A_137, %get3A_138] {strides = array<i32>} : memref<80x128xf32, #tpu.memory_space<vmem>>, vector<1x16xf32>,
      %get3A_140 = vector.shape_cast %get3A_139 : vector<1x16xf32> to vector<16xf32>
      %get3A_141 = arith.index_cast %multiple_of3A_136 : i32 to index
      %get3A_142 = tpu.vector_load %arg12[%get3A_141] {strides = array<i32>} : memref<10240xf32, #tpu.memory_space<vmem>>, vector<16xf32>,
      %get3A_143 = vector.shape_cast %get3A_142 : vector<16xf32> to vector<16xf32>
      %add3A_144 = arith.addf %get3A_140, %get3A_143 : vector<16xf32>
      %max3A_145 = arith.constant 0.000000e+00 : f32
      %max3A_146 = vector.broadcast %max3A_145 : f32 to vector<16xf32>
      %max3A_147 = arith.maximumf %add3A_144, %max3A_146 : vector<16xf32>
      %swap3A_148 = arith.index_cast %scan3A_112 : i32 to index
      %swap3A_149 = arith.constant 16 : index
      %swap3A_150 = tpu.vector_load %arg10[%swap3A_148, %swap3A_149] {strides = array<i32>} : memref<80x128xf32, #tpu.memory_space<vmem>>, vector<1x16xf32>,
      %swap3A_151 = vector.shape_cast %swap3A_150 : vector<1x16xf32> to vector<16xf32>
      %swap3A_152 = vector.shape_cast %max3A_147 : vector<16xf32> to vector<1x16xf32>
      tpu.vector_store %arg10[%swap3A_148, %swap3A_149], %swap3A_152 {strides = array<i32>} : memref<80x128xf32, #tpu.memory_space<vmem>>, vector<1x16xf32>,
      %mul3A_153 = arith.constant 128 : i32
      %mul3A_154 = arith.muli %scan3A_112, %mul3A_153 : i32
      %add3A_155 = arith.constant 32 : i32
      %add3A_156 = arith.addi %mul3A_154, %add3A_155 : i32
      %multiple_of3A_157 = tpu.assume_multiple %add3A_156, 16 : i32
      %get3A_158 = arith.index_cast %scan3A_112 : i32 to index
      %get3A_159 = arith.constant 32 : index
      %get3A_160 = tpu.vector_load %arg10[%get3A_158, %get3A_159] {strides = array<i32>} : memref<80x128xf32, #tpu.memory_space<vmem>>, vector<1x16xf32>,
      %get3A_161 = vector.shape_cast %get3A_160 : vector<1x16xf32> to vector<16xf32>
      %get3A_162 = arith.index_cast %multiple_of3A_157 : i32 to index
      %get3A_163 = tpu.vector_load %arg12[%get3A_162] {strides = array<i32>} : memref<10240xf32, #tpu.memory_space<vmem>>, vector<16xf32>,
      %get3A_164 = vector.shape_cast %get3A_163 : vector<16xf32> to vector<16xf32>
      %add3A_165 = arith.addf %get3A_161, %get3A_164 : vector<16xf32>
      %max3A_166 = arith.constant 0.000000e+00 : f32
      %max3A_167 = vector.broadcast %max3A_166 : f32 to vector<16xf32>
      %max3A_168 = arith.maximumf %add3A_165, %max3A_167 : vector<16xf32>
      %swap3A_169 = arith.index_cast %scan3A_112 : i32 to index
      %swap3A_170 = arith.constant 32 : index
      %swap3A_171 = tpu.vector_load %arg10[%swap3A_169, %swap3A_170] {strides = array<i32>} : memref<80x128xf32, #tpu.memory_space<vmem>>, vector<1x16xf32>,
      %swap3A_172 = vector.shape_cast %swap3A_171 : vector<1x16xf32> to vector<16xf32>
      %swap3A_173 = vector.shape_cast %max3A_168 : vector<16xf32> to vector<1x16xf32>
      tpu.vector_store %arg10[%swap3A_169, %swap3A_170], %swap3A_173 {strides = array<i32>} : memref<80x128xf32, #tpu.memory_space<vmem>>, vector<1x16xf32>,
      %mul3A_174 = arith.constant 128 : i32
      %mul3A_175 = arith.muli %scan3A_112, %mul3A_174 : i32
      %add3A_176 = arith.constant 48 : i32
      %add3A_177 = arith.addi %mul3A_175, %add3A_176 : i32
      %multiple_of3A_178 = tpu.assume_multiple %add3A_177, 16 : i32
      %get3A_179 = arith.index_cast %scan3A_112 : i32 to index
      %get3A_180 = arith.constant 48 : index
      %get3A_181 = tpu.vector_load %arg10[%get3A_179, %get3A_180] {strides = array<i32>} : memref<80x128xf32, #tpu.memory_space<vmem>>, vector<1x16xf32>,
      %get3A_182 = vector.shape_cast %get3A_181 : vector<1x16xf32> to vector<16xf32>
      %get3A_183 = arith.index_cast %multiple_of3A_178 : i32 to index
      %get3A_184 = tpu.vector_load %arg12[%get3A_183] {strides = array<i32>} : memref<10240xf32, #tpu.memory_space<vmem>>, vector<16xf32>,
      %get3A_185 = vector.shape_cast %get3A_184 : vector<16xf32> to vector<16xf32>
      %add3A_186 = arith.addf %get3A_182, %get3A_185 : vector<16xf32>
      %max3A_187 = arith.constant 0.000000e+00 : f32
      %max3A_188 = vector.broadcast %max3A_187 : f32 to vector<16xf32>
      %max3A_189 = arith.maximumf %add3A_186, %max3A_188 : vector<16xf32>
      %swap3A_190 = arith.index_cast %scan3A_112 : i32 to index
      %swap3A_191 = arith.constant 48 : index
      %swap3A_192 = tpu.vector_load %arg10[%swap3A_190, %swap3A_191] {strides = array<i32>} : memref<80x128xf32, #tpu.memory_space<vmem>>, vector<1x16xf32>,
      %swap3A_193 = vector.shape_cast %swap3A_192 : vector<1x16xf32> to vector<16xf32>
      %swap3A_194 = vector.shape_cast %max3A_189 : vector<16xf32> to vector<1x16xf32>
      tpu.vector_store %arg10[%swap3A_190, %swap3A_191], %swap3A_194 {strides = array<i32>} : memref<80x128xf32, #tpu.memory_space<vmem>>, vector<1x16xf32>,
      %mul3A_195 = arith.constant 128 : i32
      %mul3A_196 = arith.muli %scan3A_112, %mul3A_195 : i32
      %add3A_197 = arith.constant 64 : i32
      %add3A_198 = arith.addi %mul3A_196, %add3A_197 : i32
      %multiple_of3A_199 = tpu.assume_multiple %add3A_198, 16 : i32
      %get3A_200 = arith.index_cast %scan3A_112 : i32 to index
      %get3A_201 = arith.constant 64 : index
      %get3A_202 = tpu.vector_load %arg10[%get3A_200, %get3A_201] {strides = array<i32>} : memref<80x128xf32, #tpu.memory_space<vmem>>, vector<1x16xf32>,
      %get3A_203 = vector.shape_cast %get3A_202 : vector<1x16xf32> to vector<16xf32>
      %get3A_204 = arith.index_cast %multiple_of3A_199 : i32 to index
      %get3A_205 = tpu.vector_load %arg12[%get3A_204] {strides = array<i32>} : memref<10240xf32, #tpu.memory_space<vmem>>, vector<16xf32>,
      %get3A_206 = vector.shape_cast %get3A_205 : vector<16xf32> to vector<16xf32>
      %add3A_207 = arith.addf %get3A_203, %get3A_206 : vector<16xf32>
      %max3A_208 = arith.constant 0.000000e+00 : f32
      %max3A_209 = vector.broadcast %max3A_208 : f32 to vector<16xf32>
      %max3A_210 = arith.maximumf %add3A_207, %max3A_209 : vector<16xf32>
      %swap3A_211 = arith.index_cast %scan3A_112 : i32 to index
      %swap3A_212 = arith.constant 64 : index
      %swap3A_213 = tpu.vector_load %arg10[%swap3A_211, %swap3A_212] {strides = array<i32>} : memref<80x128xf32, #tpu.memory_space<vmem>>, vector<1x16xf32>,
      %swap3A_214 = vector.shape_cast %swap3A_213 : vector<1x16xf32> to vector<16xf32>
      %swap3A_215 = vector.shape_cast %max3A_210 : vector<16xf32> to vector<1x16xf32>
      tpu.vector_store %arg10[%swap3A_211, %swap3A_212], %swap3A_215 {strides = array<i32>} : memref<80x128xf32, #tpu.memory_space<vmem>>, vector<1x16xf32>,
      %mul3A_216 = arith.constant 128 : i32
      %mul3A_217 = arith.muli %scan3A_112, %mul3A_216 : i32
      %add3A_218 = arith.constant 80 : i32
      %add3A_219 = arith.addi %mul3A_217, %add3A_218 : i32
      %multiple_of3A_220 = tpu.assume_multiple %add3A_219, 16 : i32
      %get3A_221 = arith.index_cast %scan3A_112 : i32 to index
      %get3A_222 = arith.constant 80 : index
      %get3A_223 = tpu.vector_load %arg10[%get3A_221, %get3A_222] {strides = array<i32>} : memref<80x128xf32, #tpu.memory_space<vmem>>, vector<1x16xf32>,
      %get3A_224 = vector.shape_cast %get3A_223 : vector<1x16xf32> to vector<16xf32>
      %get3A_225 = arith.index_cast %multiple_of3A_220 : i32 to index
      %get3A_226 = tpu.vector_load %arg12[%get3A_225] {strides = array<i32>} : memref<10240xf32, #tpu.memory_space<vmem>>, vector<16xf32>,
      %get3A_227 = vector.shape_cast %get3A_226 : vector<16xf32> to vector<16xf32>
      %add3A_228 = arith.addf %get3A_224, %get3A_227 : vector<16xf32>
      %max3A_229 = arith.constant 0.000000e+00 : f32
      %max3A_230 = vector.broadcast %max3A_229 : f32 to vector<16xf32>
      %max3A_231 = arith.maximumf %add3A_228, %max3A_230 : vector<16xf32>
      %swap3A_232 = arith.index_cast %scan3A_112 : i32 to index
      %swap3A_233 = arith.constant 80 : index
      %swap3A_234 = tpu.vector_load %arg10[%swap3A_232, %swap3A_233] {strides = array<i32>} : memref<80x128xf32, #tpu.memory_space<vmem>>, vector<1x16xf32>,
      %swap3A_235 = vector.shape_cast %swap3A_234 : vector<1x16xf32> to vector<16xf32>
      %swap3A_236 = vector.shape_cast %max3A_231 : vector<16xf32> to vector<1x16xf32>
      tpu.vector_store %arg10[%swap3A_232, %swap3A_233], %swap3A_236 {strides = array<i32>} : memref<80x128xf32, #tpu.memory_space<vmem>>, vector<1x16xf32>,
      %mul3A_237 = arith.constant 128 : i32
      %mul3A_238 = arith.muli %scan3A_112, %mul3A_237 : i32
      %add3A_239 = arith.constant 96 : i32
      %add3A_240 = arith.addi %mul3A_238, %add3A_239 : i32
      %multiple_of3A_241 = tpu.assume_multiple %add3A_240, 16 : i32
      %get3A_242 = arith.index_cast %scan3A_112 : i32 to index
      %get3A_243 = arith.constant 96 : index
      %get3A_244 = tpu.vector_load %arg10[%get3A_242, %get3A_243] {strides = array<i32>} : memref<80x128xf32, #tpu.memory_space<vmem>>, vector<1x16xf32>,
      %get3A_245 = vector.shape_cast %get3A_244 : vector<1x16xf32> to vector<16xf32>
      %get3A_246 = arith.index_cast %multiple_of3A_241 : i32 to index
      %get3A_247 = tpu.vector_load %arg12[%get3A_246] {strides = array<i32>} : memref<10240xf32, #tpu.memory_space<vmem>>, vector<16xf32>,
      %get3A_248 = vector.shape_cast %get3A_247 : vector<16xf32> to vector<16xf32>
      %add3A_249 = arith.addf %get3A_245, %get3A_248 : vector<16xf32>
      %max3A_250 = arith.constant 0.000000e+00 : f32
      %max3A_251 = vector.broadcast %max3A_250 : f32 to vector<16xf32>
      %max3A_252 = arith.maximumf %add3A_249, %max3A_251 : vector<16xf32>
      %swap3A_253 = arith.index_cast %scan3A_112 : i32 to index
      %swap3A_254 = arith.constant 96 : index
      %swap3A_255 = tpu.vector_load %arg10[%swap3A_253, %swap3A_254] {strides = array<i32>} : memref<80x128xf32, #tpu.memory_space<vmem>>, vector<1x16xf32>,
      %swap3A_256 = vector.shape_cast %swap3A_255 : vector<1x16xf32> to vector<16xf32>
      %swap3A_257 = vector.shape_cast %max3A_252 : vector<16xf32> to vector<1x16xf32>
      tpu.vector_store %arg10[%swap3A_253, %swap3A_254], %swap3A_257 {strides = array<i32>} : memref<80x128xf32, #tpu.memory_space<vmem>>, vector<1x16xf32>,
      %mul3A_258 = arith.constant 128 : i32
      %mul3A_259 = arith.muli %scan3A_112, %mul3A_258 : i32
      %add3A_260 = arith.constant 112 : i32
      %add3A_261 = arith.addi %mul3A_259, %add3A_260 : i32
      %multiple_of3A_262 = tpu.assume_multiple %add3A_261, 16 : i32
      %get3A_263 = arith.index_cast %scan3A_112 : i32 to index
      %get3A_264 = arith.constant 112 : index
      %get3A_265 = tpu.vector_load %arg10[%get3A_263, %get3A_264] {strides = array<i32>} : memref<80x128xf32, #tpu.memory_space<vmem>>, vector<1x16xf32>,
      %get3A_266 = vector.shape_cast %get3A_265 : vector<1x16xf32> to vector<16xf32>
      %get3A_267 = arith.index_cast %multiple_of3A_262 : i32 to index
      %get3A_268 = tpu.vector_load %arg12[%get3A_267] {strides = array<i32>} : memref<10240xf32, #tpu.memory_space<vmem>>, vector<16xf32>,
      %get3A_269 = vector.shape_cast %get3A_268 : vector<16xf32> to vector<16xf32>
      %add3A_270 = arith.addf %get3A_266, %get3A_269 : vector<16xf32>
      %max3A_271 = arith.constant 0.000000e+00 : f32
      %max3A_272 = vector.broadcast %max3A_271 : f32 to vector<16xf32>
      %max3A_273 = arith.maximumf %add3A_270, %max3A_272 : vector<16xf32>
      %swap3A_274 = arith.index_cast %scan3A_112 : i32 to index
      %swap3A_275 = arith.constant 112 : index
      %swap3A_276 = tpu.vector_load %arg10[%swap3A_274, %swap3A_275] {strides = array<i32>} : memref<80x128xf32, #tpu.memory_space<vmem>>, vector<1x16xf32>,
      %swap3A_277 = vector.shape_cast %swap3A_276 : vector<1x16xf32> to vector<16xf32>
      %swap3A_278 = vector.shape_cast %max3A_273 : vector<16xf32> to vector<1x16xf32>
      tpu.vector_store %arg10[%swap3A_274, %swap3A_275], %swap3A_278 {strides = array<i32>} : memref<80x128xf32, #tpu.memory_space<vmem>>, vector<1x16xf32>,
      %scan3A_279 = arith.constant 0 : i32
      scf.yield %scan3A_279 : i32
    }
    %scan3A_91 = arith.constant 80 : i32
    %run_scoped3A = arith.constant 1 : i32
    "tpu.region"() ({
      %run_scoped3A_112 = tpu.sem_alloc : memref<!tpu.dma_semaphore, #tpu.memory_space<semaphore_mem>>
      %dma_start3A_113 = arith.constant 0 : i32
      %dma_start3A_114 = tpu.memref_slice %arg8[%run_scoped3A, %dma_start3A_113] : memref<2x80xi32, #tpu.memory_space<vmem>> -> memref<1x80xi32, #tpu.memory_space<vmem>>
      %dma_start3A_115 = tpu.memref_squeeze %dma_start3A_114 : memref<1x80xi32, #tpu.memory_space<vmem>> -> memref<80xi32, #tpu.memory_space<vmem>>
      %dma_start3A_116 = arith.constant 0 : i32
      %dma_start3A_117 = arith.constant 0 : i32
      %dma_start3A_118 = tpu.memref_slice %arg6[%dma_start3A_116, %dma_start3A_117] : memref<10000x128xf32, #tpu.memory_space<vmem_shared>> -> memref<10000x128xf32, #tpu.memory_space<vmem_shared>>
      tpu.enqueue_indirect_dma source(%arg10 : memref<80x128xf32, #tpu.memory_space<vmem>>) target(%dma_start3A_118 : memref<10000x128xf32, #tpu.memory_space<vmem_shared>>) offsets(%dma_start3A_115 : memref<80xi32, #tpu.memory_space<vmem>>) semaphore(%run_scoped3A_112 : memref<!tpu.dma_semaphore, #tpu.memory_space<semaphore_mem>>) {add = true}
      %dma_wait3A_119 = arith.constant 0 : i32
      %dma_wait3A_120 = tpu.memref_slice %arg8[%run_scoped3A, %dma_wait3A_119] : memref<2x80xi32, #tpu.memory_space<vmem>> -> memref<1x80xi32, #tpu.memory_space<vmem>>
      %dma_wait3A_121 = tpu.memref_squeeze %dma_wait3A_120 : memref<1x80xi32, #tpu.memory_space<vmem>> -> memref<80xi32, #tpu.memory_space<vmem>>
      %dma_wait3A_122 = arith.constant 0 : i32
      %dma_wait3A_123 = arith.constant 0 : i32
      %dma_wait3A_124 = tpu.memref_slice %arg6[%dma_wait3A_122, %dma_wait3A_123] : memref<10000x128xf32, #tpu.memory_space<vmem_shared>> -> memref<10000x128xf32, #tpu.memory_space<vmem_shared>>
      tpu.wait_indirect_dma semaphore(%run_scoped3A_112 : memref<!tpu.dma_semaphore, #tpu.memory_space<semaphore_mem>>) src(%arg10 : memref<80x128xf32, #tpu.memory_space<vmem>>) dst(%dma_wait3A_124 : memref<10000x128xf32, #tpu.memory_space<vmem_shared>>)
      tpu.yield
    }) : () -> ()
    %min3A_92 = arith.constant 124 : i32
    %min3A_93 = arith.constant 124 : i32
    %min3A_94 = arith.minsi %min3A_92, %min3A_93 : i32
    %dma_wait3A_95 = arith.constant 0 : i32
    %dma_wait3A_96 = arith.constant 0 : i32
    %dma_wait3A_97 = tpu.memref_slice %arg4[%add3A, %min3A_94, %dma_wait3A_95, %dma_wait3A_96] : memref<32x125x2x80xi32, #tpu.memory_space<hbm>> -> memref<1x1x2x80xi32, #tpu.memory_space<hbm>>
    %dma_wait3A_98 = tpu.memref_squeeze %dma_wait3A_97 : memref<1x1x2x80xi32, #tpu.memory_space<hbm>> -> memref<2x80xi32, #tpu.memory_space<hbm>>
    %dma_wait3A_99 = arith.constant 0 : i32
    %dma_wait3A_100 = arith.constant 0 : i32
    %dma_wait3A_101 = tpu.memref_slice %arg4[%add3A, %min3A_94, %dma_wait3A_99, %dma_wait3A_100] : memref<32x125x2x80xi32, #tpu.memory_space<hbm>> -> memref<1x1x2x80xi32, #tpu.memory_space<hbm>>
    %dma_wait3A_102 = tpu.memref_squeeze %dma_wait3A_101 : memref<1x1x2x80xi32, #tpu.memory_space<hbm>> -> memref<2x80xi32, #tpu.memory_space<hbm>>
    tpu.wait_dma2 semaphore(%arg19 : memref<!tpu.dma_semaphore, #tpu.memory_space<semaphore_mem>>) src(%dma_wait3A_102 : memref<2x80xi32, #tpu.memory_space<hbm>>) dst(%arg9 : memref<2x80xi32, #tpu.memory_space<vmem>>)
    %barrier3A_103 = arith.constant 0 : index
    tpu.barrier barrier_id(%barrier3A_103)
    %mul3A_104 = arith.constant 624 : i32
    %mul3A_105 = arith.muli %arg1, %mul3A_104 : i32
    %multiple_of3A_106 = tpu.assume_multiple %mul3A_105, 8 : i32
    "tpu.region"() ({
      %run_scoped3A_112 = tpu.sem_alloc : memref<!tpu.dma_semaphore, #tpu.memory_space<semaphore_mem>>
      %dma_start3A_113 = arith.constant 0 : i32
      %dma_start3A_114 = tpu.memref_slice %arg5[%arg0, %multiple_of3A_106, %dma_start3A_113] : memref<2x10000x128xf32, #tpu.memory_space<hbm>> -> memref<1x624x128xf32, #tpu.memory_space<hbm>>
      %dma_start3A_115 = tpu.memref_squeeze %dma_start3A_114 : memref<1x624x128xf32, #tpu.memory_space<hbm>> -> memref<624x128xf32, #tpu.memory_space<hbm>>
      %dma_start3A_116 = arith.constant 0 : i32
      %dma_start3A_117 = tpu.memref_slice %arg6[%multiple_of3A_106, %dma_start3A_116] : memref<10000x128xf32, #tpu.memory_space<vmem_shared>> -> memref<624x128xf32, #tpu.memory_space<vmem_shared>>
      tpu.enqueue_dma source(%dma_start3A_117 : memref<624x128xf32, #tpu.memory_space<vmem_shared>>) target(%dma_start3A_115 : memref<624x128xf32, #tpu.memory_space<hbm>>) target_semaphore(%run_scoped3A_112 : memref<!tpu.dma_semaphore, #tpu.memory_space<semaphore_mem>>)
      %dma_wait3A_118 = arith.constant 0 : i32
      %dma_wait3A_119 = tpu.memref_slice %arg5[%arg0, %multiple_of3A_106, %dma_wait3A_118] : memref<2x10000x128xf32, #tpu.memory_space<hbm>> -> memref<1x624x128xf32, #tpu.memory_space<hbm>>
      %dma_wait3A_120 = tpu.memref_squeeze %dma_wait3A_119 : memref<1x624x128xf32, #tpu.memory_space<hbm>> -> memref<624x128xf32, #tpu.memory_space<hbm>>
      %dma_wait3A_121 = arith.constant 0 : i32
      %dma_wait3A_122 = tpu.memref_slice %arg6[%multiple_of3A_106, %dma_wait3A_121] : memref<10000x128xf32, #tpu.memory_space<vmem_shared>> -> memref<624x128xf32, #tpu.memory_space<vmem_shared>>
      tpu.wait_dma2 semaphore(%run_scoped3A_112 : memref<!tpu.dma_semaphore, #tpu.memory_space<semaphore_mem>>) src(%dma_wait3A_122 : memref<624x128xf32, #tpu.memory_space<vmem_shared>>) dst(%dma_wait3A_120 : memref<624x128xf32, #tpu.memory_space<hbm>>)
      tpu.yield
    }) : () -> ()
    %eq3A_107 = arith.constant 15 : i32
    %eq3A_108 = arith.cmpi eq, %arg1, %eq3A_107 : i32
    %convert_element_type3A_109 = arith.extui %eq3A_108 : i1 to i32
    %cond3A_110 = arith.constant 0 : i32
    %cond3A_111 = arith.cmpi ne, %convert_element_type3A_109, %cond3A_110 : i32
    scf.if %cond3A_111 {
      "tpu.region"() ({
        %run_scoped3A_112 = tpu.sem_alloc : memref<!tpu.dma_semaphore, #tpu.memory_space<semaphore_mem>>
        %dma_start3A_113 = arith.constant 9984 : i32
        %dma_start3A_114 = arith.constant 0 : i32
        %dma_start3A_115 = tpu.memref_slice %arg5[%arg0, %dma_start3A_113, %dma_start3A_114] : memref<2x10000x128xf32, #tpu.memory_space<hbm>> -> memref<1x16x128xf32, #tpu.memory_space<hbm>>
        %dma_start3A_116 = tpu.memref_squeeze %dma_start3A_115 : memref<1x16x128xf32, #tpu.memory_space<hbm>> -> memref<16x128xf32, #tpu.memory_space<hbm>>
        %dma_start3A_117 = arith.constant 9984 : i32
        %dma_start3A_118 = arith.constant 0 : i32
        %dma_start3A_119 = tpu.memref_slice %arg6[%dma_start3A_117, %dma_start3A_118] : memref<10000x128xf32, #tpu.memory_space<vmem_shared>> -> memref<16x128xf32, #tpu.memory_space<vmem_shared>>
        tpu.enqueue_dma source(%dma_start3A_119 : memref<16x128xf32, #tpu.memory_space<vmem_shared>>) target(%dma_start3A_116 : memref<16x128xf32, #tpu.memory_space<hbm>>) target_semaphore(%run_scoped3A_112 : memref<!tpu.dma_semaphore, #tpu.memory_space<semaphore_mem>>)
        %dma_wait3A_120 = arith.constant 9984 : i32
        %dma_wait3A_121 = arith.constant 0 : i32
        %dma_wait3A_122 = tpu.memref_slice %arg5[%arg0, %dma_wait3A_120, %dma_wait3A_121] : memref<2x10000x128xf32, #tpu.memory_space<hbm>> -> memref<1x16x128xf32, #tpu.memory_space<hbm>>
        %dma_wait3A_123 = tpu.memref_squeeze %dma_wait3A_122 : memref<1x16x128xf32, #tpu.memory_space<hbm>> -> memref<16x128xf32, #tpu.memory_space<hbm>>
        %dma_wait3A_124 = arith.constant 9984 : i32
        %dma_wait3A_125 = arith.constant 0 : i32
        %dma_wait3A_126 = tpu.memref_slice %arg6[%dma_wait3A_124, %dma_wait3A_125] : memref<10000x128xf32, #tpu.memory_space<vmem_shared>> -> memref<16x128xf32, #tpu.memory_space<vmem_shared>>
        tpu.wait_dma2 semaphore(%run_scoped3A_112 : memref<!tpu.dma_semaphore, #tpu.memory_space<semaphore_mem>>) src(%dma_wait3A_126 : memref<16x128xf32, #tpu.memory_space<vmem_shared>>) dst(%dma_wait3A_123 : memref<16x128xf32, #tpu.memory_space<hbm>>)
        tpu.yield
      }) : () -> ()
    } else {
    }
    return
  }
}

#map = affine_map<(d0, d1) -> (0, 0)>
#map1 = affine_map<(d0, d1) -> (0)>
#map2 = affine_map<(d0, d1) -> (0, 0, 0, 0)>
#map3 = affine_map<(d0, d1) -> (0, 0, 0)>
module attributes {stable_mosaic.version = 14 : i64} {
  func.func @_edge_pass_body(%arg0: i32, %arg1: i32, %arg2: memref<10000x128xf32, #tpu.memory_space<hbm>>, %arg3: memref<40960000xf32, #tpu.memory_space<hbm>>, %arg4: memref<32x125x2x80xi32, #tpu.memory_space<hbm>>, %arg5: memref<2x10000x128xf32, #tpu.memory_space<hbm>>, %arg6: memref<10000x128xf32, #tpu.memory_space<vmem_shared>>, %arg7: memref<16x128xf32, #tpu.memory_space<vmem>>, %arg8: memref<2x80xi32, #tpu.memory_space<vmem>>, %arg9: memref<2x80xi32, #tpu.memory_space<vmem>>, %arg10: memref<80x128xf32, #tpu.memory_space<vmem>>, %arg11: memref<80x128xf32, #tpu.memory_space<vmem>>, %arg12: memref<10240xf32, #tpu.memory_space<vmem>>, %arg13: memref<10240xf32, #tpu.memory_space<vmem>>, %arg14: memref<!tpu.dma_semaphore, #tpu.memory_space<semaphore_mem>>, %arg15: memref<!tpu.dma_semaphore, #tpu.memory_space<semaphore_mem>>, %arg16: memref<!tpu.dma_semaphore, #tpu.memory_space<semaphore_mem>>, %arg17: memref<!tpu.dma_semaphore, #tpu.memory_space<semaphore_mem>>, %arg18: memref<!tpu.dma_semaphore, #tpu.memory_space<semaphore_mem>>, %arg19: memref<!tpu.dma_semaphore, #tpu.memory_space<semaphore_mem>>) attributes {dimension_semantics = [#tpu.dimension_semantics<core_parallel>, #tpu.dimension_semantics<subcore_parallel>], iteration_bounds = array<i64: 2, 16>, scalar_prefetch = 0 : i64, scratch_operands = 14 : i64, tpu.core_type = #tpu.core_type<sc_vector_subcore>, window_params = [{transform_indices = #map}, {transform_indices = #map1}, {transform_indices = #map2}, {transform_indices = #map3}]} {
    %mul3A = arith.constant 16 : i32
    %mul3A_0 = arith.muli %arg0, %mul3A : i32
    %add3A = arith.addi %mul3A_0, %arg1 : i32
    %broadcast_in_dim3A = arith.constant 0.000000e+00 : f32
    %broadcast_in_dim3A_1 = vector.broadcast %broadcast_in_dim3A : f32 to vector<16xf32>
    %scan3A = arith.constant 0 : i32
    %scan3A_2 = arith.constant 0 : i32
    %scan3A_3 = arith.constant 16 : i32
    %scan3A_4 = arith.addi %scan3A_2, %scan3A_3 : i32
    %scan3A_5 = arith.constant 1 : i32
    %scan3A_6 = scf.for %scan3A_112 = %scan3A_2 to %scan3A_4 step %scan3A_5 iter_args(%scan3A_113 = %scan3A) -> (i32)  : i32 {
      %swap3A = arith.index_cast %scan3A_112 : i32 to index
      %swap3A_114 = arith.constant 0 : index
      %swap3A_115 = tpu.vector_load %arg7[%swap3A, %swap3A_114] {strides = array<i32>} : memref<16x128xf32, #tpu.memory_space<vmem>>, vector<1x16xf32>,
      %swap3A_116 = vector.shape_cast %swap3A_115 : vector<1x16xf32> to vector<16xf32>
      %swap3A_117 = vector.shape_cast %broadcast_in_dim3A_1 : vector<16xf32> to vector<1x16xf32>
      tpu.vector_store %arg7[%swap3A, %swap3A_114], %swap3A_117 {strides = array<i32>} : memref<16x128xf32, #tpu.memory_space<vmem>>, vector<1x16xf32>,
      %swap3A_118 = arith.index_cast %scan3A_112 : i32 to index
      %swap3A_119 = arith.constant 16 : index
      %swap3A_120 = tpu.vector_load %arg7[%swap3A_118, %swap3A_119] {strides = array<i32>} : memref<16x128xf32, #tpu.memory_space<vmem>>, vector<1x16xf32>,
      %swap3A_121 = vector.shape_cast %swap3A_120 : vector<1x16xf32> to vector<16xf32>
      %swap3A_122 = vector.shape_cast %broadcast_in_dim3A_1 : vector<16xf32> to vector<1x16xf32>
      tpu.vector_store %arg7[%swap3A_118, %swap3A_119], %swap3A_122 {strides = array<i32>} : memref<16x128xf32, #tpu.memory_space<vmem>>, vector<1x16xf32>,
      %swap3A_123 = arith.index_cast %scan3A_112 : i32 to index
      %swap3A_124 = arith.constant 32 : index
      %swap3A_125 = tpu.vector_load %arg7[%swap3A_123, %swap3A_124] {strides = array<i32>} : memref<16x128xf32, #tpu.memory_space<vmem>>, vector<1x16xf32>,
      %swap3A_126 = vector.shape_cast %swap3A_125 : vector<1x16xf32> to vector<16xf32>
      %swap3A_127 = vector.shape_cast %broadcast_in_dim3A_1 : vector<16xf32> to vector<1x16xf32>
      tpu.vector_store %arg7[%swap3A_123, %swap3A_124], %swap3A_127 {strides = array<i32>} : memref<16x128xf32, #tpu.memory_space<vmem>>, vector<1x16xf32>,
      %swap3A_128 = arith.index_cast %scan3A_112 : i32 to index
      %swap3A_129 = arith.constant 48 : index
      %swap3A_130 = tpu.vector_load %arg7[%swap3A_128, %swap3A_129] {strides = array<i32>} : memref<16x128xf32, #tpu.memory_space<vmem>>, vector<1x16xf32>,
      %swap3A_131 = vector.shape_cast %swap3A_130 : vector<1x16xf32> to vector<16xf32>
      %swap3A_132 = vector.shape_cast %broadcast_in_dim3A_1 : vector<16xf32> to vector<1x16xf32>
      tpu.vector_store %arg7[%swap3A_128, %swap3A_129], %swap3A_132 {strides = array<i32>} : memref<16x128xf32, #tpu.memory_space<vmem>>, vector<1x16xf32>,
      %swap3A_133 = arith.index_cast %scan3A_112 : i32 to index
      %swap3A_134 = arith.constant 64 : index
      %swap3A_135 = tpu.vector_load %arg7[%swap3A_133, %swap3A_134] {strides = array<i32>} : memref<16x128xf32, #tpu.memory_space<vmem>>, vector<1x16xf32>,
      %swap3A_136 = vector.shape_cast %swap3A_135 : vector<1x16xf32> to vector<16xf32>
      %swap3A_137 = vector.shape_cast %broadcast_in_dim3A_1 : vector<16xf32> to vector<1x16xf32>
      tpu.vector_store %arg7[%swap3A_133, %swap3A_134], %swap3A_137 {strides = array<i32>} : memref<16x128xf32, #tpu.memory_space<vmem>>, vector<1x16xf32>,
      %swap3A_138 = arith.index_cast %scan3A_112 : i32 to index
      %swap3A_139 = arith.constant 80 : index
      %swap3A_140 = tpu.vector_load %arg7[%swap3A_138, %swap3A_139] {strides = array<i32>} : memref<16x128xf32, #tpu.memory_space<vmem>>, vector<1x16xf32>,
      %swap3A_141 = vector.shape_cast %swap3A_140 : vector<1x16xf32> to vector<16xf32>
      %swap3A_142 = vector.shape_cast %broadcast_in_dim3A_1 : vector<16xf32> to vector<1x16xf32>
      tpu.vector_store %arg7[%swap3A_138, %swap3A_139], %swap3A_142 {strides = array<i32>} : memref<16x128xf32, #tpu.memory_space<vmem>>, vector<1x16xf32>,
      %swap3A_143 = arith.index_cast %scan3A_112 : i32 to index
      %swap3A_144 = arith.constant 96 : index
      %swap3A_145 = tpu.vector_load %arg7[%swap3A_143, %swap3A_144] {strides = array<i32>} : memref<16x128xf32, #tpu.memory_space<vmem>>, vector<1x16xf32>,
      %swap3A_146 = vector.shape_cast %swap3A_145 : vector<1x16xf32> to vector<16xf32>
      %swap3A_147 = vector.shape_cast %broadcast_in_dim3A_1 : vector<16xf32> to vector<1x16xf32>
      tpu.vector_store %arg7[%swap3A_143, %swap3A_144], %swap3A_147 {strides = array<i32>} : memref<16x128xf32, #tpu.memory_space<vmem>>, vector<1x16xf32>,
      %swap3A_148 = arith.index_cast %scan3A_112 : i32 to index
      %swap3A_149 = arith.constant 112 : index
      %swap3A_150 = tpu.vector_load %arg7[%swap3A_148, %swap3A_149] {strides = array<i32>} : memref<16x128xf32, #tpu.memory_space<vmem>>, vector<1x16xf32>,
      %swap3A_151 = vector.shape_cast %swap3A_150 : vector<1x16xf32> to vector<16xf32>
      %swap3A_152 = vector.shape_cast %broadcast_in_dim3A_1 : vector<16xf32> to vector<1x16xf32>
      tpu.vector_store %arg7[%swap3A_148, %swap3A_149], %swap3A_152 {strides = array<i32>} : memref<16x128xf32, #tpu.memory_space<vmem>>, vector<1x16xf32>,
      %scan3A_153 = arith.constant 0 : i32
      scf.yield %scan3A_153 : i32
    }
    %scan3A_7 = arith.constant 16 : i32
    %scan3A_8 = arith.constant 0 : i32
    %scan3A_9 = arith.constant 0 : i32
    %scan3A_10 = arith.constant 39 : i32
    %scan3A_11 = arith.addi %scan3A_9, %scan3A_10 : i32
    %scan3A_12 = arith.constant 1 : i32
    %scan3A_13 = scf.for %scan3A_112 = %scan3A_9 to %scan3A_11 step %scan3A_12 iter_args(%scan3A_113 = %scan3A_8) -> (i32)  : i32 {
      %mul3A_114 = arith.constant 624 : i32
      %mul3A_115 = arith.muli %arg1, %mul3A_114 : i32
      %mul3A_116 = arith.constant 16 : i32
      %mul3A_117 = arith.muli %scan3A_112, %mul3A_116 : i32
      %add3A_118 = arith.addi %mul3A_115, %mul3A_117 : i32
      %multiple_of3A_119 = tpu.assume_multiple %add3A_118, 8 : i32
      "tpu.region"() ({
        %run_scoped3A_121 = tpu.sem_alloc : memref<!tpu.dma_semaphore, #tpu.memory_space<semaphore_mem>>
        %dma_start3A_122 = arith.constant 0 : i32
        %dma_start3A_123 = tpu.memref_slice %arg6[%multiple_of3A_119, %dma_start3A_122] : memref<10000x128xf32, #tpu.memory_space<vmem_shared>> -> memref<16x128xf32, #tpu.memory_space<vmem_shared>>
        %dma_start3A_124 = arith.constant 0 : i32
        %dma_start3A_125 = tpu.memref_slice %arg6[%multiple_of3A_119, %dma_start3A_124] : memref<10000x128xf32, #tpu.memory_space<vmem_shared>> -> memref<16x128xf32, #tpu.memory_space<vmem_shared>>
        tpu.enqueue_dma source(%arg7 : memref<16x128xf32, #tpu.memory_space<vmem>>) target(%dma_start3A_125 : memref<16x128xf32, #tpu.memory_space<vmem_shared>>) target_semaphore(%run_scoped3A_121 : memref<!tpu.dma_semaphore, #tpu.memory_space<semaphore_mem>>)
        %dma_wait3A_126 = arith.constant 0 : i32
        %dma_wait3A_127 = tpu.memref_slice %arg6[%multiple_of3A_119, %dma_wait3A_126] : memref<10000x128xf32, #tpu.memory_space<vmem_shared>> -> memref<16x128xf32, #tpu.memory_space<vmem_shared>>
        %dma_wait3A_128 = arith.constant 0 : i32
        %dma_wait3A_129 = tpu.memref_slice %arg6[%multiple_of3A_119, %dma_wait3A_128] : memref<10000x128xf32, #tpu.memory_space<vmem_shared>> -> memref<16x128xf32, #tpu.memory_space<vmem_shared>>
        tpu.wait_dma2 semaphore(%run_scoped3A_121 : memref<!tpu.dma_semaphore, #tpu.memory_space<semaphore_mem>>) src(%arg7 : memref<16x128xf32, #tpu.memory_space<vmem>>) dst(%dma_wait3A_129 : memref<16x128xf32, #tpu.memory_space<vmem_shared>>)
        tpu.yield
      }) : () -> ()
      %scan3A_120 = arith.constant 0 : i32
      scf.yield %scan3A_120 : i32
    }
    %scan3A_14 = arith.constant 39 : i32
    %eq3A = arith.constant 15 : i32
    %eq3A_15 = arith.cmpi eq, %arg1, %eq3A : i32
    %convert_element_type3A = arith.extui %eq3A_15 : i1 to i32
    %cond3A = arith.constant 0 : i32
    %cond3A_16 = arith.cmpi ne, %convert_element_type3A, %cond3A : i32
    scf.if %cond3A_16 {
      "tpu.region"() ({
        %run_scoped3A_112 = tpu.sem_alloc : memref<!tpu.dma_semaphore, #tpu.memory_space<semaphore_mem>>
        %dma_start3A_113 = arith.constant 0 : i32
        %dma_start3A_114 = arith.constant 0 : i32
        %dma_start3A_115 = tpu.memref_slice %arg7[%dma_start3A_113, %dma_start3A_114] : memref<16x128xf32, #tpu.memory_space<vmem>> -> memref<16x128xf32, #tpu.memory_space<vmem>>
        %dma_start3A_116 = arith.constant 9984 : i32
        %dma_start3A_117 = arith.constant 0 : i32
        %dma_start3A_118 = tpu.memref_slice %arg6[%dma_start3A_116, %dma_start3A_117] : memref<10000x128xf32, #tpu.memory_space<vmem_shared>> -> memref<16x128xf32, #tpu.memory_space<vmem_shared>>
        %dma_start3A_119 = arith.constant 9984 : i32
        %dma_start3A_120 = arith.constant 0 : i32
        %dma_start3A_121 = tpu.memref_slice %arg6[%dma_start3A_119, %dma_start3A_120] : memref<10000x128xf32, #tpu.memory_space<vmem_shared>> -> memref<16x128xf32, #tpu.memory_space<vmem_shared>>
        %dma_start3A_122 = arith.constant 0 : i32
        %dma_start3A_123 = arith.constant 0 : i32
        %dma_start3A_124 = tpu.memref_slice %arg7[%dma_start3A_122, %dma_start3A_123] : memref<16x128xf32, #tpu.memory_space<vmem>> -> memref<16x128xf32, #tpu.memory_space<vmem>>
        tpu.enqueue_dma source(%dma_start3A_124 : memref<16x128xf32, #tpu.memory_space<vmem>>) target(%dma_start3A_121 : memref<16x128xf32, #tpu.memory_space<vmem_shared>>) target_semaphore(%run_scoped3A_112 : memref<!tpu.dma_semaphore, #tpu.memory_space<semaphore_mem>>)
        %dma_wait3A_125 = arith.constant 0 : i32
        %dma_wait3A_126 = arith.constant 0 : i32
        %dma_wait3A_127 = tpu.memref_slice %arg7[%dma_wait3A_125, %dma_wait3A_126] : memref<16x128xf32, #tpu.memory_space<vmem>> -> memref<16x128xf32, #tpu.memory_space<vmem>>
        %dma_wait3A_128 = arith.constant 9984 : i32
        %dma_wait3A_129 = arith.constant 0 : i32
        %dma_wait3A_130 = tpu.memref_slice %arg6[%dma_wait3A_128, %dma_wait3A_129] : memref<10000x128xf32, #tpu.memory_space<vmem_shared>> -> memref<16x128xf32, #tpu.memory_space<vmem_shared>>
        %dma_wait3A_131 = arith.constant 9984 : i32
        %dma_wait3A_132 = arith.constant 0 : i32
        %dma_wait3A_133 = tpu.memref_slice %arg6[%dma_wait3A_131, %dma_wait3A_132] : memref<10000x128xf32, #tpu.memory_space<vmem_shared>> -> memref<16x128xf32, #tpu.memory_space<vmem_shared>>
        %dma_wait3A_134 = arith.constant 0 : i32
        %dma_wait3A_135 = arith.constant 0 : i32
        %dma_wait3A_136 = tpu.memref_slice %arg7[%dma_wait3A_134, %dma_wait3A_135] : memref<16x128xf32, #tpu.memory_space<vmem>> -> memref<16x128xf32, #tpu.memory_space<vmem>>
        tpu.wait_dma2 semaphore(%run_scoped3A_112 : memref<!tpu.dma_semaphore, #tpu.memory_space<semaphore_mem>>) src(%dma_wait3A_136 : memref<16x128xf32, #tpu.memory_space<vmem>>) dst(%dma_wait3A_133 : memref<16x128xf32, #tpu.memory_space<vmem_shared>>)
        tpu.yield
      }) : () -> ()
    } else {
    }
    %barrier3A = arith.constant 0 : index
    tpu.barrier barrier_id(%barrier3A)
    %min3A = arith.constant 0 : i32
    %min3A_17 = arith.constant 124 : i32
    %min3A_18 = arith.minsi %min3A, %min3A_17 : i32
    %dma_start3A = arith.constant 0 : i32
    %dma_start3A_19 = arith.constant 0 : i32
    %dma_start3A_20 = tpu.memref_slice %arg4[%add3A, %min3A_18, %dma_start3A, %dma_start3A_19] : memref<32x125x2x80xi32, #tpu.memory_space<hbm>> -> memref<1x1x2x80xi32, #tpu.memory_space<hbm>>
    %dma_start3A_21 = tpu.memref_squeeze %dma_start3A_20 : memref<1x1x2x80xi32, #tpu.memory_space<hbm>> -> memref<2x80xi32, #tpu.memory_space<hbm>>
    %dma_start3A_22 = arith.constant 0 : i32
    %dma_start3A_23 = arith.constant 0 : i32
    %dma_start3A_24 = tpu.memref_slice %arg4[%add3A, %min3A_18, %dma_start3A_22, %dma_start3A_23] : memref<32x125x2x80xi32, #tpu.memory_space<hbm>> -> memref<1x1x2x80xi32, #tpu.memory_space<hbm>>
    %dma_start3A_25 = tpu.memref_squeeze %dma_start3A_24 : memref<1x1x2x80xi32, #tpu.memory_space<hbm>> -> memref<2x80xi32, #tpu.memory_space<hbm>>
    tpu.enqueue_dma source(%dma_start3A_25 : memref<2x80xi32, #tpu.memory_space<hbm>>) target(%arg8 : memref<2x80xi32, #tpu.memory_space<vmem>>) target_semaphore(%arg18 : memref<!tpu.dma_semaphore, #tpu.memory_space<semaphore_mem>>)
    %min3A_26 = arith.constant 0 : i32
    %min3A_27 = arith.constant 124 : i32
    %min3A_28 = arith.minsi %min3A_26, %min3A_27 : i32
    %dma_wait3A = arith.constant 0 : i32
    %dma_wait3A_29 = arith.constant 0 : i32
    %dma_wait3A_30 = tpu.memref_slice %arg4[%add3A, %min3A_28, %dma_wait3A, %dma_wait3A_29] : memref<32x125x2x80xi32, #tpu.memory_space<hbm>> -> memref<1x1x2x80xi32, #tpu.memory_space<hbm>>
    %dma_wait3A_31 = tpu.memref_squeeze %dma_wait3A_30 : memref<1x1x2x80xi32, #tpu.memory_space<hbm>> -> memref<2x80xi32, #tpu.memory_space<hbm>>
    %dma_wait3A_32 = arith.constant 0 : i32
    %dma_wait3A_33 = arith.constant 0 : i32
    %dma_wait3A_34 = tpu.memref_slice %arg4[%add3A, %min3A_28, %dma_wait3A_32, %dma_wait3A_33] : memref<32x125x2x80xi32, #tpu.memory_space<hbm>> -> memref<1x1x2x80xi32, #tpu.memory_space<hbm>>
    %dma_wait3A_35 = tpu.memref_squeeze %dma_wait3A_34 : memref<1x1x2x80xi32, #tpu.memory_space<hbm>> -> memref<2x80xi32, #tpu.memory_space<hbm>>
    tpu.wait_dma2 semaphore(%arg18 : memref<!tpu.dma_semaphore, #tpu.memory_space<semaphore_mem>>) src(%dma_wait3A_35 : memref<2x80xi32, #tpu.memory_space<hbm>>) dst(%arg8 : memref<2x80xi32, #tpu.memory_space<vmem>>)
    %dma_start3A_36 = arith.constant 0 : i32
    %dma_start3A_37 = arith.constant 0 : i32
    %dma_start3A_38 = tpu.memref_slice %arg8[%dma_start3A_36, %dma_start3A_37] : memref<2x80xi32, #tpu.memory_space<vmem>> -> memref<1x80xi32, #tpu.memory_space<vmem>>
    %dma_start3A_39 = tpu.memref_squeeze %dma_start3A_38 : memref<1x80xi32, #tpu.memory_space<vmem>> -> memref<80xi32, #tpu.memory_space<vmem>>
    %dma_start3A_40 = arith.constant 0 : i32
    %dma_start3A_41 = arith.constant 0 : i32
    %dma_start3A_42 = tpu.memref_slice %arg2[%dma_start3A_40, %dma_start3A_41] : memref<10000x128xf32, #tpu.memory_space<hbm>> -> memref<10000x128xf32, #tpu.memory_space<hbm>>
    tpu.enqueue_indirect_dma source(%dma_start3A_42 : memref<10000x128xf32, #tpu.memory_space<hbm>>) target(%arg10 : memref<80x128xf32, #tpu.memory_space<vmem>>) offsets(%dma_start3A_39 : memref<80xi32, #tpu.memory_space<vmem>>) semaphore(%arg14 : memref<!tpu.dma_semaphore, #tpu.memory_space<semaphore_mem>>)
    %mul3A_43 = arith.constant 10000 : i32
    %mul3A_44 = arith.muli %add3A, %mul3A_43 : i32
    %add3A_45 = arith.constant 0 : i32
    %add3A_46 = arith.addi %mul3A_44, %add3A_45 : i32
    %mul3A_47 = arith.constant 128 : i32
    %mul3A_48 = arith.muli %add3A_46, %mul3A_47 : i32
    %multiple_of3A = tpu.assume_multiple %mul3A_48, 8 : i32
    %dma_start3A_49 = tpu.memref_slice %arg3[%multiple_of3A] : memref<40960000xf32, #tpu.memory_space<hbm>> -> memref<10240xf32, #tpu.memory_space<hbm>>
    %dma_start3A_50 = tpu.memref_slice %arg3[%multiple_of3A] : memref<40960000xf32, #tpu.memory_space<hbm>> -> memref<10240xf32, #tpu.memory_space<hbm>>
    tpu.enqueue_dma source(%dma_start3A_50 : memref<10240xf32, #tpu.memory_space<hbm>>) target(%arg12 : memref<10240xf32, #tpu.memory_space<vmem>>) target_semaphore(%arg16 : memref<!tpu.dma_semaphore, #tpu.memory_space<semaphore_mem>>)
    %min3A_51 = arith.constant 1 : i32
    %min3A_52 = arith.constant 124 : i32
    %min3A_53 = arith.minsi %min3A_51, %min3A_52 : i32
    %dma_start3A_54 = arith.constant 0 : i32
    %dma_start3A_55 = arith.constant 0 : i32
    %dma_start3A_56 = tpu.memref_slice %arg4[%add3A, %min3A_53, %dma_start3A_54, %dma_start3A_55] : memref<32x125x2x80xi32, #tpu.memory_space<hbm>> -> memref<1x1x2x80xi32, #tpu.memory_space<hbm>>
    %dma_start3A_57 = tpu.memref_squeeze %dma_start3A_56 : memref<1x1x2x80xi32, #tpu.memory_space<hbm>> -> memref<2x80xi32, #tpu.memory_space<hbm>>
    %dma_start3A_58 = arith.constant 0 : i32
    %dma_start3A_59 = arith.constant 0 : i32
    %dma_start3A_60 = tpu.memref_slice %arg4[%add3A, %min3A_53, %dma_start3A_58, %dma_start3A_59] : memref<32x125x2x80xi32, #tpu.memory_space<hbm>> -> memref<1x1x2x80xi32, #tpu.memory_space<hbm>>
    %dma_start3A_61 = tpu.memref_squeeze %dma_start3A_60 : memref<1x1x2x80xi32, #tpu.memory_space<hbm>> -> memref<2x80xi32, #tpu.memory_space<hbm>>
    tpu.enqueue_dma source(%dma_start3A_61 : memref<2x80xi32, #tpu.memory_space<hbm>>) target(%arg9 : memref<2x80xi32, #tpu.memory_space<vmem>>) target_semaphore(%arg19 : memref<!tpu.dma_semaphore, #tpu.memory_space<semaphore_mem>>)
    %scan3A_62 = arith.constant 0 : i32
    %scan3A_63 = arith.constant 0 : i32
    %scan3A_64 = arith.constant 62 : i32
    %scan3A_65 = arith.addi %scan3A_63, %scan3A_64 : i32
    %scan3A_66 = arith.constant 1 : i32
    %scan3A_67 = scf.for %scan3A_112 = %scan3A_63 to %scan3A_65 step %scan3A_66 iter_args(%scan3A_113 = %scan3A_62) -> (i32)  : i32 {
      %mul3A_114 = arith.constant 2 : i32
      %mul3A_115 = arith.muli %mul3A_114, %scan3A_112 : i32
      %dma_wait3A_116 = arith.constant 0 : i32
      %dma_wait3A_117 = arith.constant 0 : i32
      %dma_wait3A_118 = tpu.memref_slice %arg8[%dma_wait3A_116, %dma_wait3A_117] : memref<2x80xi32, #tpu.memory_space<vmem>> -> memref<1x80xi32, #tpu.memory_space<vmem>>
      %dma_wait3A_119 = tpu.memref_squeeze %dma_wait3A_118 : memref<1x80xi32, #tpu.memory_space<vmem>> -> memref<80xi32, #tpu.memory_space<vmem>>
      %dma_wait3A_120 = arith.constant 0 : i32
      %dma_wait3A_121 = arith.constant 0 : i32
      %dma_wait3A_122 = tpu.memref_slice %arg2[%dma_wait3A_120, %dma_wait3A_121] : memref<10000x128xf32, #tpu.memory_space<hbm>> -> memref<10000x128xf32, #tpu.memory_space<hbm>>
      tpu.wait_indirect_dma semaphore(%arg14 : memref<!tpu.dma_semaphore, #tpu.memory_space<semaphore_mem>>) src(%dma_wait3A_122 : memref<10000x128xf32, #tpu.memory_space<hbm>>) dst(%arg10 : memref<80x128xf32, #tpu.memory_space<vmem>>)
      %mul3A_123 = arith.constant 10000 : i32
      %mul3A_124 = arith.muli %add3A, %mul3A_123 : i32
      %mul3A_125 = arith.constant 80 : i32
      %mul3A_126 = arith.muli %mul3A_115, %mul3A_125 : i32
      %add3A_127 = arith.addi %mul3A_124, %mul3A_126 : i32
      %mul3A_128 = arith.constant 128 : i32
      %mul3A_129 = arith.muli %add3A_127, %mul3A_128 : i32
      %multiple_of3A_130 = tpu.assume_multiple %mul3A_129, 8 : i32
      %dma_wait3A_131 = tpu.memref_slice %arg3[%multiple_of3A_130] : memref<40960000xf32, #tpu.memory_space<hbm>> -> memref<10240xf32, #tpu.memory_space<hbm>>
      %dma_wait3A_132 = tpu.memref_slice %arg3[%multiple_of3A_130] : memref<40960000xf32, #tpu.memory_space<hbm>> -> memref<10240xf32, #tpu.memory_space<hbm>>
      tpu.wait_dma2 semaphore(%arg16 : memref<!tpu.dma_semaphore, #tpu.memory_space<semaphore_mem>>) src(%dma_wait3A_132 : memref<10240xf32, #tpu.memory_space<hbm>>) dst(%arg12 : memref<10240xf32, #tpu.memory_space<vmem>>)
      %add3A_133 = arith.constant 1 : i32
      %add3A_134 = arith.addi %mul3A_115, %add3A_133 : i32
      %min3A_135 = arith.constant 124 : i32
      %min3A_136 = arith.minsi %add3A_134, %min3A_135 : i32
      %dma_wait3A_137 = arith.constant 0 : i32
      %dma_wait3A_138 = arith.constant 0 : i32
      %dma_wait3A_139 = tpu.memref_slice %arg4[%add3A, %min3A_136, %dma_wait3A_137, %dma_wait3A_138] : memref<32x125x2x80xi32, #tpu.memory_space<hbm>> -> memref<1x1x2x80xi32, #tpu.memory_space<hbm>>
      %dma_wait3A_140 = tpu.memref_squeeze %dma_wait3A_139 : memref<1x1x2x80xi32, #tpu.memory_space<hbm>> -> memref<2x80xi32, #tpu.memory_space<hbm>>
      %dma_wait3A_141 = arith.constant 0 : i32
      %dma_wait3A_142 = arith.constant 0 : i32
      %dma_wait3A_143 = tpu.memref_slice %arg4[%add3A, %min3A_136, %dma_wait3A_141, %dma_wait3A_142] : memref<32x125x2x80xi32, #tpu.memory_space<hbm>> -> memref<1x1x2x80xi32, #tpu.memory_space<hbm>>
      %dma_wait3A_144 = tpu.memref_squeeze %dma_wait3A_143 : memref<1x1x2x80xi32, #tpu.memory_space<hbm>> -> memref<2x80xi32, #tpu.memory_space<hbm>>
      tpu.wait_dma2 semaphore(%arg19 : memref<!tpu.dma_semaphore, #tpu.memory_space<semaphore_mem>>) src(%dma_wait3A_144 : memref<2x80xi32, #tpu.memory_space<hbm>>) dst(%arg9 : memref<2x80xi32, #tpu.memory_space<vmem>>)
      %add3A_145 = arith.constant 1 : i32
      %add3A_146 = arith.addi %mul3A_115, %add3A_145 : i32
      %dma_start3A_147 = arith.constant 0 : i32
      %dma_start3A_148 = arith.constant 0 : i32
      %dma_start3A_149 = tpu.memref_slice %arg9[%dma_start3A_147, %dma_start3A_148] : memref<2x80xi32, #tpu.memory_space<vmem>> -> memref<1x80xi32, #tpu.memory_space<vmem>>
      %dma_start3A_150 = tpu.memref_squeeze %dma_start3A_149 : memref<1x80xi32, #tpu.memory_space<vmem>> -> memref<80xi32, #tpu.memory_space<vmem>>
      %dma_start3A_151 = arith.constant 0 : i32
      %dma_start3A_152 = arith.constant 0 : i32
      %dma_start3A_153 = tpu.memref_slice %arg2[%dma_start3A_151, %dma_start3A_152] : memref<10000x128xf32, #tpu.memory_space<hbm>> -> memref<10000x128xf32, #tpu.memory_space<hbm>>
      tpu.enqueue_indirect_dma source(%dma_start3A_153 : memref<10000x128xf32, #tpu.memory_space<hbm>>) target(%arg11 : memref<80x128xf32, #tpu.memory_space<vmem>>) offsets(%dma_start3A_150 : memref<80xi32, #tpu.memory_space<vmem>>) semaphore(%arg15 : memref<!tpu.dma_semaphore, #tpu.memory_space<semaphore_mem>>)
      %mul3A_154 = arith.constant 10000 : i32
      %mul3A_155 = arith.muli %add3A, %mul3A_154 : i32
      %mul3A_156 = arith.constant 80 : i32
      %mul3A_157 = arith.muli %add3A_146, %mul3A_156 : i32
      %add3A_158 = arith.addi %mul3A_155, %mul3A_157 : i32
      %mul3A_159 = arith.constant 128 : i32
      %mul3A_160 = arith.muli %add3A_158, %mul3A_159 : i32
      %multiple_of3A_161 = tpu.assume_multiple %mul3A_160, 8 : i32
      %dma_start3A_162 = tpu.memref_slice %arg3[%multiple_of3A_161] : memref<40960000xf32, #tpu.memory_space<hbm>> -> memref<10240xf32, #tpu.memory_space<hbm>>
      %dma_start3A_163 = tpu.memref_slice %arg3[%multiple_of3A_161] : memref<40960000xf32, #tpu.memory_space<hbm>> -> memref<10240xf32, #tpu.memory_space<hbm>>
      tpu.enqueue_dma source(%dma_start3A_163 : memref<10240xf32, #tpu.memory_space<hbm>>) target(%arg13 : memref<10240xf32, #tpu.memory_space<vmem>>) target_semaphore(%arg17 : memref<!tpu.dma_semaphore, #tpu.memory_space<semaphore_mem>>)
      %scan3A_164 = arith.constant 0 : i32
      %scan3A_165 = arith.constant 0 : i32
      %scan3A_166 = arith.constant 80 : i32
      %scan3A_167 = arith.addi %scan3A_165, %scan3A_166 : i32
      %scan3A_168 = arith.constant 1 : i32
      %scan3A_169 = scf.for %scan3A_257 = %scan3A_165 to %scan3A_167 step %scan3A_168 iter_args(%scan3A_258 = %scan3A_164) -> (i32)  : i32 {
        %mul3A_259 = arith.constant 128 : i32
        %mul3A_260 = arith.muli %scan3A_257, %mul3A_259 : i32
        %add3A_261 = arith.constant 0 : i32
        %add3A_262 = arith.addi %mul3A_260, %add3A_261 : i32
        %multiple_of3A_263 = tpu.assume_multiple %add3A_262, 16 : i32
        %get3A = arith.index_cast %scan3A_257 : i32 to index
        %get3A_264 = arith.constant 0 : index
        %get3A_265 = tpu.vector_load %arg10[%get3A, %get3A_264] {strides = array<i32>} : memref<80x128xf32, #tpu.memory_space<vmem>>, vector<1x16xf32>,
        %get3A_266 = vector.shape_cast %get3A_265 : vector<1x16xf32> to vector<16xf32>
        %get3A_267 = arith.index_cast %multiple_of3A_263 : i32 to index
        %get3A_268 = tpu.vector_load %arg12[%get3A_267] {strides = array<i32>} : memref<10240xf32, #tpu.memory_space<vmem>>, vector<16xf32>,
        %get3A_269 = vector.shape_cast %get3A_268 : vector<16xf32> to vector<16xf32>
        %add3A_270 = arith.addf %get3A_266, %get3A_269 : vector<16xf32>
        %max3A = arith.constant 0.000000e+00 : f32
        %max3A_271 = vector.broadcast %max3A : f32 to vector<16xf32>
        %max3A_272 = arith.maximumf %add3A_270, %max3A_271 : vector<16xf32>
        %swap3A = arith.index_cast %scan3A_257 : i32 to index
        %swap3A_273 = arith.constant 0 : index
        %swap3A_274 = tpu.vector_load %arg10[%swap3A, %swap3A_273] {strides = array<i32>} : memref<80x128xf32, #tpu.memory_space<vmem>>, vector<1x16xf32>,
        %swap3A_275 = vector.shape_cast %swap3A_274 : vector<1x16xf32> to vector<16xf32>
        %swap3A_276 = vector.shape_cast %max3A_272 : vector<16xf32> to vector<1x16xf32>
        tpu.vector_store %arg10[%swap3A, %swap3A_273], %swap3A_276 {strides = array<i32>} : memref<80x128xf32, #tpu.memory_space<vmem>>, vector<1x16xf32>,
        %mul3A_277 = arith.constant 128 : i32
        %mul3A_278 = arith.muli %scan3A_257, %mul3A_277 : i32
        %add3A_279 = arith.constant 16 : i32
        %add3A_280 = arith.addi %mul3A_278, %add3A_279 : i32
        %multiple_of3A_281 = tpu.assume_multiple %add3A_280, 16 : i32
        %get3A_282 = arith.index_cast %scan3A_257 : i32 to index
        %get3A_283 = arith.constant 16 : index
        %get3A_284 = tpu.vector_load %arg10[%get3A_282, %get3A_283] {strides = array<i32>} : memref<80x128xf32, #tpu.memory_space<vmem>>, vector<1x16xf32>,
        %get3A_285 = vector.shape_cast %get3A_284 : vector<1x16xf32> to vector<16xf32>
        %get3A_286 = arith.index_cast %multiple_of3A_281 : i32 to index
        %get3A_287 = tpu.vector_load %arg12[%get3A_286] {strides = array<i32>} : memref<10240xf32, #tpu.memory_space<vmem>>, vector<16xf32>,
        %get3A_288 = vector.shape_cast %get3A_287 : vector<16xf32> to vector<16xf32>
        %add3A_289 = arith.addf %get3A_285, %get3A_288 : vector<16xf32>
        %max3A_290 = arith.constant 0.000000e+00 : f32
        %max3A_291 = vector.broadcast %max3A_290 : f32 to vector<16xf32>
        %max3A_292 = arith.maximumf %add3A_289, %max3A_291 : vector<16xf32>
        %swap3A_293 = arith.index_cast %scan3A_257 : i32 to index
        %swap3A_294 = arith.constant 16 : index
        %swap3A_295 = tpu.vector_load %arg10[%swap3A_293, %swap3A_294] {strides = array<i32>} : memref<80x128xf32, #tpu.memory_space<vmem>>, vector<1x16xf32>,
        %swap3A_296 = vector.shape_cast %swap3A_295 : vector<1x16xf32> to vector<16xf32>
        %swap3A_297 = vector.shape_cast %max3A_292 : vector<16xf32> to vector<1x16xf32>
        tpu.vector_store %arg10[%swap3A_293, %swap3A_294], %swap3A_297 {strides = array<i32>} : memref<80x128xf32, #tpu.memory_space<vmem>>, vector<1x16xf32>,
        %mul3A_298 = arith.constant 128 : i32
        %mul3A_299 = arith.muli %scan3A_257, %mul3A_298 : i32
        %add3A_300 = arith.constant 32 : i32
        %add3A_301 = arith.addi %mul3A_299, %add3A_300 : i32
        %multiple_of3A_302 = tpu.assume_multiple %add3A_301, 16 : i32
        %get3A_303 = arith.index_cast %scan3A_257 : i32 to index
        %get3A_304 = arith.constant 32 : index
        %get3A_305 = tpu.vector_load %arg10[%get3A_303, %get3A_304] {strides = array<i32>} : memref<80x128xf32, #tpu.memory_space<vmem>>, vector<1x16xf32>,
        %get3A_306 = vector.shape_cast %get3A_305 : vector<1x16xf32> to vector<16xf32>
        %get3A_307 = arith.index_cast %multiple_of3A_302 : i32 to index
        %get3A_308 = tpu.vector_load %arg12[%get3A_307] {strides = array<i32>} : memref<10240xf32, #tpu.memory_space<vmem>>, vector<16xf32>,
        %get3A_309 = vector.shape_cast %get3A_308 : vector<16xf32> to vector<16xf32>
        %add3A_310 = arith.addf %get3A_306, %get3A_309 : vector<16xf32>
        %max3A_311 = arith.constant 0.000000e+00 : f32
        %max3A_312 = vector.broadcast %max3A_311 : f32 to vector<16xf32>
        %max3A_313 = arith.maximumf %add3A_310, %max3A_312 : vector<16xf32>
        %swap3A_314 = arith.index_cast %scan3A_257 : i32 to index
        %swap3A_315 = arith.constant 32 : index
        %swap3A_316 = tpu.vector_load %arg10[%swap3A_314, %swap3A_315] {strides = array<i32>} : memref<80x128xf32, #tpu.memory_space<vmem>>, vector<1x16xf32>,
        %swap3A_317 = vector.shape_cast %swap3A_316 : vector<1x16xf32> to vector<16xf32>
        %swap3A_318 = vector.shape_cast %max3A_313 : vector<16xf32> to vector<1x16xf32>
        tpu.vector_store %arg10[%swap3A_314, %swap3A_315], %swap3A_318 {strides = array<i32>} : memref<80x128xf32, #tpu.memory_space<vmem>>, vector<1x16xf32>,
        %mul3A_319 = arith.constant 128 : i32
        %mul3A_320 = arith.muli %scan3A_257, %mul3A_319 : i32
        %add3A_321 = arith.constant 48 : i32
        %add3A_322 = arith.addi %mul3A_320, %add3A_321 : i32
        %multiple_of3A_323 = tpu.assume_multiple %add3A_322, 16 : i32
        %get3A_324 = arith.index_cast %scan3A_257 : i32 to index
        %get3A_325 = arith.constant 48 : index
        %get3A_326 = tpu.vector_load %arg10[%get3A_324, %get3A_325] {strides = array<i32>} : memref<80x128xf32, #tpu.memory_space<vmem>>, vector<1x16xf32>,
        %get3A_327 = vector.shape_cast %get3A_326 : vector<1x16xf32> to vector<16xf32>
        %get3A_328 = arith.index_cast %multiple_of3A_323 : i32 to index
        %get3A_329 = tpu.vector_load %arg12[%get3A_328] {strides = array<i32>} : memref<10240xf32, #tpu.memory_space<vmem>>, vector<16xf32>,
        %get3A_330 = vector.shape_cast %get3A_329 : vector<16xf32> to vector<16xf32>
        %add3A_331 = arith.addf %get3A_327, %get3A_330 : vector<16xf32>
        %max3A_332 = arith.constant 0.000000e+00 : f32
        %max3A_333 = vector.broadcast %max3A_332 : f32 to vector<16xf32>
        %max3A_334 = arith.maximumf %add3A_331, %max3A_333 : vector<16xf32>
        %swap3A_335 = arith.index_cast %scan3A_257 : i32 to index
        %swap3A_336 = arith.constant 48 : index
        %swap3A_337 = tpu.vector_load %arg10[%swap3A_335, %swap3A_336] {strides = array<i32>} : memref<80x128xf32, #tpu.memory_space<vmem>>, vector<1x16xf32>,
        %swap3A_338 = vector.shape_cast %swap3A_337 : vector<1x16xf32> to vector<16xf32>
        %swap3A_339 = vector.shape_cast %max3A_334 : vector<16xf32> to vector<1x16xf32>
        tpu.vector_store %arg10[%swap3A_335, %swap3A_336], %swap3A_339 {strides = array<i32>} : memref<80x128xf32, #tpu.memory_space<vmem>>, vector<1x16xf32>,
        %mul3A_340 = arith.constant 128 : i32
        %mul3A_341 = arith.muli %scan3A_257, %mul3A_340 : i32
        %add3A_342 = arith.constant 64 : i32
        %add3A_343 = arith.addi %mul3A_341, %add3A_342 : i32
        %multiple_of3A_344 = tpu.assume_multiple %add3A_343, 16 : i32
        %get3A_345 = arith.index_cast %scan3A_257 : i32 to index
        %get3A_346 = arith.constant 64 : index
        %get3A_347 = tpu.vector_load %arg10[%get3A_345, %get3A_346] {strides = array<i32>} : memref<80x128xf32, #tpu.memory_space<vmem>>, vector<1x16xf32>,
        %get3A_348 = vector.shape_cast %get3A_347 : vector<1x16xf32> to vector<16xf32>
        %get3A_349 = arith.index_cast %multiple_of3A_344 : i32 to index
        %get3A_350 = tpu.vector_load %arg12[%get3A_349] {strides = array<i32>} : memref<10240xf32, #tpu.memory_space<vmem>>, vector<16xf32>,
        %get3A_351 = vector.shape_cast %get3A_350 : vector<16xf32> to vector<16xf32>
        %add3A_352 = arith.addf %get3A_348, %get3A_351 : vector<16xf32>
        %max3A_353 = arith.constant 0.000000e+00 : f32
        %max3A_354 = vector.broadcast %max3A_353 : f32 to vector<16xf32>
        %max3A_355 = arith.maximumf %add3A_352, %max3A_354 : vector<16xf32>
        %swap3A_356 = arith.index_cast %scan3A_257 : i32 to index
        %swap3A_357 = arith.constant 64 : index
        %swap3A_358 = tpu.vector_load %arg10[%swap3A_356, %swap3A_357] {strides = array<i32>} : memref<80x128xf32, #tpu.memory_space<vmem>>, vector<1x16xf32>,
        %swap3A_359 = vector.shape_cast %swap3A_358 : vector<1x16xf32> to vector<16xf32>
        %swap3A_360 = vector.shape_cast %max3A_355 : vector<16xf32> to vector<1x16xf32>
        tpu.vector_store %arg10[%swap3A_356, %swap3A_357], %swap3A_360 {strides = array<i32>} : memref<80x128xf32, #tpu.memory_space<vmem>>, vector<1x16xf32>,
        %mul3A_361 = arith.constant 128 : i32
        %mul3A_362 = arith.muli %scan3A_257, %mul3A_361 : i32
        %add3A_363 = arith.constant 80 : i32
        %add3A_364 = arith.addi %mul3A_362, %add3A_363 : i32
        %multiple_of3A_365 = tpu.assume_multiple %add3A_364, 16 : i32
        %get3A_366 = arith.index_cast %scan3A_257 : i32 to index
        %get3A_367 = arith.constant 80 : index
        %get3A_368 = tpu.vector_load %arg10[%get3A_366, %get3A_367] {strides = array<i32>} : memref<80x128xf32, #tpu.memory_space<vmem>>, vector<1x16xf32>,
        %get3A_369 = vector.shape_cast %get3A_368 : vector<1x16xf32> to vector<16xf32>
        %get3A_370 = arith.index_cast %multiple_of3A_365 : i32 to index
        %get3A_371 = tpu.vector_load %arg12[%get3A_370] {strides = array<i32>} : memref<10240xf32, #tpu.memory_space<vmem>>, vector<16xf32>,
        %get3A_372 = vector.shape_cast %get3A_371 : vector<16xf32> to vector<16xf32>
        %add3A_373 = arith.addf %get3A_369, %get3A_372 : vector<16xf32>
        %max3A_374 = arith.constant 0.000000e+00 : f32
        %max3A_375 = vector.broadcast %max3A_374 : f32 to vector<16xf32>
        %max3A_376 = arith.maximumf %add3A_373, %max3A_375 : vector<16xf32>
        %swap3A_377 = arith.index_cast %scan3A_257 : i32 to index
        %swap3A_378 = arith.constant 80 : index
        %swap3A_379 = tpu.vector_load %arg10[%swap3A_377, %swap3A_378] {strides = array<i32>} : memref<80x128xf32, #tpu.memory_space<vmem>>, vector<1x16xf32>,
        %swap3A_380 = vector.shape_cast %swap3A_379 : vector<1x16xf32> to vector<16xf32>
        %swap3A_381 = vector.shape_cast %max3A_376 : vector<16xf32> to vector<1x16xf32>
        tpu.vector_store %arg10[%swap3A_377, %swap3A_378], %swap3A_381 {strides = array<i32>} : memref<80x128xf32, #tpu.memory_space<vmem>>, vector<1x16xf32>,
        %mul3A_382 = arith.constant 128 : i32
        %mul3A_383 = arith.muli %scan3A_257, %mul3A_382 : i32
        %add3A_384 = arith.constant 96 : i32
        %add3A_385 = arith.addi %mul3A_383, %add3A_384 : i32
        %multiple_of3A_386 = tpu.assume_multiple %add3A_385, 16 : i32
        %get3A_387 = arith.index_cast %scan3A_257 : i32 to index
        %get3A_388 = arith.constant 96 : index
        %get3A_389 = tpu.vector_load %arg10[%get3A_387, %get3A_388] {strides = array<i32>} : memref<80x128xf32, #tpu.memory_space<vmem>>, vector<1x16xf32>,
        %get3A_390 = vector.shape_cast %get3A_389 : vector<1x16xf32> to vector<16xf32>
        %get3A_391 = arith.index_cast %multiple_of3A_386 : i32 to index
        %get3A_392 = tpu.vector_load %arg12[%get3A_391] {strides = array<i32>} : memref<10240xf32, #tpu.memory_space<vmem>>, vector<16xf32>,
        %get3A_393 = vector.shape_cast %get3A_392 : vector<16xf32> to vector<16xf32>
        %add3A_394 = arith.addf %get3A_390, %get3A_393 : vector<16xf32>
        %max3A_395 = arith.constant 0.000000e+00 : f32
        %max3A_396 = vector.broadcast %max3A_395 : f32 to vector<16xf32>
        %max3A_397 = arith.maximumf %add3A_394, %max3A_396 : vector<16xf32>
        %swap3A_398 = arith.index_cast %scan3A_257 : i32 to index
        %swap3A_399 = arith.constant 96 : index
        %swap3A_400 = tpu.vector_load %arg10[%swap3A_398, %swap3A_399] {strides = array<i32>} : memref<80x128xf32, #tpu.memory_space<vmem>>, vector<1x16xf32>,
        %swap3A_401 = vector.shape_cast %swap3A_400 : vector<1x16xf32> to vector<16xf32>
        %swap3A_402 = vector.shape_cast %max3A_397 : vector<16xf32> to vector<1x16xf32>
        tpu.vector_store %arg10[%swap3A_398, %swap3A_399], %swap3A_402 {strides = array<i32>} : memref<80x128xf32, #tpu.memory_space<vmem>>, vector<1x16xf32>,
        %mul3A_403 = arith.constant 128 : i32
        %mul3A_404 = arith.muli %scan3A_257, %mul3A_403 : i32
        %add3A_405 = arith.constant 112 : i32
        %add3A_406 = arith.addi %mul3A_404, %add3A_405 : i32
        %multiple_of3A_407 = tpu.assume_multiple %add3A_406, 16 : i32
        %get3A_408 = arith.index_cast %scan3A_257 : i32 to index
        %get3A_409 = arith.constant 112 : index
        %get3A_410 = tpu.vector_load %arg10[%get3A_408, %get3A_409] {strides = array<i32>} : memref<80x128xf32, #tpu.memory_space<vmem>>, vector<1x16xf32>,
        %get3A_411 = vector.shape_cast %get3A_410 : vector<1x16xf32> to vector<16xf32>
        %get3A_412 = arith.index_cast %multiple_of3A_407 : i32 to index
        %get3A_413 = tpu.vector_load %arg12[%get3A_412] {strides = array<i32>} : memref<10240xf32, #tpu.memory_space<vmem>>, vector<16xf32>,
        %get3A_414 = vector.shape_cast %get3A_413 : vector<16xf32> to vector<16xf32>
        %add3A_415 = arith.addf %get3A_411, %get3A_414 : vector<16xf32>
        %max3A_416 = arith.constant 0.000000e+00 : f32
        %max3A_417 = vector.broadcast %max3A_416 : f32 to vector<16xf32>
        %max3A_418 = arith.maximumf %add3A_415, %max3A_417 : vector<16xf32>
        %swap3A_419 = arith.index_cast %scan3A_257 : i32 to index
        %swap3A_420 = arith.constant 112 : index
        %swap3A_421 = tpu.vector_load %arg10[%swap3A_419, %swap3A_420] {strides = array<i32>} : memref<80x128xf32, #tpu.memory_space<vmem>>, vector<1x16xf32>,
        %swap3A_422 = vector.shape_cast %swap3A_421 : vector<1x16xf32> to vector<16xf32>
        %swap3A_423 = vector.shape_cast %max3A_418 : vector<16xf32> to vector<1x16xf32>
        tpu.vector_store %arg10[%swap3A_419, %swap3A_420], %swap3A_423 {strides = array<i32>} : memref<80x128xf32, #tpu.memory_space<vmem>>, vector<1x16xf32>,
        %scan3A_424 = arith.constant 0 : i32
        scf.yield %scan3A_424 : i32
      }
      %scan3A_170 = arith.constant 80 : i32
      %run_scoped3A_171 = arith.constant 1 : i32
      "tpu.region"() ({
        %run_scoped3A_257 = tpu.sem_alloc : memref<!tpu.dma_semaphore, #tpu.memory_space<semaphore_mem>>
        %dma_start3A_258 = arith.constant 0 : i32
        %dma_start3A_259 = tpu.memref_slice %arg8[%run_scoped3A_171, %dma_start3A_258] : memref<2x80xi32, #tpu.memory_space<vmem>> -> memref<1x80xi32, #tpu.memory_space<vmem>>
        %dma_start3A_260 = tpu.memref_squeeze %dma_start3A_259 : memref<1x80xi32, #tpu.memory_space<vmem>> -> memref<80xi32, #tpu.memory_space<vmem>>
        %dma_start3A_261 = arith.constant 0 : i32
        %dma_start3A_262 = arith.constant 0 : i32
        %dma_start3A_263 = tpu.memref_slice %arg6[%dma_start3A_261, %dma_start3A_262] : memref<10000x128xf32, #tpu.memory_space<vmem_shared>> -> memref<10000x128xf32, #tpu.memory_space<vmem_shared>>
        tpu.enqueue_indirect_dma source(%arg10 : memref<80x128xf32, #tpu.memory_space<vmem>>) target(%dma_start3A_263 : memref<10000x128xf32, #tpu.memory_space<vmem_shared>>) offsets(%dma_start3A_260 : memref<80xi32, #tpu.memory_space<vmem>>) semaphore(%run_scoped3A_257 : memref<!tpu.dma_semaphore, #tpu.memory_space<semaphore_mem>>) {add = true}
        %dma_wait3A_264 = arith.constant 0 : i32
        %dma_wait3A_265 = tpu.memref_slice %arg8[%run_scoped3A_171, %dma_wait3A_264] : memref<2x80xi32, #tpu.memory_space<vmem>> -> memref<1x80xi32, #tpu.memory_space<vmem>>
        %dma_wait3A_266 = tpu.memref_squeeze %dma_wait3A_265 : memref<1x80xi32, #tpu.memory_space<vmem>> -> memref<80xi32, #tpu.memory_space<vmem>>
        %dma_wait3A_267 = arith.constant 0 : i32
        %dma_wait3A_268 = arith.constant 0 : i32
        %dma_wait3A_269 = tpu.memref_slice %arg6[%dma_wait3A_267, %dma_wait3A_268] : memref<10000x128xf32, #tpu.memory_space<vmem_shared>> -> memref<10000x128xf32, #tpu.memory_space<vmem_shared>>
        tpu.wait_indirect_dma semaphore(%run_scoped3A_257 : memref<!tpu.dma_semaphore, #tpu.memory_space<semaphore_mem>>) src(%arg10 : memref<80x128xf32, #tpu.memory_space<vmem>>) dst(%dma_wait3A_269 : memref<10000x128xf32, #tpu.memory_space<vmem_shared>>)
        tpu.yield
      }) : () -> ()
      %add3A_172 = arith.constant 2 : i32
      %add3A_173 = arith.addi %mul3A_115, %add3A_172 : i32
      %min3A_174 = arith.constant 124 : i32
      %min3A_175 = arith.minsi %add3A_173, %min3A_174 : i32
      %dma_start3A_176 = arith.constant 0 : i32
      %dma_start3A_177 = arith.constant 0 : i32
      %dma_start3A_178 = tpu.memref_slice %arg4[%add3A, %min3A_175, %dma_start3A_176, %dma_start3A_177] : memref<32x125x2x80xi32, #tpu.memory_space<hbm>> -> memref<1x1x2x80xi32, #tpu.memory_space<hbm>>
      %dma_start3A_179 = tpu.memref_squeeze %dma_start3A_178 : memref<1x1x2x80xi32, #tpu.memory_space<hbm>> -> memref<2x80xi32, #tpu.memory_space<hbm>>
      %dma_start3A_180 = arith.constant 0 : i32
      %dma_start3A_181 = arith.constant 0 : i32
      %dma_start3A_182 = tpu.memref_slice %arg4[%add3A, %min3A_175, %dma_start3A_180, %dma_start3A_181] : memref<32x125x2x80xi32, #tpu.memory_space<hbm>> -> memref<1x1x2x80xi32, #tpu.memory_space<hbm>>
      %dma_start3A_183 = tpu.memref_squeeze %dma_start3A_182 : memref<1x1x2x80xi32, #tpu.memory_space<hbm>> -> memref<2x80xi32, #tpu.memory_space<hbm>>
      tpu.enqueue_dma source(%dma_start3A_183 : memref<2x80xi32, #tpu.memory_space<hbm>>) target(%arg8 : memref<2x80xi32, #tpu.memory_space<vmem>>) target_semaphore(%arg18 : memref<!tpu.dma_semaphore, #tpu.memory_space<semaphore_mem>>)
      %add3A_184 = arith.constant 1 : i32
      %add3A_185 = arith.addi %mul3A_115, %add3A_184 : i32
      %dma_wait3A_186 = arith.constant 0 : i32
      %dma_wait3A_187 = arith.constant 0 : i32
      %dma_wait3A_188 = tpu.memref_slice %arg9[%dma_wait3A_186, %dma_wait3A_187] : memref<2x80xi32, #tpu.memory_space<vmem>> -> memref<1x80xi32, #tpu.memory_space<vmem>>
      %dma_wait3A_189 = tpu.memref_squeeze %dma_wait3A_188 : memref<1x80xi32, #tpu.memory_space<vmem>> -> memref<80xi32, #tpu.memory_space<vmem>>
      %dma_wait3A_190 = arith.constant 0 : i32
      %dma_wait3A_191 = arith.constant 0 : i32
      %dma_wait3A_192 = tpu.memref_slice %arg2[%dma_wait3A_190, %dma_wait3A_191] : memref<10000x128xf32, #tpu.memory_space<hbm>> -> memref<10000x128xf32, #tpu.memory_space<hbm>>
      tpu.wait_indirect_dma semaphore(%arg15 : memref<!tpu.dma_semaphore, #tpu.memory_space<semaphore_mem>>) src(%dma_wait3A_192 : memref<10000x128xf32, #tpu.memory_space<hbm>>) dst(%arg11 : memref<80x128xf32, #tpu.memory_space<vmem>>)
      %mul3A_193 = arith.constant 10000 : i32
      %mul3A_194 = arith.muli %add3A, %mul3A_193 : i32
      %mul3A_195 = arith.constant 80 : i32
      %mul3A_196 = arith.muli %add3A_185, %mul3A_195 : i32
      %add3A_197 = arith.addi %mul3A_194, %mul3A_196 : i32
      %mul3A_198 = arith.constant 128 : i32
      %mul3A_199 = arith.muli %add3A_197, %mul3A_198 : i32
      %multiple_of3A_200 = tpu.assume_multiple %mul3A_199, 8 : i32
      %dma_wait3A_201 = tpu.memref_slice %arg3[%multiple_of3A_200] : memref<40960000xf32, #tpu.memory_space<hbm>> -> memref<10240xf32, #tpu.memory_space<hbm>>
      %dma_wait3A_202 = tpu.memref_slice %arg3[%multiple_of3A_200] : memref<40960000xf32, #tpu.memory_space<hbm>> -> memref<10240xf32, #tpu.memory_space<hbm>>
      tpu.wait_dma2 semaphore(%arg17 : memref<!tpu.dma_semaphore, #tpu.memory_space<semaphore_mem>>) src(%dma_wait3A_202 : memref<10240xf32, #tpu.memory_space<hbm>>) dst(%arg13 : memref<10240xf32, #tpu.memory_space<vmem>>)
      %add3A_203 = arith.constant 2 : i32
      %add3A_204 = arith.addi %mul3A_115, %add3A_203 : i32
      %min3A_205 = arith.constant 124 : i32
      %min3A_206 = arith.minsi %add3A_204, %min3A_205 : i32
      %dma_wait3A_207 = arith.constant 0 : i32
      %dma_wait3A_208 = arith.constant 0 : i32
      %dma_wait3A_209 = tpu.memref_slice %arg4[%add3A, %min3A_206, %dma_wait3A_207, %dma_wait3A_208] : memref<32x125x2x80xi32, #tpu.memory_space<hbm>> -> memref<1x1x2x80xi32, #tpu.memory_space<hbm>>
      %dma_wait3A_210 = tpu.memref_squeeze %dma_wait3A_209 : memref<1x1x2x80xi32, #tpu.memory_space<hbm>> -> memref<2x80xi32, #tpu.memory_space<hbm>>
      %dma_wait3A_211 = arith.constant 0 : i32
      %dma_wait3A_212 = arith.constant 0 : i32
      %dma_wait3A_213 = tpu.memref_slice %arg4[%add3A, %min3A_206, %dma_wait3A_211, %dma_wait3A_212] : memref<32x125x2x80xi32, #tpu.memory_space<hbm>> -> memref<1x1x2x80xi32, #tpu.memory_space<hbm>>
      %dma_wait3A_214 = tpu.memref_squeeze %dma_wait3A_213 : memref<1x1x2x80xi32, #tpu.memory_space<hbm>> -> memref<2x80xi32, #tpu.memory_space<hbm>>
      tpu.wait_dma2 semaphore(%arg18 : memref<!tpu.dma_semaphore, #tpu.memory_space<semaphore_mem>>) src(%dma_wait3A_214 : memref<2x80xi32, #tpu.memory_space<hbm>>) dst(%arg8 : memref<2x80xi32, #tpu.memory_space<vmem>>)
      %add3A_215 = arith.constant 2 : i32
      %add3A_216 = arith.addi %mul3A_115, %add3A_215 : i32
      %dma_start3A_217 = arith.constant 0 : i32
      %dma_start3A_218 = arith.constant 0 : i32
      %dma_start3A_219 = tpu.memref_slice %arg8[%dma_start3A_217, %dma_start3A_218] : memref<2x80xi32, #tpu.memory_space<vmem>> -> memref<1x80xi32, #tpu.memory_space<vmem>>
      %dma_start3A_220 = tpu.memref_squeeze %dma_start3A_219 : memref<1x80xi32, #tpu.memory_space<vmem>> -> memref<80xi32, #tpu.memory_space<vmem>>
      %dma_start3A_221 = arith.constant 0 : i32
      %dma_start3A_222 = arith.constant 0 : i32
      %dma_start3A_223 = tpu.memref_slice %arg2[%dma_start3A_221, %dma_start3A_222] : memref<10000x128xf32, #tpu.memory_space<hbm>> -> memref<10000x128xf32, #tpu.memory_space<hbm>>
      tpu.enqueue_indirect_dma source(%dma_start3A_223 : memref<10000x128xf32, #tpu.memory_space<hbm>>) target(%arg10 : memref<80x128xf32, #tpu.memory_space<vmem>>) offsets(%dma_start3A_220 : memref<80xi32, #tpu.memory_space<vmem>>) semaphore(%arg14 : memref<!tpu.dma_semaphore, #tpu.memory_space<semaphore_mem>>)
      %mul3A_224 = arith.constant 10000 : i32
      %mul3A_225 = arith.muli %add3A, %mul3A_224 : i32
      %mul3A_226 = arith.constant 80 : i32
      %mul3A_227 = arith.muli %add3A_216, %mul3A_226 : i32
      %add3A_228 = arith.addi %mul3A_225, %mul3A_227 : i32
      %mul3A_229 = arith.constant 128 : i32
      %mul3A_230 = arith.muli %add3A_228, %mul3A_229 : i32
      %multiple_of3A_231 = tpu.assume_multiple %mul3A_230, 8 : i32
      %dma_start3A_232 = tpu.memref_slice %arg3[%multiple_of3A_231] : memref<40960000xf32, #tpu.memory_space<hbm>> -> memref<10240xf32, #tpu.memory_space<hbm>>
      %dma_start3A_233 = tpu.memref_slice %arg3[%multiple_of3A_231] : memref<40960000xf32, #tpu.memory_space<hbm>> -> memref<10240xf32, #tpu.memory_space<hbm>>
      tpu.enqueue_dma source(%dma_start3A_233 : memref<10240xf32, #tpu.memory_space<hbm>>) target(%arg12 : memref<10240xf32, #tpu.memory_space<vmem>>) target_semaphore(%arg16 : memref<!tpu.dma_semaphore, #tpu.memory_space<semaphore_mem>>)
      %add3A_234 = arith.constant 1 : i32
      %add3A_235 = arith.addi %mul3A_115, %add3A_234 : i32
      %scan3A_236 = arith.constant 0 : i32
      %scan3A_237 = arith.constant 0 : i32
      %scan3A_238 = arith.constant 80 : i32
      %scan3A_239 = arith.addi %scan3A_237, %scan3A_238 : i32
      %scan3A_240 = arith.constant 1 : i32
      %scan3A_241 = scf.for %scan3A_257 = %scan3A_237 to %scan3A_239 step %scan3A_240 iter_args(%scan3A_258 = %scan3A_236) -> (i32)  : i32 {
        %mul3A_259 = arith.constant 128 : i32
        %mul3A_260 = arith.muli %scan3A_257, %mul3A_259 : i32
        %add3A_261 = arith.constant 0 : i32
        %add3A_262 = arith.addi %mul3A_260, %add3A_261 : i32
        %multiple_of3A_263 = tpu.assume_multiple %add3A_262, 16 : i32
        %get3A = arith.index_cast %scan3A_257 : i32 to index
        %get3A_264 = arith.constant 0 : index
        %get3A_265 = tpu.vector_load %arg11[%get3A, %get3A_264] {strides = array<i32>} : memref<80x128xf32, #tpu.memory_space<vmem>>, vector<1x16xf32>,
        %get3A_266 = vector.shape_cast %get3A_265 : vector<1x16xf32> to vector<16xf32>
        %get3A_267 = arith.index_cast %multiple_of3A_263 : i32 to index
        %get3A_268 = tpu.vector_load %arg13[%get3A_267] {strides = array<i32>} : memref<10240xf32, #tpu.memory_space<vmem>>, vector<16xf32>,
        %get3A_269 = vector.shape_cast %get3A_268 : vector<16xf32> to vector<16xf32>
        %add3A_270 = arith.addf %get3A_266, %get3A_269 : vector<16xf32>
        %max3A = arith.constant 0.000000e+00 : f32
        %max3A_271 = vector.broadcast %max3A : f32 to vector<16xf32>
        %max3A_272 = arith.maximumf %add3A_270, %max3A_271 : vector<16xf32>
        %swap3A = arith.index_cast %scan3A_257 : i32 to index
        %swap3A_273 = arith.constant 0 : index
        %swap3A_274 = tpu.vector_load %arg11[%swap3A, %swap3A_273] {strides = array<i32>} : memref<80x128xf32, #tpu.memory_space<vmem>>, vector<1x16xf32>,
        %swap3A_275 = vector.shape_cast %swap3A_274 : vector<1x16xf32> to vector<16xf32>
        %swap3A_276 = vector.shape_cast %max3A_272 : vector<16xf32> to vector<1x16xf32>
        tpu.vector_store %arg11[%swap3A, %swap3A_273], %swap3A_276 {strides = array<i32>} : memref<80x128xf32, #tpu.memory_space<vmem>>, vector<1x16xf32>,
        %mul3A_277 = arith.constant 128 : i32
        %mul3A_278 = arith.muli %scan3A_257, %mul3A_277 : i32
        %add3A_279 = arith.constant 16 : i32
        %add3A_280 = arith.addi %mul3A_278, %add3A_279 : i32
        %multiple_of3A_281 = tpu.assume_multiple %add3A_280, 16 : i32
        %get3A_282 = arith.index_cast %scan3A_257 : i32 to index
        %get3A_283 = arith.constant 16 : index
        %get3A_284 = tpu.vector_load %arg11[%get3A_282, %get3A_283] {strides = array<i32>} : memref<80x128xf32, #tpu.memory_space<vmem>>, vector<1x16xf32>,
        %get3A_285 = vector.shape_cast %get3A_284 : vector<1x16xf32> to vector<16xf32>
        %get3A_286 = arith.index_cast %multiple_of3A_281 : i32 to index
        %get3A_287 = tpu.vector_load %arg13[%get3A_286] {strides = array<i32>} : memref<10240xf32, #tpu.memory_space<vmem>>, vector<16xf32>,
        %get3A_288 = vector.shape_cast %get3A_287 : vector<16xf32> to vector<16xf32>
        %add3A_289 = arith.addf %get3A_285, %get3A_288 : vector<16xf32>
        %max3A_290 = arith.constant 0.000000e+00 : f32
        %max3A_291 = vector.broadcast %max3A_290 : f32 to vector<16xf32>
        %max3A_292 = arith.maximumf %add3A_289, %max3A_291 : vector<16xf32>
        %swap3A_293 = arith.index_cast %scan3A_257 : i32 to index
        %swap3A_294 = arith.constant 16 : index
        %swap3A_295 = tpu.vector_load %arg11[%swap3A_293, %swap3A_294] {strides = array<i32>} : memref<80x128xf32, #tpu.memory_space<vmem>>, vector<1x16xf32>,
        %swap3A_296 = vector.shape_cast %swap3A_295 : vector<1x16xf32> to vector<16xf32>
        %swap3A_297 = vector.shape_cast %max3A_292 : vector<16xf32> to vector<1x16xf32>
        tpu.vector_store %arg11[%swap3A_293, %swap3A_294], %swap3A_297 {strides = array<i32>} : memref<80x128xf32, #tpu.memory_space<vmem>>, vector<1x16xf32>,
        %mul3A_298 = arith.constant 128 : i32
        %mul3A_299 = arith.muli %scan3A_257, %mul3A_298 : i32
        %add3A_300 = arith.constant 32 : i32
        %add3A_301 = arith.addi %mul3A_299, %add3A_300 : i32
        %multiple_of3A_302 = tpu.assume_multiple %add3A_301, 16 : i32
        %get3A_303 = arith.index_cast %scan3A_257 : i32 to index
        %get3A_304 = arith.constant 32 : index
        %get3A_305 = tpu.vector_load %arg11[%get3A_303, %get3A_304] {strides = array<i32>} : memref<80x128xf32, #tpu.memory_space<vmem>>, vector<1x16xf32>,
        %get3A_306 = vector.shape_cast %get3A_305 : vector<1x16xf32> to vector<16xf32>
        %get3A_307 = arith.index_cast %multiple_of3A_302 : i32 to index
        %get3A_308 = tpu.vector_load %arg13[%get3A_307] {strides = array<i32>} : memref<10240xf32, #tpu.memory_space<vmem>>, vector<16xf32>,
        %get3A_309 = vector.shape_cast %get3A_308 : vector<16xf32> to vector<16xf32>
        %add3A_310 = arith.addf %get3A_306, %get3A_309 : vector<16xf32>
        %max3A_311 = arith.constant 0.000000e+00 : f32
        %max3A_312 = vector.broadcast %max3A_311 : f32 to vector<16xf32>
        %max3A_313 = arith.maximumf %add3A_310, %max3A_312 : vector<16xf32>
        %swap3A_314 = arith.index_cast %scan3A_257 : i32 to index
        %swap3A_315 = arith.constant 32 : index
        %swap3A_316 = tpu.vector_load %arg11[%swap3A_314, %swap3A_315] {strides = array<i32>} : memref<80x128xf32, #tpu.memory_space<vmem>>, vector<1x16xf32>,
        %swap3A_317 = vector.shape_cast %swap3A_316 : vector<1x16xf32> to vector<16xf32>
        %swap3A_318 = vector.shape_cast %max3A_313 : vector<16xf32> to vector<1x16xf32>
        tpu.vector_store %arg11[%swap3A_314, %swap3A_315], %swap3A_318 {strides = array<i32>} : memref<80x128xf32, #tpu.memory_space<vmem>>, vector<1x16xf32>,
        %mul3A_319 = arith.constant 128 : i32
        %mul3A_320 = arith.muli %scan3A_257, %mul3A_319 : i32
        %add3A_321 = arith.constant 48 : i32
        %add3A_322 = arith.addi %mul3A_320, %add3A_321 : i32
        %multiple_of3A_323 = tpu.assume_multiple %add3A_322, 16 : i32
        %get3A_324 = arith.index_cast %scan3A_257 : i32 to index
        %get3A_325 = arith.constant 48 : index
        %get3A_326 = tpu.vector_load %arg11[%get3A_324, %get3A_325] {strides = array<i32>} : memref<80x128xf32, #tpu.memory_space<vmem>>, vector<1x16xf32>,
        %get3A_327 = vector.shape_cast %get3A_326 : vector<1x16xf32> to vector<16xf32>
        %get3A_328 = arith.index_cast %multiple_of3A_323 : i32 to index
        %get3A_329 = tpu.vector_load %arg13[%get3A_328] {strides = array<i32>} : memref<10240xf32, #tpu.memory_space<vmem>>, vector<16xf32>,
        %get3A_330 = vector.shape_cast %get3A_329 : vector<16xf32> to vector<16xf32>
        %add3A_331 = arith.addf %get3A_327, %get3A_330 : vector<16xf32>
        %max3A_332 = arith.constant 0.000000e+00 : f32
        %max3A_333 = vector.broadcast %max3A_332 : f32 to vector<16xf32>
        %max3A_334 = arith.maximumf %add3A_331, %max3A_333 : vector<16xf32>
        %swap3A_335 = arith.index_cast %scan3A_257 : i32 to index
        %swap3A_336 = arith.constant 48 : index
        %swap3A_337 = tpu.vector_load %arg11[%swap3A_335, %swap3A_336] {strides = array<i32>} : memref<80x128xf32, #tpu.memory_space<vmem>>, vector<1x16xf32>,
        %swap3A_338 = vector.shape_cast %swap3A_337 : vector<1x16xf32> to vector<16xf32>
        %swap3A_339 = vector.shape_cast %max3A_334 : vector<16xf32> to vector<1x16xf32>
        tpu.vector_store %arg11[%swap3A_335, %swap3A_336], %swap3A_339 {strides = array<i32>} : memref<80x128xf32, #tpu.memory_space<vmem>>, vector<1x16xf32>,
        %mul3A_340 = arith.constant 128 : i32
        %mul3A_341 = arith.muli %scan3A_257, %mul3A_340 : i32
        %add3A_342 = arith.constant 64 : i32
        %add3A_343 = arith.addi %mul3A_341, %add3A_342 : i32
        %multiple_of3A_344 = tpu.assume_multiple %add3A_343, 16 : i32
        %get3A_345 = arith.index_cast %scan3A_257 : i32 to index
        %get3A_346 = arith.constant 64 : index
        %get3A_347 = tpu.vector_load %arg11[%get3A_345, %get3A_346] {strides = array<i32>} : memref<80x128xf32, #tpu.memory_space<vmem>>, vector<1x16xf32>,
        %get3A_348 = vector.shape_cast %get3A_347 : vector<1x16xf32> to vector<16xf32>
        %get3A_349 = arith.index_cast %multiple_of3A_344 : i32 to index
        %get3A_350 = tpu.vector_load %arg13[%get3A_349] {strides = array<i32>} : memref<10240xf32, #tpu.memory_space<vmem>>, vector<16xf32>,
        %get3A_351 = vector.shape_cast %get3A_350 : vector<16xf32> to vector<16xf32>
        %add3A_352 = arith.addf %get3A_348, %get3A_351 : vector<16xf32>
        %max3A_353 = arith.constant 0.000000e+00 : f32
        %max3A_354 = vector.broadcast %max3A_353 : f32 to vector<16xf32>
        %max3A_355 = arith.maximumf %add3A_352, %max3A_354 : vector<16xf32>
        %swap3A_356 = arith.index_cast %scan3A_257 : i32 to index
        %swap3A_357 = arith.constant 64 : index
        %swap3A_358 = tpu.vector_load %arg11[%swap3A_356, %swap3A_357] {strides = array<i32>} : memref<80x128xf32, #tpu.memory_space<vmem>>, vector<1x16xf32>,
        %swap3A_359 = vector.shape_cast %swap3A_358 : vector<1x16xf32> to vector<16xf32>
        %swap3A_360 = vector.shape_cast %max3A_355 : vector<16xf32> to vector<1x16xf32>
        tpu.vector_store %arg11[%swap3A_356, %swap3A_357], %swap3A_360 {strides = array<i32>} : memref<80x128xf32, #tpu.memory_space<vmem>>, vector<1x16xf32>,
        %mul3A_361 = arith.constant 128 : i32
        %mul3A_362 = arith.muli %scan3A_257, %mul3A_361 : i32
        %add3A_363 = arith.constant 80 : i32
        %add3A_364 = arith.addi %mul3A_362, %add3A_363 : i32
        %multiple_of3A_365 = tpu.assume_multiple %add3A_364, 16 : i32
        %get3A_366 = arith.index_cast %scan3A_257 : i32 to index
        %get3A_367 = arith.constant 80 : index
        %get3A_368 = tpu.vector_load %arg11[%get3A_366, %get3A_367] {strides = array<i32>} : memref<80x128xf32, #tpu.memory_space<vmem>>, vector<1x16xf32>,
        %get3A_369 = vector.shape_cast %get3A_368 : vector<1x16xf32> to vector<16xf32>
        %get3A_370 = arith.index_cast %multiple_of3A_365 : i32 to index
        %get3A_371 = tpu.vector_load %arg13[%get3A_370] {strides = array<i32>} : memref<10240xf32, #tpu.memory_space<vmem>>, vector<16xf32>,
        %get3A_372 = vector.shape_cast %get3A_371 : vector<16xf32> to vector<16xf32>
        %add3A_373 = arith.addf %get3A_369, %get3A_372 : vector<16xf32>
        %max3A_374 = arith.constant 0.000000e+00 : f32
        %max3A_375 = vector.broadcast %max3A_374 : f32 to vector<16xf32>
        %max3A_376 = arith.maximumf %add3A_373, %max3A_375 : vector<16xf32>
        %swap3A_377 = arith.index_cast %scan3A_257 : i32 to index
        %swap3A_378 = arith.constant 80 : index
        %swap3A_379 = tpu.vector_load %arg11[%swap3A_377, %swap3A_378] {strides = array<i32>} : memref<80x128xf32, #tpu.memory_space<vmem>>, vector<1x16xf32>,
        %swap3A_380 = vector.shape_cast %swap3A_379 : vector<1x16xf32> to vector<16xf32>
        %swap3A_381 = vector.shape_cast %max3A_376 : vector<16xf32> to vector<1x16xf32>
        tpu.vector_store %arg11[%swap3A_377, %swap3A_378], %swap3A_381 {strides = array<i32>} : memref<80x128xf32, #tpu.memory_space<vmem>>, vector<1x16xf32>,
        %mul3A_382 = arith.constant 128 : i32
        %mul3A_383 = arith.muli %scan3A_257, %mul3A_382 : i32
        %add3A_384 = arith.constant 96 : i32
        %add3A_385 = arith.addi %mul3A_383, %add3A_384 : i32
        %multiple_of3A_386 = tpu.assume_multiple %add3A_385, 16 : i32
        %get3A_387 = arith.index_cast %scan3A_257 : i32 to index
        %get3A_388 = arith.constant 96 : index
        %get3A_389 = tpu.vector_load %arg11[%get3A_387, %get3A_388] {strides = array<i32>} : memref<80x128xf32, #tpu.memory_space<vmem>>, vector<1x16xf32>,
        %get3A_390 = vector.shape_cast %get3A_389 : vector<1x16xf32> to vector<16xf32>
        %get3A_391 = arith.index_cast %multiple_of3A_386 : i32 to index
        %get3A_392 = tpu.vector_load %arg13[%get3A_391] {strides = array<i32>} : memref<10240xf32, #tpu.memory_space<vmem>>, vector<16xf32>,
        %get3A_393 = vector.shape_cast %get3A_392 : vector<16xf32> to vector<16xf32>
        %add3A_394 = arith.addf %get3A_390, %get3A_393 : vector<16xf32>
        %max3A_395 = arith.constant 0.000000e+00 : f32
        %max3A_396 = vector.broadcast %max3A_395 : f32 to vector<16xf32>
        %max3A_397 = arith.maximumf %add3A_394, %max3A_396 : vector<16xf32>
        %swap3A_398 = arith.index_cast %scan3A_257 : i32 to index
        %swap3A_399 = arith.constant 96 : index
        %swap3A_400 = tpu.vector_load %arg11[%swap3A_398, %swap3A_399] {strides = array<i32>} : memref<80x128xf32, #tpu.memory_space<vmem>>, vector<1x16xf32>,
        %swap3A_401 = vector.shape_cast %swap3A_400 : vector<1x16xf32> to vector<16xf32>
        %swap3A_402 = vector.shape_cast %max3A_397 : vector<16xf32> to vector<1x16xf32>
        tpu.vector_store %arg11[%swap3A_398, %swap3A_399], %swap3A_402 {strides = array<i32>} : memref<80x128xf32, #tpu.memory_space<vmem>>, vector<1x16xf32>,
        %mul3A_403 = arith.constant 128 : i32
        %mul3A_404 = arith.muli %scan3A_257, %mul3A_403 : i32
        %add3A_405 = arith.constant 112 : i32
        %add3A_406 = arith.addi %mul3A_404, %add3A_405 : i32
        %multiple_of3A_407 = tpu.assume_multiple %add3A_406, 16 : i32
        %get3A_408 = arith.index_cast %scan3A_257 : i32 to index
        %get3A_409 = arith.constant 112 : index
        %get3A_410 = tpu.vector_load %arg11[%get3A_408, %get3A_409] {strides = array<i32>} : memref<80x128xf32, #tpu.memory_space<vmem>>, vector<1x16xf32>,
        %get3A_411 = vector.shape_cast %get3A_410 : vector<1x16xf32> to vector<16xf32>
        %get3A_412 = arith.index_cast %multiple_of3A_407 : i32 to index
        %get3A_413 = tpu.vector_load %arg13[%get3A_412] {strides = array<i32>} : memref<10240xf32, #tpu.memory_space<vmem>>, vector<16xf32>,
        %get3A_414 = vector.shape_cast %get3A_413 : vector<16xf32> to vector<16xf32>
        %add3A_415 = arith.addf %get3A_411, %get3A_414 : vector<16xf32>
        %max3A_416 = arith.constant 0.000000e+00 : f32
        %max3A_417 = vector.broadcast %max3A_416 : f32 to vector<16xf32>
        %max3A_418 = arith.maximumf %add3A_415, %max3A_417 : vector<16xf32>
        %swap3A_419 = arith.index_cast %scan3A_257 : i32 to index
        %swap3A_420 = arith.constant 112 : index
        %swap3A_421 = tpu.vector_load %arg11[%swap3A_419, %swap3A_420] {strides = array<i32>} : memref<80x128xf32, #tpu.memory_space<vmem>>, vector<1x16xf32>,
        %swap3A_422 = vector.shape_cast %swap3A_421 : vector<1x16xf32> to vector<16xf32>
        %swap3A_423 = vector.shape_cast %max3A_418 : vector<16xf32> to vector<1x16xf32>
        tpu.vector_store %arg11[%swap3A_419, %swap3A_420], %swap3A_423 {strides = array<i32>} : memref<80x128xf32, #tpu.memory_space<vmem>>, vector<1x16xf32>,
        %scan3A_424 = arith.constant 0 : i32
        scf.yield %scan3A_424 : i32
      }
      %scan3A_242 = arith.constant 80 : i32
      %run_scoped3A_243 = arith.constant 1 : i32
      "tpu.region"() ({
        %run_scoped3A_257 = tpu.sem_alloc : memref<!tpu.dma_semaphore, #tpu.memory_space<semaphore_mem>>
        %dma_start3A_258 = arith.constant 0 : i32
        %dma_start3A_259 = tpu.memref_slice %arg9[%run_scoped3A_243, %dma_start3A_258] : memref<2x80xi32, #tpu.memory_space<vmem>> -> memref<1x80xi32, #tpu.memory_space<vmem>>
        %dma_start3A_260 = tpu.memref_squeeze %dma_start3A_259 : memref<1x80xi32, #tpu.memory_space<vmem>> -> memref<80xi32, #tpu.memory_space<vmem>>
        %dma_start3A_261 = arith.constant 0 : i32
        %dma_start3A_262 = arith.constant 0 : i32
        %dma_start3A_263 = tpu.memref_slice %arg6[%dma_start3A_261, %dma_start3A_262] : memref<10000x128xf32, #tpu.memory_space<vmem_shared>> -> memref<10000x128xf32, #tpu.memory_space<vmem_shared>>
        tpu.enqueue_indirect_dma source(%arg11 : memref<80x128xf32, #tpu.memory_space<vmem>>) target(%dma_start3A_263 : memref<10000x128xf32, #tpu.memory_space<vmem_shared>>) offsets(%dma_start3A_260 : memref<80xi32, #tpu.memory_space<vmem>>) semaphore(%run_scoped3A_257 : memref<!tpu.dma_semaphore, #tpu.memory_space<semaphore_mem>>) {add = true}
        %dma_wait3A_264 = arith.constant 0 : i32
        %dma_wait3A_265 = tpu.memref_slice %arg9[%run_scoped3A_243, %dma_wait3A_264] : memref<2x80xi32, #tpu.memory_space<vmem>> -> memref<1x80xi32, #tpu.memory_space<vmem>>
        %dma_wait3A_266 = tpu.memref_squeeze %dma_wait3A_265 : memref<1x80xi32, #tpu.memory_space<vmem>> -> memref<80xi32, #tpu.memory_space<vmem>>
        %dma_wait3A_267 = arith.constant 0 : i32
        %dma_wait3A_268 = arith.constant 0 : i32
        %dma_wait3A_269 = tpu.memref_slice %arg6[%dma_wait3A_267, %dma_wait3A_268] : memref<10000x128xf32, #tpu.memory_space<vmem_shared>> -> memref<10000x128xf32, #tpu.memory_space<vmem_shared>>
        tpu.wait_indirect_dma semaphore(%run_scoped3A_257 : memref<!tpu.dma_semaphore, #tpu.memory_space<semaphore_mem>>) src(%arg11 : memref<80x128xf32, #tpu.memory_space<vmem>>) dst(%dma_wait3A_269 : memref<10000x128xf32, #tpu.memory_space<vmem_shared>>)
        tpu.yield
      }) : () -> ()
      %add3A_244 = arith.constant 3 : i32
      %add3A_245 = arith.addi %mul3A_115, %add3A_244 : i32
      %min3A_246 = arith.constant 124 : i32
      %min3A_247 = arith.minsi %add3A_245, %min3A_246 : i32
      %dma_start3A_248 = arith.constant 0 : i32
      %dma_start3A_249 = arith.constant 0 : i32
      %dma_start3A_250 = tpu.memref_slice %arg4[%add3A, %min3A_247, %dma_start3A_248, %dma_start3A_249] : memref<32x125x2x80xi32, #tpu.memory_space<hbm>> -> memref<1x1x2x80xi32, #tpu.memory_space<hbm>>
      %dma_start3A_251 = tpu.memref_squeeze %dma_start3A_250 : memref<1x1x2x80xi32, #tpu.memory_space<hbm>> -> memref<2x80xi32, #tpu.memory_space<hbm>>
      %dma_start3A_252 = arith.constant 0 : i32
      %dma_start3A_253 = arith.constant 0 : i32
      %dma_start3A_254 = tpu.memref_slice %arg4[%add3A, %min3A_247, %dma_start3A_252, %dma_start3A_253] : memref<32x125x2x80xi32, #tpu.memory_space<hbm>> -> memref<1x1x2x80xi32, #tpu.memory_space<hbm>>
      %dma_start3A_255 = tpu.memref_squeeze %dma_start3A_254 : memref<1x1x2x80xi32, #tpu.memory_space<hbm>> -> memref<2x80xi32, #tpu.memory_space<hbm>>
      tpu.enqueue_dma source(%dma_start3A_255 : memref<2x80xi32, #tpu.memory_space<hbm>>) target(%arg9 : memref<2x80xi32, #tpu.memory_space<vmem>>) target_semaphore(%arg19 : memref<!tpu.dma_semaphore, #tpu.memory_space<semaphore_mem>>)
      %scan3A_256 = arith.constant 0 : i32
      scf.yield %scan3A_256 : i32
    }
    %scan3A_68 = arith.constant 62 : i32
    %dma_wait3A_69 = arith.constant 0 : i32
    %dma_wait3A_70 = arith.constant 0 : i32
    %dma_wait3A_71 = tpu.memref_slice %arg8[%dma_wait3A_69, %dma_wait3A_70] : memref<2x80xi32, #tpu.memory_space<vmem>> -> memref<1x80xi32, #tpu.memory_space<vmem>>
    %dma_wait3A_72 = tpu.memref_squeeze %dma_wait3A_71 : memref<1x80xi32, #tpu.memory_space<vmem>> -> memref<80xi32, #tpu.memory_space<vmem>>
    %dma_wait3A_73 = arith.constant 0 : i32
    %dma_wait3A_74 = arith.constant 0 : i32
    %dma_wait3A_75 = tpu.memref_slice %arg2[%dma_wait3A_73, %dma_wait3A_74] : memref<10000x128xf32, #tpu.memory_space<hbm>> -> memref<10000x128xf32, #tpu.memory_space<hbm>>
    tpu.wait_indirect_dma semaphore(%arg14 : memref<!tpu.dma_semaphore, #tpu.memory_space<semaphore_mem>>) src(%dma_wait3A_75 : memref<10000x128xf32, #tpu.memory_space<hbm>>) dst(%arg10 : memref<80x128xf32, #tpu.memory_space<vmem>>)
    %mul3A_76 = arith.constant 10000 : i32
    %mul3A_77 = arith.muli %add3A, %mul3A_76 : i32
    %add3A_78 = arith.constant 9920 : i32
    %add3A_79 = arith.addi %mul3A_77, %add3A_78 : i32
    %mul3A_80 = arith.constant 128 : i32
    %mul3A_81 = arith.muli %add3A_79, %mul3A_80 : i32
    %multiple_of3A_82 = tpu.assume_multiple %mul3A_81, 8 : i32
    %dma_wait3A_83 = tpu.memref_slice %arg3[%multiple_of3A_82] : memref<40960000xf32, #tpu.memory_space<hbm>> -> memref<10240xf32, #tpu.memory_space<hbm>>
    %dma_wait3A_84 = tpu.memref_slice %arg3[%multiple_of3A_82] : memref<40960000xf32, #tpu.memory_space<hbm>> -> memref<10240xf32, #tpu.memory_space<hbm>>
    tpu.wait_dma2 semaphore(%arg16 : memref<!tpu.dma_semaphore, #tpu.memory_space<semaphore_mem>>) src(%dma_wait3A_84 : memref<10240xf32, #tpu.memory_space<hbm>>) dst(%arg12 : memref<10240xf32, #tpu.memory_space<vmem>>)
    %scan3A_85 = arith.constant 0 : i32
    %scan3A_86 = arith.constant 0 : i32
    %scan3A_87 = arith.constant 80 : i32
    %scan3A_88 = arith.addi %scan3A_86, %scan3A_87 : i32
    %scan3A_89 = arith.constant 1 : i32
    %scan3A_90 = scf.for %scan3A_112 = %scan3A_86 to %scan3A_88 step %scan3A_89 iter_args(%scan3A_113 = %scan3A_85) -> (i32)  : i32 {
      %mul3A_114 = arith.constant 128 : i32
      %mul3A_115 = arith.muli %scan3A_112, %mul3A_114 : i32
      %add3A_116 = arith.constant 0 : i32
      %add3A_117 = arith.addi %mul3A_115, %add3A_116 : i32
      %multiple_of3A_118 = tpu.assume_multiple %add3A_117, 16 : i32
      %get3A = arith.index_cast %scan3A_112 : i32 to index
      %get3A_119 = arith.constant 0 : index
      %get3A_120 = tpu.vector_load %arg10[%get3A, %get3A_119] {strides = array<i32>} : memref<80x128xf32, #tpu.memory_space<vmem>>, vector<1x16xf32>,
      %get3A_121 = vector.shape_cast %get3A_120 : vector<1x16xf32> to vector<16xf32>
      %get3A_122 = arith.index_cast %multiple_of3A_118 : i32 to index
      %get3A_123 = tpu.vector_load %arg12[%get3A_122] {strides = array<i32>} : memref<10240xf32, #tpu.memory_space<vmem>>, vector<16xf32>,
      %get3A_124 = vector.shape_cast %get3A_123 : vector<16xf32> to vector<16xf32>
      %add3A_125 = arith.addf %get3A_121, %get3A_124 : vector<16xf32>
      %max3A = arith.constant 0.000000e+00 : f32
      %max3A_126 = vector.broadcast %max3A : f32 to vector<16xf32>
      %max3A_127 = arith.maximumf %add3A_125, %max3A_126 : vector<16xf32>
      %swap3A = arith.index_cast %scan3A_112 : i32 to index
      %swap3A_128 = arith.constant 0 : index
      %swap3A_129 = tpu.vector_load %arg10[%swap3A, %swap3A_128] {strides = array<i32>} : memref<80x128xf32, #tpu.memory_space<vmem>>, vector<1x16xf32>,
      %swap3A_130 = vector.shape_cast %swap3A_129 : vector<1x16xf32> to vector<16xf32>
      %swap3A_131 = vector.shape_cast %max3A_127 : vector<16xf32> to vector<1x16xf32>
      tpu.vector_store %arg10[%swap3A, %swap3A_128], %swap3A_131 {strides = array<i32>} : memref<80x128xf32, #tpu.memory_space<vmem>>, vector<1x16xf32>,
      %mul3A_132 = arith.constant 128 : i32
      %mul3A_133 = arith.muli %scan3A_112, %mul3A_132 : i32
      %add3A_134 = arith.constant 16 : i32
      %add3A_135 = arith.addi %mul3A_133, %add3A_134 : i32
      %multiple_of3A_136 = tpu.assume_multiple %add3A_135, 16 : i32
      %get3A_137 = arith.index_cast %scan3A_112 : i32 to index
      %get3A_138 = arith.constant 16 : index
      %get3A_139 = tpu.vector_load %arg10[%get3A_137, %get3A_138] {strides = array<i32>} : memref<80x128xf32, #tpu.memory_space<vmem>>, vector<1x16xf32>,
      %get3A_140 = vector.shape_cast %get3A_139 : vector<1x16xf32> to vector<16xf32>
      %get3A_141 = arith.index_cast %multiple_of3A_136 : i32 to index
      %get3A_142 = tpu.vector_load %arg12[%get3A_141] {strides = array<i32>} : memref<10240xf32, #tpu.memory_space<vmem>>, vector<16xf32>,
      %get3A_143 = vector.shape_cast %get3A_142 : vector<16xf32> to vector<16xf32>
      %add3A_144 = arith.addf %get3A_140, %get3A_143 : vector<16xf32>
      %max3A_145 = arith.constant 0.000000e+00 : f32
      %max3A_146 = vector.broadcast %max3A_145 : f32 to vector<16xf32>
      %max3A_147 = arith.maximumf %add3A_144, %max3A_146 : vector<16xf32>
      %swap3A_148 = arith.index_cast %scan3A_112 : i32 to index
      %swap3A_149 = arith.constant 16 : index
      %swap3A_150 = tpu.vector_load %arg10[%swap3A_148, %swap3A_149] {strides = array<i32>} : memref<80x128xf32, #tpu.memory_space<vmem>>, vector<1x16xf32>,
      %swap3A_151 = vector.shape_cast %swap3A_150 : vector<1x16xf32> to vector<16xf32>
      %swap3A_152 = vector.shape_cast %max3A_147 : vector<16xf32> to vector<1x16xf32>
      tpu.vector_store %arg10[%swap3A_148, %swap3A_149], %swap3A_152 {strides = array<i32>} : memref<80x128xf32, #tpu.memory_space<vmem>>, vector<1x16xf32>,
      %mul3A_153 = arith.constant 128 : i32
      %mul3A_154 = arith.muli %scan3A_112, %mul3A_153 : i32
      %add3A_155 = arith.constant 32 : i32
      %add3A_156 = arith.addi %mul3A_154, %add3A_155 : i32
      %multiple_of3A_157 = tpu.assume_multiple %add3A_156, 16 : i32
      %get3A_158 = arith.index_cast %scan3A_112 : i32 to index
      %get3A_159 = arith.constant 32 : index
      %get3A_160 = tpu.vector_load %arg10[%get3A_158, %get3A_159] {strides = array<i32>} : memref<80x128xf32, #tpu.memory_space<vmem>>, vector<1x16xf32>,
      %get3A_161 = vector.shape_cast %get3A_160 : vector<1x16xf32> to vector<16xf32>
      %get3A_162 = arith.index_cast %multiple_of3A_157 : i32 to index
      %get3A_163 = tpu.vector_load %arg12[%get3A_162] {strides = array<i32>} : memref<10240xf32, #tpu.memory_space<vmem>>, vector<16xf32>,
      %get3A_164 = vector.shape_cast %get3A_163 : vector<16xf32> to vector<16xf32>
      %add3A_165 = arith.addf %get3A_161, %get3A_164 : vector<16xf32>
      %max3A_166 = arith.constant 0.000000e+00 : f32
      %max3A_167 = vector.broadcast %max3A_166 : f32 to vector<16xf32>
      %max3A_168 = arith.maximumf %add3A_165, %max3A_167 : vector<16xf32>
      %swap3A_169 = arith.index_cast %scan3A_112 : i32 to index
      %swap3A_170 = arith.constant 32 : index
      %swap3A_171 = tpu.vector_load %arg10[%swap3A_169, %swap3A_170] {strides = array<i32>} : memref<80x128xf32, #tpu.memory_space<vmem>>, vector<1x16xf32>,
      %swap3A_172 = vector.shape_cast %swap3A_171 : vector<1x16xf32> to vector<16xf32>
      %swap3A_173 = vector.shape_cast %max3A_168 : vector<16xf32> to vector<1x16xf32>
      tpu.vector_store %arg10[%swap3A_169, %swap3A_170], %swap3A_173 {strides = array<i32>} : memref<80x128xf32, #tpu.memory_space<vmem>>, vector<1x16xf32>,
      %mul3A_174 = arith.constant 128 : i32
      %mul3A_175 = arith.muli %scan3A_112, %mul3A_174 : i32
      %add3A_176 = arith.constant 48 : i32
      %add3A_177 = arith.addi %mul3A_175, %add3A_176 : i32
      %multiple_of3A_178 = tpu.assume_multiple %add3A_177, 16 : i32
      %get3A_179 = arith.index_cast %scan3A_112 : i32 to index
      %get3A_180 = arith.constant 48 : index
      %get3A_181 = tpu.vector_load %arg10[%get3A_179, %get3A_180] {strides = array<i32>} : memref<80x128xf32, #tpu.memory_space<vmem>>, vector<1x16xf32>,
      %get3A_182 = vector.shape_cast %get3A_181 : vector<1x16xf32> to vector<16xf32>
      %get3A_183 = arith.index_cast %multiple_of3A_178 : i32 to index
      %get3A_184 = tpu.vector_load %arg12[%get3A_183] {strides = array<i32>} : memref<10240xf32, #tpu.memory_space<vmem>>, vector<16xf32>,
      %get3A_185 = vector.shape_cast %get3A_184 : vector<16xf32> to vector<16xf32>
      %add3A_186 = arith.addf %get3A_182, %get3A_185 : vector<16xf32>
      %max3A_187 = arith.constant 0.000000e+00 : f32
      %max3A_188 = vector.broadcast %max3A_187 : f32 to vector<16xf32>
      %max3A_189 = arith.maximumf %add3A_186, %max3A_188 : vector<16xf32>
      %swap3A_190 = arith.index_cast %scan3A_112 : i32 to index
      %swap3A_191 = arith.constant 48 : index
      %swap3A_192 = tpu.vector_load %arg10[%swap3A_190, %swap3A_191] {strides = array<i32>} : memref<80x128xf32, #tpu.memory_space<vmem>>, vector<1x16xf32>,
      %swap3A_193 = vector.shape_cast %swap3A_192 : vector<1x16xf32> to vector<16xf32>
      %swap3A_194 = vector.shape_cast %max3A_189 : vector<16xf32> to vector<1x16xf32>
      tpu.vector_store %arg10[%swap3A_190, %swap3A_191], %swap3A_194 {strides = array<i32>} : memref<80x128xf32, #tpu.memory_space<vmem>>, vector<1x16xf32>,
      %mul3A_195 = arith.constant 128 : i32
      %mul3A_196 = arith.muli %scan3A_112, %mul3A_195 : i32
      %add3A_197 = arith.constant 64 : i32
      %add3A_198 = arith.addi %mul3A_196, %add3A_197 : i32
      %multiple_of3A_199 = tpu.assume_multiple %add3A_198, 16 : i32
      %get3A_200 = arith.index_cast %scan3A_112 : i32 to index
      %get3A_201 = arith.constant 64 : index
      %get3A_202 = tpu.vector_load %arg10[%get3A_200, %get3A_201] {strides = array<i32>} : memref<80x128xf32, #tpu.memory_space<vmem>>, vector<1x16xf32>,
      %get3A_203 = vector.shape_cast %get3A_202 : vector<1x16xf32> to vector<16xf32>
      %get3A_204 = arith.index_cast %multiple_of3A_199 : i32 to index
      %get3A_205 = tpu.vector_load %arg12[%get3A_204] {strides = array<i32>} : memref<10240xf32, #tpu.memory_space<vmem>>, vector<16xf32>,
      %get3A_206 = vector.shape_cast %get3A_205 : vector<16xf32> to vector<16xf32>
      %add3A_207 = arith.addf %get3A_203, %get3A_206 : vector<16xf32>
      %max3A_208 = arith.constant 0.000000e+00 : f32
      %max3A_209 = vector.broadcast %max3A_208 : f32 to vector<16xf32>
      %max3A_210 = arith.maximumf %add3A_207, %max3A_209 : vector<16xf32>
      %swap3A_211 = arith.index_cast %scan3A_112 : i32 to index
      %swap3A_212 = arith.constant 64 : index
      %swap3A_213 = tpu.vector_load %arg10[%swap3A_211, %swap3A_212] {strides = array<i32>} : memref<80x128xf32, #tpu.memory_space<vmem>>, vector<1x16xf32>,
      %swap3A_214 = vector.shape_cast %swap3A_213 : vector<1x16xf32> to vector<16xf32>
      %swap3A_215 = vector.shape_cast %max3A_210 : vector<16xf32> to vector<1x16xf32>
      tpu.vector_store %arg10[%swap3A_211, %swap3A_212], %swap3A_215 {strides = array<i32>} : memref<80x128xf32, #tpu.memory_space<vmem>>, vector<1x16xf32>,
      %mul3A_216 = arith.constant 128 : i32
      %mul3A_217 = arith.muli %scan3A_112, %mul3A_216 : i32
      %add3A_218 = arith.constant 80 : i32
      %add3A_219 = arith.addi %mul3A_217, %add3A_218 : i32
      %multiple_of3A_220 = tpu.assume_multiple %add3A_219, 16 : i32
      %get3A_221 = arith.index_cast %scan3A_112 : i32 to index
      %get3A_222 = arith.constant 80 : index
      %get3A_223 = tpu.vector_load %arg10[%get3A_221, %get3A_222] {strides = array<i32>} : memref<80x128xf32, #tpu.memory_space<vmem>>, vector<1x16xf32>,
      %get3A_224 = vector.shape_cast %get3A_223 : vector<1x16xf32> to vector<16xf32>
      %get3A_225 = arith.index_cast %multiple_of3A_220 : i32 to index
      %get3A_226 = tpu.vector_load %arg12[%get3A_225] {strides = array<i32>} : memref<10240xf32, #tpu.memory_space<vmem>>, vector<16xf32>,
      %get3A_227 = vector.shape_cast %get3A_226 : vector<16xf32> to vector<16xf32>
      %add3A_228 = arith.addf %get3A_224, %get3A_227 : vector<16xf32>
      %max3A_229 = arith.constant 0.000000e+00 : f32
      %max3A_230 = vector.broadcast %max3A_229 : f32 to vector<16xf32>
      %max3A_231 = arith.maximumf %add3A_228, %max3A_230 : vector<16xf32>
      %swap3A_232 = arith.index_cast %scan3A_112 : i32 to index
      %swap3A_233 = arith.constant 80 : index
      %swap3A_234 = tpu.vector_load %arg10[%swap3A_232, %swap3A_233] {strides = array<i32>} : memref<80x128xf32, #tpu.memory_space<vmem>>, vector<1x16xf32>,
      %swap3A_235 = vector.shape_cast %swap3A_234 : vector<1x16xf32> to vector<16xf32>
      %swap3A_236 = vector.shape_cast %max3A_231 : vector<16xf32> to vector<1x16xf32>
      tpu.vector_store %arg10[%swap3A_232, %swap3A_233], %swap3A_236 {strides = array<i32>} : memref<80x128xf32, #tpu.memory_space<vmem>>, vector<1x16xf32>,
      %mul3A_237 = arith.constant 128 : i32
      %mul3A_238 = arith.muli %scan3A_112, %mul3A_237 : i32
      %add3A_239 = arith.constant 96 : i32
      %add3A_240 = arith.addi %mul3A_238, %add3A_239 : i32
      %multiple_of3A_241 = tpu.assume_multiple %add3A_240, 16 : i32
      %get3A_242 = arith.index_cast %scan3A_112 : i32 to index
      %get3A_243 = arith.constant 96 : index
      %get3A_244 = tpu.vector_load %arg10[%get3A_242, %get3A_243] {strides = array<i32>} : memref<80x128xf32, #tpu.memory_space<vmem>>, vector<1x16xf32>,
      %get3A_245 = vector.shape_cast %get3A_244 : vector<1x16xf32> to vector<16xf32>
      %get3A_246 = arith.index_cast %multiple_of3A_241 : i32 to index
      %get3A_247 = tpu.vector_load %arg12[%get3A_246] {strides = array<i32>} : memref<10240xf32, #tpu.memory_space<vmem>>, vector<16xf32>,
      %get3A_248 = vector.shape_cast %get3A_247 : vector<16xf32> to vector<16xf32>
      %add3A_249 = arith.addf %get3A_245, %get3A_248 : vector<16xf32>
      %max3A_250 = arith.constant 0.000000e+00 : f32
      %max3A_251 = vector.broadcast %max3A_250 : f32 to vector<16xf32>
      %max3A_252 = arith.maximumf %add3A_249, %max3A_251 : vector<16xf32>
      %swap3A_253 = arith.index_cast %scan3A_112 : i32 to index
      %swap3A_254 = arith.constant 96 : index
      %swap3A_255 = tpu.vector_load %arg10[%swap3A_253, %swap3A_254] {strides = array<i32>} : memref<80x128xf32, #tpu.memory_space<vmem>>, vector<1x16xf32>,
      %swap3A_256 = vector.shape_cast %swap3A_255 : vector<1x16xf32> to vector<16xf32>
      %swap3A_257 = vector.shape_cast %max3A_252 : vector<16xf32> to vector<1x16xf32>
      tpu.vector_store %arg10[%swap3A_253, %swap3A_254], %swap3A_257 {strides = array<i32>} : memref<80x128xf32, #tpu.memory_space<vmem>>, vector<1x16xf32>,
      %mul3A_258 = arith.constant 128 : i32
      %mul3A_259 = arith.muli %scan3A_112, %mul3A_258 : i32
      %add3A_260 = arith.constant 112 : i32
      %add3A_261 = arith.addi %mul3A_259, %add3A_260 : i32
      %multiple_of3A_262 = tpu.assume_multiple %add3A_261, 16 : i32
      %get3A_263 = arith.index_cast %scan3A_112 : i32 to index
      %get3A_264 = arith.constant 112 : index
      %get3A_265 = tpu.vector_load %arg10[%get3A_263, %get3A_264] {strides = array<i32>} : memref<80x128xf32, #tpu.memory_space<vmem>>, vector<1x16xf32>,
      %get3A_266 = vector.shape_cast %get3A_265 : vector<1x16xf32> to vector<16xf32>
      %get3A_267 = arith.index_cast %multiple_of3A_262 : i32 to index
      %get3A_268 = tpu.vector_load %arg12[%get3A_267] {strides = array<i32>} : memref<10240xf32, #tpu.memory_space<vmem>>, vector<16xf32>,
      %get3A_269 = vector.shape_cast %get3A_268 : vector<16xf32> to vector<16xf32>
      %add3A_270 = arith.addf %get3A_266, %get3A_269 : vector<16xf32>
      %max3A_271 = arith.constant 0.000000e+00 : f32
      %max3A_272 = vector.broadcast %max3A_271 : f32 to vector<16xf32>
      %max3A_273 = arith.maximumf %add3A_270, %max3A_272 : vector<16xf32>
      %swap3A_274 = arith.index_cast %scan3A_112 : i32 to index
      %swap3A_275 = arith.constant 112 : index
      %swap3A_276 = tpu.vector_load %arg10[%swap3A_274, %swap3A_275] {strides = array<i32>} : memref<80x128xf32, #tpu.memory_space<vmem>>, vector<1x16xf32>,
      %swap3A_277 = vector.shape_cast %swap3A_276 : vector<1x16xf32> to vector<16xf32>
      %swap3A_278 = vector.shape_cast %max3A_273 : vector<16xf32> to vector<1x16xf32>
      tpu.vector_store %arg10[%swap3A_274, %swap3A_275], %swap3A_278 {strides = array<i32>} : memref<80x128xf32, #tpu.memory_space<vmem>>, vector<1x16xf32>,
      %scan3A_279 = arith.constant 0 : i32
      scf.yield %scan3A_279 : i32
    }
    %scan3A_91 = arith.constant 80 : i32
    %run_scoped3A = arith.constant 1 : i32
    "tpu.region"() ({
      %run_scoped3A_112 = tpu.sem_alloc : memref<!tpu.dma_semaphore, #tpu.memory_space<semaphore_mem>>
      %dma_start3A_113 = arith.constant 0 : i32
      %dma_start3A_114 = tpu.memref_slice %arg8[%run_scoped3A, %dma_start3A_113] : memref<2x80xi32, #tpu.memory_space<vmem>> -> memref<1x80xi32, #tpu.memory_space<vmem>>
      %dma_start3A_115 = tpu.memref_squeeze %dma_start3A_114 : memref<1x80xi32, #tpu.memory_space<vmem>> -> memref<80xi32, #tpu.memory_space<vmem>>
      %dma_start3A_116 = arith.constant 0 : i32
      %dma_start3A_117 = arith.constant 0 : i32
      %dma_start3A_118 = tpu.memref_slice %arg6[%dma_start3A_116, %dma_start3A_117] : memref<10000x128xf32, #tpu.memory_space<vmem_shared>> -> memref<10000x128xf32, #tpu.memory_space<vmem_shared>>
      tpu.enqueue_indirect_dma source(%arg10 : memref<80x128xf32, #tpu.memory_space<vmem>>) target(%dma_start3A_118 : memref<10000x128xf32, #tpu.memory_space<vmem_shared>>) offsets(%dma_start3A_115 : memref<80xi32, #tpu.memory_space<vmem>>) semaphore(%run_scoped3A_112 : memref<!tpu.dma_semaphore, #tpu.memory_space<semaphore_mem>>) {add = true}
      %dma_wait3A_119 = arith.constant 0 : i32
      %dma_wait3A_120 = tpu.memref_slice %arg8[%run_scoped3A, %dma_wait3A_119] : memref<2x80xi32, #tpu.memory_space<vmem>> -> memref<1x80xi32, #tpu.memory_space<vmem>>
      %dma_wait3A_121 = tpu.memref_squeeze %dma_wait3A_120 : memref<1x80xi32, #tpu.memory_space<vmem>> -> memref<80xi32, #tpu.memory_space<vmem>>
      %dma_wait3A_122 = arith.constant 0 : i32
      %dma_wait3A_123 = arith.constant 0 : i32
      %dma_wait3A_124 = tpu.memref_slice %arg6[%dma_wait3A_122, %dma_wait3A_123] : memref<10000x128xf32, #tpu.memory_space<vmem_shared>> -> memref<10000x128xf32, #tpu.memory_space<vmem_shared>>
      tpu.wait_indirect_dma semaphore(%run_scoped3A_112 : memref<!tpu.dma_semaphore, #tpu.memory_space<semaphore_mem>>) src(%arg10 : memref<80x128xf32, #tpu.memory_space<vmem>>) dst(%dma_wait3A_124 : memref<10000x128xf32, #tpu.memory_space<vmem_shared>>)
      tpu.yield
    }) : () -> ()
    %min3A_92 = arith.constant 124 : i32
    %min3A_93 = arith.constant 124 : i32
    %min3A_94 = arith.minsi %min3A_92, %min3A_93 : i32
    %dma_wait3A_95 = arith.constant 0 : i32
    %dma_wait3A_96 = arith.constant 0 : i32
    %dma_wait3A_97 = tpu.memref_slice %arg4[%add3A, %min3A_94, %dma_wait3A_95, %dma_wait3A_96] : memref<32x125x2x80xi32, #tpu.memory_space<hbm>> -> memref<1x1x2x80xi32, #tpu.memory_space<hbm>>
    %dma_wait3A_98 = tpu.memref_squeeze %dma_wait3A_97 : memref<1x1x2x80xi32, #tpu.memory_space<hbm>> -> memref<2x80xi32, #tpu.memory_space<hbm>>
    %dma_wait3A_99 = arith.constant 0 : i32
    %dma_wait3A_100 = arith.constant 0 : i32
    %dma_wait3A_101 = tpu.memref_slice %arg4[%add3A, %min3A_94, %dma_wait3A_99, %dma_wait3A_100] : memref<32x125x2x80xi32, #tpu.memory_space<hbm>> -> memref<1x1x2x80xi32, #tpu.memory_space<hbm>>
    %dma_wait3A_102 = tpu.memref_squeeze %dma_wait3A_101 : memref<1x1x2x80xi32, #tpu.memory_space<hbm>> -> memref<2x80xi32, #tpu.memory_space<hbm>>
    tpu.wait_dma2 semaphore(%arg19 : memref<!tpu.dma_semaphore, #tpu.memory_space<semaphore_mem>>) src(%dma_wait3A_102 : memref<2x80xi32, #tpu.memory_space<hbm>>) dst(%arg9 : memref<2x80xi32, #tpu.memory_space<vmem>>)
    %barrier3A_103 = arith.constant 0 : index
    tpu.barrier barrier_id(%barrier3A_103)
    %mul3A_104 = arith.constant 624 : i32
    %mul3A_105 = arith.muli %arg1, %mul3A_104 : i32
    %multiple_of3A_106 = tpu.assume_multiple %mul3A_105, 8 : i32
    "tpu.region"() ({
      %run_scoped3A_112 = tpu.sem_alloc : memref<!tpu.dma_semaphore, #tpu.memory_space<semaphore_mem>>
      %dma_start3A_113 = arith.constant 0 : i32
      %dma_start3A_114 = tpu.memref_slice %arg5[%arg0, %multiple_of3A_106, %dma_start3A_113] : memref<2x10000x128xf32, #tpu.memory_space<hbm>> -> memref<1x624x128xf32, #tpu.memory_space<hbm>>
      %dma_start3A_115 = tpu.memref_squeeze %dma_start3A_114 : memref<1x624x128xf32, #tpu.memory_space<hbm>> -> memref<624x128xf32, #tpu.memory_space<hbm>>
      %dma_start3A_116 = arith.constant 0 : i32
      %dma_start3A_117 = tpu.memref_slice %arg6[%multiple_of3A_106, %dma_start3A_116] : memref<10000x128xf32, #tpu.memory_space<vmem_shared>> -> memref<624x128xf32, #tpu.memory_space<vmem_shared>>
      tpu.enqueue_dma source(%dma_start3A_117 : memref<624x128xf32, #tpu.memory_space<vmem_shared>>) target(%dma_start3A_115 : memref<624x128xf32, #tpu.memory_space<hbm>>) target_semaphore(%run_scoped3A_112 : memref<!tpu.dma_semaphore, #tpu.memory_space<semaphore_mem>>)
      %dma_wait3A_118 = arith.constant 0 : i32
      %dma_wait3A_119 = tpu.memref_slice %arg5[%arg0, %multiple_of3A_106, %dma_wait3A_118] : memref<2x10000x128xf32, #tpu.memory_space<hbm>> -> memref<1x624x128xf32, #tpu.memory_space<hbm>>
      %dma_wait3A_120 = tpu.memref_squeeze %dma_wait3A_119 : memref<1x624x128xf32, #tpu.memory_space<hbm>> -> memref<624x128xf32, #tpu.memory_space<hbm>>
      %dma_wait3A_121 = arith.constant 0 : i32
      %dma_wait3A_122 = tpu.memref_slice %arg6[%multiple_of3A_106, %dma_wait3A_121] : memref<10000x128xf32, #tpu.memory_space<vmem_shared>> -> memref<624x128xf32, #tpu.memory_space<vmem_shared>>
      tpu.wait_dma2 semaphore(%run_scoped3A_112 : memref<!tpu.dma_semaphore, #tpu.memory_space<semaphore_mem>>) src(%dma_wait3A_122 : memref<624x128xf32, #tpu.memory_space<vmem_shared>>) dst(%dma_wait3A_120 : memref<624x128xf32, #tpu.memory_space<hbm>>)
      tpu.yield
    }) : () -> ()
    %eq3A_107 = arith.constant 15 : i32
    %eq3A_108 = arith.cmpi eq, %arg1, %eq3A_107 : i32
    %convert_element_type3A_109 = arith.extui %eq3A_108 : i1 to i32
    %cond3A_110 = arith.constant 0 : i32
    %cond3A_111 = arith.cmpi ne, %convert_element_type3A_109, %cond3A_110 : i32
    scf.if %cond3A_111 {
      "tpu.region"() ({
        %run_scoped3A_112 = tpu.sem_alloc : memref<!tpu.dma_semaphore, #tpu.memory_space<semaphore_mem>>
        %dma_start3A_113 = arith.constant 9984 : i32
        %dma_start3A_114 = arith.constant 0 : i32
        %dma_start3A_115 = tpu.memref_slice %arg5[%arg0, %dma_start3A_113, %dma_start3A_114] : memref<2x10000x128xf32, #tpu.memory_space<hbm>> -> memref<1x16x128xf32, #tpu.memory_space<hbm>>
        %dma_start3A_116 = tpu.memref_squeeze %dma_start3A_115 : memref<1x16x128xf32, #tpu.memory_space<hbm>> -> memref<16x128xf32, #tpu.memory_space<hbm>>
        %dma_start3A_117 = arith.constant 9984 : i32
        %dma_start3A_118 = arith.constant 0 : i32
        %dma_start3A_119 = tpu.memref_slice %arg6[%dma_start3A_117, %dma_start3A_118] : memref<10000x128xf32, #tpu.memory_space<vmem_shared>> -> memref<16x128xf32, #tpu.memory_space<vmem_shared>>
        tpu.enqueue_dma source(%dma_start3A_119 : memref<16x128xf32, #tpu.memory_space<vmem_shared>>) target(%dma_start3A_116 : memref<16x128xf32, #tpu.memory_space<hbm>>) target_semaphore(%run_scoped3A_112 : memref<!tpu.dma_semaphore, #tpu.memory_space<semaphore_mem>>)
        %dma_wait3A_120 = arith.constant 9984 : i32
        %dma_wait3A_121 = arith.constant 0 : i32
        %dma_wait3A_122 = tpu.memref_slice %arg5[%arg0, %dma_wait3A_120, %dma_wait3A_121] : memref<2x10000x128xf32, #tpu.memory_space<hbm>> -> memref<1x16x128xf32, #tpu.memory_space<hbm>>
        %dma_wait3A_123 = tpu.memref_squeeze %dma_wait3A_122 : memref<1x16x128xf32, #tpu.memory_space<hbm>> -> memref<16x128xf32, #tpu.memory_space<hbm>>
        %dma_wait3A_124 = arith.constant 9984 : i32
        %dma_wait3A_125 = arith.constant 0 : i32
        %dma_wait3A_126 = tpu.memref_slice %arg6[%dma_wait3A_124, %dma_wait3A_125] : memref<10000x128xf32, #tpu.memory_space<vmem_shared>> -> memref<16x128xf32, #tpu.memory_space<vmem_shared>>
        tpu.wait_dma2 semaphore(%run_scoped3A_112 : memref<!tpu.dma_semaphore, #tpu.memory_space<semaphore_mem>>) src(%dma_wait3A_126 : memref<16x128xf32, #tpu.memory_space<vmem_shared>>) dst(%dma_wait3A_123 : memref<16x128xf32, #tpu.memory_space<hbm>>)
        tpu.yield
      }) : () -> ()
    } else {
    }
    return
  }
}

module attributes {stable_mosaic.version = 14 : i64} {
  func.func @_edge_embed_body(%arg0: i32, %arg1: memref<8000x16xf32, #tpu.memory_space<vmem>>, %arg2: memref<1x16x128xf32, #tpu.memory_space<vmem>>, %arg3: memref<1x128xf32, #tpu.memory_space<vmem>>, %arg4: memref<8000x128xf32, #tpu.memory_space<vmem>>) attributes {dimension_semantics = [#tpu.dimension_semantics<arbitrary>], iteration_bounds = array<i64: 40>, scalar_prefetch = 0 : i64, scratch_operands = 0 : i64, tpu.core_type = #tpu.core_type<tc>, window_params = [{transform_indices = @transform_0, window_bounds = array<i64: 8000, 16>}, {pipeline_mode = #tpu.pipeline_mode<synchronous>, transform_indices = @transform_1, window_bounds = array<i64: 1, 16, 128>}, {pipeline_mode = #tpu.pipeline_mode<synchronous>, transform_indices = @transform_2, window_bounds = array<i64: 1, 128>}, {transform_indices = @transform_3, window_bounds = array<i64: 8000, 128>}]} {
    %get3A = arith.constant 0 : index
    %get3A_0 = arith.constant 0 : index
    %get3A_1 = vector.load %arg1[%get3A, %get3A_0] : memref<8000x16xf32, #tpu.memory_space<vmem>>, vector<8000x16xf32>
    %get3A_2 = arith.constant 0 : index
    %get3A_3 = arith.constant 0 : index
    %get3A_4 = arith.constant 0 : index
    %get3A_5 = vector.load %arg2[%get3A_2, %get3A_3, %get3A_4] : memref<1x16x128xf32, #tpu.memory_space<vmem>>, vector<1x16x128xf32>
    %get3A_6 = vector.shape_cast %get3A_5 : vector<1x16x128xf32> to vector<16x128xf32>
    %dot_general3A = arith.constant dense<0.000000e+00> : vector<8000x128xf32>
    %dot_general3A_7 = tpu.matmul %get3A_1, %get3A_6, %dot_general3A {dimension_numbers = #tpu.dot_dimension_numbers<[1], [0], [0], [1], [0, 0, 1, 1], [], []>, transpose_lhs_hint = false} : vector<8000x16xf32>, vector<16x128xf32>, vector<8000x128xf32> -> vector<8000x128xf32>
    %get3A_8 = arith.constant 0 : index
    %get3A_9 = arith.constant 0 : index
    %get3A_10 = vector.load %arg3[%get3A_8, %get3A_9] : memref<1x128xf32, #tpu.memory_space<vmem>>, vector<1x128xf32>
    %get3A_11 = vector.shape_cast %get3A_10 : vector<1x128xf32> to vector<128xf32>
    %broadcast_in_dim3A = vector.shape_cast %get3A_11 : vector<128xf32> to vector<1x128xf32>
    %add3A = vector.broadcast %broadcast_in_dim3A : vector<1x128xf32> to vector<8000x128xf32>
    %add3A_12 = arith.addf %dot_general3A_7, %add3A : vector<8000x128xf32>
    %swap3A = arith.constant 0 : index
    %swap3A_13 = arith.constant 0 : index
    %swap3A_14 = vector.load %arg4[%swap3A, %swap3A_13] : memref<8000x128xf32, #tpu.memory_space<vmem>>, vector<8000x128xf32>
    tpu.vector_store %arg4[%swap3A, %swap3A_13], %add3A_12 {strides = array<i32>} : memref<8000x128xf32, #tpu.memory_space<vmem>>, vector<8000x128xf32>,
    return
  }
  func.func @transform_0(%arg0: i32) -> (i32, i32) {
    %c0_i32 = arith.constant 0 : i32
    %c0_i32_0 = arith.constant 0 : i32
    return %arg0, %c0_i32 : i32, i32
  }
  func.func @transform_1(%arg0: i32) -> (i32, i32, i32) {
    %c0_i32 = arith.constant 0 : i32
    %c0_i32_0 = arith.constant 0 : i32
    %c0_i32_1 = arith.constant 0 : i32
    %c0_i32_2 = arith.constant 0 : i32
    return %c0_i32, %c0_i32_0, %c0_i32_1 : i32, i32, i32
  }
  func.func @transform_2(%arg0: i32) -> (i32, i32) {
    %c0_i32 = arith.constant 0 : i32
    %c0_i32_0 = arith.constant 0 : i32
    %c0_i32_1 = arith.constant 0 : i32
    return %c0_i32, %c0_i32_0 : i32, i32
  }
  func.func @transform_3(%arg0: i32) -> (i32, i32) {
    %c0_i32 = arith.constant 0 : i32
    %c0_i32_0 = arith.constant 0 : i32
    return %arg0, %c0_i32 : i32, i32
  }
}

module attributes {stable_mosaic.version = 14 : i64} {
  func.func @_edge_embed_body(%arg0: i32, %arg1: memref<8000x16xf32, #tpu.memory_space<vmem>>, %arg2: memref<2x16x128xf32, #tpu.memory_space<vmem>>, %arg3: memref<2x128xf32, #tpu.memory_space<vmem>>, %arg4: memref<8000x128xf32, #tpu.memory_space<vmem>>, %arg5: memref<8000x128xf32, #tpu.memory_space<vmem>>) attributes {dimension_semantics = [#tpu.dimension_semantics<arbitrary>], iteration_bounds = array<i64: 40>, scalar_prefetch = 0 : i64, scratch_operands = 0 : i64, tpu.core_type = #tpu.core_type<tc>, window_params = [{transform_indices = @transform_0, window_bounds = array<i64: 8000, 16>}, {pipeline_mode = #tpu.pipeline_mode<synchronous>, transform_indices = @transform_1, window_bounds = array<i64: 2, 16, 128>}, {pipeline_mode = #tpu.pipeline_mode<synchronous>, transform_indices = @transform_2, window_bounds = array<i64: 2, 128>}, {transform_indices = @transform_3, window_bounds = array<i64: 8000, 128>}, {transform_indices = @transform_4, window_bounds = array<i64: 8000, 128>}]} {
    %get3A = arith.constant 0 : index
    %get3A_0 = arith.constant 0 : index
    %get3A_1 = vector.load %arg1[%get3A, %get3A_0] : memref<8000x16xf32, #tpu.memory_space<vmem>>, vector<8000x16xf32>
    %get3A_2 = arith.constant 0 : index
    %get3A_3 = arith.constant 0 : index
    %get3A_4 = arith.constant 0 : index
    %get3A_5 = vector.load %arg2[%get3A_2, %get3A_3, %get3A_4] : memref<2x16x128xf32, #tpu.memory_space<vmem>>, vector<1x16x128xf32>
    %get3A_6 = vector.shape_cast %get3A_5 : vector<1x16x128xf32> to vector<16x128xf32>
    %dot_general3A = arith.constant dense<0.000000e+00> : vector<8000x128xf32>
    %dot_general3A_7 = tpu.matmul %get3A_1, %get3A_6, %dot_general3A {dimension_numbers = #tpu.dot_dimension_numbers<[1], [0], [0], [1], [0, 0, 1, 1], [], []>, transpose_lhs_hint = false} : vector<8000x16xf32>, vector<16x128xf32>, vector<8000x128xf32> -> vector<8000x128xf32>
    %get3A_8 = arith.constant 0 : index
    %get3A_9 = arith.constant 0 : index
    %get3A_10 = vector.load %arg3[%get3A_8, %get3A_9] : memref<2x128xf32, #tpu.memory_space<vmem>>, vector<1x128xf32>
    %get3A_11 = vector.shape_cast %get3A_10 : vector<1x128xf32> to vector<128xf32>
    %broadcast_in_dim3A = vector.shape_cast %get3A_11 : vector<128xf32> to vector<1x128xf32>
    %add3A = vector.broadcast %broadcast_in_dim3A : vector<1x128xf32> to vector<8000x128xf32>
    %add3A_12 = arith.addf %dot_general3A_7, %add3A : vector<8000x128xf32>
    %swap3A = arith.constant 0 : index
    %swap3A_13 = arith.constant 0 : index
    %swap3A_14 = vector.load %arg4[%swap3A, %swap3A_13] : memref<8000x128xf32, #tpu.memory_space<vmem>>, vector<8000x128xf32>
    tpu.vector_store %arg4[%swap3A, %swap3A_13], %add3A_12 {strides = array<i32>} : memref<8000x128xf32, #tpu.memory_space<vmem>>, vector<8000x128xf32>,
    %get3A_15 = arith.constant 1 : index
    %get3A_16 = arith.constant 0 : index
    %get3A_17 = arith.constant 0 : index
    %get3A_18 = vector.load %arg2[%get3A_15, %get3A_16, %get3A_17] : memref<2x16x128xf32, #tpu.memory_space<vmem>>, vector<1x16x128xf32>
    %get3A_19 = vector.shape_cast %get3A_18 : vector<1x16x128xf32> to vector<16x128xf32>
    %dot_general3A_20 = arith.constant dense<0.000000e+00> : vector<8000x128xf32>
    %dot_general3A_21 = tpu.matmul %get3A_1, %get3A_19, %dot_general3A_20 {dimension_numbers = #tpu.dot_dimension_numbers<[1], [0], [0], [1], [0, 0, 1, 1], [], []>, transpose_lhs_hint = false} : vector<8000x16xf32>, vector<16x128xf32>, vector<8000x128xf32> -> vector<8000x128xf32>
    %get3A_22 = arith.constant 1 : index
    %get3A_23 = arith.constant 0 : index
    %get3A_24 = vector.load %arg3[%get3A_22, %get3A_23] : memref<2x128xf32, #tpu.memory_space<vmem>>, vector<1x128xf32>
    %get3A_25 = vector.shape_cast %get3A_24 : vector<1x128xf32> to vector<128xf32>
    %broadcast_in_dim3A_26 = vector.shape_cast %get3A_25 : vector<128xf32> to vector<1x128xf32>
    %add3A_27 = vector.broadcast %broadcast_in_dim3A_26 : vector<1x128xf32> to vector<8000x128xf32>
    %add3A_28 = arith.addf %dot_general3A_21, %add3A_27 : vector<8000x128xf32>
    %swap3A_29 = arith.constant 0 : index
    %swap3A_30 = arith.constant 0 : index
    %swap3A_31 = vector.load %arg5[%swap3A_29, %swap3A_30] : memref<8000x128xf32, #tpu.memory_space<vmem>>, vector<8000x128xf32>
    tpu.vector_store %arg5[%swap3A_29, %swap3A_30], %add3A_28 {strides = array<i32>} : memref<8000x128xf32, #tpu.memory_space<vmem>>, vector<8000x128xf32>,
    return
  }
  func.func @transform_0(%arg0: i32) -> (i32, i32) {
    %c0_i32 = arith.constant 0 : i32
    %c0_i32_0 = arith.constant 0 : i32
    return %arg0, %c0_i32 : i32, i32
  }
  func.func @transform_1(%arg0: i32) -> (i32, i32, i32) {
    %c0_i32 = arith.constant 0 : i32
    %c0_i32_0 = arith.constant 0 : i32
    %c0_i32_1 = arith.constant 0 : i32
    %c0_i32_2 = arith.constant 0 : i32
    return %c0_i32, %c0_i32_0, %c0_i32_1 : i32, i32, i32
  }
  func.func @transform_2(%arg0: i32) -> (i32, i32) {
    %c0_i32 = arith.constant 0 : i32
    %c0_i32_0 = arith.constant 0 : i32
    %c0_i32_1 = arith.constant 0 : i32
    return %c0_i32, %c0_i32_0 : i32, i32
  }
  func.func @transform_3(%arg0: i32) -> (i32, i32) {
    %c0_i32 = arith.constant 0 : i32
    %c0_i32_0 = arith.constant 0 : i32
    return %arg0, %c0_i32 : i32, i32
  }
  func.func @transform_4(%arg0: i32) -> (i32, i32) {
    %c0_i32 = arith.constant 0 : i32
    %c0_i32_0 = arith.constant 0 : i32
    return %arg0, %c0_i32 : i32, i32
  }
}

module attributes {stable_mosaic.version = 14 : i64} {
  func.func @_mlp_body(%arg0: i32, %arg1: memref<2000x128xf32, #tpu.memory_space<vmem>>, %arg2: memref<2x2000x128xf32, #tpu.memory_space<vmem>>, %arg3: memref<1x128xf32, #tpu.memory_space<vmem>>, %arg4: memref<128x128xf32, #tpu.memory_space<vmem>>, %arg5: memref<1x128xf32, #tpu.memory_space<vmem>>, %arg6: memref<128x128xf32, #tpu.memory_space<vmem>>, %arg7: memref<1x128xf32, #tpu.memory_space<vmem>>, %arg8: memref<2000x128xf32, #tpu.memory_space<vmem>>) attributes {dimension_semantics = [#tpu.dimension_semantics<arbitrary>], iteration_bounds = array<i64: 5>, scalar_prefetch = 0 : i64, scratch_operands = 0 : i64, tpu.core_type = #tpu.core_type<tc>, window_params = [{transform_indices = @transform_0, window_bounds = array<i64: 2000, 128>}, {transform_indices = @transform_1, window_bounds = array<i64: 2, 2000, 128>}, {pipeline_mode = #tpu.pipeline_mode<synchronous>, transform_indices = @transform_2, window_bounds = array<i64: 1, 128>}, {pipeline_mode = #tpu.pipeline_mode<synchronous>, transform_indices = @transform_3, window_bounds = array<i64: 128, 128>}, {pipeline_mode = #tpu.pipeline_mode<synchronous>, transform_indices = @transform_4, window_bounds = array<i64: 1, 128>}, {pipeline_mode = #tpu.pipeline_mode<synchronous>, transform_indices = @transform_5, window_bounds = array<i64: 128, 128>}, {pipeline_mode = #tpu.pipeline_mode<synchronous>, transform_indices = @transform_6, window_bounds = array<i64: 1, 128>}, {transform_indices = @transform_7, window_bounds = array<i64: 2000, 128>}]} {
    %get3A = arith.constant 0 : index
    %get3A_0 = arith.constant 0 : index
    %get3A_1 = vector.load %arg3[%get3A, %get3A_0] : memref<1x128xf32, #tpu.memory_space<vmem>>, vector<1x128xf32>
    %get3A_2 = arith.constant 0 : index
    %get3A_3 = arith.constant 0 : index
    %get3A_4 = vector.load %arg1[%get3A_2, %get3A_3] : memref<2000x128xf32, #tpu.memory_space<vmem>>, vector<2000x128xf32>
    %mul3A = vector.broadcast %get3A_1 : vector<1x128xf32> to vector<2000x128xf32>
    %mul3A_5 = arith.mulf %mul3A, %get3A_4 : vector<2000x128xf32>
    %get3A_6 = arith.constant 0 : index
    %get3A_7 = arith.constant 0 : index
    %get3A_8 = arith.constant 0 : index
    %get3A_9 = vector.load %arg2[%get3A_6, %get3A_7, %get3A_8] : memref<2x2000x128xf32, #tpu.memory_space<vmem>>, vector<1x2000x128xf32>
    %get3A_10 = vector.shape_cast %get3A_9 : vector<1x2000x128xf32> to vector<2000x128xf32>
    %add3A = arith.addf %mul3A_5, %get3A_10 : vector<2000x128xf32>
    %get3A_11 = arith.constant 1 : index
    %get3A_12 = arith.constant 0 : index
    %get3A_13 = arith.constant 0 : index
    %get3A_14 = vector.load %arg2[%get3A_11, %get3A_12, %get3A_13] : memref<2x2000x128xf32, #tpu.memory_space<vmem>>, vector<1x2000x128xf32>
    %get3A_15 = vector.shape_cast %get3A_14 : vector<1x2000x128xf32> to vector<2000x128xf32>
    %add3A_16 = arith.addf %add3A, %get3A_15 : vector<2000x128xf32>
    %get3A_17 = arith.constant 0 : index
    %get3A_18 = arith.constant 0 : index
    %get3A_19 = vector.load %arg4[%get3A_17, %get3A_18] : memref<128x128xf32, #tpu.memory_space<vmem>>, vector<128x128xf32>
    %dot_general3A = arith.constant dense<0.000000e+00> : vector<2000x128xf32>
    %dot_general3A_20 = tpu.matmul %add3A_16, %get3A_19, %dot_general3A {dimension_numbers = #tpu.dot_dimension_numbers<[1], [0], [0], [1], [0, 0, 1, 1], [], []>, transpose_lhs_hint = false} : vector<2000x128xf32>, vector<128x128xf32>, vector<2000x128xf32> -> vector<2000x128xf32>
    %get3A_21 = arith.constant 0 : index
    %get3A_22 = arith.constant 0 : index
    %get3A_23 = vector.load %arg5[%get3A_21, %get3A_22] : memref<1x128xf32, #tpu.memory_space<vmem>>, vector<1x128xf32>
    %add3A_24 = vector.broadcast %get3A_23 : vector<1x128xf32> to vector<2000x128xf32>
    %add3A_25 = arith.addf %dot_general3A_20, %add3A_24 : vector<2000x128xf32>
    %max3A = arith.constant 0.000000e+00 : f32
    %max3A_26 = vector.broadcast %max3A : f32 to vector<2000x128xf32>
    %max3A_27 = arith.maximumf %add3A_25, %max3A_26 : vector<2000x128xf32>
    %get3A_28 = arith.constant 0 : index
    %get3A_29 = arith.constant 0 : index
    %get3A_30 = vector.load %arg6[%get3A_28, %get3A_29] : memref<128x128xf32, #tpu.memory_space<vmem>>, vector<128x128xf32>
    %dot_general3A_31 = arith.constant dense<0.000000e+00> : vector<2000x128xf32>
    %dot_general3A_32 = tpu.matmul %max3A_27, %get3A_30, %dot_general3A_31 {dimension_numbers = #tpu.dot_dimension_numbers<[1], [0], [0], [1], [0, 0, 1, 1], [], []>, transpose_lhs_hint = false} : vector<2000x128xf32>, vector<128x128xf32>, vector<2000x128xf32> -> vector<2000x128xf32>
    %get3A_33 = arith.constant 0 : index
    %get3A_34 = arith.constant 0 : index
    %get3A_35 = vector.load %arg7[%get3A_33, %get3A_34] : memref<1x128xf32, #tpu.memory_space<vmem>>, vector<1x128xf32>
    %add3A_36 = vector.broadcast %get3A_35 : vector<1x128xf32> to vector<2000x128xf32>
    %add3A_37 = arith.addf %dot_general3A_32, %add3A_36 : vector<2000x128xf32>
    %swap3A = arith.constant 0 : index
    %swap3A_38 = arith.constant 0 : index
    %swap3A_39 = vector.load %arg8[%swap3A, %swap3A_38] : memref<2000x128xf32, #tpu.memory_space<vmem>>, vector<2000x128xf32>
    tpu.vector_store %arg8[%swap3A, %swap3A_38], %add3A_37 {strides = array<i32>} : memref<2000x128xf32, #tpu.memory_space<vmem>>, vector<2000x128xf32>,
    return
  }
  func.func @transform_0(%arg0: i32) -> (i32, i32) {
    %c0_i32 = arith.constant 0 : i32
    %c0_i32_0 = arith.constant 0 : i32
    return %arg0, %c0_i32 : i32, i32
  }
  func.func @transform_1(%arg0: i32) -> (i32, i32, i32) {
    %c0_i32 = arith.constant 0 : i32
    %c0_i32_0 = arith.constant 0 : i32
    %c0_i32_1 = arith.constant 0 : i32
    return %c0_i32, %arg0, %c0_i32_0 : i32, i32, i32
  }
  func.func @transform_2(%arg0: i32) -> (i32, i32) {
    %c0_i32 = arith.constant 0 : i32
    %c0_i32_0 = arith.constant 0 : i32
    %c0_i32_1 = arith.constant 0 : i32
    return %c0_i32, %c0_i32_0 : i32, i32
  }
  func.func @transform_3(%arg0: i32) -> (i32, i32) {
    %c0_i32 = arith.constant 0 : i32
    %c0_i32_0 = arith.constant 0 : i32
    %c0_i32_1 = arith.constant 0 : i32
    return %c0_i32, %c0_i32_0 : i32, i32
  }
  func.func @transform_4(%arg0: i32) -> (i32, i32) {
    %c0_i32 = arith.constant 0 : i32
    %c0_i32_0 = arith.constant 0 : i32
    %c0_i32_1 = arith.constant 0 : i32
    return %c0_i32, %c0_i32_0 : i32, i32
  }
  func.func @transform_5(%arg0: i32) -> (i32, i32) {
    %c0_i32 = arith.constant 0 : i32
    %c0_i32_0 = arith.constant 0 : i32
    %c0_i32_1 = arith.constant 0 : i32
    return %c0_i32, %c0_i32_0 : i32, i32
  }
  func.func @transform_6(%arg0: i32) -> (i32, i32) {
    %c0_i32 = arith.constant 0 : i32
    %c0_i32_0 = arith.constant 0 : i32
    %c0_i32_1 = arith.constant 0 : i32
    return %c0_i32, %c0_i32_0 : i32, i32
  }
  func.func @transform_7(%arg0: i32) -> (i32, i32) {
    %c0_i32 = arith.constant 0 : i32
    %c0_i32_0 = arith.constant 0 : i32
    return %arg0, %c0_i32 : i32, i32
  }
}

module attributes {stable_mosaic.version = 14 : i64} {
  func.func @_mlp_body(%arg0: i32, %arg1: memref<2000x128xf32, #tpu.memory_space<vmem>>, %arg2: memref<2x2000x128xf32, #tpu.memory_space<vmem>>, %arg3: memref<1x128xf32, #tpu.memory_space<vmem>>, %arg4: memref<128x128xf32, #tpu.memory_space<vmem>>, %arg5: memref<1x128xf32, #tpu.memory_space<vmem>>, %arg6: memref<128x128xf32, #tpu.memory_space<vmem>>, %arg7: memref<1x128xf32, #tpu.memory_space<vmem>>, %arg8: memref<2000x128xf32, #tpu.memory_space<vmem>>) attributes {dimension_semantics = [#tpu.dimension_semantics<arbitrary>], iteration_bounds = array<i64: 5>, scalar_prefetch = 0 : i64, scratch_operands = 0 : i64, tpu.core_type = #tpu.core_type<tc>, window_params = [{transform_indices = @transform_0, window_bounds = array<i64: 2000, 128>}, {transform_indices = @transform_1, window_bounds = array<i64: 2, 2000, 128>}, {pipeline_mode = #tpu.pipeline_mode<synchronous>, transform_indices = @transform_2, window_bounds = array<i64: 1, 128>}, {pipeline_mode = #tpu.pipeline_mode<synchronous>, transform_indices = @transform_3, window_bounds = array<i64: 128, 128>}, {pipeline_mode = #tpu.pipeline_mode<synchronous>, transform_indices = @transform_4, window_bounds = array<i64: 1, 128>}, {pipeline_mode = #tpu.pipeline_mode<synchronous>, transform_indices = @transform_5, window_bounds = array<i64: 128, 128>}, {pipeline_mode = #tpu.pipeline_mode<synchronous>, transform_indices = @transform_6, window_bounds = array<i64: 1, 128>}, {transform_indices = @transform_7, window_bounds = array<i64: 2000, 128>}]} {
    %get3A = arith.constant 0 : index
    %get3A_0 = arith.constant 0 : index
    %get3A_1 = vector.load %arg3[%get3A, %get3A_0] : memref<1x128xf32, #tpu.memory_space<vmem>>, vector<1x128xf32>
    %get3A_2 = arith.constant 0 : index
    %get3A_3 = arith.constant 0 : index
    %get3A_4 = vector.load %arg1[%get3A_2, %get3A_3] : memref<2000x128xf32, #tpu.memory_space<vmem>>, vector<2000x128xf32>
    %mul3A = vector.broadcast %get3A_1 : vector<1x128xf32> to vector<2000x128xf32>
    %mul3A_5 = arith.mulf %mul3A, %get3A_4 : vector<2000x128xf32>
    %get3A_6 = arith.constant 0 : index
    %get3A_7 = arith.constant 0 : index
    %get3A_8 = arith.constant 0 : index
    %get3A_9 = vector.load %arg2[%get3A_6, %get3A_7, %get3A_8] : memref<2x2000x128xf32, #tpu.memory_space<vmem>>, vector<1x2000x128xf32>
    %get3A_10 = vector.shape_cast %get3A_9 : vector<1x2000x128xf32> to vector<2000x128xf32>
    %add3A = arith.addf %mul3A_5, %get3A_10 : vector<2000x128xf32>
    %get3A_11 = arith.constant 1 : index
    %get3A_12 = arith.constant 0 : index
    %get3A_13 = arith.constant 0 : index
    %get3A_14 = vector.load %arg2[%get3A_11, %get3A_12, %get3A_13] : memref<2x2000x128xf32, #tpu.memory_space<vmem>>, vector<1x2000x128xf32>
    %get3A_15 = vector.shape_cast %get3A_14 : vector<1x2000x128xf32> to vector<2000x128xf32>
    %add3A_16 = arith.addf %add3A, %get3A_15 : vector<2000x128xf32>
    %get3A_17 = arith.constant 0 : index
    %get3A_18 = arith.constant 0 : index
    %get3A_19 = vector.load %arg4[%get3A_17, %get3A_18] : memref<128x128xf32, #tpu.memory_space<vmem>>, vector<128x128xf32>
    %dot_general3A = arith.constant dense<0.000000e+00> : vector<2000x128xf32>
    %dot_general3A_20 = tpu.matmul %add3A_16, %get3A_19, %dot_general3A {dimension_numbers = #tpu.dot_dimension_numbers<[1], [0], [0], [1], [0, 0, 1, 1], [], []>, transpose_lhs_hint = false} : vector<2000x128xf32>, vector<128x128xf32>, vector<2000x128xf32> -> vector<2000x128xf32>
    %get3A_21 = arith.constant 0 : index
    %get3A_22 = arith.constant 0 : index
    %get3A_23 = vector.load %arg5[%get3A_21, %get3A_22] : memref<1x128xf32, #tpu.memory_space<vmem>>, vector<1x128xf32>
    %add3A_24 = vector.broadcast %get3A_23 : vector<1x128xf32> to vector<2000x128xf32>
    %add3A_25 = arith.addf %dot_general3A_20, %add3A_24 : vector<2000x128xf32>
    %max3A = arith.constant 0.000000e+00 : f32
    %max3A_26 = vector.broadcast %max3A : f32 to vector<2000x128xf32>
    %max3A_27 = arith.maximumf %add3A_25, %max3A_26 : vector<2000x128xf32>
    %get3A_28 = arith.constant 0 : index
    %get3A_29 = arith.constant 0 : index
    %get3A_30 = vector.load %arg6[%get3A_28, %get3A_29] : memref<128x128xf32, #tpu.memory_space<vmem>>, vector<128x128xf32>
    %dot_general3A_31 = arith.constant dense<0.000000e+00> : vector<2000x128xf32>
    %dot_general3A_32 = tpu.matmul %max3A_27, %get3A_30, %dot_general3A_31 {dimension_numbers = #tpu.dot_dimension_numbers<[1], [0], [0], [1], [0, 0, 1, 1], [], []>, transpose_lhs_hint = false} : vector<2000x128xf32>, vector<128x128xf32>, vector<2000x128xf32> -> vector<2000x128xf32>
    %get3A_33 = arith.constant 0 : index
    %get3A_34 = arith.constant 0 : index
    %get3A_35 = vector.load %arg7[%get3A_33, %get3A_34] : memref<1x128xf32, #tpu.memory_space<vmem>>, vector<1x128xf32>
    %add3A_36 = vector.broadcast %get3A_35 : vector<1x128xf32> to vector<2000x128xf32>
    %add3A_37 = arith.addf %dot_general3A_32, %add3A_36 : vector<2000x128xf32>
    %swap3A = arith.constant 0 : index
    %swap3A_38 = arith.constant 0 : index
    %swap3A_39 = vector.load %arg8[%swap3A, %swap3A_38] : memref<2000x128xf32, #tpu.memory_space<vmem>>, vector<2000x128xf32>
    tpu.vector_store %arg8[%swap3A, %swap3A_38], %add3A_37 {strides = array<i32>} : memref<2000x128xf32, #tpu.memory_space<vmem>>, vector<2000x128xf32>,
    return
  }
  func.func @transform_0(%arg0: i32) -> (i32, i32) {
    %c0_i32 = arith.constant 0 : i32
    %c0_i32_0 = arith.constant 0 : i32
    return %arg0, %c0_i32 : i32, i32
  }
  func.func @transform_1(%arg0: i32) -> (i32, i32, i32) {
    %c0_i32 = arith.constant 0 : i32
    %c0_i32_0 = arith.constant 0 : i32
    %c0_i32_1 = arith.constant 0 : i32
    return %c0_i32, %arg0, %c0_i32_0 : i32, i32, i32
  }
  func.func @transform_2(%arg0: i32) -> (i32, i32) {
    %c0_i32 = arith.constant 0 : i32
    %c0_i32_0 = arith.constant 0 : i32
    %c0_i32_1 = arith.constant 0 : i32
    return %c0_i32, %c0_i32_0 : i32, i32
  }
  func.func @transform_3(%arg0: i32) -> (i32, i32) {
    %c0_i32 = arith.constant 0 : i32
    %c0_i32_0 = arith.constant 0 : i32
    %c0_i32_1 = arith.constant 0 : i32
    return %c0_i32, %c0_i32_0 : i32, i32
  }
  func.func @transform_4(%arg0: i32) -> (i32, i32) {
    %c0_i32 = arith.constant 0 : i32
    %c0_i32_0 = arith.constant 0 : i32
    %c0_i32_1 = arith.constant 0 : i32
    return %c0_i32, %c0_i32_0 : i32, i32
  }
  func.func @transform_5(%arg0: i32) -> (i32, i32) {
    %c0_i32 = arith.constant 0 : i32
    %c0_i32_0 = arith.constant 0 : i32
    %c0_i32_1 = arith.constant 0 : i32
    return %c0_i32, %c0_i32_0 : i32, i32
  }
  func.func @transform_6(%arg0: i32) -> (i32, i32) {
    %c0_i32 = arith.constant 0 : i32
    %c0_i32_0 = arith.constant 0 : i32
    %c0_i32_1 = arith.constant 0 : i32
    return %c0_i32, %c0_i32_0 : i32, i32
  }
  func.func @transform_7(%arg0: i32) -> (i32, i32) {
    %c0_i32 = arith.constant 0 : i32
    %c0_i32_0 = arith.constant 0 : i32
    return %arg0, %c0_i32 : i32, i32
  }
}

</mosaic_0001>

<sc_bundles>
// kernel: kernel.10.cloned.1.call-start
scs
__scs_entry_jumppad:
0x0: {  	(pc) =	sbr.rel $0x88, $3  }
0x1: {  	(tag) =	ssettag $0x0;
	lr =	simm.s32 $0x1  }
0x2: {  	[smem:$0x3F97] =	sst lr;
	_ =	strace $0xD0000000  }
0x3: {  	_ = 	snop  }
0x4: {  	_ = 	snop  }
0x5: {  	_ = 	snop  }
0x6: {  	_ = 	snop  }
0x7: {  	_ = 	snop  }
__scs_overlays_trampoline_lowered:
0x8: {  	[smem:$0x3FA6] =	sst s0  }
0x9: {  	[smem:$0x3FA7] =	sst s1  }
0xa: {  	[smem:$0x3FA8] =	sst s2  }
0xb: {  	[smem:$0x3FA9] =	sst s3  }
0xc: {  	[smem:$0x3FAA] =	sst s4  }
0xd: {  	[smem:$0x3FAB] =	sst s5  }
0xe: {  	[smem:$0x3FAC] =	sst s6  }
0xf: {  	[smem:$0x3FAD] =	sst s7  }
0x10: {  	[smem:$0x3FAE] =	sst s8  }
0x11: {  	[smem:$0x3FAF] =	sst s9;
	s0 =	simm.s32 @!p0 $0x0  }
0x12: {  	s1 =	sld [smem:$0x3F95];
	s0 =	simm.s32 @p0 $0x1  }
0x13: {  	[smem:$0x3FB0] =	sst s0;
	s0 =	simm.s32 @!p1 $0x0  }
0x14: {  	s2 =	sld [smem:$0x3F94];
	s0 =	simm.s32 @p1 $0x1  }
0x15: {  	[smem:$0x3FB1] =	sst s0;
	s0 =	simm.s32 @!p2 $0x0  }
0x16: {  	s3 =	sld [smem:$0x3FDB];
	s0 =	simm.s32 @p2 $0x1  }
0x17: {  	s4 =	simm.s32 $0x1BF5;
	[smem:$0x3FB3] =	sst s0  }
0x18: {  	s0 =	sld [smem:$0x3F96];
	_ =	swait.ge [sflag:s4], $0x0  }
0x19: {  	s7 =	sld [smem:$0x3F97]  }
0x1a: {  	s8 =	sadd.s32 $0xFFFFE003, lr  }
0x1b: {  	s9 =	sadd.s32 $0xFFFFFEF7, lr;
	s5 =	simm.s32 $0xFFFFFFFF;
	p2 =	slt.u32 s8, $0xFFFFF086  }
0x1c: {  	p1 =	slt.u32 s9, $0xF7A;
	s5 =	simm.s32 @!p2 $0x0  }
0x1d: {  	s5 =	simm.s32 @p1 $0x1;
	p0 =	seq.s32 s7, s2  }
0x1e: {  	s7 =	smul.u32 @!p0 $0xF7A, s2;
	p2 =	seq.s32 @!p0 s5, $0x0  }
0x1f: {  	s9 =	smul.u32 $0xF7A, s1;
	s8 =	simm.s32 @!p0 $0x1BF5;
	p2 =	por !p2, p0  }
0x20: {  	[sflag:s8] =	ssyncset.s32 @!p0 $0xFFFFF086;
	s6 =	sadd.s32 @!p0 s3, s7;
	s7 =	simm.s32 @!p0 $0x108  }
0x21: {  	s3 =	sadd.s32 s3, s9;
	s6 =	sadd.s32 @!p0 $0x88, s6;
	s7 =	simm.s32 @p2 $0x1082  }
0x22: {  	[simem:s7], [sflag:s8] =	dma.local @!p0 [hbm:s6], $0xF7A  }
0x23: {  	s9 =	sor.u32 $0xD0000000, s2;
	s6 =	simm.s32 $0x108;
	_ =	swait.ge @!p0 [sflag:s8], $0x0  }
0x24: {  	s3 =	sadd.s32 $0x88, s3;
	s6 =	simm.s32 @!p1 $0x1082;
	[sflag:s4] =	ssyncset.s32 $0xFFFFF086  }
0x25: {  	[simem:s6], [sflag:s4] =	dma.local [hbm:s3], $0xF7A  }
0x26: {  	[smem:$0x3F97] =	sst s1;
	(tag) =	ssettag s2;
	_ =	strace s9  }
0x27: {  	s1 =	sld [smem:$0x3FA7]  }
0x28: {  	s2 =	sld [smem:$0x3FA8]  }
0x29: {  	s4 =	sld [smem:$0x3FAA]  }
0x2a: {  	p0 =	seq.s32 s5, $0x0;
	s5 =	sld [smem:$0x3FAB]  }
0x2b: {  	s6 =	sld [smem:$0x3FAC]  }
0x2c: {  	s7 =	sld [smem:$0x3FAD]  }
0x2d: {  	s3 =	simm.s32 $0x108;
	s8 =	sld [smem:$0x3FAE]  }
0x2e: {  	s3 =	simm.s32 @!p0 $0x1082;
	s9 =	sld [smem:$0x3FAF]  }
0x2f: {  	lr =	sadd.s32 s0, s3;
	s0 =	sld [smem:$0x3FA6]  }
0x30: {  	s3 =	sld [smem:$0x3FA9]  }
0x31: {  	[smem:$0x3FB2] =	sst s10  }
0x32: {  	s10 =	sld [smem:$0x3FB0];
	_ =	sdelay $0x3  }
0x33: {  	p0 =	seq.s32 s10, $0x1;
	s10 =	sld [smem:$0x3FB2];
	_ =	sdelay $0x3  }
0x34: {  	[smem:$0x3FB2] =	sst s10  }
0x35: {  	s10 =	sld [smem:$0x3FB1];
	_ =	sdelay $0x3  }
0x36: {  	p1 =	seq.s32 s10, $0x1;
	s10 =	sld [smem:$0x3FB2];
	_ =	sdelay $0x3  }
0x37: {  	[smem:$0x3FB2] =	sst s10  }
0x38: {  	s10 =	sld [smem:$0x3FB3]  }
0x39: {  	_ = 	snop;
	(pc) =	sbr.ind lr, $3  }
0x3a: {  	_ = 	snop  }
0x3b: {  	_ = 	snop  }
0x3c: {  	p2 =	seq.s32 s10, $0x1;
	s10 =	sld [smem:$0x3FB2]  }
0x3d: {  	_ =	shalt  }
0x3e: {  	_ =	shalt  }
0x3f: {  	_ =	shalt  }
0x40: {  	_ =	shalt  }
0x41: {  	_ =	shalt  }
0x42: {  	_ =	shalt  }
0x43: {  	_ =	shalt  }
0x44: {  	_ =	shalt  }
0x45: {  	_ =	shalt  }
0x46: {  	_ =	shalt  }
0x47: {  	_ =	shalt  }
0x48: {  	_ =	shalt  }
0x49: {  	_ =	shalt  }
0x4a: {  	_ =	shalt  }
0x4b: {  	_ =	shalt  }
0x4c: {  	_ =	shalt  }
0x4d: {  	_ =	shalt  }
0x4e: {  	_ =	shalt  }
0x4f: {  	_ =	shalt  }
0x50: {  	_ =	shalt  }
0x51: {  	_ =	shalt  }
0x52: {  	_ =	shalt  }
0x53: {  	_ =	shalt  }
0x54: {  	_ =	shalt  }
0x55: {  	_ =	shalt  }
0x56: {  	_ =	shalt  }
0x57: {  	_ =	shalt  }
0x58: {  	_ =	shalt  }
0x59: {  	_ =	shalt  }
0x5a: {  	_ =	shalt  }
0x5b: {  	_ =	shalt  }
0x5c: {  	_ =	shalt  }
0x5d: {  	_ =	shalt  }
0x5e: {  	_ =	shalt  }
0x5f: {  	_ =	shalt  }
0x60: {  	_ =	shalt  }
0x61: {  	_ =	shalt  }
0x62: {  	_ =	shalt  }
0x63: {  	_ =	shalt  }
0x64: {  	_ =	shalt  }
0x65: {  	_ =	shalt  }
0x66: {  	_ =	shalt  }
0x67: {  	_ =	shalt  }
0x68: {  	_ =	shalt  }
0x69: {  	_ =	shalt  }
0x6a: {  	_ =	shalt  }
0x6b: {  	_ =	shalt  }
0x6c: {  	_ =	shalt  }
0x6d: {  	_ =	shalt  }
0x6e: {  	_ =	shalt  }
0x6f: {  	_ =	shalt  }
0x70: {  	_ =	shalt  }
0x71: {  	_ =	shalt  }
0x72: {  	_ =	shalt  }
0x73: {  	_ =	shalt  }
0x74: {  	_ =	shalt  }
0x75: {  	_ =	shalt  }
0x76: {  	_ =	shalt  }
0x77: {  	_ =	shalt  }
0x78: {  	_ =	shalt  }
0x79: {  	_ =	shalt  }
0x7a: {  	_ =	shalt  }
0x7b: {  	_ =	shalt  }
0x7c: {  	_ =	shalt  }
0x7d: {  	_ =	shalt  }
0x7e: {  	_ =	shalt  }
0x7f: {  	_ =	shalt  }
0x80: {  	_ =	shalt  }
0x81: {  	_ =	shalt  }
0x82: {  	_ =	shalt  }
0x83: {  	_ =	shalt  }
0x84: {  	_ =	shalt  }
0x85: {  	_ =	shalt  }
0x86: {  	_ =	shalt  }
0x87: {  	_ =	shalt  }
.Lfunc_end0:
.L_simem_size_0:
called_computation_lowered:
.L_overlay_start_0:
0x88: {  	s2 =	sld [smem:$0x3FD9]  }
0x89: {  	s3 =	sld [smem:$0x3FFE];
	_ =	sdelay $0x1  }
0x8a: {  	s1 =	srdreg.scid  }
0x8b: {  	s0 =	sand.u32 $0x1, s1  }
0x8c: {  	s17 =	sshll.u32 s0, $0xA;
	s2 =	sadd.s32 s3, s2  }
0x8d: {  	s2 =	sadd.s32 s2, s17  }
0x8e: {  	[smem:$0x3FBE] =	sst s2  }
0x8f: {  	_ = 	snop  }
0x90: {  	s2 =	sld [smem:$0x3FC9];
	(tm) =	ssettm $0x1  }
0x91: {  	s18 =	sld [smem:$0x3FFB];
	_ =	sdelay $0x3  }
0x92: {  	_ =	strace s18  }
0x93: {  	s3 =	sld [smem:$0x3FFC];
	_ =	sdelay $0x3  }
0x94: {  	_ =	strace s3  }
0x95: {  	s3 =	sld [smem:$0x3FFD];
	_ =	sdelay $0x3  }
0x96: {  	_ =	strace s3  }
0x97: {  	_ =	strace $0x8FFFFFFF  }
0x98: {  	s19 =	sld [smem:$0x3FDB];
	_ =	sdelay $0x1  }
0x99: {  	s4 =	simm.s32 $_scs_section_size  }
0x9a: {  	s5 =	simm.s32 $_size__tile_overlayer_lowered;
	s6 =	simm.s32 $_tile_overlayer_lowered  }
0x9b: {  	s22 =	simm.s32 $0x1BFF;
	s21 =	sshll.u32 s6, $0x1;
	s3 =	sadd.s32 s4, s19  }
0x9c: {  	s7 =	simm.s32 $0x0;
	s20 =	sshll.u32 s5, $0x1;
	s5 =	sadd.s32 s21, s3  }
0x9d: {  	[timem:s7], [sflag:s22] =	dma.local [hbm:s5], s20  }
0x9e: {  	_ =	swait.ge [sflag:s22], s20  }
0x9f: {  	s4 =	ssub.s32 $0x0, s20;
	[sflag:s22] =	ssyncset.done $0x0  }
0xa0: {  	[sflag:s22] =	ssyncadd.s32 s4;
	_ =	sdelay $0x1  }
0xa1: {  	s23 =	simm.s32 $0x1B8B  }
0xa2: {  	_ =	swait.ge [sflag:s23], $0x1  }
0xa3: {  	[sflag:s23] =	ssyncset.done $0x0  }
0xa4: {  	s25 =	simm.s32 $0x1B8E;
	s24 =	sld [smem:$0x3FFE];
	[sflag:s23] =	ssyncadd.s32 $0xFFFFFFFF  }
0xa5: {  	s26 =	simm.s32 $execute0_lowered;
	[smem:$0x3FD2] =	sst s25  }
0xa6: {  	s5 =	sshll.u32 s26, $0x1;
	_ =	strace $0x80000046;
	[dreg:$0x1] =	wrdreg $0xFFFFFFFF  }
0xa7: {  	s28 =	simm.s32 $_size_execute0_lowered;
	s3 =	sadd.s32 s3, s5;
	[dreg:$0x0] =	wrdreg $0x0  }
0xa8: {  	s5 =	sshll.u32 s28, $0x1;
	[dreg:$0x2] =	wrdreg s3  }
0xa9: {  	[dreg:$0x3] =	wrdreg s5  }
0xaa: {  	[dreg:$0x4] =	wrdreg $0xC0  }
0xab: {  	_ =	task [dreg:s7], $0x5FFFF  }
0xac: {  	[dreg:$0x1] =	wrdreg $0xFFFFFFFF  }
0xad: {  	[dreg:$0x0] =	wrdreg $0x60  }
0xae: {  	[dreg:$0x2] =	wrdreg s2  }
0xaf: {  	[dreg:$0x3] =	wrdreg s24  }
0xb0: {  	[dreg:$0x4] =	wrdreg $0x0  }
0xb1: {  	[dreg:$0x5] =	wrdreg $0x9  }
0xb2: {  	_ =	task.clear_ibuf [dreg:s7], $0x6FFFF;
	_ =	strace $0x90000046  }
0xb3: {  	s29 =	simm.s32 $0x9;
	_ =	strace $0x80000048  }
0xb4: {  	_ =	swait.ge [sflag:s29], $0x1  }
0xb5: {  	[sflag:s29] =	ssyncadd.s32 $0xFFFFFFFF  }
0xb6: {  	_ =	strace $0x90000048  }
0xb7: {  	_ =	sfence  }
0xb8: {  	s30 =	sld [smem:$0x0];
	_ =	sdelay $0x2  }
0xb9: {  	s31 =	sshll.u32 s1, $0xD;
	s1 =	sshrl.u32 s1, $0x2  }
0xba: {  	s3 =	sand.u32 $0x4000, s31;
	s1 =	sadd.s32 s1, s30  }
0xbb: {  	s0 =	sor.u32 s3, s0;
	s1 =	sshll.u32 s1, $0x11  }
0xbc: {  	s0 =	sor.u32 s1, s0  }
0xbd: {  	s0 =	sadd.s32 $0x8F2B, s0  }
0xbe: {  	[sflag:s0] =	ssyncadd.remote.s32 $0x1  }
0xbf: {  	_ =	sfence.sel $0xFFFF  }
0xc0: {  	[dreg:$0x0] =	wrdreg $0xFFFFFFFF;
	(pc) =	sbr.abs _section_cstart, $3  }
0xc1: {  	[dreg:$0x1] =	wrdreg $0xFFFFFFFF  }
0xc2: {  	_ =	task.clear_ibuf [dreg:s7], $0x2FFFF;
	_ =	strace $0x9FFFFFFF  }
0xc3: {  	(tm) =	ssettm $0x7FFFFFFF  }
tec
execute0_lowered:
.L_overlay_start_1:
0x0: {  	(tag) =	ssettag $0x1  }
0x1: {  	s1 =	rddreg [dreg:$0x0]  }
0x2: {  	s0 =	rddreg [dreg:$0x1]  }
0x3: {  	s2 =	rddreg [dreg:$0x2];
	s4 =	simm.s32 $0x0;
	s3 =	srdreg.scid  }
0x4: {  	s16 =	stileid.u32;
	s19 =	simm.s32 $0x13880;
	s20 =	simm.s32 $0x7  }
0x5: {  	s28 =	simm.s32 $0x1;
	s29 =	simm.s32 $0x3;
	s30 =	simm.s32 $0x6  }
0x6: {  	s31 =	simm.s32 $0x16A80;
	s18 =	simm.s32 $0x0;
	[smem:$0x7FF] =	sst s4  }
0x7: {  	s3 =	sand.u32 $0x1, s3;
	s5 =	sadd.s32 $0x505600, s0;
	s8 =	smul.u32 $0x4E000, s16  }
0x8: {  	s6 =	sadd.s32 $0x4200, s0;
	s0 =	sadd.s32 $0x9E7600, s0;
	s13 =	smul.u32 $0x13800, s16  }
0x9: {  	s17 =	sadd.s32 $0x138000, s2;
	p0 =	sne.s32 s16, $0xF;
	_ =	strace $0x80000047  }
0xa: {  	s21 =	sshll.u32 s3, $0x4;
	s9 =	ssub.s32 $0x2, s3;
	s3 =	smul.u32 $0x138800, s3  }
0xb: {  	[dreg:$0x4] =	wrdreg s17;
	s4 =	sor.u32 s16, s21;
	s10 =	sshrl.u32 s9, $0x1  }
0xc: {  	s8 =	sshrl.u32 s8, $0x2;
	s21 =	simm.s32 $0x14080;
	s7 =	smul.u32 $0x7D00, s4  }
0xd: {  	s16 =	simm.s32 $0x14200;
	s12 =	smul.u32 $0x27100, s4;
	s9 =	ssub.s32 s9, s10  }
0xe: {  	s8 =	sadd.s32 s8, s2;
	s11 =	smul.u32 $0x2710, s4;
	s25 =	sadd.s32 s13, s3  }
0xf: {  	s3 =	sshrl.u32 s3, $0x3;
	s13 =	simm.s32 $0x4;
	s4 =	sshrl.u32 s25, $0x3  }
0x10: {  	s26 =	smax.u32 s9, $0x1;
	s25 =	simm.s32 $0x19280;
	s9 =	simm.s32 $0x0  }
0x11: {  	s22 =	sshrl.u32 s7, $0x3;
	s23 =	sadd.s32 s5, s12;
	s14 =	sadd.s32 $0x50, s11  }
0x12: {  	s15 =	sadd.s32 $0x300, s7;
	s4 =	sadd.s32 s0, s4;
	[dreg:$0xa] =	wrdreg s26  }
0x13: {  	s0 =	sadd.s32 s0, s3;
	s26 =	simm.s32 $0x14180;
	[dreg:$0x6] =	wrdreg s23  }
0x14: {  	s12 =	simm.s32 $0x2;
	s10 =	sadd.s32 s6, s22;
	[dreg:$0x8] =	wrdreg s4  }
0x15: {  	s0 =	sadd.s32 $0x27000, s0;
	s22 =	simm.s32 $0x5;
	[dreg:$0x5] =	wrdreg s10  }
0x16: {  	s23 =	simm.s32 $0x50;
	s24 =	sadd.s32 $0x20, s10;
	[dreg:$0x9] =	wrdreg s0  }
0x17: {  	v0 =	vimm.f32 $0.0e+00;
	s4 =	simm.s32 $0x14100;
	[dreg:$0x7] =	wrdreg s24;
	s24 =	simm.s32 $0x14280  }
.LBB2_1:
0x18: {  	[dreg:$0xb] =	wrdreg s9;
	s3 =	simm.s32 $0x0;
	s9 =	simm.s32 $0x200  }
.LBB2_2:
0x19: {  	p1 =	sne.s32 s9, $0x1E00;
	[tilespmem:s3+$0x138F0] =	vst v0  }
0x1a: {  	[tilespmem:s3+$0x13880] =	vst v0  }
0x1b: {  	[tilespmem:s3+$0x13890] =	vst v0  }
.Ltmp0:
0x1c: {  	[tilespmem:s3+$0x138A0] =	vst v0;
	(pc) =	sbr.rel @p1 .LBB2_2-.Ltmp0, $4  }
0x1d: {  	[tilespmem:s3+$0x138B0] =	vst v0  }
0x1e: {  	[tilespmem:s3+$0x138C0] =	vst v0  }
0x1f: {  	[tilespmem:s3+$0x138D0] =	vst v0  }
0x20: {  	[tilespmem:s3+$0x138E0] =	vst v0;
	s3 =	sshra.s32 s9, $0x2;
	s9 =	sadd.s32 $0x200, s9  }
0x21: {  	[tilespmem:s3+$0x138F0] =	vst v0  }
0x22: {  	[tilespmem:s3+$0x13880] =	vst v0  }
0x23: {  	[tilespmem:s3+$0x13890] =	vst v0  }
0x24: {  	[tilespmem:s3+$0x138A0] =	vst v0  }
0x25: {  	[tilespmem:s3+$0x138B0] =	vst v0  }
0x26: {  	[tilespmem:s3+$0x138C0] =	vst v0  }
0x27: {  	[tilespmem:s3+$0x138D0] =	vst v0  }
0x28: {  	[tilespmem:s3+$0x138E0] =	vst v0;
	s10 =	sadd.s32 $0x0, s8  }
0x29: {  	[spmem:s10] =	stream.linear.scatter [tilespmem:s19], [sflag:$0x7], $0x800, $0x38;
	[tilespmem:$0x1E280] =	vst v63  }
0x2a: {  	s3 =	simm.s32 $0x2000;
	_ =	swait.ge [sflag:s20], $0x800  }
.LBB2_4:
0x2b: {  	s9 =	sshra.s32 s3, $0x2;
	[sflag:s20] =	ssyncset.done $0x0;
	p1 =	sne.s32 s3, $0x4C000  }
.Ltmp1:
0x2c: {  	s9 =	sadd.s32 s9, s8;
	[sflag:s20] =	ssyncadd.s32 $0xFFFFF800;
	(pc) =	sbr.rel @p1 .LBB2_4-.Ltmp1, $3  }
0x2d: {  	[spmem:s9] =	stream.linear.scatter [tilespmem:s19], [sflag:$0x7], $0x800, $0x38;
	[tilespmem:$0x1E280] =	vst v63  }
0x2e: {  	s3 =	sadd.s32 $0x2000, s3;
	_ =	sdelay $0x1  }
0x2f: {  	_ =	swait.ge [sflag:s20], $0x800  }
0x30: {  	[sflag:s20] =	ssyncset.done $0x0  }
0x31: {  	s3 =	simm.s32 @!p0 $0x13880;
	[sflag:s20] =	ssyncadd.s32 $0xFFFFF800  }
0x32: {  	[spmem:s17] =	stream.linear.scatter @!p0 [tilespmem:s3], [sflag:$0x7], $0x800, $0x38;
	[tilespmem:$0x1E280] =	vst v63  }
0x33: {  	s3 =	simm.s32 @!p0 $0x7  }
0x34: {  	_ =	swait.ge @!p0 [sflag:s3], $0x800  }
0x35: {  	[sflag:s3] =	ssyncset.done @!p0 $0x0  }
0x36: {  	[sflag:s3] =	ssyncadd.s32 @!p0 $0xFFFFF800  }
0x37: {  	[bflag:$0x0] =	sbarrier.arrive $0xFFFF  }
0x38: {  	s0 =	rddreg [dreg:$0x5]  }
0x39: {  	[tilespmem:s21], [sflag:$0x5] =	stream.linear.gather [hbm4b:s0+s18], $0x100, $0x38;
	[tilespmem:$0x1E280] =	vst v63  }
0x3a: {  	_ =	swait.ge [sflag:s22], $0x100  }
0x3b: {  	[sflag:s22] =	ssyncset.done $0x0  }
0x3c: {  	[sflag:s22] =	ssyncadd.s32 $0xFFFFFF00  }
0x3d: {  	[tilespmem:s24], [sflag:$0x1] =	stream.indirect.gather [hbm4b:s1+s23], $0x80, s21, s23, $0xb8;
	[tilespmem:$0x1E280] =	vst v63  }
0x3e: {  	s10 =	rddreg [dreg:$0x6]  }
0x3f: {  	[tilespmem:s25], [sflag:$0x3] =	stream.linear.gather [hbm4b:s10+s18], $0x2800, $0x38;
	[tilespmem:$0x1E280] =	vst v63  }
0x40: {  	s17 =	rddreg [dreg:$0x7];
	s10 =	simm.s32 $0x0  }
0x41: {  	[tilespmem:s26], [sflag:$0x6] =	stream.linear.gather [hbm4b:s17+s18], $0x100, $0x38;
	[tilespmem:$0x1E280] =	vst v63  }
.LBB2_6:
0x42: {  	_ =	swait.ge [sflag:s28], $0x2800  }
0x43: {  	[sflag:s28] =	ssyncset.done $0x0  }
0x44: {  	[sflag:s28] =	ssyncadd.s32 $0xFFFFD800  }
0x45: {  	_ =	swait.ge [sflag:s29], $0x2800  }
0x46: {  	s3 =	smul.u32 $0xA0, s10;
	[sflag:s29] =	ssyncset.done $0x0  }
0x47: {  	[sflag:s29] =	ssyncadd.s32 $0xFFFFD800  }
0x48: {  	s3 =	sadd.s32 s3, s14;
	_ =	swait.ge [sflag:s30], $0x100  }
0x49: {  	s3 =	sshll.u32 s3, $0x4;
	[sflag:s30] =	ssyncset.done $0x0  }
0x4a: {  	s3 =	sand.u32 $0x1FFFFF00, s3;
	[sflag:s30] =	ssyncadd.s32 $0xFFFFFF00  }
0x4b: {  	[tilespmem:s31], [sflag:$0x2] =	stream.indirect.gather [hbm4b:s1+s23], $0x80, s26, s23, $0xb8;
	[tilespmem:$0x1E280] =	vst v63  }
0x4c: {  	s0 =	simm.s32 $0x1BA80;
	s9 =	simm.s32 $0x0;
	s3 =	sadd.s32 s5, s3  }
0x4d: {  	[tilespmem:s0], [sflag:$0x4] =	stream.linear.gather [hbm4b:s3+s18], $0x2800, $0x38;
	[tilespmem:$0x1E280] =	vst v63  }
0x4e: {  	v7 =	vld [tilespmem:s9+$0x19280]  }
0x4f: {  	v12 =	vld [tilespmem:s9+$0x19290]  }
0x50: {  	v6 =	vld [tilespmem:s9+$0x192A0]  }
0x51: {  	v5 =	vld [tilespmem:s9+$0x192B0]  }
0x52: {  	v4 =	vld [tilespmem:s9+$0x192C0]  }
0x53: {  	v3 =	vld [tilespmem:s9+$0x192D0]  }
0x54: {  	v2 =	vld [tilespmem:s9+$0x192E0]  }
0x55: {  	v1 =	vld [tilespmem:s9+$0x192F0]  }
0x56: {  	v13 =	vld [tilespmem:s9+$0x14280]  }
0x57: {  	v14 =	vld [tilespmem:s9+$0x14290]  }
0x58: {  	v11 =	vld [tilespmem:s9+$0x142A0]  }
0x59: {  	v10 =	vld [tilespmem:s9+$0x142B0]  }
0x5a: {  	v9 =	vld [tilespmem:s9+$0x142C0]  }
0x5b: {  	v8 =	vld [tilespmem:s9+$0x142D0];
	v13 =	vadd.f32 v7, v13  }
0x5c: {  	s17 =	simm.s32 $0x200;
	v12 =	vadd.f32 v12, v14;
	v7 =	vld [tilespmem:s9+$0x142E0]  }
.LBB2_7:
0x5d: {  	s3 =	sshra.s32 s17, $0x2;
	p1 =	sne.s32 s17, $0x9E00;
	v13 =	vmax.f32 v13, $0.0e+00;
	v6 =	vadd.f32 v6, v11;
	v11 =	vld [tilespmem:s9+$0x142F0]  }
0x5e: {  	v14 =	vld [tilespmem:s3+$0x19280];
	[tilespmem:s9+$0x14280] =	vst v13;
	v12 =	vmax.f32 v12, $0.0e+00;
	v5 =	vadd.f32 v5, v10  }
0x5f: {  	v15 =	vld [tilespmem:s3+$0x19290];
	[tilespmem:s9+$0x14290] =	vst v12;
	v10 =	vmax.f32 v6, $0.0e+00;
	v4 =	vadd.f32 v4, v9  }
0x60: {  	v6 =	vld [tilespmem:s3+$0x192A0];
	[tilespmem:s9+$0x142A0] =	vst v10;
	v9 =	vmax.f32 v5, $0.0e+00;
	v3 =	vadd.f32 v3, v8  }
0x61: {  	v5 =	vld [tilespmem:s3+$0x192B0];
	[tilespmem:s9+$0x142B0] =	vst v9;
	v8 =	vmax.f32 v4, $0.0e+00;
	v2 =	vadd.f32 v2, v7  }
0x62: {  	v4 =	vld [tilespmem:s3+$0x192C0];
	[tilespmem:s9+$0x142C0] =	vst v8;
	v7 =	vmax.f32 v3, $0.0e+00;
	v1 =	vadd.f32 v1, v11  }
0x63: {  	v3 =	vld [tilespmem:s3+$0x192D0];
	[tilespmem:s9+$0x142D0] =	vst v7;
	v7 =	vmax.f32 v2, $0.0e+00  }
0x64: {  	v2 =	vld [tilespmem:s3+$0x192E0];
	[tilespmem:s9+$0x142E0] =	vst v7;
	v7 =	vmax.f32 v1, $0.0e+00  }
0x65: {  	v1 =	vld [tilespmem:s3+$0x192F0];
	[tilespmem:s9+$0x142F0] =	vst v7;
	s9 =	smov.u32 s3  }
0x66: {  	v7 =	vld [tilespmem:s9+$0x14280]  }
0x67: {  	v12 =	vld [tilespmem:s9+$0x14290]  }
.Ltmp2:
0x68: {  	v11 =	vld [tilespmem:s9+$0x142A0];
	(pc) =	sbr.rel @p1 .LBB2_7-.Ltmp2, $4  }
0x69: {  	v10 =	vld [tilespmem:s9+$0x142B0]  }
0x6a: {  	v9 =	vld [tilespmem:s9+$0x142C0]  }
0x6b: {  	v13 =	vadd.f32 v14, v7;
	v8 =	vld [tilespmem:s9+$0x142D0]  }
0x6c: {  	s17 =	sadd.s32 $0x200, s17;
	v12 =	vadd.f32 v15, v12;
	v7 =	vld [tilespmem:s9+$0x142E0]  }
0x6d: {  	v13 =	vmax.f32 v13, $0.0e+00;
	v6 =	vadd.f32 v6, v11;
	v11 =	vld [tilespmem:s9+$0x142F0]  }
0x6e: {  	[tilespmem:s9+$0x14280] =	vst v13;
	v12 =	vmax.f32 v12, $0.0e+00;
	v5 =	vadd.f32 v5, v10  }
0x6f: {  	[tilespmem:s9+$0x14290] =	vst v12;
	v6 =	vmax.f32 v6, $0.0e+00;
	v4 =	vadd.f32 v4, v9  }
0x70: {  	[tilespmem:s9+$0x142A0] =	vst v6;
	v5 =	vmax.f32 v5, $0.0e+00;
	v3 =	vadd.f32 v3, v8  }
0x71: {  	[tilespmem:s9+$0x142B0] =	vst v5;
	v4 =	vmax.f32 v4, $0.0e+00;
	v2 =	vadd.f32 v2, v7  }
0x72: {  	[tilespmem:s9+$0x142C0] =	vst v4;
	v3 =	vmax.f32 v3, $0.0e+00;
	v1 =	vadd.f32 v1, v11  }
0x73: {  	[tilespmem:s9+$0x142D0] =	vst v3;
	v2 =	vmax.f32 v2, $0.0e+00  }
0x74: {  	[tilespmem:s9+$0x142E0] =	vst v2;
	v1 =	vmax.f32 v1, $0.0e+00  }
0x75: {  	[tilespmem:s9+$0x142F0] =	vst v1;
	s9 =	sshll.u32 s10, $0x1  }
0x76: {  	[spmem:s2] =	stream.indirect.scatter.add.f32 [tilespmem:s24], [sflag:$0x7], $0x80, s4, s23, $0xb8;
	[tilespmem:$0x1E280] =	vst v63  }
0x77: {  	s3 =	sadd.s32 $0x2, s9  }
0x78: {  	s17 =	sshll.u32 s3, $0x8  }
0x79: {  	_ =	swait.ge [sflag:s20], $0x2800;
	s17 =	sadd.s32 s7, s17  }
0x7a: {  	[sflag:s20] =	ssyncset.done $0x0;
	s17 =	sshrl.u32 s17, $0x3  }
0x7b: {  	s0 =	simm.s32 $0x0;
	[sflag:s20] =	ssyncadd.s32 $0xFFFFD800;
	s17 =	sadd.s32 s6, s17  }
0x7c: {  	[tilespmem:s21], [sflag:$0x5] =	stream.linear.gather [hbm4b:s17+s0], $0x100, $0x38;
	[tilespmem:$0x1E280] =	vst v63  }
0x7d: {  	_ =	swait.ge [sflag:s12], $0x2800  }
0x7e: {  	[sflag:s12] =	ssyncset.done $0x0  }
0x7f: {  	[sflag:s12] =	ssyncadd.s32 $0xFFFFD800  }
0x80: {  	_ =	swait.ge [sflag:s13], $0x2800  }
0x81: {  	s3 =	smul.u32 $0x50, s3;
	[sflag:s13] =	ssyncset.done $0x0  }
0x82: {  	[sflag:s13] =	ssyncadd.s32 $0xFFFFD800  }
0x83: {  	s3 =	sadd.s32 s11, s3;
	_ =	swait.ge [sflag:s22], $0x100  }
0x84: {  	s3 =	sshll.u32 s3, $0x4;
	[sflag:s22] =	ssyncset.done $0x0  }
0x85: {  	s3 =	sand.u32 $0x1FFFFF00, s3;
	[sflag:s22] =	ssyncadd.s32 $0xFFFFFF00  }
0x86: {  	[tilespmem:s24], [sflag:$0x1] =	stream.indirect.gather [hbm4b:s1+s23], $0x80, s21, s23, $0xb8;
	[tilespmem:$0x1E280] =	vst v63  }
0x87: {  	s17 =	simm.s32 $0x0;
	s3 =	sadd.s32 s5, s3  }
0x88: {  	[tilespmem:s25], [sflag:$0x3] =	stream.linear.gather [hbm4b:s3+s0], $0x2800, $0x38;
	[tilespmem:$0x1E280] =	vst v63  }
0x89: {  	v7 =	vld [tilespmem:s17+$0x1BA80]  }
0x8a: {  	v12 =	vld [tilespmem:s17+$0x1BA90]  }
0x8b: {  	v6 =	vld [tilespmem:s17+$0x1BAA0]  }
0x8c: {  	v5 =	vld [tilespmem:s17+$0x1BAB0]  }
0x8d: {  	v4 =	vld [tilespmem:s17+$0x1BAC0]  }
0x8e: {  	v3 =	vld [tilespmem:s17+$0x1BAD0]  }
0x8f: {  	v2 =	vld [tilespmem:s17+$0x1BAE0]  }
0x90: {  	v1 =	vld [tilespmem:s17+$0x1BAF0]  }
0x91: {  	v13 =	vld [tilespmem:s17+$0x16A80]  }
0x92: {  	v14 =	vld [tilespmem:s17+$0x16A90]  }
0x93: {  	v11 =	vld [tilespmem:s17+$0x16AA0]  }
0x94: {  	v10 =	vld [tilespmem:s17+$0x16AB0]  }
0x95: {  	v9 =	vld [tilespmem:s17+$0x16AC0]  }
0x96: {  	v8 =	vld [tilespmem:s17+$0x16AD0];
	v13 =	vadd.f32 v7, v13  }
0x97: {  	s3 =	simm.s32 $0x200;
	v12 =	vadd.f32 v12, v14;
	v7 =	vld [tilespmem:s17+$0x16AE0]  }
.LBB2_9:
0x98: {  	s0 =	sshra.s32 s3, $0x2;
	p1 =	sne.s32 s3, $0x9E00;
	v13 =	vmax.f32 v13, $0.0e+00;
	v6 =	vadd.f32 v6, v11;
	v11 =	vld [tilespmem:s17+$0x16AF0]  }
0x99: {  	v14 =	vld [tilespmem:s0+$0x1BA80];
	[tilespmem:s17+$0x16A80] =	vst v13;
	v12 =	vmax.f32 v12, $0.0e+00;
	v5 =	vadd.f32 v5, v10  }
0x9a: {  	v15 =	vld [tilespmem:s0+$0x1BA90];
	[tilespmem:s17+$0x16A90] =	vst v12;
	v10 =	vmax.f32 v6, $0.0e+00;
	v4 =	vadd.f32 v4, v9  }
0x9b: {  	v6 =	vld [tilespmem:s0+$0x1BAA0];
	[tilespmem:s17+$0x16AA0] =	vst v10;
	v9 =	vmax.f32 v5, $0.0e+00;
	v3 =	vadd.f32 v3, v8  }
0x9c: {  	v5 =	vld [tilespmem:s0+$0x1BAB0];
	[tilespmem:s17+$0x16AB0] =	vst v9;
	v8 =	vmax.f32 v4, $0.0e+00;
	v2 =	vadd.f32 v2, v7  }
0x9d: {  	v4 =	vld [tilespmem:s0+$0x1BAC0];
	[tilespmem:s17+$0x16AC0] =	vst v8;
	v7 =	vmax.f32 v3, $0.0e+00;
	v1 =	vadd.f32 v1, v11  }
0x9e: {  	v3 =	vld [tilespmem:s0+$0x1BAD0];
	[tilespmem:s17+$0x16AD0] =	vst v7;
	v7 =	vmax.f32 v2, $0.0e+00  }
0x9f: {  	v2 =	vld [tilespmem:s0+$0x1BAE0];
	[tilespmem:s17+$0x16AE0] =	vst v7;
	v7 =	vmax.f32 v1, $0.0e+00  }
0xa0: {  	v1 =	vld [tilespmem:s0+$0x1BAF0];
	[tilespmem:s17+$0x16AF0] =	vst v7;
	s17 =	smov.u32 s0  }
0xa1: {  	v7 =	vld [tilespmem:s17+$0x16A80]  }
0xa2: {  	v12 =	vld [tilespmem:s17+$0x16A90]  }
.Ltmp3:
0xa3: {  	v11 =	vld [tilespmem:s17+$0x16AA0];
	(pc) =	sbr.rel @p1 .LBB2_9-.Ltmp3, $4  }
0xa4: {  	v10 =	vld [tilespmem:s17+$0x16AB0]  }
0xa5: {  	v9 =	vld [tilespmem:s17+$0x16AC0]  }
0xa6: {  	v13 =	vadd.f32 v14, v7;
	v8 =	vld [tilespmem:s17+$0x16AD0]  }
0xa7: {  	s3 =	sadd.s32 $0x200, s3;
	v12 =	vadd.f32 v15, v12;
	v7 =	vld [tilespmem:s17+$0x16AE0]  }
0xa8: {  	v13 =	vmax.f32 v13, $0.0e+00;
	v6 =	vadd.f32 v6, v11;
	v63 =	vld [tilespmem:s17+$0x16AF0]  }
0xa9: {  	[tilespmem:s17+$0x16A80] =	vst v13;
	v12 =	vmax.f32 v12, $0.0e+00;
	v5 =	vadd.f32 v5, v10  }
0xaa: {  	[tilespmem:s17+$0x16A90] =	vst v12;
	v6 =	vmax.f32 v6, $0.0e+00;
	v4 =	vadd.f32 v4, v9  }
0xab: {  	[tilespmem:s17+$0x16AA0] =	vst v6;
	v5 =	vmax.f32 v5, $0.0e+00;
	v3 =	vadd.f32 v3, v8  }
0xac: {  	[tilespmem:s17+$0x16AB0] =	vst v5;
	v4 =	vmax.f32 v4, $0.0e+00;
	v2 =	vadd.f32 v2, v7  }
0xad: {  	[tilespmem:s17+$0x16AC0] =	vst v4;
	v3 =	vmax.f32 v3, $0.0e+00;
	v1 =	vadd.f32 v1, v63  }
0xae: {  	[tilespmem:s17+$0x16AD0] =	vst v3;
	v2 =	vmax.f32 v2, $0.0e+00  }
0xaf: {  	s10 =	sadd.s32 $0x1, s10;
	[tilespmem:s17+$0x16AE0] =	vst v2;
	v1 =	vmax.f32 v1, $0.0e+00  }
0xb0: {  	s0 =	smin.u32 s9, $0x79;
	p1 =	sne.s32 s10, $0x3E;
	[tilespmem:s17+$0x16AF0] =	vst v1  }
0xb1: {  	[spmem:s2] =	stream.indirect.scatter.add.f32 [tilespmem:s31], [sflag:$0x7], $0x80, s16, s23, $0xb8;
	[tilespmem:$0x1E280] =	vst v63  }
.Ltmp4:
0xb2: {  	s0 =	sshll.u32 s0, $0x8;
	(pc) =	sbr.rel @p1 .LBB2_6-.Ltmp4, $4  }
0xb3: {  	s0 =	sadd.s32 s0, s15;
	_ =	swait.ge [sflag:s20], $0x2800  }
0xb4: {  	s0 =	sshrl.u32 s0, $0x3;
	[sflag:s20] =	ssyncset.done $0x0  }
0xb5: {  	s3 =	simm.s32 $0x0;
	s0 =	sadd.s32 s6, s0;
	[sflag:s20] =	ssyncadd.s32 $0xFFFFD800  }
0xb6: {  	[tilespmem:s26], [sflag:$0x6] =	stream.linear.gather [hbm4b:s0+s3], $0x100, $0x38;
	[tilespmem:$0x1E280] =	vst v63  }
0xb7: {  	_ =	swait.ge [sflag:s28], $0x2800  }
0xb8: {  	[sflag:s28] =	ssyncset.done $0x0  }
0xb9: {  	[sflag:s28] =	ssyncadd.s32 $0xFFFFD800  }
0xba: {  	_ =	swait.ge [sflag:s29], $0x2800  }
0xbb: {  	[sflag:s29] =	ssyncset.done $0x0  }
0xbc: {  	s9 =	simm.s32 $0x0;
	[sflag:s29] =	ssyncadd.s32 $0xFFFFD800  }
0xbd: {  	v7 =	vld [tilespmem:s9+$0x19280]  }
0xbe: {  	v12 =	vld [tilespmem:s9+$0x19290]  }
0xbf: {  	v6 =	vld [tilespmem:s9+$0x192A0]  }
0xc0: {  	v5 =	vld [tilespmem:s9+$0x192B0]  }
0xc1: {  	v4 =	vld [tilespmem:s9+$0x192C0]  }
0xc2: {  	v3 =	vld [tilespmem:s9+$0x192D0]  }
0xc3: {  	v2 =	vld [tilespmem:s9+$0x192E0]  }
0xc4: {  	v1 =	vld [tilespmem:s9+$0x192F0]  }
0xc5: {  	v13 =	vld [tilespmem:s9+$0x14280]  }
0xc6: {  	v14 =	vld [tilespmem:s9+$0x14290]  }
0xc7: {  	v11 =	vld [tilespmem:s9+$0x142A0]  }
0xc8: {  	v10 =	vld [tilespmem:s9+$0x142B0]  }
0xc9: {  	v9 =	vld [tilespmem:s9+$0x142C0]  }
0xca: {  	v8 =	vld [tilespmem:s9+$0x142D0];
	v13 =	vadd.f32 v7, v13  }
0xcb: {  	s3 =	simm.s32 $0x200;
	v12 =	vadd.f32 v12, v14;
	v7 =	vld [tilespmem:s9+$0x142E0]  }
.LBB2_12:
0xcc: {  	s0 =	sshra.s32 s3, $0x2;
	p1 =	sne.s32 s3, $0x9E00;
	v13 =	vmax.f32 v13, $0.0e+00;
	v6 =	vadd.f32 v6, v11;
	v11 =	vld [tilespmem:s9+$0x142F0]  }
0xcd: {  	v14 =	vld [tilespmem:s0+$0x19280];
	[tilespmem:s9+$0x14280] =	vst v13;
	v12 =	vmax.f32 v12, $0.0e+00;
	v5 =	vadd.f32 v5, v10  }
0xce: {  	v15 =	vld [tilespmem:s0+$0x19290];
	[tilespmem:s9+$0x14290] =	vst v12;
	v10 =	vmax.f32 v6, $0.0e+00;
	v4 =	vadd.f32 v4, v9  }
0xcf: {  	v6 =	vld [tilespmem:s0+$0x192A0];
	[tilespmem:s9+$0x142A0] =	vst v10;
	v9 =	vmax.f32 v5, $0.0e+00;
	v3 =	vadd.f32 v3, v8  }
0xd0: {  	v5 =	vld [tilespmem:s0+$0x192B0];
	[tilespmem:s9+$0x142B0] =	vst v9;
	v8 =	vmax.f32 v4, $0.0e+00;
	v2 =	vadd.f32 v2, v7  }
0xd1: {  	v4 =	vld [tilespmem:s0+$0x192C0];
	[tilespmem:s9+$0x142C0] =	vst v8;
	v7 =	vmax.f32 v3, $0.0e+00;
	v1 =	vadd.f32 v1, v11  }
0xd2: {  	v3 =	vld [tilespmem:s0+$0x192D0];
	[tilespmem:s9+$0x142D0] =	vst v7;
	v7 =	vmax.f32 v2, $0.0e+00  }
0xd3: {  	v2 =	vld [tilespmem:s0+$0x192E0];
	[tilespmem:s9+$0x142E0] =	vst v7;
	v7 =	vmax.f32 v1, $0.0e+00  }
0xd4: {  	v1 =	vld [tilespmem:s0+$0x192F0];
	[tilespmem:s9+$0x142F0] =	vst v7;
	s9 =	smov.u32 s0  }
0xd5: {  	v7 =	vld [tilespmem:s9+$0x14280]  }
0xd6: {  	v12 =	vld [tilespmem:s9+$0x14290]  }
.Ltmp5:
0xd7: {  	v11 =	vld [tilespmem:s9+$0x142A0];
	(pc) =	sbr.rel @p1 .LBB2_12-.Ltmp5, $4  }
0xd8: {  	v10 =	vld [tilespmem:s9+$0x142B0]  }
0xd9: {  	v9 =	vld [tilespmem:s9+$0x142C0]  }
0xda: {  	v13 =	vadd.f32 v14, v7;
	v8 =	vld [tilespmem:s9+$0x142D0]  }
0xdb: {  	s3 =	sadd.s32 $0x200, s3;
	v12 =	vadd.f32 v15, v12;
	v7 =	vld [tilespmem:s9+$0x142E0]  }
0xdc: {  	v13 =	vmax.f32 v13, $0.0e+00;
	v6 =	vadd.f32 v6, v11;
	v63 =	vld [tilespmem:s9+$0x142F0]  }
0xdd: {  	[tilespmem:s9+$0x14280] =	vst v13;
	v12 =	vmax.f32 v12, $0.0e+00;
	v5 =	vadd.f32 v5, v10  }
0xde: {  	[tilespmem:s9+$0x14290] =	vst v12;
	v6 =	vmax.f32 v6, $0.0e+00;
	v4 =	vadd.f32 v4, v9  }
0xdf: {  	[tilespmem:s9+$0x142A0] =	vst v6;
	v5 =	vmax.f32 v5, $0.0e+00;
	v3 =	vadd.f32 v3, v8  }
0xe0: {  	[tilespmem:s9+$0x142B0] =	vst v5;
	v4 =	vmax.f32 v4, $0.0e+00;
	v2 =	vadd.f32 v2, v7  }
0xe1: {  	[tilespmem:s9+$0x142C0] =	vst v4;
	v3 =	vmax.f32 v3, $0.0e+00;
	v1 =	vadd.f32 v1, v63  }
0xe2: {  	[tilespmem:s9+$0x142D0] =	vst v3;
	v2 =	vmax.f32 v2, $0.0e+00  }
0xe3: {  	[tilespmem:s9+$0x142E0] =	vst v2;
	v1 =	vmax.f32 v1, $0.0e+00  }
0xe4: {  	[tilespmem:s9+$0x142F0] =	vst v1  }
0xe5: {  	[spmem:s2] =	stream.indirect.scatter.add.f32 [tilespmem:s24], [sflag:$0x7], $0x80, s4, s23, $0xb8;
	[tilespmem:$0x1E280] =	vst v63  }
0xe6: {  	_ =	swait.ge [sflag:s20], $0x2800  }
0xe7: {  	[sflag:s20] =	ssyncset.done $0x0  }
0xe8: {  	[sflag:s20] =	ssyncadd.s32 $0xFFFFD800  }
0xe9: {  	_ =	swait.ge [sflag:s30], $0x100  }
0xea: {  	[sflag:s30] =	ssyncset.done $0x0  }
0xeb: {  	s0 =	stileid.u32;
	[sflag:s30] =	ssyncadd.s32 $0xFFFFFF00  }
0xec: {  	s0 =	sshll.u32 s0, $0x6;
	[bflag:$0x0] =	sbarrier.arrive $0xFFFF  }
0xed: {  	s3 =	sshrl.u32 s8, $0x3;
	s0 =	sor.u32 $0x1C07, s0;
	s17 =	rddreg [dreg:$0x8]  }
0xee: {  	[hbm:s17], [sflag:s0] =	dma.local [spmem:s3], $0x2700  }
0xef: {  	_ =	swait.ge [sflag:s20], $0x2700  }
0xf0: {  	[sflag:s20] =	ssyncset.done $0x0;
	s17 =	rddreg [dreg:$0x4]  }
0xf1: {  	s9 =	rddreg [dreg:$0x9];
	[sflag:s20] =	ssyncadd.s32 $0xFFFFD900;
	s3 =	sshrl.u32 @!p0 s17, $0x3  }
0xf2: {  	[hbm:s9], [sflag:s0] =	dma.local @!p0 [spmem:s3], $0x100  }
0xf3: {  	s0 =	simm.s32 @!p0 $0x7  }
0xf4: {  	_ =	swait.ge @!p0 [sflag:s0], $0x100  }
0xf5: {  	s3 =	rddreg [dreg:$0xb]  }
0xf6: {  	s10 =	rddreg [dreg:$0xa];
	s9 =	sadd.s32 $0x1, s3  }
0xf7: {  	p1 =	sne.s32 s9, s10  }
.Ltmp6:
0xf8: {  	_ = 	snop;
	(pc) =	sbr.rel @p1 .LBB2_1-.Ltmp6, $3  }
0xf9: {  	_ =	sdelay $0x1  }
0xfa: {  	[sflag:s0] =	ssyncset.done @!p0 $0x0  }
0xfb: {  	[sflag:s0] =	ssyncadd.s32 @!p0 $0xFFFFFF00  }
0xfc: {  	_ =	sfence.sel $0x180000  }
0xfd: {  	[bflag:$0x0] =	sbarrier.arrive $0xFFFF  }
0xfe: {  	_ =	strace $0x90000047  }
0xff: {  	s0 =	stileid.u32;
	[bflag:$0x2] =	sbarrier.arrive $0xFFFF  }
0x100: {  	p0 =	sne.s32 s0, $0x0;
	s0 =	rddreg [dreg:$0x3]  }
0x101: {  	s0 =	sadd.s32 @!p0 $0x100000, s0  }
0x102: {  	[sflag:s0] =	ssyncadd.tile.s32 @!p0 $0x1;
	_ =	shalt  }
.Lfunc_end2:
_tile_overlayer_lowered:
.L_overlay_start_2:
0x103: {  	(tag) =	ssettag $0x2  }
0x104: {  	s0 =	rddreg [dreg:$0x0];
	s2 =	stileid.u32  }
0x105: {  	s1 =	rddreg [dreg:$0x1];
	p0 =	sne.s32 s2, $0x0  }
0x106: {  	s3 =	rddreg [dreg:$0x2];
	[bflag:$0x3] =	sbarrier.arrive $0xFFFF;
	s2 =	simm.s32 @!p0 $0x1C07  }
0x107: {  	[timem:s3], [sflag:s2] =	dma.local @!p0 [hbm:s0], s1  }
0x108: {  	s0 =	simm.s32 @!p0 $0x7  }
0x109: {  	_ =	swait.ge @!p0 [sflag:s0], s1  }
0x10a: {  	s1 =	ssub.s32 @!p0 $0x0, s1;
	[sflag:s0] =	ssyncset.done @!p0 $0x0  }
0x10b: {  	[sflag:s0] =	ssyncadd.s32 @!p0 s1  }
0x10c: {  	[bflag:$0x3] =	sbarrier.arrive $0xFFFF  }
0x10d: {  	_ =	shalt  }

// kernel: kernel.13.cloned.1.call-start
scs
__scs_entry_jumppad:
0x0: {  	(pc) =	sbr.rel $0x88, $3  }
0x1: {  	(tag) =	ssettag $0x0;
	lr =	simm.s32 $0x1  }
0x2: {  	[smem:$0x3F97] =	sst lr;
	_ =	strace $0xD0000000  }
0x3: {  	_ = 	snop  }
0x4: {  	_ = 	snop  }
0x5: {  	_ = 	snop  }
0x6: {  	_ = 	snop  }
0x7: {  	_ = 	snop  }
__scs_overlays_trampoline_lowered:
0x8: {  	[smem:$0x3FA6] =	sst s0  }
0x9: {  	[smem:$0x3FA7] =	sst s1  }
0xa: {  	[smem:$0x3FA8] =	sst s2  }
0xb: {  	[smem:$0x3FA9] =	sst s3  }
0xc: {  	[smem:$0x3FAA] =	sst s4  }
0xd: {  	[smem:$0x3FAB] =	sst s5  }
0xe: {  	[smem:$0x3FAC] =	sst s6  }
0xf: {  	[smem:$0x3FAD] =	sst s7  }
0x10: {  	[smem:$0x3FAE] =	sst s8  }
0x11: {  	[smem:$0x3FAF] =	sst s9;
	s0 =	simm.s32 @!p0 $0x0  }
0x12: {  	s1 =	sld [smem:$0x3F95];
	s0 =	simm.s32 @p0 $0x1  }
0x13: {  	[smem:$0x3FB0] =	sst s0;
	s0 =	simm.s32 @!p1 $0x0  }
0x14: {  	s2 =	sld [smem:$0x3F94];
	s0 =	simm.s32 @p1 $0x1  }
0x15: {  	[smem:$0x3FB1] =	sst s0;
	s0 =	simm.s32 @!p2 $0x0  }
0x16: {  	s3 =	sld [smem:$0x3FDB];
	s0 =	simm.s32 @p2 $0x1  }
0x17: {  	s4 =	simm.s32 $0x1BF5;
	[smem:$0x3FB3] =	sst s0  }
0x18: {  	s0 =	sld [smem:$0x3F96];
	_ =	swait.ge [sflag:s4], $0x0  }
0x19: {  	s7 =	sld [smem:$0x3F97]  }
0x1a: {  	s8 =	sadd.s32 $0xFFFFE003, lr  }
0x1b: {  	s9 =	sadd.s32 $0xFFFFFEF7, lr;
	s5 =	simm.s32 $0xFFFFFFFF;
	p2 =	slt.u32 s8, $0xFFFFF086  }
0x1c: {  	p1 =	slt.u32 s9, $0xF7A;
	s5 =	simm.s32 @!p2 $0x0  }
0x1d: {  	s5 =	simm.s32 @p1 $0x1;
	p0 =	seq.s32 s7, s2  }
0x1e: {  	s7 =	smul.u32 @!p0 $0xF7A, s2;
	p2 =	seq.s32 @!p0 s5, $0x0  }
0x1f: {  	s9 =	smul.u32 $0xF7A, s1;
	s8 =	simm.s32 @!p0 $0x1BF5;
	p2 =	por !p2, p0  }
0x20: {  	[sflag:s8] =	ssyncset.s32 @!p0 $0xFFFFF086;
	s6 =	sadd.s32 @!p0 s3, s7;
	s7 =	simm.s32 @!p0 $0x108  }
0x21: {  	s3 =	sadd.s32 s3, s9;
	s6 =	sadd.s32 @!p0 $0x88, s6;
	s7 =	simm.s32 @p2 $0x1082  }
0x22: {  	[simem:s7], [sflag:s8] =	dma.local @!p0 [hbm:s6], $0xF7A  }
0x23: {  	s9 =	sor.u32 $0xD0000000, s2;
	s6 =	simm.s32 $0x108;
	_ =	swait.ge @!p0 [sflag:s8], $0x0  }
0x24: {  	s3 =	sadd.s32 $0x88, s3;
	s6 =	simm.s32 @!p1 $0x1082;
	[sflag:s4] =	ssyncset.s32 $0xFFFFF086  }
0x25: {  	[simem:s6], [sflag:s4] =	dma.local [hbm:s3], $0xF7A  }
0x26: {  	[smem:$0x3F97] =	sst s1;
	(tag) =	ssettag s2;
	_ =	strace s9  }
0x27: {  	s1 =	sld [smem:$0x3FA7]  }
0x28: {  	s2 =	sld [smem:$0x3FA8]  }
0x29: {  	s4 =	sld [smem:$0x3FAA]  }
0x2a: {  	p0 =	seq.s32 s5, $0x0;
	s5 =	sld [smem:$0x3FAB]  }
0x2b: {  	s6 =	sld [smem:$0x3FAC]  }
0x2c: {  	s7 =	sld [smem:$0x3FAD]  }
0x2d: {  	s3 =	simm.s32 $0x108;
	s8 =	sld [smem:$0x3FAE]  }
0x2e: {  	s3 =	simm.s32 @!p0 $0x1082;
	s9 =	sld [smem:$0x3FAF]  }
0x2f: {  	lr =	sadd.s32 s0, s3;
	s0 =	sld [smem:$0x3FA6]  }
0x30: {  	s3 =	sld [smem:$0x3FA9]  }
0x31: {  	[smem:$0x3FB2] =	sst s10  }
0x32: {  	s10 =	sld [smem:$0x3FB0];
	_ =	sdelay $0x3  }
0x33: {  	p0 =	seq.s32 s10, $0x1;
	s10 =	sld [smem:$0x3FB2];
	_ =	sdelay $0x3  }
0x34: {  	[smem:$0x3FB2] =	sst s10  }
0x35: {  	s10 =	sld [smem:$0x3FB1];
	_ =	sdelay $0x3  }
0x36: {  	p1 =	seq.s32 s10, $0x1;
	s10 =	sld [smem:$0x3FB2];
	_ =	sdelay $0x3  }
0x37: {  	[smem:$0x3FB2] =	sst s10  }
0x38: {  	s10 =	sld [smem:$0x3FB3]  }
0x39: {  	_ = 	snop;
	(pc) =	sbr.ind lr, $3  }
0x3a: {  	_ = 	snop  }
0x3b: {  	_ = 	snop  }
0x3c: {  	p2 =	seq.s32 s10, $0x1;
	s10 =	sld [smem:$0x3FB2]  }
0x3d: {  	_ =	shalt  }
0x3e: {  	_ =	shalt  }
0x3f: {  	_ =	shalt  }
0x40: {  	_ =	shalt  }
0x41: {  	_ =	shalt  }
0x42: {  	_ =	shalt  }
0x43: {  	_ =	shalt  }
0x44: {  	_ =	shalt  }
0x45: {  	_ =	shalt  }
0x46: {  	_ =	shalt  }
0x47: {  	_ =	shalt  }
0x48: {  	_ =	shalt  }
0x49: {  	_ =	shalt  }
0x4a: {  	_ =	shalt  }
0x4b: {  	_ =	shalt  }
0x4c: {  	_ =	shalt  }
0x4d: {  	_ =	shalt  }
0x4e: {  	_ =	shalt  }
0x4f: {  	_ =	shalt  }
0x50: {  	_ =	shalt  }
0x51: {  	_ =	shalt  }
0x52: {  	_ =	shalt  }
0x53: {  	_ =	shalt  }
0x54: {  	_ =	shalt  }
0x55: {  	_ =	shalt  }
0x56: {  	_ =	shalt  }
0x57: {  	_ =	shalt  }
0x58: {  	_ =	shalt  }
0x59: {  	_ =	shalt  }
0x5a: {  	_ =	shalt  }
0x5b: {  	_ =	shalt  }
0x5c: {  	_ =	shalt  }
0x5d: {  	_ =	shalt  }
0x5e: {  	_ =	shalt  }
0x5f: {  	_ =	shalt  }
0x60: {  	_ =	shalt  }
0x61: {  	_ =	shalt  }
0x62: {  	_ =	shalt  }
0x63: {  	_ =	shalt  }
0x64: {  	_ =	shalt  }
0x65: {  	_ =	shalt  }
0x66: {  	_ =	shalt  }
0x67: {  	_ =	shalt  }
0x68: {  	_ =	shalt  }
0x69: {  	_ =	shalt  }
0x6a: {  	_ =	shalt  }
0x6b: {  	_ =	shalt  }
0x6c: {  	_ =	shalt  }
0x6d: {  	_ =	shalt  }
0x6e: {  	_ =	shalt  }
0x6f: {  	_ =	shalt  }
0x70: {  	_ =	shalt  }
0x71: {  	_ =	shalt  }
0x72: {  	_ =	shalt  }
0x73: {  	_ =	shalt  }
0x74: {  	_ =	shalt  }
0x75: {  	_ =	shalt  }
0x76: {  	_ =	shalt  }
0x77: {  	_ =	shalt  }
0x78: {  	_ =	shalt  }
0x79: {  	_ =	shalt  }
0x7a: {  	_ =	shalt  }
0x7b: {  	_ =	shalt  }
0x7c: {  	_ =	shalt  }
0x7d: {  	_ =	shalt  }
0x7e: {  	_ =	shalt  }
0x7f: {  	_ =	shalt  }
0x80: {  	_ =	shalt  }
0x81: {  	_ =	shalt  }
0x82: {  	_ =	shalt  }
0x83: {  	_ =	shalt  }
0x84: {  	_ =	shalt  }
0x85: {  	_ =	shalt  }
0x86: {  	_ =	shalt  }
0x87: {  	_ =	shalt  }
.Lfunc_end0:
.L_simem_size_0:
called_computation.1_lowered:
.L_overlay_start_0:
0x88: {  	s2 =	sld [smem:$0x3FD9]  }
0x89: {  	s3 =	sld [smem:$0x3FFE];
	_ =	sdelay $0x1  }
0x8a: {  	s1 =	srdreg.scid  }
0x8b: {  	s0 =	sand.u32 $0x1, s1  }
0x8c: {  	s17 =	sshll.u32 s0, $0xA;
	s2 =	sadd.s32 s3, s2  }
0x8d: {  	s2 =	sadd.s32 s2, s17  }
0x8e: {  	[smem:$0x3FBE] =	sst s2  }
0x8f: {  	_ = 	snop  }
0x90: {  	s2 =	sld [smem:$0x3FD0];
	(tm) =	ssettm $0x1  }
0x91: {  	s18 =	sld [smem:$0x3FFB];
	_ =	sdelay $0x3  }
0x92: {  	_ =	strace s18  }
0x93: {  	s3 =	sld [smem:$0x3FFC];
	_ =	sdelay $0x3  }
0x94: {  	_ =	strace s3  }
0x95: {  	s3 =	sld [smem:$0x3FFD];
	_ =	sdelay $0x3  }
0x96: {  	_ =	strace s3  }
0x97: {  	_ =	strace $0x8FFFFFFF  }
0x98: {  	s19 =	sld [smem:$0x3FDB];
	_ =	sdelay $0x1  }
0x99: {  	s4 =	simm.s32 $_scs_section_size  }
0x9a: {  	s5 =	simm.s32 $_size__tile_overlayer_lowered;
	s6 =	simm.s32 $_tile_overlayer_lowered  }
0x9b: {  	s22 =	simm.s32 $0x1BFF;
	s21 =	sshll.u32 s6, $0x1;
	s3 =	sadd.s32 s4, s19  }
0x9c: {  	s7 =	simm.s32 $0x0;
	s20 =	sshll.u32 s5, $0x1;
	s5 =	sadd.s32 s21, s3  }
0x9d: {  	[timem:s7], [sflag:s22] =	dma.local [hbm:s5], s20  }
0x9e: {  	_ =	swait.ge [sflag:s22], s20  }
0x9f: {  	s4 =	ssub.s32 $0x0, s20;
	[sflag:s22] =	ssyncset.done $0x0  }
0xa0: {  	[sflag:s22] =	ssyncadd.s32 s4;
	_ =	sdelay $0x1  }
0xa1: {  	s23 =	simm.s32 $0x1B8B  }
0xa2: {  	_ =	swait.ge [sflag:s23], $0x1  }
0xa3: {  	[sflag:s23] =	ssyncset.done $0x0  }
0xa4: {  	s25 =	simm.s32 $0x1B8E;
	s24 =	sld [smem:$0x3FFE];
	[sflag:s23] =	ssyncadd.s32 $0xFFFFFFFF  }
0xa5: {  	s26 =	simm.s32 $execute0_lowered;
	[smem:$0x3FD2] =	sst s25  }
0xa6: {  	s5 =	sshll.u32 s26, $0x1;
	_ =	strace $0x80000049;
	[dreg:$0x1] =	wrdreg $0xFFFFFFFF  }
0xa7: {  	s28 =	simm.s32 $_size_execute0_lowered;
	s3 =	sadd.s32 s3, s5;
	[dreg:$0x0] =	wrdreg $0x0  }
0xa8: {  	s5 =	sshll.u32 s28, $0x1;
	[dreg:$0x2] =	wrdreg s3  }
0xa9: {  	[dreg:$0x3] =	wrdreg s5  }
0xaa: {  	[dreg:$0x4] =	wrdreg $0xC0  }
0xab: {  	_ =	task [dreg:s7], $0x5FFFF  }
0xac: {  	[dreg:$0x1] =	wrdreg $0xFFFFFFFF  }
0xad: {  	[dreg:$0x0] =	wrdreg $0x60  }
0xae: {  	[dreg:$0x2] =	wrdreg s2  }
0xaf: {  	[dreg:$0x3] =	wrdreg s24  }
0xb0: {  	[dreg:$0x4] =	wrdreg $0x0  }
0xb1: {  	[dreg:$0x5] =	wrdreg $0x9  }
0xb2: {  	_ =	task.clear_ibuf [dreg:s7], $0x6FFFF;
	_ =	strace $0x90000049  }
0xb3: {  	s29 =	simm.s32 $0x9;
	_ =	strace $0x8000004B  }
0xb4: {  	_ =	swait.ge [sflag:s29], $0x1  }
0xb5: {  	[sflag:s29] =	ssyncadd.s32 $0xFFFFFFFF  }
0xb6: {  	_ =	strace $0x9000004B  }
0xb7: {  	_ =	sfence  }
0xb8: {  	s30 =	sld [smem:$0x0];
	_ =	sdelay $0x2  }
0xb9: {  	s31 =	sshll.u32 s1, $0xD;
	s1 =	sshrl.u32 s1, $0x2  }
0xba: {  	s3 =	sand.u32 $0x4000, s31;
	s1 =	sadd.s32 s1, s30  }
0xbb: {  	s0 =	sor.u32 s3, s0;
	s1 =	sshll.u32 s1, $0x11  }
0xbc: {  	s0 =	sor.u32 s1, s0  }
0xbd: {  	s0 =	sadd.s32 $0x8F2B, s0  }
0xbe: {  	[sflag:s0] =	ssyncadd.remote.s32 $0x1  }
0xbf: {  	_ =	sfence.sel $0xFFFF  }
0xc0: {  	[dreg:$0x0] =	wrdreg $0xFFFFFFFF;
	(pc) =	sbr.abs _section_cstart, $3  }
0xc1: {  	[dreg:$0x1] =	wrdreg $0xFFFFFFFF  }
0xc2: {  	_ =	task.clear_ibuf [dreg:s7], $0x2FFFF;
	_ =	strace $0x9FFFFFFF  }
0xc3: {  	(tm) =	ssettm $0x7FFFFFFF  }
tec
execute0_lowered:
.L_overlay_start_1:
0x0: {  	(tag) =	ssettag $0x1  }
0x1: {  	s1 =	rddreg [dreg:$0x0]  }
0x2: {  	s0 =	rddreg [dreg:$0x1]  }
0x3: {  	s2 =	rddreg [dreg:$0x2];
	s4 =	simm.s32 $0x0;
	s3 =	srdreg.scid  }
0x4: {  	s16 =	stileid.u32;
	s19 =	simm.s32 $0x13880;
	s20 =	simm.s32 $0x7  }
0x5: {  	s28 =	simm.s32 $0x1;
	s29 =	simm.s32 $0x3;
	s30 =	simm.s32 $0x6  }
0x6: {  	s31 =	simm.s32 $0x16A80;
	s18 =	simm.s32 $0x0;
	[smem:$0x7FF] =	sst s4  }
0x7: {  	s3 =	sand.u32 $0x1, s3;
	s5 =	sadd.s32 $0xA35C00, s0;
	s8 =	smul.u32 $0x4E000, s16  }
0x8: {  	s6 =	sadd.s32 $0x4200, s0;
	s0 =	sadd.s32 $0x25E00, s0;
	s13 =	smul.u32 $0x13800, s16  }
0x9: {  	s17 =	sadd.s32 $0x138000, s2;
	p0 =	sne.s32 s16, $0xF;
	_ =	strace $0x8000004A  }
0xa: {  	s21 =	sshll.u32 s3, $0x4;
	s9 =	ssub.s32 $0x2, s3;
	s3 =	smul.u32 $0x138800, s3  }
0xb: {  	[dreg:$0x4] =	wrdreg s17;
	s4 =	sor.u32 s16, s21;
	s10 =	sshrl.u32 s9, $0x1  }
0xc: {  	s8 =	sshrl.u32 s8, $0x2;
	s21 =	simm.s32 $0x14080;
	s7 =	smul.u32 $0x7D00, s4  }
0xd: {  	s16 =	simm.s32 $0x14200;
	s12 =	smul.u32 $0x27100, s4;
	s9 =	ssub.s32 s9, s10  }
0xe: {  	s8 =	sadd.s32 s8, s2;
	s11 =	smul.u32 $0x2710, s4;
	s25 =	sadd.s32 s13, s3  }
0xf: {  	s3 =	sshrl.u32 s3, $0x3;
	s13 =	simm.s32 $0x4;
	s4 =	sshrl.u32 s25, $0x3  }
0x10: {  	s26 =	smax.u32 s9, $0x1;
	s25 =	simm.s32 $0x19280;
	s9 =	simm.s32 $0x0  }
0x11: {  	s22 =	sshrl.u32 s7, $0x3;
	s23 =	sadd.s32 s5, s12;
	s14 =	sadd.s32 $0x50, s11  }
0x12: {  	s15 =	sadd.s32 $0x300, s7;
	s4 =	sadd.s32 s0, s4;
	[dreg:$0xa] =	wrdreg s26  }
0x13: {  	s0 =	sadd.s32 s0, s3;
	s26 =	simm.s32 $0x14180;
	[dreg:$0x6] =	wrdreg s23  }
0x14: {  	s12 =	simm.s32 $0x2;
	s10 =	sadd.s32 s6, s22;
	[dreg:$0x8] =	wrdreg s4  }
0x15: {  	s0 =	sadd.s32 $0x27000, s0;
	s22 =	simm.s32 $0x5;
	[dreg:$0x5] =	wrdreg s10  }
0x16: {  	s23 =	simm.s32 $0x50;
	s24 =	sadd.s32 $0x20, s10;
	[dreg:$0x9] =	wrdreg s0  }
0x17: {  	v0 =	vimm.f32 $0.0e+00;
	s4 =	simm.s32 $0x14100;
	[dreg:$0x7] =	wrdreg s24;
	s24 =	simm.s32 $0x14280  }
.LBB2_1:
0x18: {  	[dreg:$0xb] =	wrdreg s9;
	s3 =	simm.s32 $0x0;
	s9 =	simm.s32 $0x200  }
.LBB2_2:
0x19: {  	p1 =	sne.s32 s9, $0x1E00;
	[tilespmem:s3+$0x138F0] =	vst v0  }
0x1a: {  	[tilespmem:s3+$0x13880] =	vst v0  }
0x1b: {  	[tilespmem:s3+$0x13890] =	vst v0  }
.Ltmp0:
0x1c: {  	[tilespmem:s3+$0x138A0] =	vst v0;
	(pc) =	sbr.rel @p1 .LBB2_2-.Ltmp0, $4  }
0x1d: {  	[tilespmem:s3+$0x138B0] =	vst v0  }
0x1e: {  	[tilespmem:s3+$0x138C0] =	vst v0  }
0x1f: {  	[tilespmem:s3+$0x138D0] =	vst v0  }
0x20: {  	[tilespmem:s3+$0x138E0] =	vst v0;
	s3 =	sshra.s32 s9, $0x2;
	s9 =	sadd.s32 $0x200, s9  }
0x21: {  	[tilespmem:s3+$0x138F0] =	vst v0  }
0x22: {  	[tilespmem:s3+$0x13880] =	vst v0  }
0x23: {  	[tilespmem:s3+$0x13890] =	vst v0  }
0x24: {  	[tilespmem:s3+$0x138A0] =	vst v0  }
0x25: {  	[tilespmem:s3+$0x138B0] =	vst v0  }
0x26: {  	[tilespmem:s3+$0x138C0] =	vst v0  }
0x27: {  	[tilespmem:s3+$0x138D0] =	vst v0  }
0x28: {  	[tilespmem:s3+$0x138E0] =	vst v0;
	s10 =	sadd.s32 $0x0, s8  }
0x29: {  	[spmem:s10] =	stream.linear.scatter [tilespmem:s19], [sflag:$0x7], $0x800, $0x38;
	[tilespmem:$0x1E280] =	vst v63  }
0x2a: {  	s3 =	simm.s32 $0x2000;
	_ =	swait.ge [sflag:s20], $0x800  }
.LBB2_4:
0x2b: {  	s9 =	sshra.s32 s3, $0x2;
	[sflag:s20] =	ssyncset.done $0x0;
	p1 =	sne.s32 s3, $0x4C000  }
.Ltmp1:
0x2c: {  	s9 =	sadd.s32 s9, s8;
	[sflag:s20] =	ssyncadd.s32 $0xFFFFF800;
	(pc) =	sbr.rel @p1 .LBB2_4-.Ltmp1, $3  }
0x2d: {  	[spmem:s9] =	stream.linear.scatter [tilespmem:s19], [sflag:$0x7], $0x800, $0x38;
	[tilespmem:$0x1E280] =	vst v63  }
0x2e: {  	s3 =	sadd.s32 $0x2000, s3;
	_ =	sdelay $0x1  }
0x2f: {  	_ =	swait.ge [sflag:s20], $0x800  }
0x30: {  	[sflag:s20] =	ssyncset.done $0x0  }
0x31: {  	s3 =	simm.s32 @!p0 $0x13880;
	[sflag:s20] =	ssyncadd.s32 $0xFFFFF800  }
0x32: {  	[spmem:s17] =	stream.linear.scatter @!p0 [tilespmem:s3], [sflag:$0x7], $0x800, $0x38;
	[tilespmem:$0x1E280] =	vst v63  }
0x33: {  	s3 =	simm.s32 @!p0 $0x7  }
0x34: {  	_ =	swait.ge @!p0 [sflag:s3], $0x800  }
0x35: {  	[sflag:s3] =	ssyncset.done @!p0 $0x0  }
0x36: {  	[sflag:s3] =	ssyncadd.s32 @!p0 $0xFFFFF800  }
0x37: {  	[bflag:$0x0] =	sbarrier.arrive $0xFFFF  }
0x38: {  	s0 =	rddreg [dreg:$0x5]  }
0x39: {  	[tilespmem:s21], [sflag:$0x5] =	stream.linear.gather [hbm4b:s0+s18], $0x100, $0x38;
	[tilespmem:$0x1E280] =	vst v63  }
0x3a: {  	_ =	swait.ge [sflag:s22], $0x100  }
0x3b: {  	[sflag:s22] =	ssyncset.done $0x0  }
0x3c: {  	[sflag:s22] =	ssyncadd.s32 $0xFFFFFF00  }
0x3d: {  	[tilespmem:s24], [sflag:$0x1] =	stream.indirect.gather [hbm4b:s1+s23], $0x80, s21, s23, $0xb8;
	[tilespmem:$0x1E280] =	vst v63  }
0x3e: {  	s10 =	rddreg [dreg:$0x6]  }
0x3f: {  	[tilespmem:s25], [sflag:$0x3] =	stream.linear.gather [hbm4b:s10+s18], $0x2800, $0x38;
	[tilespmem:$0x1E280] =	vst v63  }
0x40: {  	s17 =	rddreg [dreg:$0x7];
	s10 =	simm.s32 $0x0  }
0x41: {  	[tilespmem:s26], [sflag:$0x6] =	stream.linear.gather [hbm4b:s17+s18], $0x100, $0x38;
	[tilespmem:$0x1E280] =	vst v63  }
.LBB2_6:
0x42: {  	_ =	swait.ge [sflag:s28], $0x2800  }
0x43: {  	[sflag:s28] =	ssyncset.done $0x0  }
0x44: {  	[sflag:s28] =	ssyncadd.s32 $0xFFFFD800  }
0x45: {  	_ =	swait.ge [sflag:s29], $0x2800  }
0x46: {  	s3 =	smul.u32 $0xA0, s10;
	[sflag:s29] =	ssyncset.done $0x0  }
0x47: {  	[sflag:s29] =	ssyncadd.s32 $0xFFFFD800  }
0x48: {  	s3 =	sadd.s32 s3, s14;
	_ =	swait.ge [sflag:s30], $0x100  }
0x49: {  	s3 =	sshll.u32 s3, $0x4;
	[sflag:s30] =	ssyncset.done $0x0  }
0x4a: {  	s3 =	sand.u32 $0x1FFFFF00, s3;
	[sflag:s30] =	ssyncadd.s32 $0xFFFFFF00  }
0x4b: {  	[tilespmem:s31], [sflag:$0x2] =	stream.indirect.gather [hbm4b:s1+s23], $0x80, s26, s23, $0xb8;
	[tilespmem:$0x1E280] =	vst v63  }
0x4c: {  	s0 =	simm.s32 $0x1BA80;
	s9 =	simm.s32 $0x0;
	s3 =	sadd.s32 s5, s3  }
0x4d: {  	[tilespmem:s0], [sflag:$0x4] =	stream.linear.gather [hbm4b:s3+s18], $0x2800, $0x38;
	[tilespmem:$0x1E280] =	vst v63  }
0x4e: {  	v7 =	vld [tilespmem:s9+$0x19280]  }
0x4f: {  	v12 =	vld [tilespmem:s9+$0x19290]  }
0x50: {  	v6 =	vld [tilespmem:s9+$0x192A0]  }
0x51: {  	v5 =	vld [tilespmem:s9+$0x192B0]  }
0x52: {  	v4 =	vld [tilespmem:s9+$0x192C0]  }
0x53: {  	v3 =	vld [tilespmem:s9+$0x192D0]  }
0x54: {  	v2 =	vld [tilespmem:s9+$0x192E0]  }
0x55: {  	v1 =	vld [tilespmem:s9+$0x192F0]  }
0x56: {  	v13 =	vld [tilespmem:s9+$0x14280]  }
0x57: {  	v14 =	vld [tilespmem:s9+$0x14290]  }
0x58: {  	v11 =	vld [tilespmem:s9+$0x142A0]  }
0x59: {  	v10 =	vld [tilespmem:s9+$0x142B0]  }
0x5a: {  	v9 =	vld [tilespmem:s9+$0x142C0]  }
0x5b: {  	v8 =	vld [tilespmem:s9+$0x142D0];
	v13 =	vadd.f32 v7, v13  }
0x5c: {  	s17 =	simm.s32 $0x200;
	v12 =	vadd.f32 v12, v14;
	v7 =	vld [tilespmem:s9+$0x142E0]  }
.LBB2_7:
0x5d: {  	s3 =	sshra.s32 s17, $0x2;
	p1 =	sne.s32 s17, $0x9E00;
	v13 =	vmax.f32 v13, $0.0e+00;
	v6 =	vadd.f32 v6, v11;
	v11 =	vld [tilespmem:s9+$0x142F0]  }
0x5e: {  	v14 =	vld [tilespmem:s3+$0x19280];
	[tilespmem:s9+$0x14280] =	vst v13;
	v12 =	vmax.f32 v12, $0.0e+00;
	v5 =	vadd.f32 v5, v10  }
0x5f: {  	v15 =	vld [tilespmem:s3+$0x19290];
	[tilespmem:s9+$0x14290] =	vst v12;
	v10 =	vmax.f32 v6, $0.0e+00;
	v4 =	vadd.f32 v4, v9  }
0x60: {  	v6 =	vld [tilespmem:s3+$0x192A0];
	[tilespmem:s9+$0x142A0] =	vst v10;
	v9 =	vmax.f32 v5, $0.0e+00;
	v3 =	vadd.f32 v3, v8  }
0x61: {  	v5 =	vld [tilespmem:s3+$0x192B0];
	[tilespmem:s9+$0x142B0] =	vst v9;
	v8 =	vmax.f32 v4, $0.0e+00;
	v2 =	vadd.f32 v2, v7  }
0x62: {  	v4 =	vld [tilespmem:s3+$0x192C0];
	[tilespmem:s9+$0x142C0] =	vst v8;
	v7 =	vmax.f32 v3, $0.0e+00;
	v1 =	vadd.f32 v1, v11  }
0x63: {  	v3 =	vld [tilespmem:s3+$0x192D0];
	[tilespmem:s9+$0x142D0] =	vst v7;
	v7 =	vmax.f32 v2, $0.0e+00  }
0x64: {  	v2 =	vld [tilespmem:s3+$0x192E0];
	[tilespmem:s9+$0x142E0] =	vst v7;
	v7 =	vmax.f32 v1, $0.0e+00  }
0x65: {  	v1 =	vld [tilespmem:s3+$0x192F0];
	[tilespmem:s9+$0x142F0] =	vst v7;
	s9 =	smov.u32 s3  }
0x66: {  	v7 =	vld [tilespmem:s9+$0x14280]  }
0x67: {  	v12 =	vld [tilespmem:s9+$0x14290]  }
.Ltmp2:
0x68: {  	v11 =	vld [tilespmem:s9+$0x142A0];
	(pc) =	sbr.rel @p1 .LBB2_7-.Ltmp2, $4  }
0x69: {  	v10 =	vld [tilespmem:s9+$0x142B0]  }
0x6a: {  	v9 =	vld [tilespmem:s9+$0x142C0]  }
0x6b: {  	v13 =	vadd.f32 v14, v7;
	v8 =	vld [tilespmem:s9+$0x142D0]  }
0x6c: {  	s17 =	sadd.s32 $0x200, s17;
	v12 =	vadd.f32 v15, v12;
	v7 =	vld [tilespmem:s9+$0x142E0]  }
0x6d: {  	v13 =	vmax.f32 v13, $0.0e+00;
	v6 =	vadd.f32 v6, v11;
	v11 =	vld [tilespmem:s9+$0x142F0]  }
0x6e: {  	[tilespmem:s9+$0x14280] =	vst v13;
	v12 =	vmax.f32 v12, $0.0e+00;
	v5 =	vadd.f32 v5, v10  }
0x6f: {  	[tilespmem:s9+$0x14290] =	vst v12;
	v6 =	vmax.f32 v6, $0.0e+00;
	v4 =	vadd.f32 v4, v9  }
0x70: {  	[tilespmem:s9+$0x142A0] =	vst v6;
	v5 =	vmax.f32 v5, $0.0e+00;
	v3 =	vadd.f32 v3, v8  }
0x71: {  	[tilespmem:s9+$0x142B0] =	vst v5;
	v4 =	vmax.f32 v4, $0.0e+00;
	v2 =	vadd.f32 v2, v7  }
0x72: {  	[tilespmem:s9+$0x142C0] =	vst v4;
	v3 =	vmax.f32 v3, $0.0e+00;
	v1 =	vadd.f32 v1, v11  }
0x73: {  	[tilespmem:s9+$0x142D0] =	vst v3;
	v2 =	vmax.f32 v2, $0.0e+00  }
0x74: {  	[tilespmem:s9+$0x142E0] =	vst v2;
	v1 =	vmax.f32 v1, $0.0e+00  }
0x75: {  	[tilespmem:s9+$0x142F0] =	vst v1;
	s9 =	sshll.u32 s10, $0x1  }
0x76: {  	[spmem:s2] =	stream.indirect.scatter.add.f32 [tilespmem:s24], [sflag:$0x7], $0x80, s4, s23, $0xb8;
	[tilespmem:$0x1E280] =	vst v63  }
0x77: {  	s3 =	sadd.s32 $0x2, s9  }
0x78: {  	s17 =	sshll.u32 s3, $0x8  }
0x79: {  	_ =	swait.ge [sflag:s20], $0x2800;
	s17 =	sadd.s32 s7, s17  }
0x7a: {  	[sflag:s20] =	ssyncset.done $0x0;
	s17 =	sshrl.u32 s17, $0x3  }
0x7b: {  	s0 =	simm.s32 $0x0;
	[sflag:s20] =	ssyncadd.s32 $0xFFFFD800;
	s17 =	sadd.s32 s6, s17  }
0x7c: {  	[tilespmem:s21], [sflag:$0x5] =	stream.linear.gather [hbm4b:s17+s0], $0x100, $0x38;
	[tilespmem:$0x1E280] =	vst v63  }
0x7d: {  	_ =	swait.ge [sflag:s12], $0x2800  }
0x7e: {  	[sflag:s12] =	ssyncset.done $0x0  }
0x7f: {  	[sflag:s12] =	ssyncadd.s32 $0xFFFFD800  }
0x80: {  	_ =	swait.ge [sflag:s13], $0x2800  }
0x81: {  	s3 =	smul.u32 $0x50, s3;
	[sflag:s13] =	ssyncset.done $0x0  }
0x82: {  	[sflag:s13] =	ssyncadd.s32 $0xFFFFD800  }
0x83: {  	s3 =	sadd.s32 s11, s3;
	_ =	swait.ge [sflag:s22], $0x100  }
0x84: {  	s3 =	sshll.u32 s3, $0x4;
	[sflag:s22] =	ssyncset.done $0x0  }
0x85: {  	s3 =	sand.u32 $0x1FFFFF00, s3;
	[sflag:s22] =	ssyncadd.s32 $0xFFFFFF00  }
0x86: {  	[tilespmem:s24], [sflag:$0x1] =	stream.indirect.gather [hbm4b:s1+s23], $0x80, s21, s23, $0xb8;
	[tilespmem:$0x1E280] =	vst v63  }
0x87: {  	s17 =	simm.s32 $0x0;
	s3 =	sadd.s32 s5, s3  }
0x88: {  	[tilespmem:s25], [sflag:$0x3] =	stream.linear.gather [hbm4b:s3+s0], $0x2800, $0x38;
	[tilespmem:$0x1E280] =	vst v63  }
0x89: {  	v7 =	vld [tilespmem:s17+$0x1BA80]  }
0x8a: {  	v12 =	vld [tilespmem:s17+$0x1BA90]  }
0x8b: {  	v6 =	vld [tilespmem:s17+$0x1BAA0]  }
0x8c: {  	v5 =	vld [tilespmem:s17+$0x1BAB0]  }
0x8d: {  	v4 =	vld [tilespmem:s17+$0x1BAC0]  }
0x8e: {  	v3 =	vld [tilespmem:s17+$0x1BAD0]  }
0x8f: {  	v2 =	vld [tilespmem:s17+$0x1BAE0]  }
0x90: {  	v1 =	vld [tilespmem:s17+$0x1BAF0]  }
0x91: {  	v13 =	vld [tilespmem:s17+$0x16A80]  }
0x92: {  	v14 =	vld [tilespmem:s17+$0x16A90]  }
0x93: {  	v11 =	vld [tilespmem:s17+$0x16AA0]  }
0x94: {  	v10 =	vld [tilespmem:s17+$0x16AB0]  }
0x95: {  	v9 =	vld [tilespmem:s17+$0x16AC0]  }
0x96: {  	v8 =	vld [tilespmem:s17+$0x16AD0];
	v13 =	vadd.f32 v7, v13  }
0x97: {  	s3 =	simm.s32 $0x200;
	v12 =	vadd.f32 v12, v14;
	v7 =	vld [tilespmem:s17+$0x16AE0]  }
.LBB2_9:
0x98: {  	s0 =	sshra.s32 s3, $0x2;
	p1 =	sne.s32 s3, $0x9E00;
	v13 =	vmax.f32 v13, $0.0e+00;
	v6 =	vadd.f32 v6, v11;
	v11 =	vld [tilespmem:s17+$0x16AF0]  }
0x99: {  	v14 =	vld [tilespmem:s0+$0x1BA80];
	[tilespmem:s17+$0x16A80] =	vst v13;
	v12 =	vmax.f32 v12, $0.0e+00;
	v5 =	vadd.f32 v5, v10  }
0x9a: {  	v15 =	vld [tilespmem:s0+$0x1BA90];
	[tilespmem:s17+$0x16A90] =	vst v12;
	v10 =	vmax.f32 v6, $0.0e+00;
	v4 =	vadd.f32 v4, v9  }
0x9b: {  	v6 =	vld [tilespmem:s0+$0x1BAA0];
	[tilespmem:s17+$0x16AA0] =	vst v10;
	v9 =	vmax.f32 v5, $0.0e+00;
	v3 =	vadd.f32 v3, v8  }
0x9c: {  	v5 =	vld [tilespmem:s0+$0x1BAB0];
	[tilespmem:s17+$0x16AB0] =	vst v9;
	v8 =	vmax.f32 v4, $0.0e+00;
	v2 =	vadd.f32 v2, v7  }
0x9d: {  	v4 =	vld [tilespmem:s0+$0x1BAC0];
	[tilespmem:s17+$0x16AC0] =	vst v8;
	v7 =	vmax.f32 v3, $0.0e+00;
	v1 =	vadd.f32 v1, v11  }
0x9e: {  	v3 =	vld [tilespmem:s0+$0x1BAD0];
	[tilespmem:s17+$0x16AD0] =	vst v7;
	v7 =	vmax.f32 v2, $0.0e+00  }
0x9f: {  	v2 =	vld [tilespmem:s0+$0x1BAE0];
	[tilespmem:s17+$0x16AE0] =	vst v7;
	v7 =	vmax.f32 v1, $0.0e+00  }
0xa0: {  	v1 =	vld [tilespmem:s0+$0x1BAF0];
	[tilespmem:s17+$0x16AF0] =	vst v7;
	s17 =	smov.u32 s0  }
0xa1: {  	v7 =	vld [tilespmem:s17+$0x16A80]  }
0xa2: {  	v12 =	vld [tilespmem:s17+$0x16A90]  }
.Ltmp3:
0xa3: {  	v11 =	vld [tilespmem:s17+$0x16AA0];
	(pc) =	sbr.rel @p1 .LBB2_9-.Ltmp3, $4  }
0xa4: {  	v10 =	vld [tilespmem:s17+$0x16AB0]  }
0xa5: {  	v9 =	vld [tilespmem:s17+$0x16AC0]  }
0xa6: {  	v13 =	vadd.f32 v14, v7;
	v8 =	vld [tilespmem:s17+$0x16AD0]  }
0xa7: {  	s3 =	sadd.s32 $0x200, s3;
	v12 =	vadd.f32 v15, v12;
	v7 =	vld [tilespmem:s17+$0x16AE0]  }
0xa8: {  	v13 =	vmax.f32 v13, $0.0e+00;
	v6 =	vadd.f32 v6, v11;
	v63 =	vld [tilespmem:s17+$0x16AF0]  }
0xa9: {  	[tilespmem:s17+$0x16A80] =	vst v13;
	v12 =	vmax.f32 v12, $0.0e+00;
	v5 =	vadd.f32 v5, v10  }
0xaa: {  	[tilespmem:s17+$0x16A90] =	vst v12;
	v6 =	vmax.f32 v6, $0.0e+00;
	v4 =	vadd.f32 v4, v9  }
0xab: {  	[tilespmem:s17+$0x16AA0] =	vst v6;
	v5 =	vmax.f32 v5, $0.0e+00;
	v3 =	vadd.f32 v3, v8  }
0xac: {  	[tilespmem:s17+$0x16AB0] =	vst v5;
	v4 =	vmax.f32 v4, $0.0e+00;
	v2 =	vadd.f32 v2, v7  }
0xad: {  	[tilespmem:s17+$0x16AC0] =	vst v4;
	v3 =	vmax.f32 v3, $0.0e+00;
	v1 =	vadd.f32 v1, v63  }
0xae: {  	[tilespmem:s17+$0x16AD0] =	vst v3;
	v2 =	vmax.f32 v2, $0.0e+00  }
0xaf: {  	s10 =	sadd.s32 $0x1, s10;
	[tilespmem:s17+$0x16AE0] =	vst v2;
	v1 =	vmax.f32 v1, $0.0e+00  }
0xb0: {  	s0 =	smin.u32 s9, $0x79;
	p1 =	sne.s32 s10, $0x3E;
	[tilespmem:s17+$0x16AF0] =	vst v1  }
0xb1: {  	[spmem:s2] =	stream.indirect.scatter.add.f32 [tilespmem:s31], [sflag:$0x7], $0x80, s16, s23, $0xb8;
	[tilespmem:$0x1E280] =	vst v63  }
.Ltmp4:
0xb2: {  	s0 =	sshll.u32 s0, $0x8;
	(pc) =	sbr.rel @p1 .LBB2_6-.Ltmp4, $4  }
0xb3: {  	s0 =	sadd.s32 s0, s15;
	_ =	swait.ge [sflag:s20], $0x2800  }
0xb4: {  	s0 =	sshrl.u32 s0, $0x3;
	[sflag:s20] =	ssyncset.done $0x0  }
0xb5: {  	s3 =	simm.s32 $0x0;
	s0 =	sadd.s32 s6, s0;
	[sflag:s20] =	ssyncadd.s32 $0xFFFFD800  }
0xb6: {  	[tilespmem:s26], [sflag:$0x6] =	stream.linear.gather [hbm4b:s0+s3], $0x100, $0x38;
	[tilespmem:$0x1E280] =	vst v63  }
0xb7: {  	_ =	swait.ge [sflag:s28], $0x2800  }
0xb8: {  	[sflag:s28] =	ssyncset.done $0x0  }
0xb9: {  	[sflag:s28] =	ssyncadd.s32 $0xFFFFD800  }
0xba: {  	_ =	swait.ge [sflag:s29], $0x2800  }
0xbb: {  	[sflag:s29] =	ssyncset.done $0x0  }
0xbc: {  	s9 =	simm.s32 $0x0;
	[sflag:s29] =	ssyncadd.s32 $0xFFFFD800  }
0xbd: {  	v7 =	vld [tilespmem:s9+$0x19280]  }
0xbe: {  	v12 =	vld [tilespmem:s9+$0x19290]  }
0xbf: {  	v6 =	vld [tilespmem:s9+$0x192A0]  }
0xc0: {  	v5 =	vld [tilespmem:s9+$0x192B0]  }
0xc1: {  	v4 =	vld [tilespmem:s9+$0x192C0]  }
0xc2: {  	v3 =	vld [tilespmem:s9+$0x192D0]  }
0xc3: {  	v2 =	vld [tilespmem:s9+$0x192E0]  }
0xc4: {  	v1 =	vld [tilespmem:s9+$0x192F0]  }
0xc5: {  	v13 =	vld [tilespmem:s9+$0x14280]  }
0xc6: {  	v14 =	vld [tilespmem:s9+$0x14290]  }
0xc7: {  	v11 =	vld [tilespmem:s9+$0x142A0]  }
0xc8: {  	v10 =	vld [tilespmem:s9+$0x142B0]  }
0xc9: {  	v9 =	vld [tilespmem:s9+$0x142C0]  }
0xca: {  	v8 =	vld [tilespmem:s9+$0x142D0];
	v13 =	vadd.f32 v7, v13  }
0xcb: {  	s3 =	simm.s32 $0x200;
	v12 =	vadd.f32 v12, v14;
	v7 =	vld [tilespmem:s9+$0x142E0]  }
.LBB2_12:
0xcc: {  	s0 =	sshra.s32 s3, $0x2;
	p1 =	sne.s32 s3, $0x9E00;
	v13 =	vmax.f32 v13, $0.0e+00;
	v6 =	vadd.f32 v6, v11;
	v11 =	vld [tilespmem:s9+$0x142F0]  }
0xcd: {  	v14 =	vld [tilespmem:s0+$0x19280];
	[tilespmem:s9+$0x14280] =	vst v13;
	v12 =	vmax.f32 v12, $0.0e+00;
	v5 =	vadd.f32 v5, v10  }
0xce: {  	v15 =	vld [tilespmem:s0+$0x19290];
	[tilespmem:s9+$0x14290] =	vst v12;
	v10 =	vmax.f32 v6, $0.0e+00;
	v4 =	vadd.f32 v4, v9  }
0xcf: {  	v6 =	vld [tilespmem:s0+$0x192A0];
	[tilespmem:s9+$0x142A0] =	vst v10;
	v9 =	vmax.f32 v5, $0.0e+00;
	v3 =	vadd.f32 v3, v8  }
0xd0: {  	v5 =	vld [tilespmem:s0+$0x192B0];
	[tilespmem:s9+$0x142B0] =	vst v9;
	v8 =	vmax.f32 v4, $0.0e+00;
	v2 =	vadd.f32 v2, v7  }
0xd1: {  	v4 =	vld [tilespmem:s0+$0x192C0];
	[tilespmem:s9+$0x142C0] =	vst v8;
	v7 =	vmax.f32 v3, $0.0e+00;
	v1 =	vadd.f32 v1, v11  }
0xd2: {  	v3 =	vld [tilespmem:s0+$0x192D0];
	[tilespmem:s9+$0x142D0] =	vst v7;
	v7 =	vmax.f32 v2, $0.0e+00  }
0xd3: {  	v2 =	vld [tilespmem:s0+$0x192E0];
	[tilespmem:s9+$0x142E0] =	vst v7;
	v7 =	vmax.f32 v1, $0.0e+00  }
0xd4: {  	v1 =	vld [tilespmem:s0+$0x192F0];
	[tilespmem:s9+$0x142F0] =	vst v7;
	s9 =	smov.u32 s0  }
0xd5: {  	v7 =	vld [tilespmem:s9+$0x14280]  }
0xd6: {  	v12 =	vld [tilespmem:s9+$0x14290]  }
.Ltmp5:
0xd7: {  	v11 =	vld [tilespmem:s9+$0x142A0];
	(pc) =	sbr.rel @p1 .LBB2_12-.Ltmp5, $4  }
0xd8: {  	v10 =	vld [tilespmem:s9+$0x142B0]  }
0xd9: {  	v9 =	vld [tilespmem:s9+$0x142C0]  }
0xda: {  	v13 =	vadd.f32 v14, v7;
	v8 =	vld [tilespmem:s9+$0x142D0]  }
0xdb: {  	s3 =	sadd.s32 $0x200, s3;
	v12 =	vadd.f32 v15, v12;
	v7 =	vld [tilespmem:s9+$0x142E0]  }
0xdc: {  	v13 =	vmax.f32 v13, $0.0e+00;
	v6 =	vadd.f32 v6, v11;
	v63 =	vld [tilespmem:s9+$0x142F0]  }
0xdd: {  	[tilespmem:s9+$0x14280] =	vst v13;
	v12 =	vmax.f32 v12, $0.0e+00;
	v5 =	vadd.f32 v5, v10  }
0xde: {  	[tilespmem:s9+$0x14290] =	vst v12;
	v6 =	vmax.f32 v6, $0.0e+00;
	v4 =	vadd.f32 v4, v9  }
0xdf: {  	[tilespmem:s9+$0x142A0] =	vst v6;
	v5 =	vmax.f32 v5, $0.0e+00;
	v3 =	vadd.f32 v3, v8  }
0xe0: {  	[tilespmem:s9+$0x142B0] =	vst v5;
	v4 =	vmax.f32 v4, $0.0e+00;
	v2 =	vadd.f32 v2, v7  }
0xe1: {  	[tilespmem:s9+$0x142C0] =	vst v4;
	v3 =	vmax.f32 v3, $0.0e+00;
	v1 =	vadd.f32 v1, v63  }
0xe2: {  	[tilespmem:s9+$0x142D0] =	vst v3;
	v2 =	vmax.f32 v2, $0.0e+00  }
0xe3: {  	[tilespmem:s9+$0x142E0] =	vst v2;
	v1 =	vmax.f32 v1, $0.0e+00  }
0xe4: {  	[tilespmem:s9+$0x142F0] =	vst v1  }
0xe5: {  	[spmem:s2] =	stream.indirect.scatter.add.f32 [tilespmem:s24], [sflag:$0x7], $0x80, s4, s23, $0xb8;
	[tilespmem:$0x1E280] =	vst v63  }
0xe6: {  	_ =	swait.ge [sflag:s20], $0x2800  }
0xe7: {  	[sflag:s20] =	ssyncset.done $0x0  }
0xe8: {  	[sflag:s20] =	ssyncadd.s32 $0xFFFFD800  }
0xe9: {  	_ =	swait.ge [sflag:s30], $0x100  }
0xea: {  	[sflag:s30] =	ssyncset.done $0x0  }
0xeb: {  	s0 =	stileid.u32;
	[sflag:s30] =	ssyncadd.s32 $0xFFFFFF00  }
0xec: {  	s0 =	sshll.u32 s0, $0x6;
	[bflag:$0x0] =	sbarrier.arrive $0xFFFF  }
0xed: {  	s3 =	sshrl.u32 s8, $0x3;
	s0 =	sor.u32 $0x1C07, s0;
	s17 =	rddreg [dreg:$0x8]  }
0xee: {  	[hbm:s17], [sflag:s0] =	dma.local [spmem:s3], $0x2700  }
0xef: {  	_ =	swait.ge [sflag:s20], $0x2700  }
0xf0: {  	[sflag:s20] =	ssyncset.done $0x0;
	s17 =	rddreg [dreg:$0x4]  }
0xf1: {  	s9 =	rddreg [dreg:$0x9];
	[sflag:s20] =	ssyncadd.s32 $0xFFFFD900;
	s3 =	sshrl.u32 @!p0 s17, $0x3  }
0xf2: {  	[hbm:s9], [sflag:s0] =	dma.local @!p0 [spmem:s3], $0x100  }
0xf3: {  	s0 =	simm.s32 @!p0 $0x7  }
0xf4: {  	_ =	swait.ge @!p0 [sflag:s0], $0x100  }
0xf5: {  	s3 =	rddreg [dreg:$0xb]  }
0xf6: {  	s10 =	rddreg [dreg:$0xa];
	s9 =	sadd.s32 $0x1, s3  }
0xf7: {  	p1 =	sne.s32 s9, s10  }
.Ltmp6:
0xf8: {  	_ = 	snop;
	(pc) =	sbr.rel @p1 .LBB2_1-.Ltmp6, $3  }
0xf9: {  	_ =	sdelay $0x1  }
0xfa: {  	[sflag:s0] =	ssyncset.done @!p0 $0x0  }
0xfb: {  	[sflag:s0] =	ssyncadd.s32 @!p0 $0xFFFFFF00  }
0xfc: {  	_ =	sfence.sel $0x180000  }
0xfd: {  	[bflag:$0x0] =	sbarrier.arrive $0xFFFF  }
0xfe: {  	_ =	strace $0x9000004A  }
0xff: {  	s0 =	stileid.u32;
	[bflag:$0x2] =	sbarrier.arrive $0xFFFF  }
0x100: {  	p0 =	sne.s32 s0, $0x0;
	s0 =	rddreg [dreg:$0x3]  }
0x101: {  	s0 =	sadd.s32 @!p0 $0x100000, s0  }
0x102: {  	[sflag:s0] =	ssyncadd.tile.s32 @!p0 $0x1;
	_ =	shalt  }
.Lfunc_end2:
_tile_overlayer_lowered:
.L_overlay_start_2:
0x103: {  	(tag) =	ssettag $0x2  }
0x104: {  	s0 =	rddreg [dreg:$0x0];
	s2 =	stileid.u32  }
0x105: {  	s1 =	rddreg [dreg:$0x1];
	p0 =	sne.s32 s2, $0x0  }
0x106: {  	s3 =	rddreg [dreg:$0x2];
	[bflag:$0x3] =	sbarrier.arrive $0xFFFF;
	s2 =	simm.s32 @!p0 $0x1C07  }
0x107: {  	[timem:s3], [sflag:s2] =	dma.local @!p0 [hbm:s0], s1  }
0x108: {  	s0 =	simm.s32 @!p0 $0x7  }
0x109: {  	_ =	swait.ge @!p0 [sflag:s0], s1  }
0x10a: {  	s1 =	ssub.s32 @!p0 $0x0, s1;
	[sflag:s0] =	ssyncset.done @!p0 $0x0  }
0x10b: {  	[sflag:s0] =	ssyncadd.s32 @!p0 s1  }
0x10c: {  	[bflag:$0x3] =	sbarrier.arrive $0xFFFF  }
0x10d: {  	_ =	shalt  }

// kernel: kernel.16.cloned.1.call-start
scs
__scs_entry_jumppad:
0x0: {  	(pc) =	sbr.rel $0x88, $3  }
0x1: {  	(tag) =	ssettag $0x0;
	lr =	simm.s32 $0x1  }
0x2: {  	[smem:$0x3F97] =	sst lr;
	_ =	strace $0xD0000000  }
0x3: {  	_ = 	snop  }
0x4: {  	_ = 	snop  }
0x5: {  	_ = 	snop  }
0x6: {  	_ = 	snop  }
0x7: {  	_ = 	snop  }
__scs_overlays_trampoline_lowered:
0x8: {  	[smem:$0x3FA6] =	sst s0  }
0x9: {  	[smem:$0x3FA7] =	sst s1  }
0xa: {  	[smem:$0x3FA8] =	sst s2  }
0xb: {  	[smem:$0x3FA9] =	sst s3  }
0xc: {  	[smem:$0x3FAA] =	sst s4  }
0xd: {  	[smem:$0x3FAB] =	sst s5  }
0xe: {  	[smem:$0x3FAC] =	sst s6  }
0xf: {  	[smem:$0x3FAD] =	sst s7  }
0x10: {  	[smem:$0x3FAE] =	sst s8  }
0x11: {  	[smem:$0x3FAF] =	sst s9;
	s0 =	simm.s32 @!p0 $0x0  }
0x12: {  	s1 =	sld [smem:$0x3F95];
	s0 =	simm.s32 @p0 $0x1  }
0x13: {  	[smem:$0x3FB0] =	sst s0;
	s0 =	simm.s32 @!p1 $0x0  }
0x14: {  	s2 =	sld [smem:$0x3F94];
	s0 =	simm.s32 @p1 $0x1  }
0x15: {  	[smem:$0x3FB1] =	sst s0;
	s0 =	simm.s32 @!p2 $0x0  }
0x16: {  	s3 =	sld [smem:$0x3FDB];
	s0 =	simm.s32 @p2 $0x1  }
0x17: {  	s4 =	simm.s32 $0x1BF5;
	[smem:$0x3FB3] =	sst s0  }
0x18: {  	s0 =	sld [smem:$0x3F96];
	_ =	swait.ge [sflag:s4], $0x0  }
0x19: {  	s7 =	sld [smem:$0x3F97]  }
0x1a: {  	s8 =	sadd.s32 $0xFFFFE003, lr  }
0x1b: {  	s9 =	sadd.s32 $0xFFFFFEF7, lr;
	s5 =	simm.s32 $0xFFFFFFFF;
	p2 =	slt.u32 s8, $0xFFFFF086  }
0x1c: {  	p1 =	slt.u32 s9, $0xF7A;
	s5 =	simm.s32 @!p2 $0x0  }
0x1d: {  	s5 =	simm.s32 @p1 $0x1;
	p0 =	seq.s32 s7, s2  }
0x1e: {  	s7 =	smul.u32 @!p0 $0xF7A, s2;
	p2 =	seq.s32 @!p0 s5, $0x0  }
0x1f: {  	s9 =	smul.u32 $0xF7A, s1;
	s8 =	simm.s32 @!p0 $0x1BF5;
	p2 =	por !p2, p0  }
0x20: {  	[sflag:s8] =	ssyncset.s32 @!p0 $0xFFFFF086;
	s6 =	sadd.s32 @!p0 s3, s7;
	s7 =	simm.s32 @!p0 $0x108  }
0x21: {  	s3 =	sadd.s32 s3, s9;
	s6 =	sadd.s32 @!p0 $0x88, s6;
	s7 =	simm.s32 @p2 $0x1082  }
0x22: {  	[simem:s7], [sflag:s8] =	dma.local @!p0 [hbm:s6], $0xF7A  }
0x23: {  	s9 =	sor.u32 $0xD0000000, s2;
	s6 =	simm.s32 $0x108;
	_ =	swait.ge @!p0 [sflag:s8], $0x0  }
0x24: {  	s3 =	sadd.s32 $0x88, s3;
	s6 =	simm.s32 @!p1 $0x1082;
	[sflag:s4] =	ssyncset.s32 $0xFFFFF086  }
0x25: {  	[simem:s6], [sflag:s4] =	dma.local [hbm:s3], $0xF7A  }
0x26: {  	[smem:$0x3F97] =	sst s1;
	(tag) =	ssettag s2;
	_ =	strace s9  }
0x27: {  	s1 =	sld [smem:$0x3FA7]  }
0x28: {  	s2 =	sld [smem:$0x3FA8]  }
0x29: {  	s4 =	sld [smem:$0x3FAA]  }
0x2a: {  	p0 =	seq.s32 s5, $0x0;
	s5 =	sld [smem:$0x3FAB]  }
0x2b: {  	s6 =	sld [smem:$0x3FAC]  }
0x2c: {  	s7 =	sld [smem:$0x3FAD]  }
0x2d: {  	s3 =	simm.s32 $0x108;
	s8 =	sld [smem:$0x3FAE]  }
0x2e: {  	s3 =	simm.s32 @!p0 $0x1082;
	s9 =	sld [smem:$0x3FAF]  }
0x2f: {  	lr =	sadd.s32 s0, s3;
	s0 =	sld [smem:$0x3FA6]  }
0x30: {  	s3 =	sld [smem:$0x3FA9]  }
0x31: {  	[smem:$0x3FB2] =	sst s10  }
0x32: {  	s10 =	sld [smem:$0x3FB0];
	_ =	sdelay $0x3  }
0x33: {  	p0 =	seq.s32 s10, $0x1;
	s10 =	sld [smem:$0x3FB2];
	_ =	sdelay $0x3  }
0x34: {  	[smem:$0x3FB2] =	sst s10  }
0x35: {  	s10 =	sld [smem:$0x3FB1];
	_ =	sdelay $0x3  }
0x36: {  	p1 =	seq.s32 s10, $0x1;
	s10 =	sld [smem:$0x3FB2];
	_ =	sdelay $0x3  }
0x37: {  	[smem:$0x3FB2] =	sst s10  }
0x38: {  	s10 =	sld [smem:$0x3FB3]  }
0x39: {  	_ = 	snop;
	(pc) =	sbr.ind lr, $3  }
0x3a: {  	_ = 	snop  }
0x3b: {  	_ = 	snop  }
0x3c: {  	p2 =	seq.s32 s10, $0x1;
	s10 =	sld [smem:$0x3FB2]  }
0x3d: {  	_ =	shalt  }
0x3e: {  	_ =	shalt  }
0x3f: {  	_ =	shalt  }
0x40: {  	_ =	shalt  }
0x41: {  	_ =	shalt  }
0x42: {  	_ =	shalt  }
0x43: {  	_ =	shalt  }
0x44: {  	_ =	shalt  }
0x45: {  	_ =	shalt  }
0x46: {  	_ =	shalt  }
0x47: {  	_ =	shalt  }
0x48: {  	_ =	shalt  }
0x49: {  	_ =	shalt  }
0x4a: {  	_ =	shalt  }
0x4b: {  	_ =	shalt  }
0x4c: {  	_ =	shalt  }
0x4d: {  	_ =	shalt  }
0x4e: {  	_ =	shalt  }
0x4f: {  	_ =	shalt  }
0x50: {  	_ =	shalt  }
0x51: {  	_ =	shalt  }
0x52: {  	_ =	shalt  }
0x53: {  	_ =	shalt  }
0x54: {  	_ =	shalt  }
0x55: {  	_ =	shalt  }
0x56: {  	_ =	shalt  }
0x57: {  	_ =	shalt  }
0x58: {  	_ =	shalt  }
0x59: {  	_ =	shalt  }
0x5a: {  	_ =	shalt  }
0x5b: {  	_ =	shalt  }
0x5c: {  	_ =	shalt  }
0x5d: {  	_ =	shalt  }
0x5e: {  	_ =	shalt  }
0x5f: {  	_ =	shalt  }
0x60: {  	_ =	shalt  }
0x61: {  	_ =	shalt  }
0x62: {  	_ =	shalt  }
0x63: {  	_ =	shalt  }
0x64: {  	_ =	shalt  }
0x65: {  	_ =	shalt  }
0x66: {  	_ =	shalt  }
0x67: {  	_ =	shalt  }
0x68: {  	_ =	shalt  }
0x69: {  	_ =	shalt  }
0x6a: {  	_ =	shalt  }
0x6b: {  	_ =	shalt  }
0x6c: {  	_ =	shalt  }
0x6d: {  	_ =	shalt  }
0x6e: {  	_ =	shalt  }
0x6f: {  	_ =	shalt  }
0x70: {  	_ =	shalt  }
0x71: {  	_ =	shalt  }
0x72: {  	_ =	shalt  }
0x73: {  	_ =	shalt  }
0x74: {  	_ =	shalt  }
0x75: {  	_ =	shalt  }
0x76: {  	_ =	shalt  }
0x77: {  	_ =	shalt  }
0x78: {  	_ =	shalt  }
0x79: {  	_ =	shalt  }
0x7a: {  	_ =	shalt  }
0x7b: {  	_ =	shalt  }
0x7c: {  	_ =	shalt  }
0x7d: {  	_ =	shalt  }
0x7e: {  	_ =	shalt  }
0x7f: {  	_ =	shalt  }
0x80: {  	_ =	shalt  }
0x81: {  	_ =	shalt  }
0x82: {  	_ =	shalt  }
0x83: {  	_ =	shalt  }
0x84: {  	_ =	shalt  }
0x85: {  	_ =	shalt  }
0x86: {  	_ =	shalt  }
0x87: {  	_ =	shalt  }
.Lfunc_end0:
.L_simem_size_0:
called_computation.2_lowered:
.L_overlay_start_0:
0x88: {  	s2 =	sld [smem:$0x3FD9]  }
0x89: {  	s3 =	sld [smem:$0x3FFE];
	_ =	sdelay $0x1  }
0x8a: {  	s1 =	srdreg.scid  }
0x8b: {  	s0 =	sand.u32 $0x1, s1  }
0x8c: {  	s17 =	sshll.u32 s0, $0xA;
	s2 =	sadd.s32 s3, s2  }
0x8d: {  	s2 =	sadd.s32 s2, s17  }
0x8e: {  	[smem:$0x3FBE] =	sst s2  }
0x8f: {  	_ = 	snop  }
0x90: {  	s2 =	sld [smem:$0x3FD0];
	(tm) =	ssettm $0x1  }
0x91: {  	s18 =	sld [smem:$0x3FFB];
	_ =	sdelay $0x3  }
0x92: {  	_ =	strace s18  }
0x93: {  	s3 =	sld [smem:$0x3FFC];
	_ =	sdelay $0x3  }
0x94: {  	_ =	strace s3  }
0x95: {  	s3 =	sld [smem:$0x3FFD];
	_ =	sdelay $0x3  }
0x96: {  	_ =	strace s3  }
0x97: {  	_ =	strace $0x8FFFFFFF  }
0x98: {  	s19 =	sld [smem:$0x3FDB];
	_ =	sdelay $0x1  }
0x99: {  	s4 =	simm.s32 $_scs_section_size  }
0x9a: {  	s5 =	simm.s32 $_size__tile_overlayer_lowered;
	s6 =	simm.s32 $_tile_overlayer_lowered  }
0x9b: {  	s22 =	simm.s32 $0x1BFF;
	s21 =	sshll.u32 s6, $0x1;
	s3 =	sadd.s32 s4, s19  }
0x9c: {  	s7 =	simm.s32 $0x0;
	s20 =	sshll.u32 s5, $0x1;
	s5 =	sadd.s32 s21, s3  }
0x9d: {  	[timem:s7], [sflag:s22] =	dma.local [hbm:s5], s20  }
0x9e: {  	_ =	swait.ge [sflag:s22], s20  }
0x9f: {  	s4 =	ssub.s32 $0x0, s20;
	[sflag:s22] =	ssyncset.done $0x0  }
0xa0: {  	[sflag:s22] =	ssyncadd.s32 s4;
	_ =	sdelay $0x1  }
0xa1: {  	s23 =	simm.s32 $0x1B8B  }
0xa2: {  	_ =	swait.ge [sflag:s23], $0x1  }
0xa3: {  	[sflag:s23] =	ssyncset.done $0x0  }
0xa4: {  	s25 =	simm.s32 $0x1B8E;
	s24 =	sld [smem:$0x3FFE];
	[sflag:s23] =	ssyncadd.s32 $0xFFFFFFFF  }
0xa5: {  	s26 =	simm.s32 $execute0_lowered;
	[smem:$0x3FD2] =	sst s25  }
0xa6: {  	s5 =	sshll.u32 s26, $0x1;
	_ =	strace $0x8000004C;
	[dreg:$0x1] =	wrdreg $0xFFFFFFFF  }
0xa7: {  	s28 =	simm.s32 $_size_execute0_lowered;
	s3 =	sadd.s32 s3, s5;
	[dreg:$0x0] =	wrdreg $0x0  }
0xa8: {  	s5 =	sshll.u32 s28, $0x1;
	[dreg:$0x2] =	wrdreg s3  }
0xa9: {  	[dreg:$0x3] =	wrdreg s5  }
0xaa: {  	[dreg:$0x4] =	wrdreg $0xC0  }
0xab: {  	_ =	task [dreg:s7], $0x5FFFF  }
0xac: {  	[dreg:$0x1] =	wrdreg $0xFFFFFFFF  }
0xad: {  	[dreg:$0x0] =	wrdreg $0x60  }
0xae: {  	[dreg:$0x2] =	wrdreg s2  }
0xaf: {  	[dreg:$0x3] =	wrdreg s24  }
0xb0: {  	[dreg:$0x4] =	wrdreg $0x0  }
0xb1: {  	[dreg:$0x5] =	wrdreg $0x9  }
0xb2: {  	_ =	task.clear_ibuf [dreg:s7], $0x6FFFF;
	_ =	strace $0x9000004C  }
0xb3: {  	s29 =	simm.s32 $0x9;
	_ =	strace $0x8000004E  }
0xb4: {  	_ =	swait.ge [sflag:s29], $0x1  }
0xb5: {  	[sflag:s29] =	ssyncadd.s32 $0xFFFFFFFF  }
0xb6: {  	_ =	strace $0x9000004E  }
0xb7: {  	_ =	sfence  }
0xb8: {  	s30 =	sld [smem:$0x0];
	_ =	sdelay $0x2  }
0xb9: {  	s31 =	sshll.u32 s1, $0xD;
	s1 =	sshrl.u32 s1, $0x2  }
0xba: {  	s3 =	sand.u32 $0x4000, s31;
	s1 =	sadd.s32 s1, s30  }
0xbb: {  	s0 =	sor.u32 s3, s0;
	s1 =	sshll.u32 s1, $0x11  }
0xbc: {  	s0 =	sor.u32 s1, s0  }
0xbd: {  	s0 =	sadd.s32 $0x8F2B, s0  }
0xbe: {  	[sflag:s0] =	ssyncadd.remote.s32 $0x1  }
0xbf: {  	_ =	sfence.sel $0xFFFF  }
0xc0: {  	[dreg:$0x0] =	wrdreg $0xFFFFFFFF;
	(pc) =	sbr.abs _section_cstart, $3  }
0xc1: {  	[dreg:$0x1] =	wrdreg $0xFFFFFFFF  }
0xc2: {  	_ =	task.clear_ibuf [dreg:s7], $0x2FFFF;
	_ =	strace $0x9FFFFFFF  }
0xc3: {  	(tm) =	ssettm $0x7FFFFFFF  }
tec
execute0_lowered:
.L_overlay_start_1:
0x0: {  	(tag) =	ssettag $0x1  }
0x1: {  	s1 =	rddreg [dreg:$0x0]  }
0x2: {  	s0 =	rddreg [dreg:$0x1]  }
0x3: {  	s2 =	rddreg [dreg:$0x2];
	s4 =	simm.s32 $0x0;
	s3 =	srdreg.scid  }
0x4: {  	s16 =	stileid.u32;
	s19 =	simm.s32 $0x13880;
	s20 =	simm.s32 $0x7  }
0x5: {  	s28 =	simm.s32 $0x1;
	s29 =	simm.s32 $0x3;
	s30 =	simm.s32 $0x6  }
0x6: {  	s31 =	simm.s32 $0x16A80;
	s18 =	simm.s32 $0x0;
	[smem:$0x7FF] =	sst s4  }
0x7: {  	s3 =	sand.u32 $0x1, s3;
	s5 =	sadd.s32 $0xF17C00, s0;
	s8 =	smul.u32 $0x4E000, s16  }
0x8: {  	s6 =	sadd.s32 $0x4200, s0;
	s0 =	sadd.s32 $0xA35C00, s0;
	s13 =	smul.u32 $0x13800, s16  }
0x9: {  	s17 =	sadd.s32 $0x138000, s2;
	p0 =	sne.s32 s16, $0xF;
	_ =	strace $0x8000004D  }
0xa: {  	s21 =	sshll.u32 s3, $0x4;
	s9 =	ssub.s32 $0x2, s3;
	s3 =	smul.u32 $0x138800, s3  }
0xb: {  	[dreg:$0x4] =	wrdreg s17;
	s4 =	sor.u32 s16, s21;
	s10 =	sshrl.u32 s9, $0x1  }
0xc: {  	s8 =	sshrl.u32 s8, $0x2;
	s21 =	simm.s32 $0x14080;
	s7 =	smul.u32 $0x7D00, s4  }
0xd: {  	s16 =	simm.s32 $0x14200;
	s12 =	smul.u32 $0x27100, s4;
	s9 =	ssub.s32 s9, s10  }
0xe: {  	s8 =	sadd.s32 s8, s2;
	s11 =	smul.u32 $0x2710, s4;
	s25 =	sadd.s32 s13, s3  }
0xf: {  	s3 =	sshrl.u32 s3, $0x3;
	s13 =	simm.s32 $0x4;
	s4 =	sshrl.u32 s25, $0x3  }
0x10: {  	s26 =	smax.u32 s9, $0x1;
	s25 =	simm.s32 $0x19280;
	s9 =	simm.s32 $0x0  }
0x11: {  	s22 =	sshrl.u32 s7, $0x3;
	s23 =	sadd.s32 s5, s12;
	s14 =	sadd.s32 $0x50, s11  }
0x12: {  	s15 =	sadd.s32 $0x300, s7;
	s4 =	sadd.s32 s0, s4;
	[dreg:$0xa] =	wrdreg s26  }
0x13: {  	s0 =	sadd.s32 s0, s3;
	s26 =	simm.s32 $0x14180;
	[dreg:$0x6] =	wrdreg s23  }
0x14: {  	s12 =	simm.s32 $0x2;
	s10 =	sadd.s32 s6, s22;
	[dreg:$0x8] =	wrdreg s4  }
0x15: {  	s0 =	sadd.s32 $0x27000, s0;
	s22 =	simm.s32 $0x5;
	[dreg:$0x5] =	wrdreg s10  }
0x16: {  	s23 =	simm.s32 $0x50;
	s24 =	sadd.s32 $0x20, s10;
	[dreg:$0x9] =	wrdreg s0  }
0x17: {  	v0 =	vimm.f32 $0.0e+00;
	s4 =	simm.s32 $0x14100;
	[dreg:$0x7] =	wrdreg s24;
	s24 =	simm.s32 $0x14280  }
.LBB2_1:
0x18: {  	[dreg:$0xb] =	wrdreg s9;
	s3 =	simm.s32 $0x0;
	s9 =	simm.s32 $0x200  }
.LBB2_2:
0x19: {  	p1 =	sne.s32 s9, $0x1E00;
	[tilespmem:s3+$0x138F0] =	vst v0  }
0x1a: {  	[tilespmem:s3+$0x13880] =	vst v0  }
0x1b: {  	[tilespmem:s3+$0x13890] =	vst v0  }
.Ltmp0:
0x1c: {  	[tilespmem:s3+$0x138A0] =	vst v0;
	(pc) =	sbr.rel @p1 .LBB2_2-.Ltmp0, $4  }
0x1d: {  	[tilespmem:s3+$0x138B0] =	vst v0  }
0x1e: {  	[tilespmem:s3+$0x138C0] =	vst v0  }
0x1f: {  	[tilespmem:s3+$0x138D0] =	vst v0  }
0x20: {  	[tilespmem:s3+$0x138E0] =	vst v0;
	s3 =	sshra.s32 s9, $0x2;
	s9 =	sadd.s32 $0x200, s9  }
0x21: {  	[tilespmem:s3+$0x138F0] =	vst v0  }
0x22: {  	[tilespmem:s3+$0x13880] =	vst v0  }
0x23: {  	[tilespmem:s3+$0x13890] =	vst v0  }
0x24: {  	[tilespmem:s3+$0x138A0] =	vst v0  }
0x25: {  	[tilespmem:s3+$0x138B0] =	vst v0  }
0x26: {  	[tilespmem:s3+$0x138C0] =	vst v0  }
0x27: {  	[tilespmem:s3+$0x138D0] =	vst v0  }
0x28: {  	[tilespmem:s3+$0x138E0] =	vst v0;
	s10 =	sadd.s32 $0x0, s8  }
0x29: {  	[spmem:s10] =	stream.linear.scatter [tilespmem:s19], [sflag:$0x7], $0x800, $0x38;
	[tilespmem:$0x1E280] =	vst v63  }
0x2a: {  	s3 =	simm.s32 $0x2000;
	_ =	swait.ge [sflag:s20], $0x800  }
.LBB2_4:
0x2b: {  	s9 =	sshra.s32 s3, $0x2;
	[sflag:s20] =	ssyncset.done $0x0;
	p1 =	sne.s32 s3, $0x4C000  }
.Ltmp1:
0x2c: {  	s9 =	sadd.s32 s9, s8;
	[sflag:s20] =	ssyncadd.s32 $0xFFFFF800;
	(pc) =	sbr.rel @p1 .LBB2_4-.Ltmp1, $3  }
0x2d: {  	[spmem:s9] =	stream.linear.scatter [tilespmem:s19], [sflag:$0x7], $0x800, $0x38;
	[tilespmem:$0x1E280] =	vst v63  }
0x2e: {  	s3 =	sadd.s32 $0x2000, s3;
	_ =	sdelay $0x1  }
0x2f: {  	_ =	swait.ge [sflag:s20], $0x800  }
0x30: {  	[sflag:s20] =	ssyncset.done $0x0  }
0x31: {  	s3 =	simm.s32 @!p0 $0x13880;
	[sflag:s20] =	ssyncadd.s32 $0xFFFFF800  }
0x32: {  	[spmem:s17] =	stream.linear.scatter @!p0 [tilespmem:s3], [sflag:$0x7], $0x800, $0x38;
	[tilespmem:$0x1E280] =	vst v63  }
0x33: {  	s3 =	simm.s32 @!p0 $0x7  }
0x34: {  	_ =	swait.ge @!p0 [sflag:s3], $0x800  }
0x35: {  	[sflag:s3] =	ssyncset.done @!p0 $0x0  }
0x36: {  	[sflag:s3] =	ssyncadd.s32 @!p0 $0xFFFFF800  }
0x37: {  	[bflag:$0x0] =	sbarrier.arrive $0xFFFF  }
0x38: {  	s0 =	rddreg [dreg:$0x5]  }
0x39: {  	[tilespmem:s21], [sflag:$0x5] =	stream.linear.gather [hbm4b:s0+s18], $0x100, $0x38;
	[tilespmem:$0x1E280] =	vst v63  }
0x3a: {  	_ =	swait.ge [sflag:s22], $0x100  }
0x3b: {  	[sflag:s22] =	ssyncset.done $0x0  }
0x3c: {  	[sflag:s22] =	ssyncadd.s32 $0xFFFFFF00  }
0x3d: {  	[tilespmem:s24], [sflag:$0x1] =	stream.indirect.gather [hbm4b:s1+s23], $0x80, s21, s23, $0xb8;
	[tilespmem:$0x1E280] =	vst v63  }
0x3e: {  	s10 =	rddreg [dreg:$0x6]  }
0x3f: {  	[tilespmem:s25], [sflag:$0x3] =	stream.linear.gather [hbm4b:s10+s18], $0x2800, $0x38;
	[tilespmem:$0x1E280] =	vst v63  }
0x40: {  	s17 =	rddreg [dreg:$0x7];
	s10 =	simm.s32 $0x0  }
0x41: {  	[tilespmem:s26], [sflag:$0x6] =	stream.linear.gather [hbm4b:s17+s18], $0x100, $0x38;
	[tilespmem:$0x1E280] =	vst v63  }
.LBB2_6:
0x42: {  	_ =	swait.ge [sflag:s28], $0x2800  }
0x43: {  	[sflag:s28] =	ssyncset.done $0x0  }
0x44: {  	[sflag:s28] =	ssyncadd.s32 $0xFFFFD800  }
0x45: {  	_ =	swait.ge [sflag:s29], $0x2800  }
0x46: {  	s3 =	smul.u32 $0xA0, s10;
	[sflag:s29] =	ssyncset.done $0x0  }
0x47: {  	[sflag:s29] =	ssyncadd.s32 $0xFFFFD800  }
0x48: {  	s3 =	sadd.s32 s3, s14;
	_ =	swait.ge [sflag:s30], $0x100  }
0x49: {  	s3 =	sshll.u32 s3, $0x4;
	[sflag:s30] =	ssyncset.done $0x0  }
0x4a: {  	s3 =	sand.u32 $0x1FFFFF00, s3;
	[sflag:s30] =	ssyncadd.s32 $0xFFFFFF00  }
0x4b: {  	[tilespmem:s31], [sflag:$0x2] =	stream.indirect.gather [hbm4b:s1+s23], $0x80, s26, s23, $0xb8;
	[tilespmem:$0x1E280] =	vst v63  }
0x4c: {  	s0 =	simm.s32 $0x1BA80;
	s9 =	simm.s32 $0x0;
	s3 =	sadd.s32 s5, s3  }
0x4d: {  	[tilespmem:s0], [sflag:$0x4] =	stream.linear.gather [hbm4b:s3+s18], $0x2800, $0x38;
	[tilespmem:$0x1E280] =	vst v63  }
0x4e: {  	v7 =	vld [tilespmem:s9+$0x19280]  }
0x4f: {  	v12 =	vld [tilespmem:s9+$0x19290]  }
0x50: {  	v6 =	vld [tilespmem:s9+$0x192A0]  }
0x51: {  	v5 =	vld [tilespmem:s9+$0x192B0]  }
0x52: {  	v4 =	vld [tilespmem:s9+$0x192C0]  }
0x53: {  	v3 =	vld [tilespmem:s9+$0x192D0]  }
0x54: {  	v2 =	vld [tilespmem:s9+$0x192E0]  }
0x55: {  	v1 =	vld [tilespmem:s9+$0x192F0]  }
0x56: {  	v13 =	vld [tilespmem:s9+$0x14280]  }
0x57: {  	v14 =	vld [tilespmem:s9+$0x14290]  }
0x58: {  	v11 =	vld [tilespmem:s9+$0x142A0]  }
0x59: {  	v10 =	vld [tilespmem:s9+$0x142B0]  }
0x5a: {  	v9 =	vld [tilespmem:s9+$0x142C0]  }
0x5b: {  	v8 =	vld [tilespmem:s9+$0x142D0];
	v13 =	vadd.f32 v7, v13  }
0x5c: {  	s17 =	simm.s32 $0x200;
	v12 =	vadd.f32 v12, v14;
	v7 =	vld [tilespmem:s9+$0x142E0]  }
.LBB2_7:
0x5d: {  	s3 =	sshra.s32 s17, $0x2;
	p1 =	sne.s32 s17, $0x9E00;
	v13 =	vmax.f32 v13, $0.0e+00;
	v6 =	vadd.f32 v6, v11;
	v11 =	vld [tilespmem:s9+$0x142F0]  }
0x5e: {  	v14 =	vld [tilespmem:s3+$0x19280];
	[tilespmem:s9+$0x14280] =	vst v13;
	v12 =	vmax.f32 v12, $0.0e+00;
	v5 =	vadd.f32 v5, v10  }
0x5f: {  	v15 =	vld [tilespmem:s3+$0x19290];
	[tilespmem:s9+$0x14290] =	vst v12;
	v10 =	vmax.f32 v6, $0.0e+00;
	v4 =	vadd.f32 v4, v9  }
0x60: {  	v6 =	vld [tilespmem:s3+$0x192A0];
	[tilespmem:s9+$0x142A0] =	vst v10;
	v9 =	vmax.f32 v5, $0.0e+00;
	v3 =	vadd.f32 v3, v8  }
0x61: {  	v5 =	vld [tilespmem:s3+$0x192B0];
	[tilespmem:s9+$0x142B0] =	vst v9;
	v8 =	vmax.f32 v4, $0.0e+00;
	v2 =	vadd.f32 v2, v7  }
0x62: {  	v4 =	vld [tilespmem:s3+$0x192C0];
	[tilespmem:s9+$0x142C0] =	vst v8;
	v7 =	vmax.f32 v3, $0.0e+00;
	v1 =	vadd.f32 v1, v11  }
0x63: {  	v3 =	vld [tilespmem:s3+$0x192D0];
	[tilespmem:s9+$0x142D0] =	vst v7;
	v7 =	vmax.f32 v2, $0.0e+00  }
0x64: {  	v2 =	vld [tilespmem:s3+$0x192E0];
	[tilespmem:s9+$0x142E0] =	vst v7;
	v7 =	vmax.f32 v1, $0.0e+00  }
0x65: {  	v1 =	vld [tilespmem:s3+$0x192F0];
	[tilespmem:s9+$0x142F0] =	vst v7;
	s9 =	smov.u32 s3  }
0x66: {  	v7 =	vld [tilespmem:s9+$0x14280]  }
0x67: {  	v12 =	vld [tilespmem:s9+$0x14290]  }
.Ltmp2:
0x68: {  	v11 =	vld [tilespmem:s9+$0x142A0];
	(pc) =	sbr.rel @p1 .LBB2_7-.Ltmp2, $4  }
0x69: {  	v10 =	vld [tilespmem:s9+$0x142B0]  }
0x6a: {  	v9 =	vld [tilespmem:s9+$0x142C0]  }
0x6b: {  	v13 =	vadd.f32 v14, v7;
	v8 =	vld [tilespmem:s9+$0x142D0]  }
0x6c: {  	s17 =	sadd.s32 $0x200, s17;
	v12 =	vadd.f32 v15, v12;
	v7 =	vld [tilespmem:s9+$0x142E0]  }
0x6d: {  	v13 =	vmax.f32 v13, $0.0e+00;
	v6 =	vadd.f32 v6, v11;
	v11 =	vld [tilespmem:s9+$0x142F0]  }
0x6e: {  	[tilespmem:s9+$0x14280] =	vst v13;
	v12 =	vmax.f32 v12, $0.0e+00;
	v5 =	vadd.f32 v5, v10  }
0x6f: {  	[tilespmem:s9+$0x14290] =	vst v12;
	v6 =	vmax.f32 v6, $0.0e+00;
	v4 =	vadd.f32 v4, v9  }
0x70: {  	[tilespmem:s9+$0x142A0] =	vst v6;
	v5 =	vmax.f32 v5, $0.0e+00;
	v3 =	vadd.f32 v3, v8  }
0x71: {  	[tilespmem:s9+$0x142B0] =	vst v5;
	v4 =	vmax.f32 v4, $0.0e+00;
	v2 =	vadd.f32 v2, v7  }
0x72: {  	[tilespmem:s9+$0x142C0] =	vst v4;
	v3 =	vmax.f32 v3, $0.0e+00;
	v1 =	vadd.f32 v1, v11  }
0x73: {  	[tilespmem:s9+$0x142D0] =	vst v3;
	v2 =	vmax.f32 v2, $0.0e+00  }
0x74: {  	[tilespmem:s9+$0x142E0] =	vst v2;
	v1 =	vmax.f32 v1, $0.0e+00  }
0x75: {  	[tilespmem:s9+$0x142F0] =	vst v1;
	s9 =	sshll.u32 s10, $0x1  }
0x76: {  	[spmem:s2] =	stream.indirect.scatter.add.f32 [tilespmem:s24], [sflag:$0x7], $0x80, s4, s23, $0xb8;
	[tilespmem:$0x1E280] =	vst v63  }
0x77: {  	s3 =	sadd.s32 $0x2, s9  }
0x78: {  	s17 =	sshll.u32 s3, $0x8  }
0x79: {  	_ =	swait.ge [sflag:s20], $0x2800;
	s17 =	sadd.s32 s7, s17  }
0x7a: {  	[sflag:s20] =	ssyncset.done $0x0;
	s17 =	sshrl.u32 s17, $0x3  }
0x7b: {  	s0 =	simm.s32 $0x0;
	[sflag:s20] =	ssyncadd.s32 $0xFFFFD800;
	s17 =	sadd.s32 s6, s17  }
0x7c: {  	[tilespmem:s21], [sflag:$0x5] =	stream.linear.gather [hbm4b:s17+s0], $0x100, $0x38;
	[tilespmem:$0x1E280] =	vst v63  }
0x7d: {  	_ =	swait.ge [sflag:s12], $0x2800  }
0x7e: {  	[sflag:s12] =	ssyncset.done $0x0  }
0x7f: {  	[sflag:s12] =	ssyncadd.s32 $0xFFFFD800  }
0x80: {  	_ =	swait.ge [sflag:s13], $0x2800  }
0x81: {  	s3 =	smul.u32 $0x50, s3;
	[sflag:s13] =	ssyncset.done $0x0  }
0x82: {  	[sflag:s13] =	ssyncadd.s32 $0xFFFFD800  }
0x83: {  	s3 =	sadd.s32 s11, s3;
	_ =	swait.ge [sflag:s22], $0x100  }
0x84: {  	s3 =	sshll.u32 s3, $0x4;
	[sflag:s22] =	ssyncset.done $0x0  }
0x85: {  	s3 =	sand.u32 $0x1FFFFF00, s3;
	[sflag:s22] =	ssyncadd.s32 $0xFFFFFF00  }
0x86: {  	[tilespmem:s24], [sflag:$0x1] =	stream.indirect.gather [hbm4b:s1+s23], $0x80, s21, s23, $0xb8;
	[tilespmem:$0x1E280] =	vst v63  }
0x87: {  	s17 =	simm.s32 $0x0;
	s3 =	sadd.s32 s5, s3  }
0x88: {  	[tilespmem:s25], [sflag:$0x3] =	stream.linear.gather [hbm4b:s3+s0], $0x2800, $0x38;
	[tilespmem:$0x1E280] =	vst v63  }
0x89: {  	v7 =	vld [tilespmem:s17+$0x1BA80]  }
0x8a: {  	v12 =	vld [tilespmem:s17+$0x1BA90]  }
0x8b: {  	v6 =	vld [tilespmem:s17+$0x1BAA0]  }
0x8c: {  	v5 =	vld [tilespmem:s17+$0x1BAB0]  }
0x8d: {  	v4 =	vld [tilespmem:s17+$0x1BAC0]  }
0x8e: {  	v3 =	vld [tilespmem:s17+$0x1BAD0]  }
0x8f: {  	v2 =	vld [tilespmem:s17+$0x1BAE0]  }
0x90: {  	v1 =	vld [tilespmem:s17+$0x1BAF0]  }
0x91: {  	v13 =	vld [tilespmem:s17+$0x16A80]  }
0x92: {  	v14 =	vld [tilespmem:s17+$0x16A90]  }
0x93: {  	v11 =	vld [tilespmem:s17+$0x16AA0]  }
0x94: {  	v10 =	vld [tilespmem:s17+$0x16AB0]  }
0x95: {  	v9 =	vld [tilespmem:s17+$0x16AC0]  }
0x96: {  	v8 =	vld [tilespmem:s17+$0x16AD0];
	v13 =	vadd.f32 v7, v13  }
0x97: {  	s3 =	simm.s32 $0x200;
	v12 =	vadd.f32 v12, v14;
	v7 =	vld [tilespmem:s17+$0x16AE0]  }
.LBB2_9:
0x98: {  	s0 =	sshra.s32 s3, $0x2;
	p1 =	sne.s32 s3, $0x9E00;
	v13 =	vmax.f32 v13, $0.0e+00;
	v6 =	vadd.f32 v6, v11;
	v11 =	vld [tilespmem:s17+$0x16AF0]  }
0x99: {  	v14 =	vld [tilespmem:s0+$0x1BA80];
	[tilespmem:s17+$0x16A80] =	vst v13;
	v12 =	vmax.f32 v12, $0.0e+00;
	v5 =	vadd.f32 v5, v10  }
0x9a: {  	v15 =	vld [tilespmem:s0+$0x1BA90];
	[tilespmem:s17+$0x16A90] =	vst v12;
	v10 =	vmax.f32 v6, $0.0e+00;
	v4 =	vadd.f32 v4, v9  }
0x9b: {  	v6 =	vld [tilespmem:s0+$0x1BAA0];
	[tilespmem:s17+$0x16AA0] =	vst v10;
	v9 =	vmax.f32 v5, $0.0e+00;
	v3 =	vadd.f32 v3, v8  }
0x9c: {  	v5 =	vld [tilespmem:s0+$0x1BAB0];
	[tilespmem:s17+$0x16AB0] =	vst v9;
	v8 =	vmax.f32 v4, $0.0e+00;
	v2 =	vadd.f32 v2, v7  }
0x9d: {  	v4 =	vld [tilespmem:s0+$0x1BAC0];
	[tilespmem:s17+$0x16AC0] =	vst v8;
	v7 =	vmax.f32 v3, $0.0e+00;
	v1 =	vadd.f32 v1, v11  }
0x9e: {  	v3 =	vld [tilespmem:s0+$0x1BAD0];
	[tilespmem:s17+$0x16AD0] =	vst v7;
	v7 =	vmax.f32 v2, $0.0e+00  }
0x9f: {  	v2 =	vld [tilespmem:s0+$0x1BAE0];
	[tilespmem:s17+$0x16AE0] =	vst v7;
	v7 =	vmax.f32 v1, $0.0e+00  }
0xa0: {  	v1 =	vld [tilespmem:s0+$0x1BAF0];
	[tilespmem:s17+$0x16AF0] =	vst v7;
	s17 =	smov.u32 s0  }
0xa1: {  	v7 =	vld [tilespmem:s17+$0x16A80]  }
0xa2: {  	v12 =	vld [tilespmem:s17+$0x16A90]  }
.Ltmp3:
0xa3: {  	v11 =	vld [tilespmem:s17+$0x16AA0];
	(pc) =	sbr.rel @p1 .LBB2_9-.Ltmp3, $4  }
0xa4: {  	v10 =	vld [tilespmem:s17+$0x16AB0]  }
0xa5: {  	v9 =	vld [tilespmem:s17+$0x16AC0]  }
0xa6: {  	v13 =	vadd.f32 v14, v7;
	v8 =	vld [tilespmem:s17+$0x16AD0]  }
0xa7: {  	s3 =	sadd.s32 $0x200, s3;
	v12 =	vadd.f32 v15, v12;
	v7 =	vld [tilespmem:s17+$0x16AE0]  }
0xa8: {  	v13 =	vmax.f32 v13, $0.0e+00;
	v6 =	vadd.f32 v6, v11;
	v63 =	vld [tilespmem:s17+$0x16AF0]  }
0xa9: {  	[tilespmem:s17+$0x16A80] =	vst v13;
	v12 =	vmax.f32 v12, $0.0e+00;
	v5 =	vadd.f32 v5, v10  }
0xaa: {  	[tilespmem:s17+$0x16A90] =	vst v12;
	v6 =	vmax.f32 v6, $0.0e+00;
	v4 =	vadd.f32 v4, v9  }
0xab: {  	[tilespmem:s17+$0x16AA0] =	vst v6;
	v5 =	vmax.f32 v5, $0.0e+00;
	v3 =	vadd.f32 v3, v8  }
0xac: {  	[tilespmem:s17+$0x16AB0] =	vst v5;
	v4 =	vmax.f32 v4, $0.0e+00;
	v2 =	vadd.f32 v2, v7  }
0xad: {  	[tilespmem:s17+$0x16AC0] =	vst v4;
	v3 =	vmax.f32 v3, $0.0e+00;
	v1 =	vadd.f32 v1, v63  }
0xae: {  	[tilespmem:s17+$0x16AD0] =	vst v3;
	v2 =	vmax.f32 v2, $0.0e+00  }
0xaf: {  	s10 =	sadd.s32 $0x1, s10;
	[tilespmem:s17+$0x16AE0] =	vst v2;
	v1 =	vmax.f32 v1, $0.0e+00  }
0xb0: {  	s0 =	smin.u32 s9, $0x79;
	p1 =	sne.s32 s10, $0x3E;
	[tilespmem:s17+$0x16AF0] =	vst v1  }
0xb1: {  	[spmem:s2] =	stream.indirect.scatter.add.f32 [tilespmem:s31], [sflag:$0x7], $0x80, s16, s23, $0xb8;
	[tilespmem:$0x1E280] =	vst v63  }
.Ltmp4:
0xb2: {  	s0 =	sshll.u32 s0, $0x8;
	(pc) =	sbr.rel @p1 .LBB2_6-.Ltmp4, $4  }
0xb3: {  	s0 =	sadd.s32 s0, s15;
	_ =	swait.ge [sflag:s20], $0x2800  }
0xb4: {  	s0 =	sshrl.u32 s0, $0x3;
	[sflag:s20] =	ssyncset.done $0x0  }
0xb5: {  	s3 =	simm.s32 $0x0;
	s0 =	sadd.s32 s6, s0;
	[sflag:s20] =	ssyncadd.s32 $0xFFFFD800  }
0xb6: {  	[tilespmem:s26], [sflag:$0x6] =	stream.linear.gather [hbm4b:s0+s3], $0x100, $0x38;
	[tilespmem:$0x1E280] =	vst v63  }
0xb7: {  	_ =	swait.ge [sflag:s28], $0x2800  }
0xb8: {  	[sflag:s28] =	ssyncset.done $0x0  }
0xb9: {  	[sflag:s28] =	ssyncadd.s32 $0xFFFFD800  }
0xba: {  	_ =	swait.ge [sflag:s29], $0x2800  }
0xbb: {  	[sflag:s29] =	ssyncset.done $0x0  }
0xbc: {  	s9 =	simm.s32 $0x0;
	[sflag:s29] =	ssyncadd.s32 $0xFFFFD800  }
0xbd: {  	v7 =	vld [tilespmem:s9+$0x19280]  }
0xbe: {  	v12 =	vld [tilespmem:s9+$0x19290]  }
0xbf: {  	v6 =	vld [tilespmem:s9+$0x192A0]  }
0xc0: {  	v5 =	vld [tilespmem:s9+$0x192B0]  }
0xc1: {  	v4 =	vld [tilespmem:s9+$0x192C0]  }
0xc2: {  	v3 =	vld [tilespmem:s9+$0x192D0]  }
0xc3: {  	v2 =	vld [tilespmem:s9+$0x192E0]  }
0xc4: {  	v1 =	vld [tilespmem:s9+$0x192F0]  }
0xc5: {  	v13 =	vld [tilespmem:s9+$0x14280]  }
0xc6: {  	v14 =	vld [tilespmem:s9+$0x14290]  }
0xc7: {  	v11 =	vld [tilespmem:s9+$0x142A0]  }
0xc8: {  	v10 =	vld [tilespmem:s9+$0x142B0]  }
0xc9: {  	v9 =	vld [tilespmem:s9+$0x142C0]  }
0xca: {  	v8 =	vld [tilespmem:s9+$0x142D0];
	v13 =	vadd.f32 v7, v13  }
0xcb: {  	s3 =	simm.s32 $0x200;
	v12 =	vadd.f32 v12, v14;
	v7 =	vld [tilespmem:s9+$0x142E0]  }
.LBB2_12:
0xcc: {  	s0 =	sshra.s32 s3, $0x2;
	p1 =	sne.s32 s3, $0x9E00;
	v13 =	vmax.f32 v13, $0.0e+00;
	v6 =	vadd.f32 v6, v11;
	v11 =	vld [tilespmem:s9+$0x142F0]  }
0xcd: {  	v14 =	vld [tilespmem:s0+$0x19280];
	[tilespmem:s9+$0x14280] =	vst v13;
	v12 =	vmax.f32 v12, $0.0e+00;
	v5 =	vadd.f32 v5, v10  }
0xce: {  	v15 =	vld [tilespmem:s0+$0x19290];
	[tilespmem:s9+$0x14290] =	vst v12;
	v10 =	vmax.f32 v6, $0.0e+00;
	v4 =	vadd.f32 v4, v9  }
0xcf: {  	v6 =	vld [tilespmem:s0+$0x192A0];
	[tilespmem:s9+$0x142A0] =	vst v10;
	v9 =	vmax.f32 v5, $0.0e+00;
	v3 =	vadd.f32 v3, v8  }
0xd0: {  	v5 =	vld [tilespmem:s0+$0x192B0];
	[tilespmem:s9+$0x142B0] =	vst v9;
	v8 =	vmax.f32 v4, $0.0e+00;
	v2 =	vadd.f32 v2, v7  }
0xd1: {  	v4 =	vld [tilespmem:s0+$0x192C0];
	[tilespmem:s9+$0x142C0] =	vst v8;
	v7 =	vmax.f32 v3, $0.0e+00;
	v1 =	vadd.f32 v1, v11  }
0xd2: {  	v3 =	vld [tilespmem:s0+$0x192D0];
	[tilespmem:s9+$0x142D0] =	vst v7;
	v7 =	vmax.f32 v2, $0.0e+00  }
0xd3: {  	v2 =	vld [tilespmem:s0+$0x192E0];
	[tilespmem:s9+$0x142E0] =	vst v7;
	v7 =	vmax.f32 v1, $0.0e+00  }
0xd4: {  	v1 =	vld [tilespmem:s0+$0x192F0];
	[tilespmem:s9+$0x142F0] =	vst v7;
	s9 =	smov.u32 s0  }
0xd5: {  	v7 =	vld [tilespmem:s9+$0x14280]  }
0xd6: {  	v12 =	vld [tilespmem:s9+$0x14290]  }
.Ltmp5:
0xd7: {  	v11 =	vld [tilespmem:s9+$0x142A0];
	(pc) =	sbr.rel @p1 .LBB2_12-.Ltmp5, $4  }
0xd8: {  	v10 =	vld [tilespmem:s9+$0x142B0]  }
0xd9: {  	v9 =	vld [tilespmem:s9+$0x142C0]  }
0xda: {  	v13 =	vadd.f32 v14, v7;
	v8 =	vld [tilespmem:s9+$0x142D0]  }
0xdb: {  	s3 =	sadd.s32 $0x200, s3;
	v12 =	vadd.f32 v15, v12;
	v7 =	vld [tilespmem:s9+$0x142E0]  }
0xdc: {  	v13 =	vmax.f32 v13, $0.0e+00;
	v6 =	vadd.f32 v6, v11;
	v63 =	vld [tilespmem:s9+$0x142F0]  }
0xdd: {  	[tilespmem:s9+$0x14280] =	vst v13;
	v12 =	vmax.f32 v12, $0.0e+00;
	v5 =	vadd.f32 v5, v10  }
0xde: {  	[tilespmem:s9+$0x14290] =	vst v12;
	v6 =	vmax.f32 v6, $0.0e+00;
	v4 =	vadd.f32 v4, v9  }
0xdf: {  	[tilespmem:s9+$0x142A0] =	vst v6;
	v5 =	vmax.f32 v5, $0.0e+00;
	v3 =	vadd.f32 v3, v8  }
0xe0: {  	[tilespmem:s9+$0x142B0] =	vst v5;
	v4 =	vmax.f32 v4, $0.0e+00;
	v2 =	vadd.f32 v2, v7  }
0xe1: {  	[tilespmem:s9+$0x142C0] =	vst v4;
	v3 =	vmax.f32 v3, $0.0e+00;
	v1 =	vadd.f32 v1, v63  }
0xe2: {  	[tilespmem:s9+$0x142D0] =	vst v3;
	v2 =	vmax.f32 v2, $0.0e+00  }
0xe3: {  	[tilespmem:s9+$0x142E0] =	vst v2;
	v1 =	vmax.f32 v1, $0.0e+00  }
0xe4: {  	[tilespmem:s9+$0x142F0] =	vst v1  }
0xe5: {  	[spmem:s2] =	stream.indirect.scatter.add.f32 [tilespmem:s24], [sflag:$0x7], $0x80, s4, s23, $0xb8;
	[tilespmem:$0x1E280] =	vst v63  }
0xe6: {  	_ =	swait.ge [sflag:s20], $0x2800  }
0xe7: {  	[sflag:s20] =	ssyncset.done $0x0  }
0xe8: {  	[sflag:s20] =	ssyncadd.s32 $0xFFFFD800  }
0xe9: {  	_ =	swait.ge [sflag:s30], $0x100  }
0xea: {  	[sflag:s30] =	ssyncset.done $0x0  }
0xeb: {  	s0 =	stileid.u32;
	[sflag:s30] =	ssyncadd.s32 $0xFFFFFF00  }
0xec: {  	s0 =	sshll.u32 s0, $0x6;
	[bflag:$0x0] =	sbarrier.arrive $0xFFFF  }
0xed: {  	s3 =	sshrl.u32 s8, $0x3;
	s0 =	sor.u32 $0x1C07, s0;
	s17 =	rddreg [dreg:$0x8]  }
0xee: {  	[hbm:s17], [sflag:s0] =	dma.local [spmem:s3], $0x2700  }
0xef: {  	_ =	swait.ge [sflag:s20], $0x2700  }
0xf0: {  	[sflag:s20] =	ssyncset.done $0x0;
	s17 =	rddreg [dreg:$0x4]  }
0xf1: {  	s9 =	rddreg [dreg:$0x9];
	[sflag:s20] =	ssyncadd.s32 $0xFFFFD900;
	s3 =	sshrl.u32 @!p0 s17, $0x3  }
0xf2: {  	[hbm:s9], [sflag:s0] =	dma.local @!p0 [spmem:s3], $0x100  }
0xf3: {  	s0 =	simm.s32 @!p0 $0x7  }
0xf4: {  	_ =	swait.ge @!p0 [sflag:s0], $0x100  }
0xf5: {  	s3 =	rddreg [dreg:$0xb]  }
0xf6: {  	s10 =	rddreg [dreg:$0xa];
	s9 =	sadd.s32 $0x1, s3  }
0xf7: {  	p1 =	sne.s32 s9, s10  }
.Ltmp6:
0xf8: {  	_ = 	snop;
	(pc) =	sbr.rel @p1 .LBB2_1-.Ltmp6, $3  }
0xf9: {  	_ =	sdelay $0x1  }
0xfa: {  	[sflag:s0] =	ssyncset.done @!p0 $0x0  }
0xfb: {  	[sflag:s0] =	ssyncadd.s32 @!p0 $0xFFFFFF00  }
0xfc: {  	_ =	sfence.sel $0x180000  }
0xfd: {  	[bflag:$0x0] =	sbarrier.arrive $0xFFFF  }
0xfe: {  	_ =	strace $0x9000004D  }
0xff: {  	s0 =	stileid.u32;
	[bflag:$0x2] =	sbarrier.arrive $0xFFFF  }
0x100: {  	p0 =	sne.s32 s0, $0x0;
	s0 =	rddreg [dreg:$0x3]  }
0x101: {  	s0 =	sadd.s32 @!p0 $0x100000, s0  }
0x102: {  	[sflag:s0] =	ssyncadd.tile.s32 @!p0 $0x1;
	_ =	shalt  }
.Lfunc_end2:
_tile_overlayer_lowered:
.L_overlay_start_2:
0x103: {  	(tag) =	ssettag $0x2  }
0x104: {  	s0 =	rddreg [dreg:$0x0];
	s2 =	stileid.u32  }
0x105: {  	s1 =	rddreg [dreg:$0x1];
	p0 =	sne.s32 s2, $0x0  }
0x106: {  	s3 =	rddreg [dreg:$0x2];
	[bflag:$0x3] =	sbarrier.arrive $0xFFFF;
	s2 =	simm.s32 @!p0 $0x1C07  }
0x107: {  	[timem:s3], [sflag:s2] =	dma.local @!p0 [hbm:s0], s1  }
0x108: {  	s0 =	simm.s32 @!p0 $0x7  }
0x109: {  	_ =	swait.ge @!p0 [sflag:s0], s1  }
0x10a: {  	s1 =	ssub.s32 @!p0 $0x0, s1;
	[sflag:s0] =	ssyncset.done @!p0 $0x0  }
0x10b: {  	[sflag:s0] =	ssyncadd.s32 @!p0 s1  }
0x10c: {  	[bflag:$0x3] =	sbarrier.arrive $0xFFFF  }
0x10d: {  	_ =	shalt  }

</sc_bundles>
